<compile_context>
chip_gen: v7x
topology: tpu7x:2x2x1
jax: 0.10.2.dev20260603
libtpu: 0.0.44.dev20260713+nightly
codegen_flags: <defaults>
</compile_context>

<pallas_src>
import functools

import jax
import jax.numpy as jnp
from jax import lax
from jax.experimental import pallas as pl
from jax.experimental.pallas import tpu as pltpu
from jax.experimental.pallas import tpu_sc as plsc

B, S, D = 1, 2048, 1024
E, FF = 8, 2048
EPS = 0.01
T = B * S
BLK = 512
NB = 15
P = NB * BLK
NC, NS = 2, 16
NW = NC * NS
NEG_INF = float("-inf")


def _routing_kernel(x_ref, gw_ref, logits_ref, m1_ref, m2_ref,
                    pos1_ref, pos2_ref, be_ref, valid_ref):
    x = x_ref[...]
    gw = gw_ref[...]
    s = lax.dot_general(x, gw, (((1,), (1,)), ((), ())),
                        preferred_element_type=jnp.float32)
    logits_ref[...] = s

    iota_e = lax.broadcasted_iota(jnp.int32, s.shape, 1)

    def softmax(z):
        m = jnp.max(z, axis=-1, keepdims=True)
        ez = jnp.exp(z - m)
        return ez / jnp.sum(ez, axis=-1, keepdims=True)

    def onehot_argmax(z):
        m = jnp.max(z, axis=-1, keepdims=True)
        idx = jnp.min(jnp.where(z == m, iota_e, E), axis=-1, keepdims=True)
        return iota_e == idx, m

    oh1, max_val = onehot_argmax(s)
    factor = jnp.maximum(jnp.abs(s), max_val)
    mask1 = ((max_val - s) / factor) > 2.0 * EPS
    gates1 = softmax(jnp.where(mask1, NEG_INF, s))
    m1_ref[...] = jnp.sum(jnp.where(oh1, gates1, 0.0), axis=-1, keepdims=True)

    masked_scores = jnp.where(oh1, NEG_INF, s)
    oh2, max2 = onehot_argmax(masked_scores)
    factor2 = jnp.maximum(jnp.abs(s), max2)
    mask2 = ((max2 - s) / factor2) > 2.0 * EPS
    gates2 = softmax(jnp.where(mask2, NEG_INF, masked_scores))
    m2_ref[...] = jnp.sum(jnp.where(oh2, gates2, 0.0), axis=-1, keepdims=True)

    mask = jnp.logical_or(oh1, oh2).astype(jnp.float32)
    iota_r = lax.broadcasted_iota(jnp.int32, (T, T), 0)
    iota_c = lax.broadcasted_iota(jnp.int32, (T, T), 1)
    tril_strict = (iota_c < iota_r).astype(jnp.float32)
    rank = lax.dot_general(tril_strict, mask, (((1,), (0,)), ((), ())),
                           preferred_element_type=jnp.float32)

    counts = jnp.sum(mask, axis=0, keepdims=True)
    nb = jnp.floor((counts + (BLK - 1)) / BLK)
    ie = lax.broadcasted_iota(jnp.int32, (E, E), 0)
    je = lax.broadcasted_iota(jnp.int32, (E, E), 1)
    tri_inc = (ie <= je).astype(jnp.float32)
    cumnb = lax.dot_general(nb, tri_inc, (((1,), (0,)), ((), ())),
                            preferred_element_type=jnp.float32)
    base = (cumnb - nb) * BLK

    pos = (base + rank).astype(jnp.int32)
    pos1_ref[...] = jnp.sum(jnp.where(oh1, pos, 0), axis=-1, keepdims=True)
    pos2_ref[...] = jnp.sum(jnp.where(oh2, pos, 0), axis=-1, keepdims=True)

    iota_b = lax.broadcasted_iota(jnp.int32, (1, NB), 1)
    cumnb_i = cumnb.astype(jnp.int32)
    be = jnp.zeros((1, NB), jnp.int32)
    for e in range(E):
        cn_e = lax.slice(cumnb_i, (0, e), (1, e + 1))
        be = be + (iota_b >= cn_e).astype(jnp.int32)
    be_ref[...] = jnp.minimum(be, E - 1)
    nb_total = lax.slice(cumnb_i, (0, E - 1), (1, E))
    valid_ref[...] = (iota_b < nb_total).astype(jnp.int32)


_D_TPW = T // NW


def _dispatch_kernel(x_hbm, pos1_hbm, pos2_hbm, m1_hbm, m2_hbm,
                     xs_out, sw_out, xv, i1, i2, v1, v2, sx, s1, s2, s3):
    wid = lax.axis_index("s") * NC + lax.axis_index("c")
    sl = pl.ds(wid * _D_TPW, _D_TPW)
    cpx = pltpu.async_copy(x_hbm.at[sl], xv, sx)
    cp1 = pltpu.async_copy(pos1_hbm.at[sl], i1, s1)
    cp2 = pltpu.async_copy(pos2_hbm.at[sl], i2, s2)
    cp3 = pltpu.async_copy(m1_hbm.at[sl], v1, s3)
    cp4 = pltpu.async_copy(m2_hbm.at[sl], v2, s3)
    cp1.wait()
    cp2.wait()
    cp3.wait()
    cp4.wait()
    c3 = pltpu.async_copy(v1, sw_out.at[i1], s1)
    c4 = pltpu.async_copy(v2, sw_out.at[i2], s2)
    cpx.wait()
    c1 = pltpu.async_copy(xv, xs_out.at[i1], sx)
    c2 = pltpu.async_copy(xv, xs_out.at[i2], s3)
    c3.wait()
    c4.wait()
    c1.wait()
    c2.wait()


def _expert_kernel(be_ref, valid_ref, xs_ref, sw_ref, w1_ref, w3_ref, w2_ref,
                   out_ref):
    b = pl.program_id(0)

    @pl.when(valid_ref[b] != 0)
    def _():
        xs = xs_ref[...]
        g = lax.dot_general(xs, w1_ref[0], (((1,), (1,)), ((), ())),
                            preferred_element_type=jnp.float32)
        u = lax.dot_general(xs, w3_ref[0], (((1,), (1,)), ((), ())),
                            preferred_element_type=jnp.float32)
        w = sw_ref[0, 0, :][:, None]
        h = (g * lax.logistic(g)) * u * w
        out_ref[...] = lax.dot_general(h, w2_ref[0], (((1,), (1,)), ((), ())),
                                       preferred_element_type=jnp.float32)


_C_CH = 16
_C_TPW = T // NW


def _combine_kernel(os_hbm, pos1_hbm, pos2_hbm, out_hbm,
                    i1, i2, r1a, r2a, r1b, r2b, sg1, sg2, sw1, sw2):
    wid = lax.axis_index("s") * NC + lax.axis_index("c")
    base = wid * _C_TPW
    nch = _C_TPW // _C_CH
    cp1 = pltpu.async_copy(pos1_hbm.at[pl.ds(base, _C_TPW)], i1, sg1)
    cp2 = pltpu.async_copy(pos2_hbm.at[pl.ds(base, _C_TPW)], i2, sg2)
    cp1.wait()
    cp2.wait()
    r1 = (r1a, r1b)
    r2 = (r2a, r2b)
    sg = (sg1, sg2)
    sw = (sw1, sw2)

    def fire(c):
        bi = c % 2
        isl = pl.ds(c * _C_CH, _C_CH)
        ga = pltpu.async_copy(os_hbm.at[i1.at[isl]], r1[bi], sg[bi])
        gb = pltpu.async_copy(os_hbm.at[i2.at[isl]], r2[bi], sg[bi])
        return ga, gb

    pend = fire(0)
    wr = [None, None]
    for c in range(nch):
        bi = c % 2
        ga, gb = pend
        ga.wait()
        gb.wait()
        if c + 1 < nch:
            nbi = (c + 1) % 2
            if wr[nbi] is not None:
                wr[nbi].wait()
            pend = fire(c + 1)

        def row_body(j, carry):
            for k in range(D // 16):
                lsl = pl.ds(k * 16, 16)
                r1[bi][j, lsl] = r1[bi][j, lsl] + r2[bi][j, lsl]
            return carry

        lax.fori_loop(0, _C_CH, row_body, 0)
        wr[bi] = pltpu.async_copy(
            r1[bi], out_hbm.at[pl.ds(base + c * _C_CH, _C_CH)], sw[bi])
    for w in wr:
        if w is not None:
            w.wait()


@functools.cache
def _sc_mesh():
    return plsc.VectorSubcoreMesh(core_axis_name="c", subcore_axis_name="s")


@jax.jit
def kernel(hidden_states, gate_w, w1, w3, w2):
    x = hidden_states.reshape(T, D)

    logits, m1, m2, pos1, pos2, be, valid = pl.pallas_call(
        _routing_kernel,
        out_shape=(
            jax.ShapeDtypeStruct((T, E), jnp.float32),
            jax.ShapeDtypeStruct((T, 1), jnp.float32),
            jax.ShapeDtypeStruct((T, 1), jnp.float32),
            jax.ShapeDtypeStruct((T, 1), jnp.int32),
            jax.ShapeDtypeStruct((T, 1), jnp.int32),
            jax.ShapeDtypeStruct((1, NB), jnp.int32),
            jax.ShapeDtypeStruct((1, NB), jnp.int32),
        ),
    )(x, gate_w)

    pos1 = pos1.reshape(T)
    pos2 = pos2.reshape(T)

    dispatch = pl.kernel(
        _dispatch_kernel,
        out_type=(
            jax.ShapeDtypeStruct((P, D), jnp.float32),
            jax.ShapeDtypeStruct((P,), jnp.float32),
        ),
        mesh=_sc_mesh(),
        scratch_types=(
            pltpu.VMEM((_D_TPW, D), jnp.float32),
            pltpu.VMEM((_D_TPW,), jnp.int32),
            pltpu.VMEM((_D_TPW,), jnp.int32),
            pltpu.VMEM((_D_TPW,), jnp.float32),
            pltpu.VMEM((_D_TPW,), jnp.float32),
            pltpu.SemaphoreType.DMA,
            pltpu.SemaphoreType.DMA,
            pltpu.SemaphoreType.DMA,
            pltpu.SemaphoreType.DMA,
        ),
        compiler_params=pltpu.CompilerParams(needs_layout_passes=False),
    )
    xs, sorted_w = dispatch(x, pos1, pos2, m1.reshape(T), m2.reshape(T))

    grid_spec = pltpu.PrefetchScalarGridSpec(
        num_scalar_prefetch=2,
        grid=(NB,),
        in_specs=[
            pl.BlockSpec((BLK, D), lambda b, be_r, v_r: (b, 0)),
            pl.BlockSpec((1, 1, BLK), lambda b, be_r, v_r: (b, 0, 0)),
            pl.BlockSpec((1, FF, D), lambda b, be_r, v_r: (be_r[b], 0, 0)),
            pl.BlockSpec((1, FF, D), lambda b, be_r, v_r: (be_r[b], 0, 0)),
            pl.BlockSpec((1, D, FF), lambda b, be_r, v_r: (be_r[b], 0, 0)),
        ],
        out_specs=pl.BlockSpec((BLK, D), lambda b, be_r, v_r: (b, 0)),
    )
    os_rows = pl.pallas_call(
        _expert_kernel,
        grid_spec=grid_spec,
        out_shape=jax.ShapeDtypeStruct((P, D), jnp.float32),
        compiler_params=pltpu.CompilerParams(
            dimension_semantics=("arbitrary",),
            vmem_limit_bytes=100 * 1024 * 1024,
        ),
    )(be.reshape(NB), valid.reshape(NB), xs, sorted_w.reshape(NB, 1, BLK),
      w1, w3, w2)

    combine = pl.kernel(
        _combine_kernel,
        out_type=jax.ShapeDtypeStruct((T, D), jnp.float32),
        mesh=_sc_mesh(),
        scratch_types=(
            pltpu.VMEM((_C_TPW,), jnp.int32),
            pltpu.VMEM((_C_TPW,), jnp.int32),
            pltpu.VMEM((_C_CH, D), jnp.float32),
            pltpu.VMEM((_C_CH, D), jnp.float32),
            pltpu.VMEM((_C_CH, D), jnp.float32),
            pltpu.VMEM((_C_CH, D), jnp.float32),
            pltpu.SemaphoreType.DMA,
            pltpu.SemaphoreType.DMA,
            pltpu.SemaphoreType.DMA,
            pltpu.SemaphoreType.DMA,
        ),
        compiler_params=pltpu.CompilerParams(needs_layout_passes=False),
    )
    final = combine(os_rows, pos1, pos2)

    return final.reshape(hidden_states.shape), logits

# --- scband reference (transcript-rebuilt; emitter-appended) ---
"""Pipeline reference for scband-spmlp-13005160973281 (READ-ONLY COPY).

The authoritative reference and input builder live on the scoring server;
editing this copy changes nothing except your own understanding.
"""

import jax, jax.numpy as jnp
import numpy as np

B, S, D = 1, 2048, 1024
E, FF = 8, 2048
EPS = 0.01


def setup_inputs(seed: int = 0):
    key = jax.random.key(seed)
    k0, k1, k2, k3, k4 = jax.random.split(key, 5)
    hidden_states = jax.random.normal(k0, (B, S, D), dtype=jnp.float32)
    gate_w = jax.random.normal(k1, (E, D), dtype=jnp.float32) * 0.02
    w1 = jax.random.normal(k2, (E, FF, D), dtype=jnp.float32) * 0.02
    w3 = jax.random.normal(k3, (E, FF, D), dtype=jnp.float32) * 0.02
    w2 = jax.random.normal(k4, (E, D, FF), dtype=jnp.float32) * 0.02
    return {"hidden_states": hidden_states, "gate_w": gate_w, "w1": w1, "w3": w3, "w2": w2}


def _sparsemixer(scores, jitter_eps):
    # top_k == 2, faithful port of sparsemixer(); threshold/index computations are
    # under torch.no_grad() in the original, so wrap them in stop_gradient.
    sg = jax.lax.stop_gradient
    s_ng = sg(scores)
    max_val = jnp.max(s_ng, axis=-1, keepdims=True)
    max_ind = jnp.argmax(s_ng, axis=-1, keepdims=True)
    factor = jnp.maximum(jnp.abs(s_ng), max_val)  # scores.abs().clamp(min=max)
    mask1 = ((max_val - s_ng) / factor) > 2.0 * jitter_eps
    masked_gates = jnp.where(mask1, -jnp.inf, scores)
    masked_gates = jax.nn.softmax(masked_gates, axis=-1)
    multiplier_1 = jnp.take_along_axis(masked_gates, max_ind, axis=-1)

    # masked_scores = scores.scatter(-1, selected_experts, -inf)
    oh1 = jax.nn.one_hot(max_ind[..., 0], scores.shape[-1], dtype=jnp.bool_)
    masked_scores = jnp.where(oh1, -jnp.inf, scores)
    ms_ng = sg(masked_scores)
    max2 = jnp.max(ms_ng, axis=-1, keepdims=True)
    ind2 = jnp.argmax(ms_ng, axis=-1, keepdims=True)
    factor2 = jnp.maximum(jnp.abs(s_ng), max2)
    # NOTE: original sparsemixer uses `scores` (not masked_scores) in the threshold here
    mask2 = ((max2 - s_ng) / factor2) > 2.0 * jitter_eps
    masked_gates2 = jnp.where(mask2, -jnp.inf, masked_scores)
    masked_gates2 = jax.nn.softmax(masked_gates2, axis=-1)
    multiplier_2 = jnp.take_along_axis(masked_gates2, ind2, axis=-1)

    multiplier = jnp.concatenate([multiplier_1, multiplier_2], axis=-1)
    selected = jnp.concatenate([max_ind, ind2], axis=-1)
    return multiplier, selected


def reference(hidden_states, gate_w, w1, w3, w2):
    # bs = B*S = 2048 is not in [32, 64, 128], so the module takes original_forward().
    x = hidden_states.reshape(-1, hidden_states.shape[-1])  # [T, D]
    router_logits = x @ gate_w.T  # [T, E]
    routing_weights, selected_experts = _sparsemixer(router_logits, EPS)  # [T,2],[T,2]
    final = jnp.zeros_like(x)
    for e in range(E):
        # per-token weight for expert e (0.0 for tokens not routed here);
        # mathematically identical to the index_add over routed tokens.
        we = jnp.sum(routing_weights * (selected_experts == e).astype(routing_weights.dtype), axis=-1)
        g = x @ w1[e].T          # [T, FF]  (w1 slice of combined_w1_weight)
        u = x @ w3[e].T          # [T, FF]  (w3 slice of combined_w3_weight)
        h = jax.nn.silu(g) * u   # act_fn(gate) * up
        o = h @ w2[e].T          # [T, D]   (w2 slice of combined_w2_weight)
        final = final + we[:, None] * o
    final = final.reshape(hidden_states.shape)
    return final, router_logits

if __name__ == "__main__":
    import jax
    _d = setup_inputs()
    print(jax.jit(kernel)(*tuple(_d.values())))

</pallas_src>

<mosaic_0001>
#map = affine_map<(d0, d1) -> (0, 0)>
#map1 = affine_map<(d0, d1) -> (0)>
module attributes {stable_mosaic.version = 14 : i64} {
  func.func @_combine_kernel(%arg0: i32, %arg1: i32, %arg2: memref<7680x1024xf32, #tpu.memory_space<hbm>>, %arg3: memref<2048xi32, #tpu.memory_space<hbm>>, %arg4: memref<2048xi32, #tpu.memory_space<hbm>>, %arg5: memref<2048x1024xf32, #tpu.memory_space<hbm>>, %arg6: memref<64xi32, #tpu.memory_space<vmem>>, %arg7: memref<64xi32, #tpu.memory_space<vmem>>, %arg8: memref<16x1024xf32, #tpu.memory_space<vmem>>, %arg9: memref<16x1024xf32, #tpu.memory_space<vmem>>, %arg10: memref<16x1024xf32, #tpu.memory_space<vmem>>, %arg11: memref<16x1024xf32, #tpu.memory_space<vmem>>, %arg12: memref<!tpu.dma_semaphore, #tpu.memory_space<semaphore_mem>>, %arg13: memref<!tpu.dma_semaphore, #tpu.memory_space<semaphore_mem>>, %arg14: memref<!tpu.dma_semaphore, #tpu.memory_space<semaphore_mem>>, %arg15: memref<!tpu.dma_semaphore, #tpu.memory_space<semaphore_mem>>) attributes {dimension_semantics = [#tpu.dimension_semantics<core_parallel>, #tpu.dimension_semantics<subcore_parallel>], iteration_bounds = array<i64: 2, 16>, scalar_prefetch = 0 : i64, scratch_operands = 10 : i64, tpu.core_type = #tpu.core_type<sc_vector_subcore>, window_params = [{transform_indices = #map}, {transform_indices = #map1}, {transform_indices = #map1}, {transform_indices = #map}]} {
    %mul3A = arith.constant 2 : i32
    %mul3A_0 = arith.muli %arg1, %mul3A : i32
    %add3A = arith.addi %mul3A_0, %arg0 : i32
    %mul3A_1 = arith.constant 64 : i32
    %mul3A_2 = arith.muli %add3A, %mul3A_1 : i32
    %dma_start3A = tpu.memref_slice %arg3[%mul3A_2] : memref<2048xi32, #tpu.memory_space<hbm>> -> memref<64xi32, #tpu.memory_space<hbm>>
    %dma_start3A_3 = tpu.memref_slice %arg3[%mul3A_2] : memref<2048xi32, #tpu.memory_space<hbm>> -> memref<64xi32, #tpu.memory_space<hbm>>
    tpu.enqueue_dma source(%dma_start3A_3 : memref<64xi32, #tpu.memory_space<hbm>>) target(%arg6 : memref<64xi32, #tpu.memory_space<vmem>>) target_semaphore(%arg12 : memref<!tpu.dma_semaphore, #tpu.memory_space<semaphore_mem>>)
    %dma_start3A_4 = tpu.memref_slice %arg4[%mul3A_2] : memref<2048xi32, #tpu.memory_space<hbm>> -> memref<64xi32, #tpu.memory_space<hbm>>
    %dma_start3A_5 = tpu.memref_slice %arg4[%mul3A_2] : memref<2048xi32, #tpu.memory_space<hbm>> -> memref<64xi32, #tpu.memory_space<hbm>>
    tpu.enqueue_dma source(%dma_start3A_5 : memref<64xi32, #tpu.memory_space<hbm>>) target(%arg7 : memref<64xi32, #tpu.memory_space<vmem>>) target_semaphore(%arg13 : memref<!tpu.dma_semaphore, #tpu.memory_space<semaphore_mem>>)
    %dma_wait3A = tpu.memref_slice %arg3[%mul3A_2] : memref<2048xi32, #tpu.memory_space<hbm>> -> memref<64xi32, #tpu.memory_space<hbm>>
    %dma_wait3A_6 = tpu.memref_slice %arg3[%mul3A_2] : memref<2048xi32, #tpu.memory_space<hbm>> -> memref<64xi32, #tpu.memory_space<hbm>>
    tpu.wait_dma2 semaphore(%arg12 : memref<!tpu.dma_semaphore, #tpu.memory_space<semaphore_mem>>) src(%dma_wait3A_6 : memref<64xi32, #tpu.memory_space<hbm>>) dst(%arg6 : memref<64xi32, #tpu.memory_space<vmem>>)
    %dma_wait3A_7 = tpu.memref_slice %arg4[%mul3A_2] : memref<2048xi32, #tpu.memory_space<hbm>> -> memref<64xi32, #tpu.memory_space<hbm>>
    %dma_wait3A_8 = tpu.memref_slice %arg4[%mul3A_2] : memref<2048xi32, #tpu.memory_space<hbm>> -> memref<64xi32, #tpu.memory_space<hbm>>
    tpu.wait_dma2 semaphore(%arg13 : memref<!tpu.dma_semaphore, #tpu.memory_space<semaphore_mem>>) src(%dma_wait3A_8 : memref<64xi32, #tpu.memory_space<hbm>>) dst(%arg7 : memref<64xi32, #tpu.memory_space<vmem>>)
    %dma_start3A_9 = arith.constant 0 : i32
    %dma_start3A_10 = tpu.memref_slice %arg6[%dma_start3A_9] : memref<64xi32, #tpu.memory_space<vmem>> -> memref<16xi32, #tpu.memory_space<vmem>>
    %dma_start3A_11 = arith.constant 0 : i32
    %dma_start3A_12 = arith.constant 0 : i32
    %dma_start3A_13 = tpu.memref_slice %arg2[%dma_start3A_11, %dma_start3A_12] : memref<7680x1024xf32, #tpu.memory_space<hbm>> -> memref<7680x1024xf32, #tpu.memory_space<hbm>>
    tpu.enqueue_indirect_dma source(%dma_start3A_13 : memref<7680x1024xf32, #tpu.memory_space<hbm>>) target(%arg8 : memref<16x1024xf32, #tpu.memory_space<vmem>>) offsets(%dma_start3A_10 : memref<16xi32, #tpu.memory_space<vmem>>) semaphore(%arg12 : memref<!tpu.dma_semaphore, #tpu.memory_space<semaphore_mem>>)
    %dma_start3A_14 = arith.constant 0 : i32
    %dma_start3A_15 = tpu.memref_slice %arg7[%dma_start3A_14] : memref<64xi32, #tpu.memory_space<vmem>> -> memref<16xi32, #tpu.memory_space<vmem>>
    %dma_start3A_16 = arith.constant 0 : i32
    %dma_start3A_17 = arith.constant 0 : i32
    %dma_start3A_18 = tpu.memref_slice %arg2[%dma_start3A_16, %dma_start3A_17] : memref<7680x1024xf32, #tpu.memory_space<hbm>> -> memref<7680x1024xf32, #tpu.memory_space<hbm>>
    tpu.enqueue_indirect_dma source(%dma_start3A_18 : memref<7680x1024xf32, #tpu.memory_space<hbm>>) target(%arg9 : memref<16x1024xf32, #tpu.memory_space<vmem>>) offsets(%dma_start3A_15 : memref<16xi32, #tpu.memory_space<vmem>>) semaphore(%arg12 : memref<!tpu.dma_semaphore, #tpu.memory_space<semaphore_mem>>)
    %dma_wait3A_19 = arith.constant 0 : i32
    %dma_wait3A_20 = tpu.memref_slice %arg6[%dma_wait3A_19] : memref<64xi32, #tpu.memory_space<vmem>> -> memref<16xi32, #tpu.memory_space<vmem>>
    %dma_wait3A_21 = arith.constant 0 : i32
    %dma_wait3A_22 = arith.constant 0 : i32
    %dma_wait3A_23 = tpu.memref_slice %arg2[%dma_wait3A_21, %dma_wait3A_22] : memref<7680x1024xf32, #tpu.memory_space<hbm>> -> memref<7680x1024xf32, #tpu.memory_space<hbm>>
    tpu.wait_indirect_dma semaphore(%arg12 : memref<!tpu.dma_semaphore, #tpu.memory_space<semaphore_mem>>) src(%dma_wait3A_23 : memref<7680x1024xf32, #tpu.memory_space<hbm>>) dst(%arg8 : memref<16x1024xf32, #tpu.memory_space<vmem>>)
    %dma_wait3A_24 = arith.constant 0 : i32
    %dma_wait3A_25 = tpu.memref_slice %arg7[%dma_wait3A_24] : memref<64xi32, #tpu.memory_space<vmem>> -> memref<16xi32, #tpu.memory_space<vmem>>
    %dma_wait3A_26 = arith.constant 0 : i32
    %dma_wait3A_27 = arith.constant 0 : i32
    %dma_wait3A_28 = tpu.memref_slice %arg2[%dma_wait3A_26, %dma_wait3A_27] : memref<7680x1024xf32, #tpu.memory_space<hbm>> -> memref<7680x1024xf32, #tpu.memory_space<hbm>>
    tpu.wait_indirect_dma semaphore(%arg12 : memref<!tpu.dma_semaphore, #tpu.memory_space<semaphore_mem>>) src(%dma_wait3A_28 : memref<7680x1024xf32, #tpu.memory_space<hbm>>) dst(%arg9 : memref<16x1024xf32, #tpu.memory_space<vmem>>)
    %dma_start3A_29 = arith.constant 16 : i32
    %dma_start3A_30 = tpu.memref_slice %arg6[%dma_start3A_29] : memref<64xi32, #tpu.memory_space<vmem>> -> memref<16xi32, #tpu.memory_space<vmem>>
    %dma_start3A_31 = arith.constant 0 : i32
    %dma_start3A_32 = arith.constant 0 : i32
    %dma_start3A_33 = tpu.memref_slice %arg2[%dma_start3A_31, %dma_start3A_32] : memref<7680x1024xf32, #tpu.memory_space<hbm>> -> memref<7680x1024xf32, #tpu.memory_space<hbm>>
    tpu.enqueue_indirect_dma source(%dma_start3A_33 : memref<7680x1024xf32, #tpu.memory_space<hbm>>) target(%arg10 : memref<16x1024xf32, #tpu.memory_space<vmem>>) offsets(%dma_start3A_30 : memref<16xi32, #tpu.memory_space<vmem>>) semaphore(%arg13 : memref<!tpu.dma_semaphore, #tpu.memory_space<semaphore_mem>>)
    %dma_start3A_34 = arith.constant 16 : i32
    %dma_start3A_35 = tpu.memref_slice %arg7[%dma_start3A_34] : memref<64xi32, #tpu.memory_space<vmem>> -> memref<16xi32, #tpu.memory_space<vmem>>
    %dma_start3A_36 = arith.constant 0 : i32
    %dma_start3A_37 = arith.constant 0 : i32
    %dma_start3A_38 = tpu.memref_slice %arg2[%dma_start3A_36, %dma_start3A_37] : memref<7680x1024xf32, #tpu.memory_space<hbm>> -> memref<7680x1024xf32, #tpu.memory_space<hbm>>
    tpu.enqueue_indirect_dma source(%dma_start3A_38 : memref<7680x1024xf32, #tpu.memory_space<hbm>>) target(%arg11 : memref<16x1024xf32, #tpu.memory_space<vmem>>) offsets(%dma_start3A_35 : memref<16xi32, #tpu.memory_space<vmem>>) semaphore(%arg13 : memref<!tpu.dma_semaphore, #tpu.memory_space<semaphore_mem>>)
    %scan3A = arith.constant 0 : i32
    %scan3A_39 = arith.constant 0 : i32
    %scan3A_40 = arith.constant 16 : i32
    %scan3A_41 = arith.addi %scan3A_39, %scan3A_40 : i32
    %scan3A_42 = arith.constant 1 : i32
    scf.for %scan3A_152 = %scan3A_39 to %scan3A_41 step %scan3A_42  : i32 {
      %get3A = arith.index_cast %scan3A_152 : i32 to index
      %get3A_153 = arith.constant 0 : index
      %get3A_154 = tpu.vector_load %arg8[%get3A, %get3A_153] {strides = array<i32>} : memref<16x1024xf32, #tpu.memory_space<vmem>>, vector<16xf32>,
      %get3A_155 = arith.index_cast %scan3A_152 : i32 to index
      %get3A_156 = arith.constant 0 : index
      %get3A_157 = tpu.vector_load %arg9[%get3A_155, %get3A_156] {strides = array<i32>} : memref<16x1024xf32, #tpu.memory_space<vmem>>, vector<16xf32>,
      %add3A_158 = arith.addf %get3A_154, %get3A_157 : vector<16xf32>
      %swap3A = arith.index_cast %scan3A_152 : i32 to index
      %swap3A_159 = arith.constant 0 : index
      %swap3A_160 = tpu.vector_load %arg8[%swap3A, %swap3A_159] {strides = array<i32>} : memref<16x1024xf32, #tpu.memory_space<vmem>>, vector<16xf32>,
      tpu.vector_store %arg8[%swap3A, %swap3A_159], %add3A_158 {strides = array<i32>} : memref<16x1024xf32, #tpu.memory_space<vmem>>, vector<16xf32>,
      %get3A_161 = arith.index_cast %scan3A_152 : i32 to index
      %get3A_162 = arith.constant 16 : index
      %get3A_163 = tpu.vector_load %arg8[%get3A_161, %get3A_162] {strides = array<i32>} : memref<16x1024xf32, #tpu.memory_space<vmem>>, vector<16xf32>,
      %get3A_164 = arith.index_cast %scan3A_152 : i32 to index
      %get3A_165 = arith.constant 16 : index
      %get3A_166 = tpu.vector_load %arg9[%get3A_164, %get3A_165] {strides = array<i32>} : memref<16x1024xf32, #tpu.memory_space<vmem>>, vector<16xf32>,
      %add3A_167 = arith.addf %get3A_163, %get3A_166 : vector<16xf32>
      %swap3A_168 = arith.index_cast %scan3A_152 : i32 to index
      %swap3A_169 = arith.constant 16 : index
      %swap3A_170 = tpu.vector_load %arg8[%swap3A_168, %swap3A_169] {strides = array<i32>} : memref<16x1024xf32, #tpu.memory_space<vmem>>, vector<16xf32>,
      tpu.vector_store %arg8[%swap3A_168, %swap3A_169], %add3A_167 {strides = array<i32>} : memref<16x1024xf32, #tpu.memory_space<vmem>>, vector<16xf32>,
      %get3A_171 = arith.index_cast %scan3A_152 : i32 to index
      %get3A_172 = arith.constant 32 : index
      %get3A_173 = tpu.vector_load %arg8[%get3A_171, %get3A_172] {strides = array<i32>} : memref<16x1024xf32, #tpu.memory_space<vmem>>, vector<16xf32>,
      %get3A_174 = arith.index_cast %scan3A_152 : i32 to index
      %get3A_175 = arith.constant 32 : index
      %get3A_176 = tpu.vector_load %arg9[%get3A_174, %get3A_175] {strides = array<i32>} : memref<16x1024xf32, #tpu.memory_space<vmem>>, vector<16xf32>,
      %add3A_177 = arith.addf %get3A_173, %get3A_176 : vector<16xf32>
      %swap3A_178 = arith.index_cast %scan3A_152 : i32 to index
      %swap3A_179 = arith.constant 32 : index
      %swap3A_180 = tpu.vector_load %arg8[%swap3A_178, %swap3A_179] {strides = array<i32>} : memref<16x1024xf32, #tpu.memory_space<vmem>>, vector<16xf32>,
      tpu.vector_store %arg8[%swap3A_178, %swap3A_179], %add3A_177 {strides = array<i32>} : memref<16x1024xf32, #tpu.memory_space<vmem>>, vector<16xf32>,
      %get3A_181 = arith.index_cast %scan3A_152 : i32 to index
      %get3A_182 = arith.constant 48 : index
      %get3A_183 = tpu.vector_load %arg8[%get3A_181, %get3A_182] {strides = array<i32>} : memref<16x1024xf32, #tpu.memory_space<vmem>>, vector<16xf32>,
      %get3A_184 = arith.index_cast %scan3A_152 : i32 to index
      %get3A_185 = arith.constant 48 : index
      %get3A_186 = tpu.vector_load %arg9[%get3A_184, %get3A_185] {strides = array<i32>} : memref<16x1024xf32, #tpu.memory_space<vmem>>, vector<16xf32>,
      %add3A_187 = arith.addf %get3A_183, %get3A_186 : vector<16xf32>
      %swap3A_188 = arith.index_cast %scan3A_152 : i32 to index
      %swap3A_189 = arith.constant 48 : index
      %swap3A_190 = tpu.vector_load %arg8[%swap3A_188, %swap3A_189] {strides = array<i32>} : memref<16x1024xf32, #tpu.memory_space<vmem>>, vector<16xf32>,
      tpu.vector_store %arg8[%swap3A_188, %swap3A_189], %add3A_187 {strides = array<i32>} : memref<16x1024xf32, #tpu.memory_space<vmem>>, vector<16xf32>,
      %get3A_191 = arith.index_cast %scan3A_152 : i32 to index
      %get3A_192 = arith.constant 64 : index
      %get3A_193 = tpu.vector_load %arg8[%get3A_191, %get3A_192] {strides = array<i32>} : memref<16x1024xf32, #tpu.memory_space<vmem>>, vector<16xf32>,
      %get3A_194 = arith.index_cast %scan3A_152 : i32 to index
      %get3A_195 = arith.constant 64 : index
      %get3A_196 = tpu.vector_load %arg9[%get3A_194, %get3A_195] {strides = array<i32>} : memref<16x1024xf32, #tpu.memory_space<vmem>>, vector<16xf32>,
      %add3A_197 = arith.addf %get3A_193, %get3A_196 : vector<16xf32>
      %swap3A_198 = arith.index_cast %scan3A_152 : i32 to index
      %swap3A_199 = arith.constant 64 : index
      %swap3A_200 = tpu.vector_load %arg8[%swap3A_198, %swap3A_199] {strides = array<i32>} : memref<16x1024xf32, #tpu.memory_space<vmem>>, vector<16xf32>,
      tpu.vector_store %arg8[%swap3A_198, %swap3A_199], %add3A_197 {strides = array<i32>} : memref<16x1024xf32, #tpu.memory_space<vmem>>, vector<16xf32>,
      %get3A_201 = arith.index_cast %scan3A_152 : i32 to index
      %get3A_202 = arith.constant 80 : index
      %get3A_203 = tpu.vector_load %arg8[%get3A_201, %get3A_202] {strides = array<i32>} : memref<16x1024xf32, #tpu.memory_space<vmem>>, vector<16xf32>,
      %get3A_204 = arith.index_cast %scan3A_152 : i32 to index
      %get3A_205 = arith.constant 80 : index
      %get3A_206 = tpu.vector_load %arg9[%get3A_204, %get3A_205] {strides = array<i32>} : memref<16x1024xf32, #tpu.memory_space<vmem>>, vector<16xf32>,
      %add3A_207 = arith.addf %get3A_203, %get3A_206 : vector<16xf32>
      %swap3A_208 = arith.index_cast %scan3A_152 : i32 to index
      %swap3A_209 = arith.constant 80 : index
      %swap3A_210 = tpu.vector_load %arg8[%swap3A_208, %swap3A_209] {strides = array<i32>} : memref<16x1024xf32, #tpu.memory_space<vmem>>, vector<16xf32>,
      tpu.vector_store %arg8[%swap3A_208, %swap3A_209], %add3A_207 {strides = array<i32>} : memref<16x1024xf32, #tpu.memory_space<vmem>>, vector<16xf32>,
      %get3A_211 = arith.index_cast %scan3A_152 : i32 to index
      %get3A_212 = arith.constant 96 : index
      %get3A_213 = tpu.vector_load %arg8[%get3A_211, %get3A_212] {strides = array<i32>} : memref<16x1024xf32, #tpu.memory_space<vmem>>, vector<16xf32>,
      %get3A_214 = arith.index_cast %scan3A_152 : i32 to index
      %get3A_215 = arith.constant 96 : index
      %get3A_216 = tpu.vector_load %arg9[%get3A_214, %get3A_215] {strides = array<i32>} : memref<16x1024xf32, #tpu.memory_space<vmem>>, vector<16xf32>,
      %add3A_217 = arith.addf %get3A_213, %get3A_216 : vector<16xf32>
      %swap3A_218 = arith.index_cast %scan3A_152 : i32 to index
      %swap3A_219 = arith.constant 96 : index
      %swap3A_220 = tpu.vector_load %arg8[%swap3A_218, %swap3A_219] {strides = array<i32>} : memref<16x1024xf32, #tpu.memory_space<vmem>>, vector<16xf32>,
      tpu.vector_store %arg8[%swap3A_218, %swap3A_219], %add3A_217 {strides = array<i32>} : memref<16x1024xf32, #tpu.memory_space<vmem>>, vector<16xf32>,
      %get3A_221 = arith.index_cast %scan3A_152 : i32 to index
      %get3A_222 = arith.constant 112 : index
      %get3A_223 = tpu.vector_load %arg8[%get3A_221, %get3A_222] {strides = array<i32>} : memref<16x1024xf32, #tpu.memory_space<vmem>>, vector<16xf32>,
      %get3A_224 = arith.index_cast %scan3A_152 : i32 to index
      %get3A_225 = arith.constant 112 : index
      %get3A_226 = tpu.vector_load %arg9[%get3A_224, %get3A_225] {strides = array<i32>} : memref<16x1024xf32, #tpu.memory_space<vmem>>, vector<16xf32>,
      %add3A_227 = arith.addf %get3A_223, %get3A_226 : vector<16xf32>
      %swap3A_228 = arith.index_cast %scan3A_152 : i32 to index
      %swap3A_229 = arith.constant 112 : index
      %swap3A_230 = tpu.vector_load %arg8[%swap3A_228, %swap3A_229] {strides = array<i32>} : memref<16x1024xf32, #tpu.memory_space<vmem>>, vector<16xf32>,
      tpu.vector_store %arg8[%swap3A_228, %swap3A_229], %add3A_227 {strides = array<i32>} : memref<16x1024xf32, #tpu.memory_space<vmem>>, vector<16xf32>,
      %get3A_231 = arith.index_cast %scan3A_152 : i32 to index
      %get3A_232 = arith.constant 128 : index
      %get3A_233 = tpu.vector_load %arg8[%get3A_231, %get3A_232] {strides = array<i32>} : memref<16x1024xf32, #tpu.memory_space<vmem>>, vector<16xf32>,
      %get3A_234 = arith.index_cast %scan3A_152 : i32 to index
      %get3A_235 = arith.constant 128 : index
      %get3A_236 = tpu.vector_load %arg9[%get3A_234, %get3A_235] {strides = array<i32>} : memref<16x1024xf32, #tpu.memory_space<vmem>>, vector<16xf32>,
      %add3A_237 = arith.addf %get3A_233, %get3A_236 : vector<16xf32>
      %swap3A_238 = arith.index_cast %scan3A_152 : i32 to index
      %swap3A_239 = arith.constant 128 : index
      %swap3A_240 = tpu.vector_load %arg8[%swap3A_238, %swap3A_239] {strides = array<i32>} : memref<16x1024xf32, #tpu.memory_space<vmem>>, vector<16xf32>,
      tpu.vector_store %arg8[%swap3A_238, %swap3A_239], %add3A_237 {strides = array<i32>} : memref<16x1024xf32, #tpu.memory_space<vmem>>, vector<16xf32>,
      %get3A_241 = arith.index_cast %scan3A_152 : i32 to index
      %get3A_242 = arith.constant 144 : index
      %get3A_243 = tpu.vector_load %arg8[%get3A_241, %get3A_242] {strides = array<i32>} : memref<16x1024xf32, #tpu.memory_space<vmem>>, vector<16xf32>,
      %get3A_244 = arith.index_cast %scan3A_152 : i32 to index
      %get3A_245 = arith.constant 144 : index
      %get3A_246 = tpu.vector_load %arg9[%get3A_244, %get3A_245] {strides = array<i32>} : memref<16x1024xf32, #tpu.memory_space<vmem>>, vector<16xf32>,
      %add3A_247 = arith.addf %get3A_243, %get3A_246 : vector<16xf32>
      %swap3A_248 = arith.index_cast %scan3A_152 : i32 to index
      %swap3A_249 = arith.constant 144 : index
      %swap3A_250 = tpu.vector_load %arg8[%swap3A_248, %swap3A_249] {strides = array<i32>} : memref<16x1024xf32, #tpu.memory_space<vmem>>, vector<16xf32>,
      tpu.vector_store %arg8[%swap3A_248, %swap3A_249], %add3A_247 {strides = array<i32>} : memref<16x1024xf32, #tpu.memory_space<vmem>>, vector<16xf32>,
      %get3A_251 = arith.index_cast %scan3A_152 : i32 to index
      %get3A_252 = arith.constant 160 : index
      %get3A_253 = tpu.vector_load %arg8[%get3A_251, %get3A_252] {strides = array<i32>} : memref<16x1024xf32, #tpu.memory_space<vmem>>, vector<16xf32>,
      %get3A_254 = arith.index_cast %scan3A_152 : i32 to index
      %get3A_255 = arith.constant 160 : index
      %get3A_256 = tpu.vector_load %arg9[%get3A_254, %get3A_255] {strides = array<i32>} : memref<16x1024xf32, #tpu.memory_space<vmem>>, vector<16xf32>,
      %add3A_257 = arith.addf %get3A_253, %get3A_256 : vector<16xf32>
      %swap3A_258 = arith.index_cast %scan3A_152 : i32 to index
      %swap3A_259 = arith.constant 160 : index
      %swap3A_260 = tpu.vector_load %arg8[%swap3A_258, %swap3A_259] {strides = array<i32>} : memref<16x1024xf32, #tpu.memory_space<vmem>>, vector<16xf32>,
      tpu.vector_store %arg8[%swap3A_258, %swap3A_259], %add3A_257 {strides = array<i32>} : memref<16x1024xf32, #tpu.memory_space<vmem>>, vector<16xf32>,
      %get3A_261 = arith.index_cast %scan3A_152 : i32 to index
      %get3A_262 = arith.constant 176 : index
      %get3A_263 = tpu.vector_load %arg8[%get3A_261, %get3A_262] {strides = array<i32>} : memref<16x1024xf32, #tpu.memory_space<vmem>>, vector<16xf32>,
      %get3A_264 = arith.index_cast %scan3A_152 : i32 to index
      %get3A_265 = arith.constant 176 : index
      %get3A_266 = tpu.vector_load %arg9[%get3A_264, %get3A_265] {strides = array<i32>} : memref<16x1024xf32, #tpu.memory_space<vmem>>, vector<16xf32>,
      %add3A_267 = arith.addf %get3A_263, %get3A_266 : vector<16xf32>
      %swap3A_268 = arith.index_cast %scan3A_152 : i32 to index
      %swap3A_269 = arith.constant 176 : index
      %swap3A_270 = tpu.vector_load %arg8[%swap3A_268, %swap3A_269] {strides = array<i32>} : memref<16x1024xf32, #tpu.memory_space<vmem>>, vector<16xf32>,
      tpu.vector_store %arg8[%swap3A_268, %swap3A_269], %add3A_267 {strides = array<i32>} : memref<16x1024xf32, #tpu.memory_space<vmem>>, vector<16xf32>,
      %get3A_271 = arith.index_cast %scan3A_152 : i32 to index
      %get3A_272 = arith.constant 192 : index
      %get3A_273 = tpu.vector_load %arg8[%get3A_271, %get3A_272] {strides = array<i32>} : memref<16x1024xf32, #tpu.memory_space<vmem>>, vector<16xf32>,
      %get3A_274 = arith.index_cast %scan3A_152 : i32 to index
      %get3A_275 = arith.constant 192 : index
      %get3A_276 = tpu.vector_load %arg9[%get3A_274, %get3A_275] {strides = array<i32>} : memref<16x1024xf32, #tpu.memory_space<vmem>>, vector<16xf32>,
      %add3A_277 = arith.addf %get3A_273, %get3A_276 : vector<16xf32>
      %swap3A_278 = arith.index_cast %scan3A_152 : i32 to index
      %swap3A_279 = arith.constant 192 : index
      %swap3A_280 = tpu.vector_load %arg8[%swap3A_278, %swap3A_279] {strides = array<i32>} : memref<16x1024xf32, #tpu.memory_space<vmem>>, vector<16xf32>,
      tpu.vector_store %arg8[%swap3A_278, %swap3A_279], %add3A_277 {strides = array<i32>} : memref<16x1024xf32, #tpu.memory_space<vmem>>, vector<16xf32>,
      %get3A_281 = arith.index_cast %scan3A_152 : i32 to index
      %get3A_282 = arith.constant 208 : index
      %get3A_283 = tpu.vector_load %arg8[%get3A_281, %get3A_282] {strides = array<i32>} : memref<16x1024xf32, #tpu.memory_space<vmem>>, vector<16xf32>,
      %get3A_284 = arith.index_cast %scan3A_152 : i32 to index
      %get3A_285 = arith.constant 208 : index
      %get3A_286 = tpu.vector_load %arg9[%get3A_284, %get3A_285] {strides = array<i32>} : memref<16x1024xf32, #tpu.memory_space<vmem>>, vector<16xf32>,
      %add3A_287 = arith.addf %get3A_283, %get3A_286 : vector<16xf32>
      %swap3A_288 = arith.index_cast %scan3A_152 : i32 to index
      %swap3A_289 = arith.constant 208 : index
      %swap3A_290 = tpu.vector_load %arg8[%swap3A_288, %swap3A_289] {strides = array<i32>} : memref<16x1024xf32, #tpu.memory_space<vmem>>, vector<16xf32>,
      tpu.vector_store %arg8[%swap3A_288, %swap3A_289], %add3A_287 {strides = array<i32>} : memref<16x1024xf32, #tpu.memory_space<vmem>>, vector<16xf32>,
      %get3A_291 = arith.index_cast %scan3A_152 : i32 to index
      %get3A_292 = arith.constant 224 : index
      %get3A_293 = tpu.vector_load %arg8[%get3A_291, %get3A_292] {strides = array<i32>} : memref<16x1024xf32, #tpu.memory_space<vmem>>, vector<16xf32>,
      %get3A_294 = arith.index_cast %scan3A_152 : i32 to index
      %get3A_295 = arith.constant 224 : index
      %get3A_296 = tpu.vector_load %arg9[%get3A_294, %get3A_295] {strides = array<i32>} : memref<16x1024xf32, #tpu.memory_space<vmem>>, vector<16xf32>,
      %add3A_297 = arith.addf %get3A_293, %get3A_296 : vector<16xf32>
      %swap3A_298 = arith.index_cast %scan3A_152 : i32 to index
      %swap3A_299 = arith.constant 224 : index
      %swap3A_300 = tpu.vector_load %arg8[%swap3A_298, %swap3A_299] {strides = array<i32>} : memref<16x1024xf32, #tpu.memory_space<vmem>>, vector<16xf32>,
      tpu.vector_store %arg8[%swap3A_298, %swap3A_299], %add3A_297 {strides = array<i32>} : memref<16x1024xf32, #tpu.memory_space<vmem>>, vector<16xf32>,
      %get3A_301 = arith.index_cast %scan3A_152 : i32 to index
      %get3A_302 = arith.constant 240 : index
      %get3A_303 = tpu.vector_load %arg8[%get3A_301, %get3A_302] {strides = array<i32>} : memref<16x1024xf32, #tpu.memory_space<vmem>>, vector<16xf32>,
      %get3A_304 = arith.index_cast %scan3A_152 : i32 to index
      %get3A_305 = arith.constant 240 : index
      %get3A_306 = tpu.vector_load %arg9[%get3A_304, %get3A_305] {strides = array<i32>} : memref<16x1024xf32, #tpu.memory_space<vmem>>, vector<16xf32>,
      %add3A_307 = arith.addf %get3A_303, %get3A_306 : vector<16xf32>
      %swap3A_308 = arith.index_cast %scan3A_152 : i32 to index
      %swap3A_309 = arith.constant 240 : index
      %swap3A_310 = tpu.vector_load %arg8[%swap3A_308, %swap3A_309] {strides = array<i32>} : memref<16x1024xf32, #tpu.memory_space<vmem>>, vector<16xf32>,
      tpu.vector_store %arg8[%swap3A_308, %swap3A_309], %add3A_307 {strides = array<i32>} : memref<16x1024xf32, #tpu.memory_space<vmem>>, vector<16xf32>,
      %get3A_311 = arith.index_cast %scan3A_152 : i32 to index
      %get3A_312 = arith.constant 256 : index
      %get3A_313 = tpu.vector_load %arg8[%get3A_311, %get3A_312] {strides = array<i32>} : memref<16x1024xf32, #tpu.memory_space<vmem>>, vector<16xf32>,
      %get3A_314 = arith.index_cast %scan3A_152 : i32 to index
      %get3A_315 = arith.constant 256 : index
      %get3A_316 = tpu.vector_load %arg9[%get3A_314, %get3A_315] {strides = array<i32>} : memref<16x1024xf32, #tpu.memory_space<vmem>>, vector<16xf32>,
      %add3A_317 = arith.addf %get3A_313, %get3A_316 : vector<16xf32>
      %swap3A_318 = arith.index_cast %scan3A_152 : i32 to index
      %swap3A_319 = arith.constant 256 : index
      %swap3A_320 = tpu.vector_load %arg8[%swap3A_318, %swap3A_319] {strides = array<i32>} : memref<16x1024xf32, #tpu.memory_space<vmem>>, vector<16xf32>,
      tpu.vector_store %arg8[%swap3A_318, %swap3A_319], %add3A_317 {strides = array<i32>} : memref<16x1024xf32, #tpu.memory_space<vmem>>, vector<16xf32>,
      %get3A_321 = arith.index_cast %scan3A_152 : i32 to index
      %get3A_322 = arith.constant 272 : index
      %get3A_323 = tpu.vector_load %arg8[%get3A_321, %get3A_322] {strides = array<i32>} : memref<16x1024xf32, #tpu.memory_space<vmem>>, vector<16xf32>,
      %get3A_324 = arith.index_cast %scan3A_152 : i32 to index
      %get3A_325 = arith.constant 272 : index
      %get3A_326 = tpu.vector_load %arg9[%get3A_324, %get3A_325] {strides = array<i32>} : memref<16x1024xf32, #tpu.memory_space<vmem>>, vector<16xf32>,
      %add3A_327 = arith.addf %get3A_323, %get3A_326 : vector<16xf32>
      %swap3A_328 = arith.index_cast %scan3A_152 : i32 to index
      %swap3A_329 = arith.constant 272 : index
      %swap3A_330 = tpu.vector_load %arg8[%swap3A_328, %swap3A_329] {strides = array<i32>} : memref<16x1024xf32, #tpu.memory_space<vmem>>, vector<16xf32>,
      tpu.vector_store %arg8[%swap3A_328, %swap3A_329], %add3A_327 {strides = array<i32>} : memref<16x1024xf32, #tpu.memory_space<vmem>>, vector<16xf32>,
      %get3A_331 = arith.index_cast %scan3A_152 : i32 to index
      %get3A_332 = arith.constant 288 : index
      %get3A_333 = tpu.vector_load %arg8[%get3A_331, %get3A_332] {strides = array<i32>} : memref<16x1024xf32, #tpu.memory_space<vmem>>, vector<16xf32>,
      %get3A_334 = arith.index_cast %scan3A_152 : i32 to index
      %get3A_335 = arith.constant 288 : index
      %get3A_336 = tpu.vector_load %arg9[%get3A_334, %get3A_335] {strides = array<i32>} : memref<16x1024xf32, #tpu.memory_space<vmem>>, vector<16xf32>,
      %add3A_337 = arith.addf %get3A_333, %get3A_336 : vector<16xf32>
      %swap3A_338 = arith.index_cast %scan3A_152 : i32 to index
      %swap3A_339 = arith.constant 288 : index
      %swap3A_340 = tpu.vector_load %arg8[%swap3A_338, %swap3A_339] {strides = array<i32>} : memref<16x1024xf32, #tpu.memory_space<vmem>>, vector<16xf32>,
      tpu.vector_store %arg8[%swap3A_338, %swap3A_339], %add3A_337 {strides = array<i32>} : memref<16x1024xf32, #tpu.memory_space<vmem>>, vector<16xf32>,
      %get3A_341 = arith.index_cast %scan3A_152 : i32 to index
      %get3A_342 = arith.constant 304 : index
      %get3A_343 = tpu.vector_load %arg8[%get3A_341, %get3A_342] {strides = array<i32>} : memref<16x1024xf32, #tpu.memory_space<vmem>>, vector<16xf32>,
      %get3A_344 = arith.index_cast %scan3A_152 : i32 to index
      %get3A_345 = arith.constant 304 : index
      %get3A_346 = tpu.vector_load %arg9[%get3A_344, %get3A_345] {strides = array<i32>} : memref<16x1024xf32, #tpu.memory_space<vmem>>, vector<16xf32>,
      %add3A_347 = arith.addf %get3A_343, %get3A_346 : vector<16xf32>
      %swap3A_348 = arith.index_cast %scan3A_152 : i32 to index
      %swap3A_349 = arith.constant 304 : index
      %swap3A_350 = tpu.vector_load %arg8[%swap3A_348, %swap3A_349] {strides = array<i32>} : memref<16x1024xf32, #tpu.memory_space<vmem>>, vector<16xf32>,
      tpu.vector_store %arg8[%swap3A_348, %swap3A_349], %add3A_347 {strides = array<i32>} : memref<16x1024xf32, #tpu.memory_space<vmem>>, vector<16xf32>,
      %get3A_351 = arith.index_cast %scan3A_152 : i32 to index
      %get3A_352 = arith.constant 320 : index
      %get3A_353 = tpu.vector_load %arg8[%get3A_351, %get3A_352] {strides = array<i32>} : memref<16x1024xf32, #tpu.memory_space<vmem>>, vector<16xf32>,
      %get3A_354 = arith.index_cast %scan3A_152 : i32 to index
      %get3A_355 = arith.constant 320 : index
      %get3A_356 = tpu.vector_load %arg9[%get3A_354, %get3A_355] {strides = array<i32>} : memref<16x1024xf32, #tpu.memory_space<vmem>>, vector<16xf32>,
      %add3A_357 = arith.addf %get3A_353, %get3A_356 : vector<16xf32>
      %swap3A_358 = arith.index_cast %scan3A_152 : i32 to index
      %swap3A_359 = arith.constant 320 : index
      %swap3A_360 = tpu.vector_load %arg8[%swap3A_358, %swap3A_359] {strides = array<i32>} : memref<16x1024xf32, #tpu.memory_space<vmem>>, vector<16xf32>,
      tpu.vector_store %arg8[%swap3A_358, %swap3A_359], %add3A_357 {strides = array<i32>} : memref<16x1024xf32, #tpu.memory_space<vmem>>, vector<16xf32>,
      %get3A_361 = arith.index_cast %scan3A_152 : i32 to index
      %get3A_362 = arith.constant 336 : index
      %get3A_363 = tpu.vector_load %arg8[%get3A_361, %get3A_362] {strides = array<i32>} : memref<16x1024xf32, #tpu.memory_space<vmem>>, vector<16xf32>,
      %get3A_364 = arith.index_cast %scan3A_152 : i32 to index
      %get3A_365 = arith.constant 336 : index
      %get3A_366 = tpu.vector_load %arg9[%get3A_364, %get3A_365] {strides = array<i32>} : memref<16x1024xf32, #tpu.memory_space<vmem>>, vector<16xf32>,
      %add3A_367 = arith.addf %get3A_363, %get3A_366 : vector<16xf32>
      %swap3A_368 = arith.index_cast %scan3A_152 : i32 to index
      %swap3A_369 = arith.constant 336 : index
      %swap3A_370 = tpu.vector_load %arg8[%swap3A_368, %swap3A_369] {strides = array<i32>} : memref<16x1024xf32, #tpu.memory_space<vmem>>, vector<16xf32>,
      tpu.vector_store %arg8[%swap3A_368, %swap3A_369], %add3A_367 {strides = array<i32>} : memref<16x1024xf32, #tpu.memory_space<vmem>>, vector<16xf32>,
      %get3A_371 = arith.index_cast %scan3A_152 : i32 to index
      %get3A_372 = arith.constant 352 : index
      %get3A_373 = tpu.vector_load %arg8[%get3A_371, %get3A_372] {strides = array<i32>} : memref<16x1024xf32, #tpu.memory_space<vmem>>, vector<16xf32>,
      %get3A_374 = arith.index_cast %scan3A_152 : i32 to index
      %get3A_375 = arith.constant 352 : index
      %get3A_376 = tpu.vector_load %arg9[%get3A_374, %get3A_375] {strides = array<i32>} : memref<16x1024xf32, #tpu.memory_space<vmem>>, vector<16xf32>,
      %add3A_377 = arith.addf %get3A_373, %get3A_376 : vector<16xf32>
      %swap3A_378 = arith.index_cast %scan3A_152 : i32 to index
      %swap3A_379 = arith.constant 352 : index
      %swap3A_380 = tpu.vector_load %arg8[%swap3A_378, %swap3A_379] {strides = array<i32>} : memref<16x1024xf32, #tpu.memory_space<vmem>>, vector<16xf32>,
      tpu.vector_store %arg8[%swap3A_378, %swap3A_379], %add3A_377 {strides = array<i32>} : memref<16x1024xf32, #tpu.memory_space<vmem>>, vector<16xf32>,
      %get3A_381 = arith.index_cast %scan3A_152 : i32 to index
      %get3A_382 = arith.constant 368 : index
      %get3A_383 = tpu.vector_load %arg8[%get3A_381, %get3A_382] {strides = array<i32>} : memref<16x1024xf32, #tpu.memory_space<vmem>>, vector<16xf32>,
      %get3A_384 = arith.index_cast %scan3A_152 : i32 to index
      %get3A_385 = arith.constant 368 : index
      %get3A_386 = tpu.vector_load %arg9[%get3A_384, %get3A_385] {strides = array<i32>} : memref<16x1024xf32, #tpu.memory_space<vmem>>, vector<16xf32>,
      %add3A_387 = arith.addf %get3A_383, %get3A_386 : vector<16xf32>
      %swap3A_388 = arith.index_cast %scan3A_152 : i32 to index
      %swap3A_389 = arith.constant 368 : index
      %swap3A_390 = tpu.vector_load %arg8[%swap3A_388, %swap3A_389] {strides = array<i32>} : memref<16x1024xf32, #tpu.memory_space<vmem>>, vector<16xf32>,
      tpu.vector_store %arg8[%swap3A_388, %swap3A_389], %add3A_387 {strides = array<i32>} : memref<16x1024xf32, #tpu.memory_space<vmem>>, vector<16xf32>,
      %get3A_391 = arith.index_cast %scan3A_152 : i32 to index
      %get3A_392 = arith.constant 384 : index
      %get3A_393 = tpu.vector_load %arg8[%get3A_391, %get3A_392] {strides = array<i32>} : memref<16x1024xf32, #tpu.memory_space<vmem>>, vector<16xf32>,
      %get3A_394 = arith.index_cast %scan3A_152 : i32 to index
      %get3A_395 = arith.constant 384 : index
      %get3A_396 = tpu.vector_load %arg9[%get3A_394, %get3A_395] {strides = array<i32>} : memref<16x1024xf32, #tpu.memory_space<vmem>>, vector<16xf32>,
      %add3A_397 = arith.addf %get3A_393, %get3A_396 : vector<16xf32>
      %swap3A_398 = arith.index_cast %scan3A_152 : i32 to index
      %swap3A_399 = arith.constant 384 : index
      %swap3A_400 = tpu.vector_load %arg8[%swap3A_398, %swap3A_399] {strides = array<i32>} : memref<16x1024xf32, #tpu.memory_space<vmem>>, vector<16xf32>,
      tpu.vector_store %arg8[%swap3A_398, %swap3A_399], %add3A_397 {strides = array<i32>} : memref<16x1024xf32, #tpu.memory_space<vmem>>, vector<16xf32>,
      %get3A_401 = arith.index_cast %scan3A_152 : i32 to index
      %get3A_402 = arith.constant 400 : index
      %get3A_403 = tpu.vector_load %arg8[%get3A_401, %get3A_402] {strides = array<i32>} : memref<16x1024xf32, #tpu.memory_space<vmem>>, vector<16xf32>,
      %get3A_404 = arith.index_cast %scan3A_152 : i32 to index
      %get3A_405 = arith.constant 400 : index
      %get3A_406 = tpu.vector_load %arg9[%get3A_404, %get3A_405] {strides = array<i32>} : memref<16x1024xf32, #tpu.memory_space<vmem>>, vector<16xf32>,
      %add3A_407 = arith.addf %get3A_403, %get3A_406 : vector<16xf32>
      %swap3A_408 = arith.index_cast %scan3A_152 : i32 to index
      %swap3A_409 = arith.constant 400 : index
      %swap3A_410 = tpu.vector_load %arg8[%swap3A_408, %swap3A_409] {strides = array<i32>} : memref<16x1024xf32, #tpu.memory_space<vmem>>, vector<16xf32>,
      tpu.vector_store %arg8[%swap3A_408, %swap3A_409], %add3A_407 {strides = array<i32>} : memref<16x1024xf32, #tpu.memory_space<vmem>>, vector<16xf32>,
      %get3A_411 = arith.index_cast %scan3A_152 : i32 to index
      %get3A_412 = arith.constant 416 : index
      %get3A_413 = tpu.vector_load %arg8[%get3A_411, %get3A_412] {strides = array<i32>} : memref<16x1024xf32, #tpu.memory_space<vmem>>, vector<16xf32>,
      %get3A_414 = arith.index_cast %scan3A_152 : i32 to index
      %get3A_415 = arith.constant 416 : index
      %get3A_416 = tpu.vector_load %arg9[%get3A_414, %get3A_415] {strides = array<i32>} : memref<16x1024xf32, #tpu.memory_space<vmem>>, vector<16xf32>,
      %add3A_417 = arith.addf %get3A_413, %get3A_416 : vector<16xf32>
      %swap3A_418 = arith.index_cast %scan3A_152 : i32 to index
      %swap3A_419 = arith.constant 416 : index
      %swap3A_420 = tpu.vector_load %arg8[%swap3A_418, %swap3A_419] {strides = array<i32>} : memref<16x1024xf32, #tpu.memory_space<vmem>>, vector<16xf32>,
      tpu.vector_store %arg8[%swap3A_418, %swap3A_419], %add3A_417 {strides = array<i32>} : memref<16x1024xf32, #tpu.memory_space<vmem>>, vector<16xf32>,
      %get3A_421 = arith.index_cast %scan3A_152 : i32 to index
      %get3A_422 = arith.constant 432 : index
      %get3A_423 = tpu.vector_load %arg8[%get3A_421, %get3A_422] {strides = array<i32>} : memref<16x1024xf32, #tpu.memory_space<vmem>>, vector<16xf32>,
      %get3A_424 = arith.index_cast %scan3A_152 : i32 to index
      %get3A_425 = arith.constant 432 : index
      %get3A_426 = tpu.vector_load %arg9[%get3A_424, %get3A_425] {strides = array<i32>} : memref<16x1024xf32, #tpu.memory_space<vmem>>, vector<16xf32>,
      %add3A_427 = arith.addf %get3A_423, %get3A_426 : vector<16xf32>
      %swap3A_428 = arith.index_cast %scan3A_152 : i32 to index
      %swap3A_429 = arith.constant 432 : index
      %swap3A_430 = tpu.vector_load %arg8[%swap3A_428, %swap3A_429] {strides = array<i32>} : memref<16x1024xf32, #tpu.memory_space<vmem>>, vector<16xf32>,
      tpu.vector_store %arg8[%swap3A_428, %swap3A_429], %add3A_427 {strides = array<i32>} : memref<16x1024xf32, #tpu.memory_space<vmem>>, vector<16xf32>,
      %get3A_431 = arith.index_cast %scan3A_152 : i32 to index
      %get3A_432 = arith.constant 448 : index
      %get3A_433 = tpu.vector_load %arg8[%get3A_431, %get3A_432] {strides = array<i32>} : memref<16x1024xf32, #tpu.memory_space<vmem>>, vector<16xf32>,
      %get3A_434 = arith.index_cast %scan3A_152 : i32 to index
      %get3A_435 = arith.constant 448 : index
      %get3A_436 = tpu.vector_load %arg9[%get3A_434, %get3A_435] {strides = array<i32>} : memref<16x1024xf32, #tpu.memory_space<vmem>>, vector<16xf32>,
      %add3A_437 = arith.addf %get3A_433, %get3A_436 : vector<16xf32>
      %swap3A_438 = arith.index_cast %scan3A_152 : i32 to index
      %swap3A_439 = arith.constant 448 : index
      %swap3A_440 = tpu.vector_load %arg8[%swap3A_438, %swap3A_439] {strides = array<i32>} : memref<16x1024xf32, #tpu.memory_space<vmem>>, vector<16xf32>,
      tpu.vector_store %arg8[%swap3A_438, %swap3A_439], %add3A_437 {strides = array<i32>} : memref<16x1024xf32, #tpu.memory_space<vmem>>, vector<16xf32>,
      %get3A_441 = arith.index_cast %scan3A_152 : i32 to index
      %get3A_442 = arith.constant 464 : index
      %get3A_443 = tpu.vector_load %arg8[%get3A_441, %get3A_442] {strides = array<i32>} : memref<16x1024xf32, #tpu.memory_space<vmem>>, vector<16xf32>,
      %get3A_444 = arith.index_cast %scan3A_152 : i32 to index
      %get3A_445 = arith.constant 464 : index
      %get3A_446 = tpu.vector_load %arg9[%get3A_444, %get3A_445] {strides = array<i32>} : memref<16x1024xf32, #tpu.memory_space<vmem>>, vector<16xf32>,
      %add3A_447 = arith.addf %get3A_443, %get3A_446 : vector<16xf32>
      %swap3A_448 = arith.index_cast %scan3A_152 : i32 to index
      %swap3A_449 = arith.constant 464 : index
      %swap3A_450 = tpu.vector_load %arg8[%swap3A_448, %swap3A_449] {strides = array<i32>} : memref<16x1024xf32, #tpu.memory_space<vmem>>, vector<16xf32>,
      tpu.vector_store %arg8[%swap3A_448, %swap3A_449], %add3A_447 {strides = array<i32>} : memref<16x1024xf32, #tpu.memory_space<vmem>>, vector<16xf32>,
      %get3A_451 = arith.index_cast %scan3A_152 : i32 to index
      %get3A_452 = arith.constant 480 : index
      %get3A_453 = tpu.vector_load %arg8[%get3A_451, %get3A_452] {strides = array<i32>} : memref<16x1024xf32, #tpu.memory_space<vmem>>, vector<16xf32>,
      %get3A_454 = arith.index_cast %scan3A_152 : i32 to index
      %get3A_455 = arith.constant 480 : index
      %get3A_456 = tpu.vector_load %arg9[%get3A_454, %get3A_455] {strides = array<i32>} : memref<16x1024xf32, #tpu.memory_space<vmem>>, vector<16xf32>,
      %add3A_457 = arith.addf %get3A_453, %get3A_456 : vector<16xf32>
      %swap3A_458 = arith.index_cast %scan3A_152 : i32 to index
      %swap3A_459 = arith.constant 480 : index
      %swap3A_460 = tpu.vector_load %arg8[%swap3A_458, %swap3A_459] {strides = array<i32>} : memref<16x1024xf32, #tpu.memory_space<vmem>>, vector<16xf32>,
      tpu.vector_store %arg8[%swap3A_458, %swap3A_459], %add3A_457 {strides = array<i32>} : memref<16x1024xf32, #tpu.memory_space<vmem>>, vector<16xf32>,
      %get3A_461 = arith.index_cast %scan3A_152 : i32 to index
      %get3A_462 = arith.constant 496 : index
      %get3A_463 = tpu.vector_load %arg8[%get3A_461, %get3A_462] {strides = array<i32>} : memref<16x1024xf32, #tpu.memory_space<vmem>>, vector<16xf32>,
      %get3A_464 = arith.index_cast %scan3A_152 : i32 to index
      %get3A_465 = arith.constant 496 : index
      %get3A_466 = tpu.vector_load %arg9[%get3A_464, %get3A_465] {strides = array<i32>} : memref<16x1024xf32, #tpu.memory_space<vmem>>, vector<16xf32>,
      %add3A_467 = arith.addf %get3A_463, %get3A_466 : vector<16xf32>
      %swap3A_468 = arith.index_cast %scan3A_152 : i32 to index
      %swap3A_469 = arith.constant 496 : index
      %swap3A_470 = tpu.vector_load %arg8[%swap3A_468, %swap3A_469] {strides = array<i32>} : memref<16x1024xf32, #tpu.memory_space<vmem>>, vector<16xf32>,
      tpu.vector_store %arg8[%swap3A_468, %swap3A_469], %add3A_467 {strides = array<i32>} : memref<16x1024xf32, #tpu.memory_space<vmem>>, vector<16xf32>,
      %get3A_471 = arith.index_cast %scan3A_152 : i32 to index
      %get3A_472 = arith.constant 512 : index
      %get3A_473 = tpu.vector_load %arg8[%get3A_471, %get3A_472] {strides = array<i32>} : memref<16x1024xf32, #tpu.memory_space<vmem>>, vector<16xf32>,
      %get3A_474 = arith.index_cast %scan3A_152 : i32 to index
      %get3A_475 = arith.constant 512 : index
      %get3A_476 = tpu.vector_load %arg9[%get3A_474, %get3A_475] {strides = array<i32>} : memref<16x1024xf32, #tpu.memory_space<vmem>>, vector<16xf32>,
      %add3A_477 = arith.addf %get3A_473, %get3A_476 : vector<16xf32>
      %swap3A_478 = arith.index_cast %scan3A_152 : i32 to index
      %swap3A_479 = arith.constant 512 : index
      %swap3A_480 = tpu.vector_load %arg8[%swap3A_478, %swap3A_479] {strides = array<i32>} : memref<16x1024xf32, #tpu.memory_space<vmem>>, vector<16xf32>,
      tpu.vector_store %arg8[%swap3A_478, %swap3A_479], %add3A_477 {strides = array<i32>} : memref<16x1024xf32, #tpu.memory_space<vmem>>, vector<16xf32>,
      %get3A_481 = arith.index_cast %scan3A_152 : i32 to index
      %get3A_482 = arith.constant 528 : index
      %get3A_483 = tpu.vector_load %arg8[%get3A_481, %get3A_482] {strides = array<i32>} : memref<16x1024xf32, #tpu.memory_space<vmem>>, vector<16xf32>,
      %get3A_484 = arith.index_cast %scan3A_152 : i32 to index
      %get3A_485 = arith.constant 528 : index
      %get3A_486 = tpu.vector_load %arg9[%get3A_484, %get3A_485] {strides = array<i32>} : memref<16x1024xf32, #tpu.memory_space<vmem>>, vector<16xf32>,
      %add3A_487 = arith.addf %get3A_483, %get3A_486 : vector<16xf32>
      %swap3A_488 = arith.index_cast %scan3A_152 : i32 to index
      %swap3A_489 = arith.constant 528 : index
      %swap3A_490 = tpu.vector_load %arg8[%swap3A_488, %swap3A_489] {strides = array<i32>} : memref<16x1024xf32, #tpu.memory_space<vmem>>, vector<16xf32>,
      tpu.vector_store %arg8[%swap3A_488, %swap3A_489], %add3A_487 {strides = array<i32>} : memref<16x1024xf32, #tpu.memory_space<vmem>>, vector<16xf32>,
      %get3A_491 = arith.index_cast %scan3A_152 : i32 to index
      %get3A_492 = arith.constant 544 : index
      %get3A_493 = tpu.vector_load %arg8[%get3A_491, %get3A_492] {strides = array<i32>} : memref<16x1024xf32, #tpu.memory_space<vmem>>, vector<16xf32>,
      %get3A_494 = arith.index_cast %scan3A_152 : i32 to index
      %get3A_495 = arith.constant 544 : index
      %get3A_496 = tpu.vector_load %arg9[%get3A_494, %get3A_495] {strides = array<i32>} : memref<16x1024xf32, #tpu.memory_space<vmem>>, vector<16xf32>,
      %add3A_497 = arith.addf %get3A_493, %get3A_496 : vector<16xf32>
      %swap3A_498 = arith.index_cast %scan3A_152 : i32 to index
      %swap3A_499 = arith.constant 544 : index
      %swap3A_500 = tpu.vector_load %arg8[%swap3A_498, %swap3A_499] {strides = array<i32>} : memref<16x1024xf32, #tpu.memory_space<vmem>>, vector<16xf32>,
      tpu.vector_store %arg8[%swap3A_498, %swap3A_499], %add3A_497 {strides = array<i32>} : memref<16x1024xf32, #tpu.memory_space<vmem>>, vector<16xf32>,
      %get3A_501 = arith.index_cast %scan3A_152 : i32 to index
      %get3A_502 = arith.constant 560 : index
      %get3A_503 = tpu.vector_load %arg8[%get3A_501, %get3A_502] {strides = array<i32>} : memref<16x1024xf32, #tpu.memory_space<vmem>>, vector<16xf32>,
      %get3A_504 = arith.index_cast %scan3A_152 : i32 to index
      %get3A_505 = arith.constant 560 : index
      %get3A_506 = tpu.vector_load %arg9[%get3A_504, %get3A_505] {strides = array<i32>} : memref<16x1024xf32, #tpu.memory_space<vmem>>, vector<16xf32>,
      %add3A_507 = arith.addf %get3A_503, %get3A_506 : vector<16xf32>
      %swap3A_508 = arith.index_cast %scan3A_152 : i32 to index
      %swap3A_509 = arith.constant 560 : index
      %swap3A_510 = tpu.vector_load %arg8[%swap3A_508, %swap3A_509] {strides = array<i32>} : memref<16x1024xf32, #tpu.memory_space<vmem>>, vector<16xf32>,
      tpu.vector_store %arg8[%swap3A_508, %swap3A_509], %add3A_507 {strides = array<i32>} : memref<16x1024xf32, #tpu.memory_space<vmem>>, vector<16xf32>,
      %get3A_511 = arith.index_cast %scan3A_152 : i32 to index
      %get3A_512 = arith.constant 576 : index
      %get3A_513 = tpu.vector_load %arg8[%get3A_511, %get3A_512] {strides = array<i32>} : memref<16x1024xf32, #tpu.memory_space<vmem>>, vector<16xf32>,
      %get3A_514 = arith.index_cast %scan3A_152 : i32 to index
      %get3A_515 = arith.constant 576 : index
      %get3A_516 = tpu.vector_load %arg9[%get3A_514, %get3A_515] {strides = array<i32>} : memref<16x1024xf32, #tpu.memory_space<vmem>>, vector<16xf32>,
      %add3A_517 = arith.addf %get3A_513, %get3A_516 : vector<16xf32>
      %swap3A_518 = arith.index_cast %scan3A_152 : i32 to index
      %swap3A_519 = arith.constant 576 : index
      %swap3A_520 = tpu.vector_load %arg8[%swap3A_518, %swap3A_519] {strides = array<i32>} : memref<16x1024xf32, #tpu.memory_space<vmem>>, vector<16xf32>,
      tpu.vector_store %arg8[%swap3A_518, %swap3A_519], %add3A_517 {strides = array<i32>} : memref<16x1024xf32, #tpu.memory_space<vmem>>, vector<16xf32>,
      %get3A_521 = arith.index_cast %scan3A_152 : i32 to index
      %get3A_522 = arith.constant 592 : index
      %get3A_523 = tpu.vector_load %arg8[%get3A_521, %get3A_522] {strides = array<i32>} : memref<16x1024xf32, #tpu.memory_space<vmem>>, vector<16xf32>,
      %get3A_524 = arith.index_cast %scan3A_152 : i32 to index
      %get3A_525 = arith.constant 592 : index
      %get3A_526 = tpu.vector_load %arg9[%get3A_524, %get3A_525] {strides = array<i32>} : memref<16x1024xf32, #tpu.memory_space<vmem>>, vector<16xf32>,
      %add3A_527 = arith.addf %get3A_523, %get3A_526 : vector<16xf32>
      %swap3A_528 = arith.index_cast %scan3A_152 : i32 to index
      %swap3A_529 = arith.constant 592 : index
      %swap3A_530 = tpu.vector_load %arg8[%swap3A_528, %swap3A_529] {strides = array<i32>} : memref<16x1024xf32, #tpu.memory_space<vmem>>, vector<16xf32>,
      tpu.vector_store %arg8[%swap3A_528, %swap3A_529], %add3A_527 {strides = array<i32>} : memref<16x1024xf32, #tpu.memory_space<vmem>>, vector<16xf32>,
      %get3A_531 = arith.index_cast %scan3A_152 : i32 to index
      %get3A_532 = arith.constant 608 : index
      %get3A_533 = tpu.vector_load %arg8[%get3A_531, %get3A_532] {strides = array<i32>} : memref<16x1024xf32, #tpu.memory_space<vmem>>, vector<16xf32>,
      %get3A_534 = arith.index_cast %scan3A_152 : i32 to index
      %get3A_535 = arith.constant 608 : index
      %get3A_536 = tpu.vector_load %arg9[%get3A_534, %get3A_535] {strides = array<i32>} : memref<16x1024xf32, #tpu.memory_space<vmem>>, vector<16xf32>,
      %add3A_537 = arith.addf %get3A_533, %get3A_536 : vector<16xf32>
      %swap3A_538 = arith.index_cast %scan3A_152 : i32 to index
      %swap3A_539 = arith.constant 608 : index
      %swap3A_540 = tpu.vector_load %arg8[%swap3A_538, %swap3A_539] {strides = array<i32>} : memref<16x1024xf32, #tpu.memory_space<vmem>>, vector<16xf32>,
      tpu.vector_store %arg8[%swap3A_538, %swap3A_539], %add3A_537 {strides = array<i32>} : memref<16x1024xf32, #tpu.memory_space<vmem>>, vector<16xf32>,
      %get3A_541 = arith.index_cast %scan3A_152 : i32 to index
      %get3A_542 = arith.constant 624 : index
      %get3A_543 = tpu.vector_load %arg8[%get3A_541, %get3A_542] {strides = array<i32>} : memref<16x1024xf32, #tpu.memory_space<vmem>>, vector<16xf32>,
      %get3A_544 = arith.index_cast %scan3A_152 : i32 to index
      %get3A_545 = arith.constant 624 : index
      %get3A_546 = tpu.vector_load %arg9[%get3A_544, %get3A_545] {strides = array<i32>} : memref<16x1024xf32, #tpu.memory_space<vmem>>, vector<16xf32>,
      %add3A_547 = arith.addf %get3A_543, %get3A_546 : vector<16xf32>
      %swap3A_548 = arith.index_cast %scan3A_152 : i32 to index
      %swap3A_549 = arith.constant 624 : index
      %swap3A_550 = tpu.vector_load %arg8[%swap3A_548, %swap3A_549] {strides = array<i32>} : memref<16x1024xf32, #tpu.memory_space<vmem>>, vector<16xf32>,
      tpu.vector_store %arg8[%swap3A_548, %swap3A_549], %add3A_547 {strides = array<i32>} : memref<16x1024xf32, #tpu.memory_space<vmem>>, vector<16xf32>,
      %get3A_551 = arith.index_cast %scan3A_152 : i32 to index
      %get3A_552 = arith.constant 640 : index
      %get3A_553 = tpu.vector_load %arg8[%get3A_551, %get3A_552] {strides = array<i32>} : memref<16x1024xf32, #tpu.memory_space<vmem>>, vector<16xf32>,
      %get3A_554 = arith.index_cast %scan3A_152 : i32 to index
      %get3A_555 = arith.constant 640 : index
      %get3A_556 = tpu.vector_load %arg9[%get3A_554, %get3A_555] {strides = array<i32>} : memref<16x1024xf32, #tpu.memory_space<vmem>>, vector<16xf32>,
      %add3A_557 = arith.addf %get3A_553, %get3A_556 : vector<16xf32>
      %swap3A_558 = arith.index_cast %scan3A_152 : i32 to index
      %swap3A_559 = arith.constant 640 : index
      %swap3A_560 = tpu.vector_load %arg8[%swap3A_558, %swap3A_559] {strides = array<i32>} : memref<16x1024xf32, #tpu.memory_space<vmem>>, vector<16xf32>,
      tpu.vector_store %arg8[%swap3A_558, %swap3A_559], %add3A_557 {strides = array<i32>} : memref<16x1024xf32, #tpu.memory_space<vmem>>, vector<16xf32>,
      %get3A_561 = arith.index_cast %scan3A_152 : i32 to index
      %get3A_562 = arith.constant 656 : index
      %get3A_563 = tpu.vector_load %arg8[%get3A_561, %get3A_562] {strides = array<i32>} : memref<16x1024xf32, #tpu.memory_space<vmem>>, vector<16xf32>,
      %get3A_564 = arith.index_cast %scan3A_152 : i32 to index
      %get3A_565 = arith.constant 656 : index
      %get3A_566 = tpu.vector_load %arg9[%get3A_564, %get3A_565] {strides = array<i32>} : memref<16x1024xf32, #tpu.memory_space<vmem>>, vector<16xf32>,
      %add3A_567 = arith.addf %get3A_563, %get3A_566 : vector<16xf32>
      %swap3A_568 = arith.index_cast %scan3A_152 : i32 to index
      %swap3A_569 = arith.constant 656 : index
      %swap3A_570 = tpu.vector_load %arg8[%swap3A_568, %swap3A_569] {strides = array<i32>} : memref<16x1024xf32, #tpu.memory_space<vmem>>, vector<16xf32>,
      tpu.vector_store %arg8[%swap3A_568, %swap3A_569], %add3A_567 {strides = array<i32>} : memref<16x1024xf32, #tpu.memory_space<vmem>>, vector<16xf32>,
      %get3A_571 = arith.index_cast %scan3A_152 : i32 to index
      %get3A_572 = arith.constant 672 : index
      %get3A_573 = tpu.vector_load %arg8[%get3A_571, %get3A_572] {strides = array<i32>} : memref<16x1024xf32, #tpu.memory_space<vmem>>, vector<16xf32>,
      %get3A_574 = arith.index_cast %scan3A_152 : i32 to index
      %get3A_575 = arith.constant 672 : index
      %get3A_576 = tpu.vector_load %arg9[%get3A_574, %get3A_575] {strides = array<i32>} : memref<16x1024xf32, #tpu.memory_space<vmem>>, vector<16xf32>,
      %add3A_577 = arith.addf %get3A_573, %get3A_576 : vector<16xf32>
      %swap3A_578 = arith.index_cast %scan3A_152 : i32 to index
      %swap3A_579 = arith.constant 672 : index
      %swap3A_580 = tpu.vector_load %arg8[%swap3A_578, %swap3A_579] {strides = array<i32>} : memref<16x1024xf32, #tpu.memory_space<vmem>>, vector<16xf32>,
      tpu.vector_store %arg8[%swap3A_578, %swap3A_579], %add3A_577 {strides = array<i32>} : memref<16x1024xf32, #tpu.memory_space<vmem>>, vector<16xf32>,
      %get3A_581 = arith.index_cast %scan3A_152 : i32 to index
      %get3A_582 = arith.constant 688 : index
      %get3A_583 = tpu.vector_load %arg8[%get3A_581, %get3A_582] {strides = array<i32>} : memref<16x1024xf32, #tpu.memory_space<vmem>>, vector<16xf32>,
      %get3A_584 = arith.index_cast %scan3A_152 : i32 to index
      %get3A_585 = arith.constant 688 : index
      %get3A_586 = tpu.vector_load %arg9[%get3A_584, %get3A_585] {strides = array<i32>} : memref<16x1024xf32, #tpu.memory_space<vmem>>, vector<16xf32>,
      %add3A_587 = arith.addf %get3A_583, %get3A_586 : vector<16xf32>
      %swap3A_588 = arith.index_cast %scan3A_152 : i32 to index
      %swap3A_589 = arith.constant 688 : index
      %swap3A_590 = tpu.vector_load %arg8[%swap3A_588, %swap3A_589] {strides = array<i32>} : memref<16x1024xf32, #tpu.memory_space<vmem>>, vector<16xf32>,
      tpu.vector_store %arg8[%swap3A_588, %swap3A_589], %add3A_587 {strides = array<i32>} : memref<16x1024xf32, #tpu.memory_space<vmem>>, vector<16xf32>,
      %get3A_591 = arith.index_cast %scan3A_152 : i32 to index
      %get3A_592 = arith.constant 704 : index
      %get3A_593 = tpu.vector_load %arg8[%get3A_591, %get3A_592] {strides = array<i32>} : memref<16x1024xf32, #tpu.memory_space<vmem>>, vector<16xf32>,
      %get3A_594 = arith.index_cast %scan3A_152 : i32 to index
      %get3A_595 = arith.constant 704 : index
      %get3A_596 = tpu.vector_load %arg9[%get3A_594, %get3A_595] {strides = array<i32>} : memref<16x1024xf32, #tpu.memory_space<vmem>>, vector<16xf32>,
      %add3A_597 = arith.addf %get3A_593, %get3A_596 : vector<16xf32>
      %swap3A_598 = arith.index_cast %scan3A_152 : i32 to index
      %swap3A_599 = arith.constant 704 : index
      %swap3A_600 = tpu.vector_load %arg8[%swap3A_598, %swap3A_599] {strides = array<i32>} : memref<16x1024xf32, #tpu.memory_space<vmem>>, vector<16xf32>,
      tpu.vector_store %arg8[%swap3A_598, %swap3A_599], %add3A_597 {strides = array<i32>} : memref<16x1024xf32, #tpu.memory_space<vmem>>, vector<16xf32>,
      %get3A_601 = arith.index_cast %scan3A_152 : i32 to index
      %get3A_602 = arith.constant 720 : index
      %get3A_603 = tpu.vector_load %arg8[%get3A_601, %get3A_602] {strides = array<i32>} : memref<16x1024xf32, #tpu.memory_space<vmem>>, vector<16xf32>,
      %get3A_604 = arith.index_cast %scan3A_152 : i32 to index
      %get3A_605 = arith.constant 720 : index
      %get3A_606 = tpu.vector_load %arg9[%get3A_604, %get3A_605] {strides = array<i32>} : memref<16x1024xf32, #tpu.memory_space<vmem>>, vector<16xf32>,
      %add3A_607 = arith.addf %get3A_603, %get3A_606 : vector<16xf32>
      %swap3A_608 = arith.index_cast %scan3A_152 : i32 to index
      %swap3A_609 = arith.constant 720 : index
      %swap3A_610 = tpu.vector_load %arg8[%swap3A_608, %swap3A_609] {strides = array<i32>} : memref<16x1024xf32, #tpu.memory_space<vmem>>, vector<16xf32>,
      tpu.vector_store %arg8[%swap3A_608, %swap3A_609], %add3A_607 {strides = array<i32>} : memref<16x1024xf32, #tpu.memory_space<vmem>>, vector<16xf32>,
      %get3A_611 = arith.index_cast %scan3A_152 : i32 to index
      %get3A_612 = arith.constant 736 : index
      %get3A_613 = tpu.vector_load %arg8[%get3A_611, %get3A_612] {strides = array<i32>} : memref<16x1024xf32, #tpu.memory_space<vmem>>, vector<16xf32>,
      %get3A_614 = arith.index_cast %scan3A_152 : i32 to index
      %get3A_615 = arith.constant 736 : index
      %get3A_616 = tpu.vector_load %arg9[%get3A_614, %get3A_615] {strides = array<i32>} : memref<16x1024xf32, #tpu.memory_space<vmem>>, vector<16xf32>,
      %add3A_617 = arith.addf %get3A_613, %get3A_616 : vector<16xf32>
      %swap3A_618 = arith.index_cast %scan3A_152 : i32 to index
      %swap3A_619 = arith.constant 736 : index
      %swap3A_620 = tpu.vector_load %arg8[%swap3A_618, %swap3A_619] {strides = array<i32>} : memref<16x1024xf32, #tpu.memory_space<vmem>>, vector<16xf32>,
      tpu.vector_store %arg8[%swap3A_618, %swap3A_619], %add3A_617 {strides = array<i32>} : memref<16x1024xf32, #tpu.memory_space<vmem>>, vector<16xf32>,
      %get3A_621 = arith.index_cast %scan3A_152 : i32 to index
      %get3A_622 = arith.constant 752 : index
      %get3A_623 = tpu.vector_load %arg8[%get3A_621, %get3A_622] {strides = array<i32>} : memref<16x1024xf32, #tpu.memory_space<vmem>>, vector<16xf32>,
      %get3A_624 = arith.index_cast %scan3A_152 : i32 to index
      %get3A_625 = arith.constant 752 : index
      %get3A_626 = tpu.vector_load %arg9[%get3A_624, %get3A_625] {strides = array<i32>} : memref<16x1024xf32, #tpu.memory_space<vmem>>, vector<16xf32>,
      %add3A_627 = arith.addf %get3A_623, %get3A_626 : vector<16xf32>
      %swap3A_628 = arith.index_cast %scan3A_152 : i32 to index
      %swap3A_629 = arith.constant 752 : index
      %swap3A_630 = tpu.vector_load %arg8[%swap3A_628, %swap3A_629] {strides = array<i32>} : memref<16x1024xf32, #tpu.memory_space<vmem>>, vector<16xf32>,
      tpu.vector_store %arg8[%swap3A_628, %swap3A_629], %add3A_627 {strides = array<i32>} : memref<16x1024xf32, #tpu.memory_space<vmem>>, vector<16xf32>,
      %get3A_631 = arith.index_cast %scan3A_152 : i32 to index
      %get3A_632 = arith.constant 768 : index
      %get3A_633 = tpu.vector_load %arg8[%get3A_631, %get3A_632] {strides = array<i32>} : memref<16x1024xf32, #tpu.memory_space<vmem>>, vector<16xf32>,
      %get3A_634 = arith.index_cast %scan3A_152 : i32 to index
      %get3A_635 = arith.constant 768 : index
      %get3A_636 = tpu.vector_load %arg9[%get3A_634, %get3A_635] {strides = array<i32>} : memref<16x1024xf32, #tpu.memory_space<vmem>>, vector<16xf32>,
      %add3A_637 = arith.addf %get3A_633, %get3A_636 : vector<16xf32>
      %swap3A_638 = arith.index_cast %scan3A_152 : i32 to index
      %swap3A_639 = arith.constant 768 : index
      %swap3A_640 = tpu.vector_load %arg8[%swap3A_638, %swap3A_639] {strides = array<i32>} : memref<16x1024xf32, #tpu.memory_space<vmem>>, vector<16xf32>,
      tpu.vector_store %arg8[%swap3A_638, %swap3A_639], %add3A_637 {strides = array<i32>} : memref<16x1024xf32, #tpu.memory_space<vmem>>, vector<16xf32>,
      %get3A_641 = arith.index_cast %scan3A_152 : i32 to index
      %get3A_642 = arith.constant 784 : index
      %get3A_643 = tpu.vector_load %arg8[%get3A_641, %get3A_642] {strides = array<i32>} : memref<16x1024xf32, #tpu.memory_space<vmem>>, vector<16xf32>,
      %get3A_644 = arith.index_cast %scan3A_152 : i32 to index
      %get3A_645 = arith.constant 784 : index
      %get3A_646 = tpu.vector_load %arg9[%get3A_644, %get3A_645] {strides = array<i32>} : memref<16x1024xf32, #tpu.memory_space<vmem>>, vector<16xf32>,
      %add3A_647 = arith.addf %get3A_643, %get3A_646 : vector<16xf32>
      %swap3A_648 = arith.index_cast %scan3A_152 : i32 to index
      %swap3A_649 = arith.constant 784 : index
      %swap3A_650 = tpu.vector_load %arg8[%swap3A_648, %swap3A_649] {strides = array<i32>} : memref<16x1024xf32, #tpu.memory_space<vmem>>, vector<16xf32>,
      tpu.vector_store %arg8[%swap3A_648, %swap3A_649], %add3A_647 {strides = array<i32>} : memref<16x1024xf32, #tpu.memory_space<vmem>>, vector<16xf32>,
      %get3A_651 = arith.index_cast %scan3A_152 : i32 to index
      %get3A_652 = arith.constant 800 : index
      %get3A_653 = tpu.vector_load %arg8[%get3A_651, %get3A_652] {strides = array<i32>} : memref<16x1024xf32, #tpu.memory_space<vmem>>, vector<16xf32>,
      %get3A_654 = arith.index_cast %scan3A_152 : i32 to index
      %get3A_655 = arith.constant 800 : index
      %get3A_656 = tpu.vector_load %arg9[%get3A_654, %get3A_655] {strides = array<i32>} : memref<16x1024xf32, #tpu.memory_space<vmem>>, vector<16xf32>,
      %add3A_657 = arith.addf %get3A_653, %get3A_656 : vector<16xf32>
      %swap3A_658 = arith.index_cast %scan3A_152 : i32 to index
      %swap3A_659 = arith.constant 800 : index
      %swap3A_660 = tpu.vector_load %arg8[%swap3A_658, %swap3A_659] {strides = array<i32>} : memref<16x1024xf32, #tpu.memory_space<vmem>>, vector<16xf32>,
      tpu.vector_store %arg8[%swap3A_658, %swap3A_659], %add3A_657 {strides = array<i32>} : memref<16x1024xf32, #tpu.memory_space<vmem>>, vector<16xf32>,
      %get3A_661 = arith.index_cast %scan3A_152 : i32 to index
      %get3A_662 = arith.constant 816 : index
      %get3A_663 = tpu.vector_load %arg8[%get3A_661, %get3A_662] {strides = array<i32>} : memref<16x1024xf32, #tpu.memory_space<vmem>>, vector<16xf32>,
      %get3A_664 = arith.index_cast %scan3A_152 : i32 to index
      %get3A_665 = arith.constant 816 : index
      %get3A_666 = tpu.vector_load %arg9[%get3A_664, %get3A_665] {strides = array<i32>} : memref<16x1024xf32, #tpu.memory_space<vmem>>, vector<16xf32>,
      %add3A_667 = arith.addf %get3A_663, %get3A_666 : vector<16xf32>
      %swap3A_668 = arith.index_cast %scan3A_152 : i32 to index
      %swap3A_669 = arith.constant 816 : index
      %swap3A_670 = tpu.vector_load %arg8[%swap3A_668, %swap3A_669] {strides = array<i32>} : memref<16x1024xf32, #tpu.memory_space<vmem>>, vector<16xf32>,
      tpu.vector_store %arg8[%swap3A_668, %swap3A_669], %add3A_667 {strides = array<i32>} : memref<16x1024xf32, #tpu.memory_space<vmem>>, vector<16xf32>,
      %get3A_671 = arith.index_cast %scan3A_152 : i32 to index
      %get3A_672 = arith.constant 832 : index
      %get3A_673 = tpu.vector_load %arg8[%get3A_671, %get3A_672] {strides = array<i32>} : memref<16x1024xf32, #tpu.memory_space<vmem>>, vector<16xf32>,
      %get3A_674 = arith.index_cast %scan3A_152 : i32 to index
      %get3A_675 = arith.constant 832 : index
      %get3A_676 = tpu.vector_load %arg9[%get3A_674, %get3A_675] {strides = array<i32>} : memref<16x1024xf32, #tpu.memory_space<vmem>>, vector<16xf32>,
      %add3A_677 = arith.addf %get3A_673, %get3A_676 : vector<16xf32>
      %swap3A_678 = arith.index_cast %scan3A_152 : i32 to index
      %swap3A_679 = arith.constant 832 : index
      %swap3A_680 = tpu.vector_load %arg8[%swap3A_678, %swap3A_679] {strides = array<i32>} : memref<16x1024xf32, #tpu.memory_space<vmem>>, vector<16xf32>,
      tpu.vector_store %arg8[%swap3A_678, %swap3A_679], %add3A_677 {strides = array<i32>} : memref<16x1024xf32, #tpu.memory_space<vmem>>, vector<16xf32>,
      %get3A_681 = arith.index_cast %scan3A_152 : i32 to index
      %get3A_682 = arith.constant 848 : index
      %get3A_683 = tpu.vector_load %arg8[%get3A_681, %get3A_682] {strides = array<i32>} : memref<16x1024xf32, #tpu.memory_space<vmem>>, vector<16xf32>,
      %get3A_684 = arith.index_cast %scan3A_152 : i32 to index
      %get3A_685 = arith.constant 848 : index
      %get3A_686 = tpu.vector_load %arg9[%get3A_684, %get3A_685] {strides = array<i32>} : memref<16x1024xf32, #tpu.memory_space<vmem>>, vector<16xf32>,
      %add3A_687 = arith.addf %get3A_683, %get3A_686 : vector<16xf32>
      %swap3A_688 = arith.index_cast %scan3A_152 : i32 to index
      %swap3A_689 = arith.constant 848 : index
      %swap3A_690 = tpu.vector_load %arg8[%swap3A_688, %swap3A_689] {strides = array<i32>} : memref<16x1024xf32, #tpu.memory_space<vmem>>, vector<16xf32>,
      tpu.vector_store %arg8[%swap3A_688, %swap3A_689], %add3A_687 {strides = array<i32>} : memref<16x1024xf32, #tpu.memory_space<vmem>>, vector<16xf32>,
      %get3A_691 = arith.index_cast %scan3A_152 : i32 to index
      %get3A_692 = arith.constant 864 : index
      %get3A_693 = tpu.vector_load %arg8[%get3A_691, %get3A_692] {strides = array<i32>} : memref<16x1024xf32, #tpu.memory_space<vmem>>, vector<16xf32>,
      %get3A_694 = arith.index_cast %scan3A_152 : i32 to index
      %get3A_695 = arith.constant 864 : index
      %get3A_696 = tpu.vector_load %arg9[%get3A_694, %get3A_695] {strides = array<i32>} : memref<16x1024xf32, #tpu.memory_space<vmem>>, vector<16xf32>,
      %add3A_697 = arith.addf %get3A_693, %get3A_696 : vector<16xf32>
      %swap3A_698 = arith.index_cast %scan3A_152 : i32 to index
      %swap3A_699 = arith.constant 864 : index
      %swap3A_700 = tpu.vector_load %arg8[%swap3A_698, %swap3A_699] {strides = array<i32>} : memref<16x1024xf32, #tpu.memory_space<vmem>>, vector<16xf32>,
      tpu.vector_store %arg8[%swap3A_698, %swap3A_699], %add3A_697 {strides = array<i32>} : memref<16x1024xf32, #tpu.memory_space<vmem>>, vector<16xf32>,
      %get3A_701 = arith.index_cast %scan3A_152 : i32 to index
      %get3A_702 = arith.constant 880 : index
      %get3A_703 = tpu.vector_load %arg8[%get3A_701, %get3A_702] {strides = array<i32>} : memref<16x1024xf32, #tpu.memory_space<vmem>>, vector<16xf32>,
      %get3A_704 = arith.index_cast %scan3A_152 : i32 to index
      %get3A_705 = arith.constant 880 : index
      %get3A_706 = tpu.vector_load %arg9[%get3A_704, %get3A_705] {strides = array<i32>} : memref<16x1024xf32, #tpu.memory_space<vmem>>, vector<16xf32>,
      %add3A_707 = arith.addf %get3A_703, %get3A_706 : vector<16xf32>
      %swap3A_708 = arith.index_cast %scan3A_152 : i32 to index
      %swap3A_709 = arith.constant 880 : index
      %swap3A_710 = tpu.vector_load %arg8[%swap3A_708, %swap3A_709] {strides = array<i32>} : memref<16x1024xf32, #tpu.memory_space<vmem>>, vector<16xf32>,
      tpu.vector_store %arg8[%swap3A_708, %swap3A_709], %add3A_707 {strides = array<i32>} : memref<16x1024xf32, #tpu.memory_space<vmem>>, vector<16xf32>,
      %get3A_711 = arith.index_cast %scan3A_152 : i32 to index
      %get3A_712 = arith.constant 896 : index
      %get3A_713 = tpu.vector_load %arg8[%get3A_711, %get3A_712] {strides = array<i32>} : memref<16x1024xf32, #tpu.memory_space<vmem>>, vector<16xf32>,
      %get3A_714 = arith.index_cast %scan3A_152 : i32 to index
      %get3A_715 = arith.constant 896 : index
      %get3A_716 = tpu.vector_load %arg9[%get3A_714, %get3A_715] {strides = array<i32>} : memref<16x1024xf32, #tpu.memory_space<vmem>>, vector<16xf32>,
      %add3A_717 = arith.addf %get3A_713, %get3A_716 : vector<16xf32>
      %swap3A_718 = arith.index_cast %scan3A_152 : i32 to index
      %swap3A_719 = arith.constant 896 : index
      %swap3A_720 = tpu.vector_load %arg8[%swap3A_718, %swap3A_719] {strides = array<i32>} : memref<16x1024xf32, #tpu.memory_space<vmem>>, vector<16xf32>,
      tpu.vector_store %arg8[%swap3A_718, %swap3A_719], %add3A_717 {strides = array<i32>} : memref<16x1024xf32, #tpu.memory_space<vmem>>, vector<16xf32>,
      %get3A_721 = arith.index_cast %scan3A_152 : i32 to index
      %get3A_722 = arith.constant 912 : index
      %get3A_723 = tpu.vector_load %arg8[%get3A_721, %get3A_722] {strides = array<i32>} : memref<16x1024xf32, #tpu.memory_space<vmem>>, vector<16xf32>,
      %get3A_724 = arith.index_cast %scan3A_152 : i32 to index
      %get3A_725 = arith.constant 912 : index
      %get3A_726 = tpu.vector_load %arg9[%get3A_724, %get3A_725] {strides = array<i32>} : memref<16x1024xf32, #tpu.memory_space<vmem>>, vector<16xf32>,
      %add3A_727 = arith.addf %get3A_723, %get3A_726 : vector<16xf32>
      %swap3A_728 = arith.index_cast %scan3A_152 : i32 to index
      %swap3A_729 = arith.constant 912 : index
      %swap3A_730 = tpu.vector_load %arg8[%swap3A_728, %swap3A_729] {strides = array<i32>} : memref<16x1024xf32, #tpu.memory_space<vmem>>, vector<16xf32>,
      tpu.vector_store %arg8[%swap3A_728, %swap3A_729], %add3A_727 {strides = array<i32>} : memref<16x1024xf32, #tpu.memory_space<vmem>>, vector<16xf32>,
      %get3A_731 = arith.index_cast %scan3A_152 : i32 to index
      %get3A_732 = arith.constant 928 : index
      %get3A_733 = tpu.vector_load %arg8[%get3A_731, %get3A_732] {strides = array<i32>} : memref<16x1024xf32, #tpu.memory_space<vmem>>, vector<16xf32>,
      %get3A_734 = arith.index_cast %scan3A_152 : i32 to index
      %get3A_735 = arith.constant 928 : index
      %get3A_736 = tpu.vector_load %arg9[%get3A_734, %get3A_735] {strides = array<i32>} : memref<16x1024xf32, #tpu.memory_space<vmem>>, vector<16xf32>,
      %add3A_737 = arith.addf %get3A_733, %get3A_736 : vector<16xf32>
      %swap3A_738 = arith.index_cast %scan3A_152 : i32 to index
      %swap3A_739 = arith.constant 928 : index
      %swap3A_740 = tpu.vector_load %arg8[%swap3A_738, %swap3A_739] {strides = array<i32>} : memref<16x1024xf32, #tpu.memory_space<vmem>>, vector<16xf32>,
      tpu.vector_store %arg8[%swap3A_738, %swap3A_739], %add3A_737 {strides = array<i32>} : memref<16x1024xf32, #tpu.memory_space<vmem>>, vector<16xf32>,
      %get3A_741 = arith.index_cast %scan3A_152 : i32 to index
      %get3A_742 = arith.constant 944 : index
      %get3A_743 = tpu.vector_load %arg8[%get3A_741, %get3A_742] {strides = array<i32>} : memref<16x1024xf32, #tpu.memory_space<vmem>>, vector<16xf32>,
      %get3A_744 = arith.index_cast %scan3A_152 : i32 to index
      %get3A_745 = arith.constant 944 : index
      %get3A_746 = tpu.vector_load %arg9[%get3A_744, %get3A_745] {strides = array<i32>} : memref<16x1024xf32, #tpu.memory_space<vmem>>, vector<16xf32>,
      %add3A_747 = arith.addf %get3A_743, %get3A_746 : vector<16xf32>
      %swap3A_748 = arith.index_cast %scan3A_152 : i32 to index
      %swap3A_749 = arith.constant 944 : index
      %swap3A_750 = tpu.vector_load %arg8[%swap3A_748, %swap3A_749] {strides = array<i32>} : memref<16x1024xf32, #tpu.memory_space<vmem>>, vector<16xf32>,
      tpu.vector_store %arg8[%swap3A_748, %swap3A_749], %add3A_747 {strides = array<i32>} : memref<16x1024xf32, #tpu.memory_space<vmem>>, vector<16xf32>,
      %get3A_751 = arith.index_cast %scan3A_152 : i32 to index
      %get3A_752 = arith.constant 960 : index
      %get3A_753 = tpu.vector_load %arg8[%get3A_751, %get3A_752] {strides = array<i32>} : memref<16x1024xf32, #tpu.memory_space<vmem>>, vector<16xf32>,
      %get3A_754 = arith.index_cast %scan3A_152 : i32 to index
      %get3A_755 = arith.constant 960 : index
      %get3A_756 = tpu.vector_load %arg9[%get3A_754, %get3A_755] {strides = array<i32>} : memref<16x1024xf32, #tpu.memory_space<vmem>>, vector<16xf32>,
      %add3A_757 = arith.addf %get3A_753, %get3A_756 : vector<16xf32>
      %swap3A_758 = arith.index_cast %scan3A_152 : i32 to index
      %swap3A_759 = arith.constant 960 : index
      %swap3A_760 = tpu.vector_load %arg8[%swap3A_758, %swap3A_759] {strides = array<i32>} : memref<16x1024xf32, #tpu.memory_space<vmem>>, vector<16xf32>,
      tpu.vector_store %arg8[%swap3A_758, %swap3A_759], %add3A_757 {strides = array<i32>} : memref<16x1024xf32, #tpu.memory_space<vmem>>, vector<16xf32>,
      %get3A_761 = arith.index_cast %scan3A_152 : i32 to index
      %get3A_762 = arith.constant 976 : index
      %get3A_763 = tpu.vector_load %arg8[%get3A_761, %get3A_762] {strides = array<i32>} : memref<16x1024xf32, #tpu.memory_space<vmem>>, vector<16xf32>,
      %get3A_764 = arith.index_cast %scan3A_152 : i32 to index
      %get3A_765 = arith.constant 976 : index
      %get3A_766 = tpu.vector_load %arg9[%get3A_764, %get3A_765] {strides = array<i32>} : memref<16x1024xf32, #tpu.memory_space<vmem>>, vector<16xf32>,
      %add3A_767 = arith.addf %get3A_763, %get3A_766 : vector<16xf32>
      %swap3A_768 = arith.index_cast %scan3A_152 : i32 to index
      %swap3A_769 = arith.constant 976 : index
      %swap3A_770 = tpu.vector_load %arg8[%swap3A_768, %swap3A_769] {strides = array<i32>} : memref<16x1024xf32, #tpu.memory_space<vmem>>, vector<16xf32>,
      tpu.vector_store %arg8[%swap3A_768, %swap3A_769], %add3A_767 {strides = array<i32>} : memref<16x1024xf32, #tpu.memory_space<vmem>>, vector<16xf32>,
      %get3A_771 = arith.index_cast %scan3A_152 : i32 to index
      %get3A_772 = arith.constant 992 : index
      %get3A_773 = tpu.vector_load %arg8[%get3A_771, %get3A_772] {strides = array<i32>} : memref<16x1024xf32, #tpu.memory_space<vmem>>, vector<16xf32>,
      %get3A_774 = arith.index_cast %scan3A_152 : i32 to index
      %get3A_775 = arith.constant 992 : index
      %get3A_776 = tpu.vector_load %arg9[%get3A_774, %get3A_775] {strides = array<i32>} : memref<16x1024xf32, #tpu.memory_space<vmem>>, vector<16xf32>,
      %add3A_777 = arith.addf %get3A_773, %get3A_776 : vector<16xf32>
      %swap3A_778 = arith.index_cast %scan3A_152 : i32 to index
      %swap3A_779 = arith.constant 992 : index
      %swap3A_780 = tpu.vector_load %arg8[%swap3A_778, %swap3A_779] {strides = array<i32>} : memref<16x1024xf32, #tpu.memory_space<vmem>>, vector<16xf32>,
      tpu.vector_store %arg8[%swap3A_778, %swap3A_779], %add3A_777 {strides = array<i32>} : memref<16x1024xf32, #tpu.memory_space<vmem>>, vector<16xf32>,
      %get3A_781 = arith.index_cast %scan3A_152 : i32 to index
      %get3A_782 = arith.constant 1008 : index
      %get3A_783 = tpu.vector_load %arg8[%get3A_781, %get3A_782] {strides = array<i32>} : memref<16x1024xf32, #tpu.memory_space<vmem>>, vector<16xf32>,
      %get3A_784 = arith.index_cast %scan3A_152 : i32 to index
      %get3A_785 = arith.constant 1008 : index
      %get3A_786 = tpu.vector_load %arg9[%get3A_784, %get3A_785] {strides = array<i32>} : memref<16x1024xf32, #tpu.memory_space<vmem>>, vector<16xf32>,
      %add3A_787 = arith.addf %get3A_783, %get3A_786 : vector<16xf32>
      %swap3A_788 = arith.index_cast %scan3A_152 : i32 to index
      %swap3A_789 = arith.constant 1008 : index
      %swap3A_790 = tpu.vector_load %arg8[%swap3A_788, %swap3A_789] {strides = array<i32>} : memref<16x1024xf32, #tpu.memory_space<vmem>>, vector<16xf32>,
      tpu.vector_store %arg8[%swap3A_788, %swap3A_789], %add3A_787 {strides = array<i32>} : memref<16x1024xf32, #tpu.memory_space<vmem>>, vector<16xf32>,
    }
    %scan3A_43 = arith.constant 16 : i32
    %add3A_44 = arith.constant 0 : i32
    %add3A_45 = arith.addi %mul3A_2, %add3A_44 : i32
    %dma_start3A_46 = arith.constant 0 : i32
    %dma_start3A_47 = tpu.memref_slice %arg5[%add3A_45, %dma_start3A_46] : memref<2048x1024xf32, #tpu.memory_space<hbm>> -> memref<16x1024xf32, #tpu.memory_space<hbm>>
    %dma_start3A_48 = arith.constant 0 : i32
    %dma_start3A_49 = tpu.memref_slice %arg5[%add3A_45, %dma_start3A_48] : memref<2048x1024xf32, #tpu.memory_space<hbm>> -> memref<16x1024xf32, #tpu.memory_space<hbm>>
    tpu.enqueue_dma source(%arg8 : memref<16x1024xf32, #tpu.memory_space<vmem>>) target(%dma_start3A_49 : memref<16x1024xf32, #tpu.memory_space<hbm>>) target_semaphore(%arg14 : memref<!tpu.dma_semaphore, #tpu.memory_space<semaphore_mem>>)
    %dma_wait3A_50 = arith.constant 16 : i32
    %dma_wait3A_51 = tpu.memref_slice %arg6[%dma_wait3A_50] : memref<64xi32, #tpu.memory_space<vmem>> -> memref<16xi32, #tpu.memory_space<vmem>>
    %dma_wait3A_52 = arith.constant 0 : i32
    %dma_wait3A_53 = arith.constant 0 : i32
    %dma_wait3A_54 = tpu.memref_slice %arg2[%dma_wait3A_52, %dma_wait3A_53] : memref<7680x1024xf32, #tpu.memory_space<hbm>> -> memref<7680x1024xf32, #tpu.memory_space<hbm>>
    tpu.wait_indirect_dma semaphore(%arg13 : memref<!tpu.dma_semaphore, #tpu.memory_space<semaphore_mem>>) src(%dma_wait3A_54 : memref<7680x1024xf32, #tpu.memory_space<hbm>>) dst(%arg10 : memref<16x1024xf32, #tpu.memory_space<vmem>>)
    %dma_wait3A_55 = arith.constant 16 : i32
    %dma_wait3A_56 = tpu.memref_slice %arg7[%dma_wait3A_55] : memref<64xi32, #tpu.memory_space<vmem>> -> memref<16xi32, #tpu.memory_space<vmem>>
    %dma_wait3A_57 = arith.constant 0 : i32
    %dma_wait3A_58 = arith.constant 0 : i32
    %dma_wait3A_59 = tpu.memref_slice %arg2[%dma_wait3A_57, %dma_wait3A_58] : memref<7680x1024xf32, #tpu.memory_space<hbm>> -> memref<7680x1024xf32, #tpu.memory_space<hbm>>
    tpu.wait_indirect_dma semaphore(%arg13 : memref<!tpu.dma_semaphore, #tpu.memory_space<semaphore_mem>>) src(%dma_wait3A_59 : memref<7680x1024xf32, #tpu.memory_space<hbm>>) dst(%arg11 : memref<16x1024xf32, #tpu.memory_space<vmem>>)
    %dma_wait3A_60 = arith.constant 0 : i32
    %dma_wait3A_61 = tpu.memref_slice %arg5[%add3A_45, %dma_wait3A_60] : memref<2048x1024xf32, #tpu.memory_space<hbm>> -> memref<16x1024xf32, #tpu.memory_space<hbm>>
    %dma_wait3A_62 = arith.constant 0 : i32
    %dma_wait3A_63 = tpu.memref_slice %arg5[%add3A_45, %dma_wait3A_62] : memref<2048x1024xf32, #tpu.memory_space<hbm>> -> memref<16x1024xf32, #tpu.memory_space<hbm>>
    tpu.wait_dma2 semaphore(%arg14 : memref<!tpu.dma_semaphore, #tpu.memory_space<semaphore_mem>>) src(%arg8 : memref<16x1024xf32, #tpu.memory_space<vmem>>) dst(%dma_wait3A_63 : memref<16x1024xf32, #tpu.memory_space<hbm>>)
    %dma_start3A_64 = arith.constant 32 : i32
    %dma_start3A_65 = tpu.memref_slice %arg6[%dma_start3A_64] : memref<64xi32, #tpu.memory_space<vmem>> -> memref<16xi32, #tpu.memory_space<vmem>>
    %dma_start3A_66 = arith.constant 0 : i32
    %dma_start3A_67 = arith.constant 0 : i32
    %dma_start3A_68 = tpu.memref_slice %arg2[%dma_start3A_66, %dma_start3A_67] : memref<7680x1024xf32, #tpu.memory_space<hbm>> -> memref<7680x1024xf32, #tpu.memory_space<hbm>>
    tpu.enqueue_indirect_dma source(%dma_start3A_68 : memref<7680x1024xf32, #tpu.memory_space<hbm>>) target(%arg8 : memref<16x1024xf32, #tpu.memory_space<vmem>>) offsets(%dma_start3A_65 : memref<16xi32, #tpu.memory_space<vmem>>) semaphore(%arg12 : memref<!tpu.dma_semaphore, #tpu.memory_space<semaphore_mem>>)
    %dma_start3A_69 = arith.constant 32 : i32
    %dma_start3A_70 = tpu.memref_slice %arg7[%dma_start3A_69] : memref<64xi32, #tpu.memory_space<vmem>> -> memref<16xi32, #tpu.memory_space<vmem>>
    %dma_start3A_71 = arith.constant 0 : i32
    %dma_start3A_72 = arith.constant 0 : i32
    %dma_start3A_73 = tpu.memref_slice %arg2[%dma_start3A_71, %dma_start3A_72] : memref<7680x1024xf32, #tpu.memory_space<hbm>> -> memref<7680x1024xf32, #tpu.memory_space<hbm>>
    tpu.enqueue_indirect_dma source(%dma_start3A_73 : memref<7680x1024xf32, #tpu.memory_space<hbm>>) target(%arg9 : memref<16x1024xf32, #tpu.memory_space<vmem>>) offsets(%dma_start3A_70 : memref<16xi32, #tpu.memory_space<vmem>>) semaphore(%arg12 : memref<!tpu.dma_semaphore, #tpu.memory_space<semaphore_mem>>)
    %scan3A_74 = arith.constant 0 : i32
    %scan3A_75 = arith.constant 0 : i32
    %scan3A_76 = arith.constant 16 : i32
    %scan3A_77 = arith.addi %scan3A_75, %scan3A_76 : i32
    %scan3A_78 = arith.constant 1 : i32
    scf.for %scan3A_152 = %scan3A_75 to %scan3A_77 step %scan3A_78  : i32 {
      %get3A = arith.index_cast %scan3A_152 : i32 to index
      %get3A_153 = arith.constant 0 : index
      %get3A_154 = tpu.vector_load %arg10[%get3A, %get3A_153] {strides = array<i32>} : memref<16x1024xf32, #tpu.memory_space<vmem>>, vector<16xf32>,
      %get3A_155 = arith.index_cast %scan3A_152 : i32 to index
      %get3A_156 = arith.constant 0 : index
      %get3A_157 = tpu.vector_load %arg11[%get3A_155, %get3A_156] {strides = array<i32>} : memref<16x1024xf32, #tpu.memory_space<vmem>>, vector<16xf32>,
      %add3A_158 = arith.addf %get3A_154, %get3A_157 : vector<16xf32>
      %swap3A = arith.index_cast %scan3A_152 : i32 to index
      %swap3A_159 = arith.constant 0 : index
      %swap3A_160 = tpu.vector_load %arg10[%swap3A, %swap3A_159] {strides = array<i32>} : memref<16x1024xf32, #tpu.memory_space<vmem>>, vector<16xf32>,
      tpu.vector_store %arg10[%swap3A, %swap3A_159], %add3A_158 {strides = array<i32>} : memref<16x1024xf32, #tpu.memory_space<vmem>>, vector<16xf32>,
      %get3A_161 = arith.index_cast %scan3A_152 : i32 to index
      %get3A_162 = arith.constant 16 : index
      %get3A_163 = tpu.vector_load %arg10[%get3A_161, %get3A_162] {strides = array<i32>} : memref<16x1024xf32, #tpu.memory_space<vmem>>, vector<16xf32>,
      %get3A_164 = arith.index_cast %scan3A_152 : i32 to index
      %get3A_165 = arith.constant 16 : index
      %get3A_166 = tpu.vector_load %arg11[%get3A_164, %get3A_165] {strides = array<i32>} : memref<16x1024xf32, #tpu.memory_space<vmem>>, vector<16xf32>,
      %add3A_167 = arith.addf %get3A_163, %get3A_166 : vector<16xf32>
      %swap3A_168 = arith.index_cast %scan3A_152 : i32 to index
      %swap3A_169 = arith.constant 16 : index
      %swap3A_170 = tpu.vector_load %arg10[%swap3A_168, %swap3A_169] {strides = array<i32>} : memref<16x1024xf32, #tpu.memory_space<vmem>>, vector<16xf32>,
      tpu.vector_store %arg10[%swap3A_168, %swap3A_169], %add3A_167 {strides = array<i32>} : memref<16x1024xf32, #tpu.memory_space<vmem>>, vector<16xf32>,
      %get3A_171 = arith.index_cast %scan3A_152 : i32 to index
      %get3A_172 = arith.constant 32 : index
      %get3A_173 = tpu.vector_load %arg10[%get3A_171, %get3A_172] {strides = array<i32>} : memref<16x1024xf32, #tpu.memory_space<vmem>>, vector<16xf32>,
      %get3A_174 = arith.index_cast %scan3A_152 : i32 to index
      %get3A_175 = arith.constant 32 : index
      %get3A_176 = tpu.vector_load %arg11[%get3A_174, %get3A_175] {strides = array<i32>} : memref<16x1024xf32, #tpu.memory_space<vmem>>, vector<16xf32>,
      %add3A_177 = arith.addf %get3A_173, %get3A_176 : vector<16xf32>
      %swap3A_178 = arith.index_cast %scan3A_152 : i32 to index
      %swap3A_179 = arith.constant 32 : index
      %swap3A_180 = tpu.vector_load %arg10[%swap3A_178, %swap3A_179] {strides = array<i32>} : memref<16x1024xf32, #tpu.memory_space<vmem>>, vector<16xf32>,
      tpu.vector_store %arg10[%swap3A_178, %swap3A_179], %add3A_177 {strides = array<i32>} : memref<16x1024xf32, #tpu.memory_space<vmem>>, vector<16xf32>,
      %get3A_181 = arith.index_cast %scan3A_152 : i32 to index
      %get3A_182 = arith.constant 48 : index
      %get3A_183 = tpu.vector_load %arg10[%get3A_181, %get3A_182] {strides = array<i32>} : memref<16x1024xf32, #tpu.memory_space<vmem>>, vector<16xf32>,
      %get3A_184 = arith.index_cast %scan3A_152 : i32 to index
      %get3A_185 = arith.constant 48 : index
      %get3A_186 = tpu.vector_load %arg11[%get3A_184, %get3A_185] {strides = array<i32>} : memref<16x1024xf32, #tpu.memory_space<vmem>>, vector<16xf32>,
      %add3A_187 = arith.addf %get3A_183, %get3A_186 : vector<16xf32>
      %swap3A_188 = arith.index_cast %scan3A_152 : i32 to index
      %swap3A_189 = arith.constant 48 : index
      %swap3A_190 = tpu.vector_load %arg10[%swap3A_188, %swap3A_189] {strides = array<i32>} : memref<16x1024xf32, #tpu.memory_space<vmem>>, vector<16xf32>,
      tpu.vector_store %arg10[%swap3A_188, %swap3A_189], %add3A_187 {strides = array<i32>} : memref<16x1024xf32, #tpu.memory_space<vmem>>, vector<16xf32>,
      %get3A_191 = arith.index_cast %scan3A_152 : i32 to index
      %get3A_192 = arith.constant 64 : index
      %get3A_193 = tpu.vector_load %arg10[%get3A_191, %get3A_192] {strides = array<i32>} : memref<16x1024xf32, #tpu.memory_space<vmem>>, vector<16xf32>,
      %get3A_194 = arith.index_cast %scan3A_152 : i32 to index
      %get3A_195 = arith.constant 64 : index
      %get3A_196 = tpu.vector_load %arg11[%get3A_194, %get3A_195] {strides = array<i32>} : memref<16x1024xf32, #tpu.memory_space<vmem>>, vector<16xf32>,
      %add3A_197 = arith.addf %get3A_193, %get3A_196 : vector<16xf32>
      %swap3A_198 = arith.index_cast %scan3A_152 : i32 to index
      %swap3A_199 = arith.constant 64 : index
      %swap3A_200 = tpu.vector_load %arg10[%swap3A_198, %swap3A_199] {strides = array<i32>} : memref<16x1024xf32, #tpu.memory_space<vmem>>, vector<16xf32>,
      tpu.vector_store %arg10[%swap3A_198, %swap3A_199], %add3A_197 {strides = array<i32>} : memref<16x1024xf32, #tpu.memory_space<vmem>>, vector<16xf32>,
      %get3A_201 = arith.index_cast %scan3A_152 : i32 to index
      %get3A_202 = arith.constant 80 : index
      %get3A_203 = tpu.vector_load %arg10[%get3A_201, %get3A_202] {strides = array<i32>} : memref<16x1024xf32, #tpu.memory_space<vmem>>, vector<16xf32>,
      %get3A_204 = arith.index_cast %scan3A_152 : i32 to index
      %get3A_205 = arith.constant 80 : index
      %get3A_206 = tpu.vector_load %arg11[%get3A_204, %get3A_205] {strides = array<i32>} : memref<16x1024xf32, #tpu.memory_space<vmem>>, vector<16xf32>,
      %add3A_207 = arith.addf %get3A_203, %get3A_206 : vector<16xf32>
      %swap3A_208 = arith.index_cast %scan3A_152 : i32 to index
      %swap3A_209 = arith.constant 80 : index
      %swap3A_210 = tpu.vector_load %arg10[%swap3A_208, %swap3A_209] {strides = array<i32>} : memref<16x1024xf32, #tpu.memory_space<vmem>>, vector<16xf32>,
      tpu.vector_store %arg10[%swap3A_208, %swap3A_209], %add3A_207 {strides = array<i32>} : memref<16x1024xf32, #tpu.memory_space<vmem>>, vector<16xf32>,
      %get3A_211 = arith.index_cast %scan3A_152 : i32 to index
      %get3A_212 = arith.constant 96 : index
      %get3A_213 = tpu.vector_load %arg10[%get3A_211, %get3A_212] {strides = array<i32>} : memref<16x1024xf32, #tpu.memory_space<vmem>>, vector<16xf32>,
      %get3A_214 = arith.index_cast %scan3A_152 : i32 to index
      %get3A_215 = arith.constant 96 : index
      %get3A_216 = tpu.vector_load %arg11[%get3A_214, %get3A_215] {strides = array<i32>} : memref<16x1024xf32, #tpu.memory_space<vmem>>, vector<16xf32>,
      %add3A_217 = arith.addf %get3A_213, %get3A_216 : vector<16xf32>
      %swap3A_218 = arith.index_cast %scan3A_152 : i32 to index
      %swap3A_219 = arith.constant 96 : index
      %swap3A_220 = tpu.vector_load %arg10[%swap3A_218, %swap3A_219] {strides = array<i32>} : memref<16x1024xf32, #tpu.memory_space<vmem>>, vector<16xf32>,
      tpu.vector_store %arg10[%swap3A_218, %swap3A_219], %add3A_217 {strides = array<i32>} : memref<16x1024xf32, #tpu.memory_space<vmem>>, vector<16xf32>,
      %get3A_221 = arith.index_cast %scan3A_152 : i32 to index
      %get3A_222 = arith.constant 112 : index
      %get3A_223 = tpu.vector_load %arg10[%get3A_221, %get3A_222] {strides = array<i32>} : memref<16x1024xf32, #tpu.memory_space<vmem>>, vector<16xf32>,
      %get3A_224 = arith.index_cast %scan3A_152 : i32 to index
      %get3A_225 = arith.constant 112 : index
      %get3A_226 = tpu.vector_load %arg11[%get3A_224, %get3A_225] {strides = array<i32>} : memref<16x1024xf32, #tpu.memory_space<vmem>>, vector<16xf32>,
      %add3A_227 = arith.addf %get3A_223, %get3A_226 : vector<16xf32>
      %swap3A_228 = arith.index_cast %scan3A_152 : i32 to index
      %swap3A_229 = arith.constant 112 : index
      %swap3A_230 = tpu.vector_load %arg10[%swap3A_228, %swap3A_229] {strides = array<i32>} : memref<16x1024xf32, #tpu.memory_space<vmem>>, vector<16xf32>,
      tpu.vector_store %arg10[%swap3A_228, %swap3A_229], %add3A_227 {strides = array<i32>} : memref<16x1024xf32, #tpu.memory_space<vmem>>, vector<16xf32>,
      %get3A_231 = arith.index_cast %scan3A_152 : i32 to index
      %get3A_232 = arith.constant 128 : index
      %get3A_233 = tpu.vector_load %arg10[%get3A_231, %get3A_232] {strides = array<i32>} : memref<16x1024xf32, #tpu.memory_space<vmem>>, vector<16xf32>,
      %get3A_234 = arith.index_cast %scan3A_152 : i32 to index
      %get3A_235 = arith.constant 128 : index
      %get3A_236 = tpu.vector_load %arg11[%get3A_234, %get3A_235] {strides = array<i32>} : memref<16x1024xf32, #tpu.memory_space<vmem>>, vector<16xf32>,
      %add3A_237 = arith.addf %get3A_233, %get3A_236 : vector<16xf32>
      %swap3A_238 = arith.index_cast %scan3A_152 : i32 to index
      %swap3A_239 = arith.constant 128 : index
      %swap3A_240 = tpu.vector_load %arg10[%swap3A_238, %swap3A_239] {strides = array<i32>} : memref<16x1024xf32, #tpu.memory_space<vmem>>, vector<16xf32>,
      tpu.vector_store %arg10[%swap3A_238, %swap3A_239], %add3A_237 {strides = array<i32>} : memref<16x1024xf32, #tpu.memory_space<vmem>>, vector<16xf32>,
      %get3A_241 = arith.index_cast %scan3A_152 : i32 to index
      %get3A_242 = arith.constant 144 : index
      %get3A_243 = tpu.vector_load %arg10[%get3A_241, %get3A_242] {strides = array<i32>} : memref<16x1024xf32, #tpu.memory_space<vmem>>, vector<16xf32>,
      %get3A_244 = arith.index_cast %scan3A_152 : i32 to index
      %get3A_245 = arith.constant 144 : index
      %get3A_246 = tpu.vector_load %arg11[%get3A_244, %get3A_245] {strides = array<i32>} : memref<16x1024xf32, #tpu.memory_space<vmem>>, vector<16xf32>,
      %add3A_247 = arith.addf %get3A_243, %get3A_246 : vector<16xf32>
      %swap3A_248 = arith.index_cast %scan3A_152 : i32 to index
      %swap3A_249 = arith.constant 144 : index
      %swap3A_250 = tpu.vector_load %arg10[%swap3A_248, %swap3A_249] {strides = array<i32>} : memref<16x1024xf32, #tpu.memory_space<vmem>>, vector<16xf32>,
      tpu.vector_store %arg10[%swap3A_248, %swap3A_249], %add3A_247 {strides = array<i32>} : memref<16x1024xf32, #tpu.memory_space<vmem>>, vector<16xf32>,
      %get3A_251 = arith.index_cast %scan3A_152 : i32 to index
      %get3A_252 = arith.constant 160 : index
      %get3A_253 = tpu.vector_load %arg10[%get3A_251, %get3A_252] {strides = array<i32>} : memref<16x1024xf32, #tpu.memory_space<vmem>>, vector<16xf32>,
      %get3A_254 = arith.index_cast %scan3A_152 : i32 to index
      %get3A_255 = arith.constant 160 : index
      %get3A_256 = tpu.vector_load %arg11[%get3A_254, %get3A_255] {strides = array<i32>} : memref<16x1024xf32, #tpu.memory_space<vmem>>, vector<16xf32>,
      %add3A_257 = arith.addf %get3A_253, %get3A_256 : vector<16xf32>
      %swap3A_258 = arith.index_cast %scan3A_152 : i32 to index
      %swap3A_259 = arith.constant 160 : index
      %swap3A_260 = tpu.vector_load %arg10[%swap3A_258, %swap3A_259] {strides = array<i32>} : memref<16x1024xf32, #tpu.memory_space<vmem>>, vector<16xf32>,
      tpu.vector_store %arg10[%swap3A_258, %swap3A_259], %add3A_257 {strides = array<i32>} : memref<16x1024xf32, #tpu.memory_space<vmem>>, vector<16xf32>,
      %get3A_261 = arith.index_cast %scan3A_152 : i32 to index
      %get3A_262 = arith.constant 176 : index
      %get3A_263 = tpu.vector_load %arg10[%get3A_261, %get3A_262] {strides = array<i32>} : memref<16x1024xf32, #tpu.memory_space<vmem>>, vector<16xf32>,
      %get3A_264 = arith.index_cast %scan3A_152 : i32 to index
      %get3A_265 = arith.constant 176 : index
      %get3A_266 = tpu.vector_load %arg11[%get3A_264, %get3A_265] {strides = array<i32>} : memref<16x1024xf32, #tpu.memory_space<vmem>>, vector<16xf32>,
      %add3A_267 = arith.addf %get3A_263, %get3A_266 : vector<16xf32>
      %swap3A_268 = arith.index_cast %scan3A_152 : i32 to index
      %swap3A_269 = arith.constant 176 : index
      %swap3A_270 = tpu.vector_load %arg10[%swap3A_268, %swap3A_269] {strides = array<i32>} : memref<16x1024xf32, #tpu.memory_space<vmem>>, vector<16xf32>,
      tpu.vector_store %arg10[%swap3A_268, %swap3A_269], %add3A_267 {strides = array<i32>} : memref<16x1024xf32, #tpu.memory_space<vmem>>, vector<16xf32>,
      %get3A_271 = arith.index_cast %scan3A_152 : i32 to index
      %get3A_272 = arith.constant 192 : index
      %get3A_273 = tpu.vector_load %arg10[%get3A_271, %get3A_272] {strides = array<i32>} : memref<16x1024xf32, #tpu.memory_space<vmem>>, vector<16xf32>,
      %get3A_274 = arith.index_cast %scan3A_152 : i32 to index
      %get3A_275 = arith.constant 192 : index
      %get3A_276 = tpu.vector_load %arg11[%get3A_274, %get3A_275] {strides = array<i32>} : memref<16x1024xf32, #tpu.memory_space<vmem>>, vector<16xf32>,
      %add3A_277 = arith.addf %get3A_273, %get3A_276 : vector<16xf32>
      %swap3A_278 = arith.index_cast %scan3A_152 : i32 to index
      %swap3A_279 = arith.constant 192 : index
      %swap3A_280 = tpu.vector_load %arg10[%swap3A_278, %swap3A_279] {strides = array<i32>} : memref<16x1024xf32, #tpu.memory_space<vmem>>, vector<16xf32>,
      tpu.vector_store %arg10[%swap3A_278, %swap3A_279], %add3A_277 {strides = array<i32>} : memref<16x1024xf32, #tpu.memory_space<vmem>>, vector<16xf32>,
      %get3A_281 = arith.index_cast %scan3A_152 : i32 to index
      %get3A_282 = arith.constant 208 : index
      %get3A_283 = tpu.vector_load %arg10[%get3A_281, %get3A_282] {strides = array<i32>} : memref<16x1024xf32, #tpu.memory_space<vmem>>, vector<16xf32>,
      %get3A_284 = arith.index_cast %scan3A_152 : i32 to index
      %get3A_285 = arith.constant 208 : index
      %get3A_286 = tpu.vector_load %arg11[%get3A_284, %get3A_285] {strides = array<i32>} : memref<16x1024xf32, #tpu.memory_space<vmem>>, vector<16xf32>,
      %add3A_287 = arith.addf %get3A_283, %get3A_286 : vector<16xf32>
      %swap3A_288 = arith.index_cast %scan3A_152 : i32 to index
      %swap3A_289 = arith.constant 208 : index
      %swap3A_290 = tpu.vector_load %arg10[%swap3A_288, %swap3A_289] {strides = array<i32>} : memref<16x1024xf32, #tpu.memory_space<vmem>>, vector<16xf32>,
      tpu.vector_store %arg10[%swap3A_288, %swap3A_289], %add3A_287 {strides = array<i32>} : memref<16x1024xf32, #tpu.memory_space<vmem>>, vector<16xf32>,
      %get3A_291 = arith.index_cast %scan3A_152 : i32 to index
      %get3A_292 = arith.constant 224 : index
      %get3A_293 = tpu.vector_load %arg10[%get3A_291, %get3A_292] {strides = array<i32>} : memref<16x1024xf32, #tpu.memory_space<vmem>>, vector<16xf32>,
      %get3A_294 = arith.index_cast %scan3A_152 : i32 to index
      %get3A_295 = arith.constant 224 : index
      %get3A_296 = tpu.vector_load %arg11[%get3A_294, %get3A_295] {strides = array<i32>} : memref<16x1024xf32, #tpu.memory_space<vmem>>, vector<16xf32>,
      %add3A_297 = arith.addf %get3A_293, %get3A_296 : vector<16xf32>
      %swap3A_298 = arith.index_cast %scan3A_152 : i32 to index
      %swap3A_299 = arith.constant 224 : index
      %swap3A_300 = tpu.vector_load %arg10[%swap3A_298, %swap3A_299] {strides = array<i32>} : memref<16x1024xf32, #tpu.memory_space<vmem>>, vector<16xf32>,
      tpu.vector_store %arg10[%swap3A_298, %swap3A_299], %add3A_297 {strides = array<i32>} : memref<16x1024xf32, #tpu.memory_space<vmem>>, vector<16xf32>,
      %get3A_301 = arith.index_cast %scan3A_152 : i32 to index
      %get3A_302 = arith.constant 240 : index
      %get3A_303 = tpu.vector_load %arg10[%get3A_301, %get3A_302] {strides = array<i32>} : memref<16x1024xf32, #tpu.memory_space<vmem>>, vector<16xf32>,
      %get3A_304 = arith.index_cast %scan3A_152 : i32 to index
      %get3A_305 = arith.constant 240 : index
      %get3A_306 = tpu.vector_load %arg11[%get3A_304, %get3A_305] {strides = array<i32>} : memref<16x1024xf32, #tpu.memory_space<vmem>>, vector<16xf32>,
      %add3A_307 = arith.addf %get3A_303, %get3A_306 : vector<16xf32>
      %swap3A_308 = arith.index_cast %scan3A_152 : i32 to index
      %swap3A_309 = arith.constant 240 : index
      %swap3A_310 = tpu.vector_load %arg10[%swap3A_308, %swap3A_309] {strides = array<i32>} : memref<16x1024xf32, #tpu.memory_space<vmem>>, vector<16xf32>,
      tpu.vector_store %arg10[%swap3A_308, %swap3A_309], %add3A_307 {strides = array<i32>} : memref<16x1024xf32, #tpu.memory_space<vmem>>, vector<16xf32>,
      %get3A_311 = arith.index_cast %scan3A_152 : i32 to index
      %get3A_312 = arith.constant 256 : index
      %get3A_313 = tpu.vector_load %arg10[%get3A_311, %get3A_312] {strides = array<i32>} : memref<16x1024xf32, #tpu.memory_space<vmem>>, vector<16xf32>,
      %get3A_314 = arith.index_cast %scan3A_152 : i32 to index
      %get3A_315 = arith.constant 256 : index
      %get3A_316 = tpu.vector_load %arg11[%get3A_314, %get3A_315] {strides = array<i32>} : memref<16x1024xf32, #tpu.memory_space<vmem>>, vector<16xf32>,
      %add3A_317 = arith.addf %get3A_313, %get3A_316 : vector<16xf32>
      %swap3A_318 = arith.index_cast %scan3A_152 : i32 to index
      %swap3A_319 = arith.constant 256 : index
      %swap3A_320 = tpu.vector_load %arg10[%swap3A_318, %swap3A_319] {strides = array<i32>} : memref<16x1024xf32, #tpu.memory_space<vmem>>, vector<16xf32>,
      tpu.vector_store %arg10[%swap3A_318, %swap3A_319], %add3A_317 {strides = array<i32>} : memref<16x1024xf32, #tpu.memory_space<vmem>>, vector<16xf32>,
      %get3A_321 = arith.index_cast %scan3A_152 : i32 to index
      %get3A_322 = arith.constant 272 : index
      %get3A_323 = tpu.vector_load %arg10[%get3A_321, %get3A_322] {strides = array<i32>} : memref<16x1024xf32, #tpu.memory_space<vmem>>, vector<16xf32>,
      %get3A_324 = arith.index_cast %scan3A_152 : i32 to index
      %get3A_325 = arith.constant 272 : index
      %get3A_326 = tpu.vector_load %arg11[%get3A_324, %get3A_325] {strides = array<i32>} : memref<16x1024xf32, #tpu.memory_space<vmem>>, vector<16xf32>,
      %add3A_327 = arith.addf %get3A_323, %get3A_326 : vector<16xf32>
      %swap3A_328 = arith.index_cast %scan3A_152 : i32 to index
      %swap3A_329 = arith.constant 272 : index
      %swap3A_330 = tpu.vector_load %arg10[%swap3A_328, %swap3A_329] {strides = array<i32>} : memref<16x1024xf32, #tpu.memory_space<vmem>>, vector<16xf32>,
      tpu.vector_store %arg10[%swap3A_328, %swap3A_329], %add3A_327 {strides = array<i32>} : memref<16x1024xf32, #tpu.memory_space<vmem>>, vector<16xf32>,
      %get3A_331 = arith.index_cast %scan3A_152 : i32 to index
      %get3A_332 = arith.constant 288 : index
      %get3A_333 = tpu.vector_load %arg10[%get3A_331, %get3A_332] {strides = array<i32>} : memref<16x1024xf32, #tpu.memory_space<vmem>>, vector<16xf32>,
      %get3A_334 = arith.index_cast %scan3A_152 : i32 to index
      %get3A_335 = arith.constant 288 : index
      %get3A_336 = tpu.vector_load %arg11[%get3A_334, %get3A_335] {strides = array<i32>} : memref<16x1024xf32, #tpu.memory_space<vmem>>, vector<16xf32>,
      %add3A_337 = arith.addf %get3A_333, %get3A_336 : vector<16xf32>
      %swap3A_338 = arith.index_cast %scan3A_152 : i32 to index
      %swap3A_339 = arith.constant 288 : index
      %swap3A_340 = tpu.vector_load %arg10[%swap3A_338, %swap3A_339] {strides = array<i32>} : memref<16x1024xf32, #tpu.memory_space<vmem>>, vector<16xf32>,
      tpu.vector_store %arg10[%swap3A_338, %swap3A_339], %add3A_337 {strides = array<i32>} : memref<16x1024xf32, #tpu.memory_space<vmem>>, vector<16xf32>,
      %get3A_341 = arith.index_cast %scan3A_152 : i32 to index
      %get3A_342 = arith.constant 304 : index
      %get3A_343 = tpu.vector_load %arg10[%get3A_341, %get3A_342] {strides = array<i32>} : memref<16x1024xf32, #tpu.memory_space<vmem>>, vector<16xf32>,
      %get3A_344 = arith.index_cast %scan3A_152 : i32 to index
      %get3A_345 = arith.constant 304 : index
      %get3A_346 = tpu.vector_load %arg11[%get3A_344, %get3A_345] {strides = array<i32>} : memref<16x1024xf32, #tpu.memory_space<vmem>>, vector<16xf32>,
      %add3A_347 = arith.addf %get3A_343, %get3A_346 : vector<16xf32>
      %swap3A_348 = arith.index_cast %scan3A_152 : i32 to index
      %swap3A_349 = arith.constant 304 : index
      %swap3A_350 = tpu.vector_load %arg10[%swap3A_348, %swap3A_349] {strides = array<i32>} : memref<16x1024xf32, #tpu.memory_space<vmem>>, vector<16xf32>,
      tpu.vector_store %arg10[%swap3A_348, %swap3A_349], %add3A_347 {strides = array<i32>} : memref<16x1024xf32, #tpu.memory_space<vmem>>, vector<16xf32>,
      %get3A_351 = arith.index_cast %scan3A_152 : i32 to index
      %get3A_352 = arith.constant 320 : index
      %get3A_353 = tpu.vector_load %arg10[%get3A_351, %get3A_352] {strides = array<i32>} : memref<16x1024xf32, #tpu.memory_space<vmem>>, vector<16xf32>,
      %get3A_354 = arith.index_cast %scan3A_152 : i32 to index
      %get3A_355 = arith.constant 320 : index
      %get3A_356 = tpu.vector_load %arg11[%get3A_354, %get3A_355] {strides = array<i32>} : memref<16x1024xf32, #tpu.memory_space<vmem>>, vector<16xf32>,
      %add3A_357 = arith.addf %get3A_353, %get3A_356 : vector<16xf32>
      %swap3A_358 = arith.index_cast %scan3A_152 : i32 to index
      %swap3A_359 = arith.constant 320 : index
      %swap3A_360 = tpu.vector_load %arg10[%swap3A_358, %swap3A_359] {strides = array<i32>} : memref<16x1024xf32, #tpu.memory_space<vmem>>, vector<16xf32>,
      tpu.vector_store %arg10[%swap3A_358, %swap3A_359], %add3A_357 {strides = array<i32>} : memref<16x1024xf32, #tpu.memory_space<vmem>>, vector<16xf32>,
      %get3A_361 = arith.index_cast %scan3A_152 : i32 to index
      %get3A_362 = arith.constant 336 : index
      %get3A_363 = tpu.vector_load %arg10[%get3A_361, %get3A_362] {strides = array<i32>} : memref<16x1024xf32, #tpu.memory_space<vmem>>, vector<16xf32>,
      %get3A_364 = arith.index_cast %scan3A_152 : i32 to index
      %get3A_365 = arith.constant 336 : index
      %get3A_366 = tpu.vector_load %arg11[%get3A_364, %get3A_365] {strides = array<i32>} : memref<16x1024xf32, #tpu.memory_space<vmem>>, vector<16xf32>,
      %add3A_367 = arith.addf %get3A_363, %get3A_366 : vector<16xf32>
      %swap3A_368 = arith.index_cast %scan3A_152 : i32 to index
      %swap3A_369 = arith.constant 336 : index
      %swap3A_370 = tpu.vector_load %arg10[%swap3A_368, %swap3A_369] {strides = array<i32>} : memref<16x1024xf32, #tpu.memory_space<vmem>>, vector<16xf32>,
      tpu.vector_store %arg10[%swap3A_368, %swap3A_369], %add3A_367 {strides = array<i32>} : memref<16x1024xf32, #tpu.memory_space<vmem>>, vector<16xf32>,
      %get3A_371 = arith.index_cast %scan3A_152 : i32 to index
      %get3A_372 = arith.constant 352 : index
      %get3A_373 = tpu.vector_load %arg10[%get3A_371, %get3A_372] {strides = array<i32>} : memref<16x1024xf32, #tpu.memory_space<vmem>>, vector<16xf32>,
      %get3A_374 = arith.index_cast %scan3A_152 : i32 to index
      %get3A_375 = arith.constant 352 : index
      %get3A_376 = tpu.vector_load %arg11[%get3A_374, %get3A_375] {strides = array<i32>} : memref<16x1024xf32, #tpu.memory_space<vmem>>, vector<16xf32>,
      %add3A_377 = arith.addf %get3A_373, %get3A_376 : vector<16xf32>
      %swap3A_378 = arith.index_cast %scan3A_152 : i32 to index
      %swap3A_379 = arith.constant 352 : index
      %swap3A_380 = tpu.vector_load %arg10[%swap3A_378, %swap3A_379] {strides = array<i32>} : memref<16x1024xf32, #tpu.memory_space<vmem>>, vector<16xf32>,
      tpu.vector_store %arg10[%swap3A_378, %swap3A_379], %add3A_377 {strides = array<i32>} : memref<16x1024xf32, #tpu.memory_space<vmem>>, vector<16xf32>,
      %get3A_381 = arith.index_cast %scan3A_152 : i32 to index
      %get3A_382 = arith.constant 368 : index
      %get3A_383 = tpu.vector_load %arg10[%get3A_381, %get3A_382] {strides = array<i32>} : memref<16x1024xf32, #tpu.memory_space<vmem>>, vector<16xf32>,
      %get3A_384 = arith.index_cast %scan3A_152 : i32 to index
      %get3A_385 = arith.constant 368 : index
      %get3A_386 = tpu.vector_load %arg11[%get3A_384, %get3A_385] {strides = array<i32>} : memref<16x1024xf32, #tpu.memory_space<vmem>>, vector<16xf32>,
      %add3A_387 = arith.addf %get3A_383, %get3A_386 : vector<16xf32>
      %swap3A_388 = arith.index_cast %scan3A_152 : i32 to index
      %swap3A_389 = arith.constant 368 : index
      %swap3A_390 = tpu.vector_load %arg10[%swap3A_388, %swap3A_389] {strides = array<i32>} : memref<16x1024xf32, #tpu.memory_space<vmem>>, vector<16xf32>,
      tpu.vector_store %arg10[%swap3A_388, %swap3A_389], %add3A_387 {strides = array<i32>} : memref<16x1024xf32, #tpu.memory_space<vmem>>, vector<16xf32>,
      %get3A_391 = arith.index_cast %scan3A_152 : i32 to index
      %get3A_392 = arith.constant 384 : index
      %get3A_393 = tpu.vector_load %arg10[%get3A_391, %get3A_392] {strides = array<i32>} : memref<16x1024xf32, #tpu.memory_space<vmem>>, vector<16xf32>,
      %get3A_394 = arith.index_cast %scan3A_152 : i32 to index
      %get3A_395 = arith.constant 384 : index
      %get3A_396 = tpu.vector_load %arg11[%get3A_394, %get3A_395] {strides = array<i32>} : memref<16x1024xf32, #tpu.memory_space<vmem>>, vector<16xf32>,
      %add3A_397 = arith.addf %get3A_393, %get3A_396 : vector<16xf32>
      %swap3A_398 = arith.index_cast %scan3A_152 : i32 to index
      %swap3A_399 = arith.constant 384 : index
      %swap3A_400 = tpu.vector_load %arg10[%swap3A_398, %swap3A_399] {strides = array<i32>} : memref<16x1024xf32, #tpu.memory_space<vmem>>, vector<16xf32>,
      tpu.vector_store %arg10[%swap3A_398, %swap3A_399], %add3A_397 {strides = array<i32>} : memref<16x1024xf32, #tpu.memory_space<vmem>>, vector<16xf32>,
      %get3A_401 = arith.index_cast %scan3A_152 : i32 to index
      %get3A_402 = arith.constant 400 : index
      %get3A_403 = tpu.vector_load %arg10[%get3A_401, %get3A_402] {strides = array<i32>} : memref<16x1024xf32, #tpu.memory_space<vmem>>, vector<16xf32>,
      %get3A_404 = arith.index_cast %scan3A_152 : i32 to index
      %get3A_405 = arith.constant 400 : index
      %get3A_406 = tpu.vector_load %arg11[%get3A_404, %get3A_405] {strides = array<i32>} : memref<16x1024xf32, #tpu.memory_space<vmem>>, vector<16xf32>,
      %add3A_407 = arith.addf %get3A_403, %get3A_406 : vector<16xf32>
      %swap3A_408 = arith.index_cast %scan3A_152 : i32 to index
      %swap3A_409 = arith.constant 400 : index
      %swap3A_410 = tpu.vector_load %arg10[%swap3A_408, %swap3A_409] {strides = array<i32>} : memref<16x1024xf32, #tpu.memory_space<vmem>>, vector<16xf32>,
      tpu.vector_store %arg10[%swap3A_408, %swap3A_409], %add3A_407 {strides = array<i32>} : memref<16x1024xf32, #tpu.memory_space<vmem>>, vector<16xf32>,
      %get3A_411 = arith.index_cast %scan3A_152 : i32 to index
      %get3A_412 = arith.constant 416 : index
      %get3A_413 = tpu.vector_load %arg10[%get3A_411, %get3A_412] {strides = array<i32>} : memref<16x1024xf32, #tpu.memory_space<vmem>>, vector<16xf32>,
      %get3A_414 = arith.index_cast %scan3A_152 : i32 to index
      %get3A_415 = arith.constant 416 : index
      %get3A_416 = tpu.vector_load %arg11[%get3A_414, %get3A_415] {strides = array<i32>} : memref<16x1024xf32, #tpu.memory_space<vmem>>, vector<16xf32>,
      %add3A_417 = arith.addf %get3A_413, %get3A_416 : vector<16xf32>
      %swap3A_418 = arith.index_cast %scan3A_152 : i32 to index
      %swap3A_419 = arith.constant 416 : index
      %swap3A_420 = tpu.vector_load %arg10[%swap3A_418, %swap3A_419] {strides = array<i32>} : memref<16x1024xf32, #tpu.memory_space<vmem>>, vector<16xf32>,
      tpu.vector_store %arg10[%swap3A_418, %swap3A_419], %add3A_417 {strides = array<i32>} : memref<16x1024xf32, #tpu.memory_space<vmem>>, vector<16xf32>,
      %get3A_421 = arith.index_cast %scan3A_152 : i32 to index
      %get3A_422 = arith.constant 432 : index
      %get3A_423 = tpu.vector_load %arg10[%get3A_421, %get3A_422] {strides = array<i32>} : memref<16x1024xf32, #tpu.memory_space<vmem>>, vector<16xf32>,
      %get3A_424 = arith.index_cast %scan3A_152 : i32 to index
      %get3A_425 = arith.constant 432 : index
      %get3A_426 = tpu.vector_load %arg11[%get3A_424, %get3A_425] {strides = array<i32>} : memref<16x1024xf32, #tpu.memory_space<vmem>>, vector<16xf32>,
      %add3A_427 = arith.addf %get3A_423, %get3A_426 : vector<16xf32>
      %swap3A_428 = arith.index_cast %scan3A_152 : i32 to index
      %swap3A_429 = arith.constant 432 : index
      %swap3A_430 = tpu.vector_load %arg10[%swap3A_428, %swap3A_429] {strides = array<i32>} : memref<16x1024xf32, #tpu.memory_space<vmem>>, vector<16xf32>,
      tpu.vector_store %arg10[%swap3A_428, %swap3A_429], %add3A_427 {strides = array<i32>} : memref<16x1024xf32, #tpu.memory_space<vmem>>, vector<16xf32>,
      %get3A_431 = arith.index_cast %scan3A_152 : i32 to index
      %get3A_432 = arith.constant 448 : index
      %get3A_433 = tpu.vector_load %arg10[%get3A_431, %get3A_432] {strides = array<i32>} : memref<16x1024xf32, #tpu.memory_space<vmem>>, vector<16xf32>,
      %get3A_434 = arith.index_cast %scan3A_152 : i32 to index
      %get3A_435 = arith.constant 448 : index
      %get3A_436 = tpu.vector_load %arg11[%get3A_434, %get3A_435] {strides = array<i32>} : memref<16x1024xf32, #tpu.memory_space<vmem>>, vector<16xf32>,
      %add3A_437 = arith.addf %get3A_433, %get3A_436 : vector<16xf32>
      %swap3A_438 = arith.index_cast %scan3A_152 : i32 to index
      %swap3A_439 = arith.constant 448 : index
      %swap3A_440 = tpu.vector_load %arg10[%swap3A_438, %swap3A_439] {strides = array<i32>} : memref<16x1024xf32, #tpu.memory_space<vmem>>, vector<16xf32>,
      tpu.vector_store %arg10[%swap3A_438, %swap3A_439], %add3A_437 {strides = array<i32>} : memref<16x1024xf32, #tpu.memory_space<vmem>>, vector<16xf32>,
      %get3A_441 = arith.index_cast %scan3A_152 : i32 to index
      %get3A_442 = arith.constant 464 : index
      %get3A_443 = tpu.vector_load %arg10[%get3A_441, %get3A_442] {strides = array<i32>} : memref<16x1024xf32, #tpu.memory_space<vmem>>, vector<16xf32>,
      %get3A_444 = arith.index_cast %scan3A_152 : i32 to index
      %get3A_445 = arith.constant 464 : index
      %get3A_446 = tpu.vector_load %arg11[%get3A_444, %get3A_445] {strides = array<i32>} : memref<16x1024xf32, #tpu.memory_space<vmem>>, vector<16xf32>,
      %add3A_447 = arith.addf %get3A_443, %get3A_446 : vector<16xf32>
      %swap3A_448 = arith.index_cast %scan3A_152 : i32 to index
      %swap3A_449 = arith.constant 464 : index
      %swap3A_450 = tpu.vector_load %arg10[%swap3A_448, %swap3A_449] {strides = array<i32>} : memref<16x1024xf32, #tpu.memory_space<vmem>>, vector<16xf32>,
      tpu.vector_store %arg10[%swap3A_448, %swap3A_449], %add3A_447 {strides = array<i32>} : memref<16x1024xf32, #tpu.memory_space<vmem>>, vector<16xf32>,
      %get3A_451 = arith.index_cast %scan3A_152 : i32 to index
      %get3A_452 = arith.constant 480 : index
      %get3A_453 = tpu.vector_load %arg10[%get3A_451, %get3A_452] {strides = array<i32>} : memref<16x1024xf32, #tpu.memory_space<vmem>>, vector<16xf32>,
      %get3A_454 = arith.index_cast %scan3A_152 : i32 to index
      %get3A_455 = arith.constant 480 : index
      %get3A_456 = tpu.vector_load %arg11[%get3A_454, %get3A_455] {strides = array<i32>} : memref<16x1024xf32, #tpu.memory_space<vmem>>, vector<16xf32>,
      %add3A_457 = arith.addf %get3A_453, %get3A_456 : vector<16xf32>
      %swap3A_458 = arith.index_cast %scan3A_152 : i32 to index
      %swap3A_459 = arith.constant 480 : index
      %swap3A_460 = tpu.vector_load %arg10[%swap3A_458, %swap3A_459] {strides = array<i32>} : memref<16x1024xf32, #tpu.memory_space<vmem>>, vector<16xf32>,
      tpu.vector_store %arg10[%swap3A_458, %swap3A_459], %add3A_457 {strides = array<i32>} : memref<16x1024xf32, #tpu.memory_space<vmem>>, vector<16xf32>,
      %get3A_461 = arith.index_cast %scan3A_152 : i32 to index
      %get3A_462 = arith.constant 496 : index
      %get3A_463 = tpu.vector_load %arg10[%get3A_461, %get3A_462] {strides = array<i32>} : memref<16x1024xf32, #tpu.memory_space<vmem>>, vector<16xf32>,
      %get3A_464 = arith.index_cast %scan3A_152 : i32 to index
      %get3A_465 = arith.constant 496 : index
      %get3A_466 = tpu.vector_load %arg11[%get3A_464, %get3A_465] {strides = array<i32>} : memref<16x1024xf32, #tpu.memory_space<vmem>>, vector<16xf32>,
      %add3A_467 = arith.addf %get3A_463, %get3A_466 : vector<16xf32>
      %swap3A_468 = arith.index_cast %scan3A_152 : i32 to index
      %swap3A_469 = arith.constant 496 : index
      %swap3A_470 = tpu.vector_load %arg10[%swap3A_468, %swap3A_469] {strides = array<i32>} : memref<16x1024xf32, #tpu.memory_space<vmem>>, vector<16xf32>,
      tpu.vector_store %arg10[%swap3A_468, %swap3A_469], %add3A_467 {strides = array<i32>} : memref<16x1024xf32, #tpu.memory_space<vmem>>, vector<16xf32>,
      %get3A_471 = arith.index_cast %scan3A_152 : i32 to index
      %get3A_472 = arith.constant 512 : index
      %get3A_473 = tpu.vector_load %arg10[%get3A_471, %get3A_472] {strides = array<i32>} : memref<16x1024xf32, #tpu.memory_space<vmem>>, vector<16xf32>,
      %get3A_474 = arith.index_cast %scan3A_152 : i32 to index
      %get3A_475 = arith.constant 512 : index
      %get3A_476 = tpu.vector_load %arg11[%get3A_474, %get3A_475] {strides = array<i32>} : memref<16x1024xf32, #tpu.memory_space<vmem>>, vector<16xf32>,
      %add3A_477 = arith.addf %get3A_473, %get3A_476 : vector<16xf32>
      %swap3A_478 = arith.index_cast %scan3A_152 : i32 to index
      %swap3A_479 = arith.constant 512 : index
      %swap3A_480 = tpu.vector_load %arg10[%swap3A_478, %swap3A_479] {strides = array<i32>} : memref<16x1024xf32, #tpu.memory_space<vmem>>, vector<16xf32>,
      tpu.vector_store %arg10[%swap3A_478, %swap3A_479], %add3A_477 {strides = array<i32>} : memref<16x1024xf32, #tpu.memory_space<vmem>>, vector<16xf32>,
      %get3A_481 = arith.index_cast %scan3A_152 : i32 to index
      %get3A_482 = arith.constant 528 : index
      %get3A_483 = tpu.vector_load %arg10[%get3A_481, %get3A_482] {strides = array<i32>} : memref<16x1024xf32, #tpu.memory_space<vmem>>, vector<16xf32>,
      %get3A_484 = arith.index_cast %scan3A_152 : i32 to index
      %get3A_485 = arith.constant 528 : index
      %get3A_486 = tpu.vector_load %arg11[%get3A_484, %get3A_485] {strides = array<i32>} : memref<16x1024xf32, #tpu.memory_space<vmem>>, vector<16xf32>,
      %add3A_487 = arith.addf %get3A_483, %get3A_486 : vector<16xf32>
      %swap3A_488 = arith.index_cast %scan3A_152 : i32 to index
      %swap3A_489 = arith.constant 528 : index
      %swap3A_490 = tpu.vector_load %arg10[%swap3A_488, %swap3A_489] {strides = array<i32>} : memref<16x1024xf32, #tpu.memory_space<vmem>>, vector<16xf32>,
      tpu.vector_store %arg10[%swap3A_488, %swap3A_489], %add3A_487 {strides = array<i32>} : memref<16x1024xf32, #tpu.memory_space<vmem>>, vector<16xf32>,
      %get3A_491 = arith.index_cast %scan3A_152 : i32 to index
      %get3A_492 = arith.constant 544 : index
      %get3A_493 = tpu.vector_load %arg10[%get3A_491, %get3A_492] {strides = array<i32>} : memref<16x1024xf32, #tpu.memory_space<vmem>>, vector<16xf32>,
      %get3A_494 = arith.index_cast %scan3A_152 : i32 to index
      %get3A_495 = arith.constant 544 : index
      %get3A_496 = tpu.vector_load %arg11[%get3A_494, %get3A_495] {strides = array<i32>} : memref<16x1024xf32, #tpu.memory_space<vmem>>, vector<16xf32>,
      %add3A_497 = arith.addf %get3A_493, %get3A_496 : vector<16xf32>
      %swap3A_498 = arith.index_cast %scan3A_152 : i32 to index
      %swap3A_499 = arith.constant 544 : index
      %swap3A_500 = tpu.vector_load %arg10[%swap3A_498, %swap3A_499] {strides = array<i32>} : memref<16x1024xf32, #tpu.memory_space<vmem>>, vector<16xf32>,
      tpu.vector_store %arg10[%swap3A_498, %swap3A_499], %add3A_497 {strides = array<i32>} : memref<16x1024xf32, #tpu.memory_space<vmem>>, vector<16xf32>,
      %get3A_501 = arith.index_cast %scan3A_152 : i32 to index
      %get3A_502 = arith.constant 560 : index
      %get3A_503 = tpu.vector_load %arg10[%get3A_501, %get3A_502] {strides = array<i32>} : memref<16x1024xf32, #tpu.memory_space<vmem>>, vector<16xf32>,
      %get3A_504 = arith.index_cast %scan3A_152 : i32 to index
      %get3A_505 = arith.constant 560 : index
      %get3A_506 = tpu.vector_load %arg11[%get3A_504, %get3A_505] {strides = array<i32>} : memref<16x1024xf32, #tpu.memory_space<vmem>>, vector<16xf32>,
      %add3A_507 = arith.addf %get3A_503, %get3A_506 : vector<16xf32>
      %swap3A_508 = arith.index_cast %scan3A_152 : i32 to index
      %swap3A_509 = arith.constant 560 : index
      %swap3A_510 = tpu.vector_load %arg10[%swap3A_508, %swap3A_509] {strides = array<i32>} : memref<16x1024xf32, #tpu.memory_space<vmem>>, vector<16xf32>,
      tpu.vector_store %arg10[%swap3A_508, %swap3A_509], %add3A_507 {strides = array<i32>} : memref<16x1024xf32, #tpu.memory_space<vmem>>, vector<16xf32>,
      %get3A_511 = arith.index_cast %scan3A_152 : i32 to index
      %get3A_512 = arith.constant 576 : index
      %get3A_513 = tpu.vector_load %arg10[%get3A_511, %get3A_512] {strides = array<i32>} : memref<16x1024xf32, #tpu.memory_space<vmem>>, vector<16xf32>,
      %get3A_514 = arith.index_cast %scan3A_152 : i32 to index
      %get3A_515 = arith.constant 576 : index
      %get3A_516 = tpu.vector_load %arg11[%get3A_514, %get3A_515] {strides = array<i32>} : memref<16x1024xf32, #tpu.memory_space<vmem>>, vector<16xf32>,
      %add3A_517 = arith.addf %get3A_513, %get3A_516 : vector<16xf32>
      %swap3A_518 = arith.index_cast %scan3A_152 : i32 to index
      %swap3A_519 = arith.constant 576 : index
      %swap3A_520 = tpu.vector_load %arg10[%swap3A_518, %swap3A_519] {strides = array<i32>} : memref<16x1024xf32, #tpu.memory_space<vmem>>, vector<16xf32>,
      tpu.vector_store %arg10[%swap3A_518, %swap3A_519], %add3A_517 {strides = array<i32>} : memref<16x1024xf32, #tpu.memory_space<vmem>>, vector<16xf32>,
      %get3A_521 = arith.index_cast %scan3A_152 : i32 to index
      %get3A_522 = arith.constant 592 : index
      %get3A_523 = tpu.vector_load %arg10[%get3A_521, %get3A_522] {strides = array<i32>} : memref<16x1024xf32, #tpu.memory_space<vmem>>, vector<16xf32>,
      %get3A_524 = arith.index_cast %scan3A_152 : i32 to index
      %get3A_525 = arith.constant 592 : index
      %get3A_526 = tpu.vector_load %arg11[%get3A_524, %get3A_525] {strides = array<i32>} : memref<16x1024xf32, #tpu.memory_space<vmem>>, vector<16xf32>,
      %add3A_527 = arith.addf %get3A_523, %get3A_526 : vector<16xf32>
      %swap3A_528 = arith.index_cast %scan3A_152 : i32 to index
      %swap3A_529 = arith.constant 592 : index
      %swap3A_530 = tpu.vector_load %arg10[%swap3A_528, %swap3A_529] {strides = array<i32>} : memref<16x1024xf32, #tpu.memory_space<vmem>>, vector<16xf32>,
      tpu.vector_store %arg10[%swap3A_528, %swap3A_529], %add3A_527 {strides = array<i32>} : memref<16x1024xf32, #tpu.memory_space<vmem>>, vector<16xf32>,
      %get3A_531 = arith.index_cast %scan3A_152 : i32 to index
      %get3A_532 = arith.constant 608 : index
      %get3A_533 = tpu.vector_load %arg10[%get3A_531, %get3A_532] {strides = array<i32>} : memref<16x1024xf32, #tpu.memory_space<vmem>>, vector<16xf32>,
      %get3A_534 = arith.index_cast %scan3A_152 : i32 to index
      %get3A_535 = arith.constant 608 : index
      %get3A_536 = tpu.vector_load %arg11[%get3A_534, %get3A_535] {strides = array<i32>} : memref<16x1024xf32, #tpu.memory_space<vmem>>, vector<16xf32>,
      %add3A_537 = arith.addf %get3A_533, %get3A_536 : vector<16xf32>
      %swap3A_538 = arith.index_cast %scan3A_152 : i32 to index
      %swap3A_539 = arith.constant 608 : index
      %swap3A_540 = tpu.vector_load %arg10[%swap3A_538, %swap3A_539] {strides = array<i32>} : memref<16x1024xf32, #tpu.memory_space<vmem>>, vector<16xf32>,
      tpu.vector_store %arg10[%swap3A_538, %swap3A_539], %add3A_537 {strides = array<i32>} : memref<16x1024xf32, #tpu.memory_space<vmem>>, vector<16xf32>,
      %get3A_541 = arith.index_cast %scan3A_152 : i32 to index
      %get3A_542 = arith.constant 624 : index
      %get3A_543 = tpu.vector_load %arg10[%get3A_541, %get3A_542] {strides = array<i32>} : memref<16x1024xf32, #tpu.memory_space<vmem>>, vector<16xf32>,
      %get3A_544 = arith.index_cast %scan3A_152 : i32 to index
      %get3A_545 = arith.constant 624 : index
      %get3A_546 = tpu.vector_load %arg11[%get3A_544, %get3A_545] {strides = array<i32>} : memref<16x1024xf32, #tpu.memory_space<vmem>>, vector<16xf32>,
      %add3A_547 = arith.addf %get3A_543, %get3A_546 : vector<16xf32>
      %swap3A_548 = arith.index_cast %scan3A_152 : i32 to index
      %swap3A_549 = arith.constant 624 : index
      %swap3A_550 = tpu.vector_load %arg10[%swap3A_548, %swap3A_549] {strides = array<i32>} : memref<16x1024xf32, #tpu.memory_space<vmem>>, vector<16xf32>,
      tpu.vector_store %arg10[%swap3A_548, %swap3A_549], %add3A_547 {strides = array<i32>} : memref<16x1024xf32, #tpu.memory_space<vmem>>, vector<16xf32>,
      %get3A_551 = arith.index_cast %scan3A_152 : i32 to index
      %get3A_552 = arith.constant 640 : index
      %get3A_553 = tpu.vector_load %arg10[%get3A_551, %get3A_552] {strides = array<i32>} : memref<16x1024xf32, #tpu.memory_space<vmem>>, vector<16xf32>,
      %get3A_554 = arith.index_cast %scan3A_152 : i32 to index
      %get3A_555 = arith.constant 640 : index
      %get3A_556 = tpu.vector_load %arg11[%get3A_554, %get3A_555] {strides = array<i32>} : memref<16x1024xf32, #tpu.memory_space<vmem>>, vector<16xf32>,
      %add3A_557 = arith.addf %get3A_553, %get3A_556 : vector<16xf32>
      %swap3A_558 = arith.index_cast %scan3A_152 : i32 to index
      %swap3A_559 = arith.constant 640 : index
      %swap3A_560 = tpu.vector_load %arg10[%swap3A_558, %swap3A_559] {strides = array<i32>} : memref<16x1024xf32, #tpu.memory_space<vmem>>, vector<16xf32>,
      tpu.vector_store %arg10[%swap3A_558, %swap3A_559], %add3A_557 {strides = array<i32>} : memref<16x1024xf32, #tpu.memory_space<vmem>>, vector<16xf32>,
      %get3A_561 = arith.index_cast %scan3A_152 : i32 to index
      %get3A_562 = arith.constant 656 : index
      %get3A_563 = tpu.vector_load %arg10[%get3A_561, %get3A_562] {strides = array<i32>} : memref<16x1024xf32, #tpu.memory_space<vmem>>, vector<16xf32>,
      %get3A_564 = arith.index_cast %scan3A_152 : i32 to index
      %get3A_565 = arith.constant 656 : index
      %get3A_566 = tpu.vector_load %arg11[%get3A_564, %get3A_565] {strides = array<i32>} : memref<16x1024xf32, #tpu.memory_space<vmem>>, vector<16xf32>,
      %add3A_567 = arith.addf %get3A_563, %get3A_566 : vector<16xf32>
      %swap3A_568 = arith.index_cast %scan3A_152 : i32 to index
      %swap3A_569 = arith.constant 656 : index
      %swap3A_570 = tpu.vector_load %arg10[%swap3A_568, %swap3A_569] {strides = array<i32>} : memref<16x1024xf32, #tpu.memory_space<vmem>>, vector<16xf32>,
      tpu.vector_store %arg10[%swap3A_568, %swap3A_569], %add3A_567 {strides = array<i32>} : memref<16x1024xf32, #tpu.memory_space<vmem>>, vector<16xf32>,
      %get3A_571 = arith.index_cast %scan3A_152 : i32 to index
      %get3A_572 = arith.constant 672 : index
      %get3A_573 = tpu.vector_load %arg10[%get3A_571, %get3A_572] {strides = array<i32>} : memref<16x1024xf32, #tpu.memory_space<vmem>>, vector<16xf32>,
      %get3A_574 = arith.index_cast %scan3A_152 : i32 to index
      %get3A_575 = arith.constant 672 : index
      %get3A_576 = tpu.vector_load %arg11[%get3A_574, %get3A_575] {strides = array<i32>} : memref<16x1024xf32, #tpu.memory_space<vmem>>, vector<16xf32>,
      %add3A_577 = arith.addf %get3A_573, %get3A_576 : vector<16xf32>
      %swap3A_578 = arith.index_cast %scan3A_152 : i32 to index
      %swap3A_579 = arith.constant 672 : index
      %swap3A_580 = tpu.vector_load %arg10[%swap3A_578, %swap3A_579] {strides = array<i32>} : memref<16x1024xf32, #tpu.memory_space<vmem>>, vector<16xf32>,
      tpu.vector_store %arg10[%swap3A_578, %swap3A_579], %add3A_577 {strides = array<i32>} : memref<16x1024xf32, #tpu.memory_space<vmem>>, vector<16xf32>,
      %get3A_581 = arith.index_cast %scan3A_152 : i32 to index
      %get3A_582 = arith.constant 688 : index
      %get3A_583 = tpu.vector_load %arg10[%get3A_581, %get3A_582] {strides = array<i32>} : memref<16x1024xf32, #tpu.memory_space<vmem>>, vector<16xf32>,
      %get3A_584 = arith.index_cast %scan3A_152 : i32 to index
      %get3A_585 = arith.constant 688 : index
      %get3A_586 = tpu.vector_load %arg11[%get3A_584, %get3A_585] {strides = array<i32>} : memref<16x1024xf32, #tpu.memory_space<vmem>>, vector<16xf32>,
      %add3A_587 = arith.addf %get3A_583, %get3A_586 : vector<16xf32>
      %swap3A_588 = arith.index_cast %scan3A_152 : i32 to index
      %swap3A_589 = arith.constant 688 : index
      %swap3A_590 = tpu.vector_load %arg10[%swap3A_588, %swap3A_589] {strides = array<i32>} : memref<16x1024xf32, #tpu.memory_space<vmem>>, vector<16xf32>,
      tpu.vector_store %arg10[%swap3A_588, %swap3A_589], %add3A_587 {strides = array<i32>} : memref<16x1024xf32, #tpu.memory_space<vmem>>, vector<16xf32>,
      %get3A_591 = arith.index_cast %scan3A_152 : i32 to index
      %get3A_592 = arith.constant 704 : index
      %get3A_593 = tpu.vector_load %arg10[%get3A_591, %get3A_592] {strides = array<i32>} : memref<16x1024xf32, #tpu.memory_space<vmem>>, vector<16xf32>,
      %get3A_594 = arith.index_cast %scan3A_152 : i32 to index
      %get3A_595 = arith.constant 704 : index
      %get3A_596 = tpu.vector_load %arg11[%get3A_594, %get3A_595] {strides = array<i32>} : memref<16x1024xf32, #tpu.memory_space<vmem>>, vector<16xf32>,
      %add3A_597 = arith.addf %get3A_593, %get3A_596 : vector<16xf32>
      %swap3A_598 = arith.index_cast %scan3A_152 : i32 to index
      %swap3A_599 = arith.constant 704 : index
      %swap3A_600 = tpu.vector_load %arg10[%swap3A_598, %swap3A_599] {strides = array<i32>} : memref<16x1024xf32, #tpu.memory_space<vmem>>, vector<16xf32>,
      tpu.vector_store %arg10[%swap3A_598, %swap3A_599], %add3A_597 {strides = array<i32>} : memref<16x1024xf32, #tpu.memory_space<vmem>>, vector<16xf32>,
      %get3A_601 = arith.index_cast %scan3A_152 : i32 to index
      %get3A_602 = arith.constant 720 : index
      %get3A_603 = tpu.vector_load %arg10[%get3A_601, %get3A_602] {strides = array<i32>} : memref<16x1024xf32, #tpu.memory_space<vmem>>, vector<16xf32>,
      %get3A_604 = arith.index_cast %scan3A_152 : i32 to index
      %get3A_605 = arith.constant 720 : index
      %get3A_606 = tpu.vector_load %arg11[%get3A_604, %get3A_605] {strides = array<i32>} : memref<16x1024xf32, #tpu.memory_space<vmem>>, vector<16xf32>,
      %add3A_607 = arith.addf %get3A_603, %get3A_606 : vector<16xf32>
      %swap3A_608 = arith.index_cast %scan3A_152 : i32 to index
      %swap3A_609 = arith.constant 720 : index
      %swap3A_610 = tpu.vector_load %arg10[%swap3A_608, %swap3A_609] {strides = array<i32>} : memref<16x1024xf32, #tpu.memory_space<vmem>>, vector<16xf32>,
      tpu.vector_store %arg10[%swap3A_608, %swap3A_609], %add3A_607 {strides = array<i32>} : memref<16x1024xf32, #tpu.memory_space<vmem>>, vector<16xf32>,
      %get3A_611 = arith.index_cast %scan3A_152 : i32 to index
      %get3A_612 = arith.constant 736 : index
      %get3A_613 = tpu.vector_load %arg10[%get3A_611, %get3A_612] {strides = array<i32>} : memref<16x1024xf32, #tpu.memory_space<vmem>>, vector<16xf32>,
      %get3A_614 = arith.index_cast %scan3A_152 : i32 to index
      %get3A_615 = arith.constant 736 : index
      %get3A_616 = tpu.vector_load %arg11[%get3A_614, %get3A_615] {strides = array<i32>} : memref<16x1024xf32, #tpu.memory_space<vmem>>, vector<16xf32>,
      %add3A_617 = arith.addf %get3A_613, %get3A_616 : vector<16xf32>
      %swap3A_618 = arith.index_cast %scan3A_152 : i32 to index
      %swap3A_619 = arith.constant 736 : index
      %swap3A_620 = tpu.vector_load %arg10[%swap3A_618, %swap3A_619] {strides = array<i32>} : memref<16x1024xf32, #tpu.memory_space<vmem>>, vector<16xf32>,
      tpu.vector_store %arg10[%swap3A_618, %swap3A_619], %add3A_617 {strides = array<i32>} : memref<16x1024xf32, #tpu.memory_space<vmem>>, vector<16xf32>,
      %get3A_621 = arith.index_cast %scan3A_152 : i32 to index
      %get3A_622 = arith.constant 752 : index
      %get3A_623 = tpu.vector_load %arg10[%get3A_621, %get3A_622] {strides = array<i32>} : memref<16x1024xf32, #tpu.memory_space<vmem>>, vector<16xf32>,
      %get3A_624 = arith.index_cast %scan3A_152 : i32 to index
      %get3A_625 = arith.constant 752 : index
      %get3A_626 = tpu.vector_load %arg11[%get3A_624, %get3A_625] {strides = array<i32>} : memref<16x1024xf32, #tpu.memory_space<vmem>>, vector<16xf32>,
      %add3A_627 = arith.addf %get3A_623, %get3A_626 : vector<16xf32>
      %swap3A_628 = arith.index_cast %scan3A_152 : i32 to index
      %swap3A_629 = arith.constant 752 : index
      %swap3A_630 = tpu.vector_load %arg10[%swap3A_628, %swap3A_629] {strides = array<i32>} : memref<16x1024xf32, #tpu.memory_space<vmem>>, vector<16xf32>,
      tpu.vector_store %arg10[%swap3A_628, %swap3A_629], %add3A_627 {strides = array<i32>} : memref<16x1024xf32, #tpu.memory_space<vmem>>, vector<16xf32>,
      %get3A_631 = arith.index_cast %scan3A_152 : i32 to index
      %get3A_632 = arith.constant 768 : index
      %get3A_633 = tpu.vector_load %arg10[%get3A_631, %get3A_632] {strides = array<i32>} : memref<16x1024xf32, #tpu.memory_space<vmem>>, vector<16xf32>,
      %get3A_634 = arith.index_cast %scan3A_152 : i32 to index
      %get3A_635 = arith.constant 768 : index
      %get3A_636 = tpu.vector_load %arg11[%get3A_634, %get3A_635] {strides = array<i32>} : memref<16x1024xf32, #tpu.memory_space<vmem>>, vector<16xf32>,
      %add3A_637 = arith.addf %get3A_633, %get3A_636 : vector<16xf32>
      %swap3A_638 = arith.index_cast %scan3A_152 : i32 to index
      %swap3A_639 = arith.constant 768 : index
      %swap3A_640 = tpu.vector_load %arg10[%swap3A_638, %swap3A_639] {strides = array<i32>} : memref<16x1024xf32, #tpu.memory_space<vmem>>, vector<16xf32>,
      tpu.vector_store %arg10[%swap3A_638, %swap3A_639], %add3A_637 {strides = array<i32>} : memref<16x1024xf32, #tpu.memory_space<vmem>>, vector<16xf32>,
      %get3A_641 = arith.index_cast %scan3A_152 : i32 to index
      %get3A_642 = arith.constant 784 : index
      %get3A_643 = tpu.vector_load %arg10[%get3A_641, %get3A_642] {strides = array<i32>} : memref<16x1024xf32, #tpu.memory_space<vmem>>, vector<16xf32>,
      %get3A_644 = arith.index_cast %scan3A_152 : i32 to index
      %get3A_645 = arith.constant 784 : index
      %get3A_646 = tpu.vector_load %arg11[%get3A_644, %get3A_645] {strides = array<i32>} : memref<16x1024xf32, #tpu.memory_space<vmem>>, vector<16xf32>,
      %add3A_647 = arith.addf %get3A_643, %get3A_646 : vector<16xf32>
      %swap3A_648 = arith.index_cast %scan3A_152 : i32 to index
      %swap3A_649 = arith.constant 784 : index
      %swap3A_650 = tpu.vector_load %arg10[%swap3A_648, %swap3A_649] {strides = array<i32>} : memref<16x1024xf32, #tpu.memory_space<vmem>>, vector<16xf32>,
      tpu.vector_store %arg10[%swap3A_648, %swap3A_649], %add3A_647 {strides = array<i32>} : memref<16x1024xf32, #tpu.memory_space<vmem>>, vector<16xf32>,
      %get3A_651 = arith.index_cast %scan3A_152 : i32 to index
      %get3A_652 = arith.constant 800 : index
      %get3A_653 = tpu.vector_load %arg10[%get3A_651, %get3A_652] {strides = array<i32>} : memref<16x1024xf32, #tpu.memory_space<vmem>>, vector<16xf32>,
      %get3A_654 = arith.index_cast %scan3A_152 : i32 to index
      %get3A_655 = arith.constant 800 : index
      %get3A_656 = tpu.vector_load %arg11[%get3A_654, %get3A_655] {strides = array<i32>} : memref<16x1024xf32, #tpu.memory_space<vmem>>, vector<16xf32>,
      %add3A_657 = arith.addf %get3A_653, %get3A_656 : vector<16xf32>
      %swap3A_658 = arith.index_cast %scan3A_152 : i32 to index
      %swap3A_659 = arith.constant 800 : index
      %swap3A_660 = tpu.vector_load %arg10[%swap3A_658, %swap3A_659] {strides = array<i32>} : memref<16x1024xf32, #tpu.memory_space<vmem>>, vector<16xf32>,
      tpu.vector_store %arg10[%swap3A_658, %swap3A_659], %add3A_657 {strides = array<i32>} : memref<16x1024xf32, #tpu.memory_space<vmem>>, vector<16xf32>,
      %get3A_661 = arith.index_cast %scan3A_152 : i32 to index
      %get3A_662 = arith.constant 816 : index
      %get3A_663 = tpu.vector_load %arg10[%get3A_661, %get3A_662] {strides = array<i32>} : memref<16x1024xf32, #tpu.memory_space<vmem>>, vector<16xf32>,
      %get3A_664 = arith.index_cast %scan3A_152 : i32 to index
      %get3A_665 = arith.constant 816 : index
      %get3A_666 = tpu.vector_load %arg11[%get3A_664, %get3A_665] {strides = array<i32>} : memref<16x1024xf32, #tpu.memory_space<vmem>>, vector<16xf32>,
      %add3A_667 = arith.addf %get3A_663, %get3A_666 : vector<16xf32>
      %swap3A_668 = arith.index_cast %scan3A_152 : i32 to index
      %swap3A_669 = arith.constant 816 : index
      %swap3A_670 = tpu.vector_load %arg10[%swap3A_668, %swap3A_669] {strides = array<i32>} : memref<16x1024xf32, #tpu.memory_space<vmem>>, vector<16xf32>,
      tpu.vector_store %arg10[%swap3A_668, %swap3A_669], %add3A_667 {strides = array<i32>} : memref<16x1024xf32, #tpu.memory_space<vmem>>, vector<16xf32>,
      %get3A_671 = arith.index_cast %scan3A_152 : i32 to index
      %get3A_672 = arith.constant 832 : index
      %get3A_673 = tpu.vector_load %arg10[%get3A_671, %get3A_672] {strides = array<i32>} : memref<16x1024xf32, #tpu.memory_space<vmem>>, vector<16xf32>,
      %get3A_674 = arith.index_cast %scan3A_152 : i32 to index
      %get3A_675 = arith.constant 832 : index
      %get3A_676 = tpu.vector_load %arg11[%get3A_674, %get3A_675] {strides = array<i32>} : memref<16x1024xf32, #tpu.memory_space<vmem>>, vector<16xf32>,
      %add3A_677 = arith.addf %get3A_673, %get3A_676 : vector<16xf32>
      %swap3A_678 = arith.index_cast %scan3A_152 : i32 to index
      %swap3A_679 = arith.constant 832 : index
      %swap3A_680 = tpu.vector_load %arg10[%swap3A_678, %swap3A_679] {strides = array<i32>} : memref<16x1024xf32, #tpu.memory_space<vmem>>, vector<16xf32>,
      tpu.vector_store %arg10[%swap3A_678, %swap3A_679], %add3A_677 {strides = array<i32>} : memref<16x1024xf32, #tpu.memory_space<vmem>>, vector<16xf32>,
      %get3A_681 = arith.index_cast %scan3A_152 : i32 to index
      %get3A_682 = arith.constant 848 : index
      %get3A_683 = tpu.vector_load %arg10[%get3A_681, %get3A_682] {strides = array<i32>} : memref<16x1024xf32, #tpu.memory_space<vmem>>, vector<16xf32>,
      %get3A_684 = arith.index_cast %scan3A_152 : i32 to index
      %get3A_685 = arith.constant 848 : index
      %get3A_686 = tpu.vector_load %arg11[%get3A_684, %get3A_685] {strides = array<i32>} : memref<16x1024xf32, #tpu.memory_space<vmem>>, vector<16xf32>,
      %add3A_687 = arith.addf %get3A_683, %get3A_686 : vector<16xf32>
      %swap3A_688 = arith.index_cast %scan3A_152 : i32 to index
      %swap3A_689 = arith.constant 848 : index
      %swap3A_690 = tpu.vector_load %arg10[%swap3A_688, %swap3A_689] {strides = array<i32>} : memref<16x1024xf32, #tpu.memory_space<vmem>>, vector<16xf32>,
      tpu.vector_store %arg10[%swap3A_688, %swap3A_689], %add3A_687 {strides = array<i32>} : memref<16x1024xf32, #tpu.memory_space<vmem>>, vector<16xf32>,
      %get3A_691 = arith.index_cast %scan3A_152 : i32 to index
      %get3A_692 = arith.constant 864 : index
      %get3A_693 = tpu.vector_load %arg10[%get3A_691, %get3A_692] {strides = array<i32>} : memref<16x1024xf32, #tpu.memory_space<vmem>>, vector<16xf32>,
      %get3A_694 = arith.index_cast %scan3A_152 : i32 to index
      %get3A_695 = arith.constant 864 : index
      %get3A_696 = tpu.vector_load %arg11[%get3A_694, %get3A_695] {strides = array<i32>} : memref<16x1024xf32, #tpu.memory_space<vmem>>, vector<16xf32>,
      %add3A_697 = arith.addf %get3A_693, %get3A_696 : vector<16xf32>
      %swap3A_698 = arith.index_cast %scan3A_152 : i32 to index
      %swap3A_699 = arith.constant 864 : index
      %swap3A_700 = tpu.vector_load %arg10[%swap3A_698, %swap3A_699] {strides = array<i32>} : memref<16x1024xf32, #tpu.memory_space<vmem>>, vector<16xf32>,
      tpu.vector_store %arg10[%swap3A_698, %swap3A_699], %add3A_697 {strides = array<i32>} : memref<16x1024xf32, #tpu.memory_space<vmem>>, vector<16xf32>,
      %get3A_701 = arith.index_cast %scan3A_152 : i32 to index
      %get3A_702 = arith.constant 880 : index
      %get3A_703 = tpu.vector_load %arg10[%get3A_701, %get3A_702] {strides = array<i32>} : memref<16x1024xf32, #tpu.memory_space<vmem>>, vector<16xf32>,
      %get3A_704 = arith.index_cast %scan3A_152 : i32 to index
      %get3A_705 = arith.constant 880 : index
      %get3A_706 = tpu.vector_load %arg11[%get3A_704, %get3A_705] {strides = array<i32>} : memref<16x1024xf32, #tpu.memory_space<vmem>>, vector<16xf32>,
      %add3A_707 = arith.addf %get3A_703, %get3A_706 : vector<16xf32>
      %swap3A_708 = arith.index_cast %scan3A_152 : i32 to index
      %swap3A_709 = arith.constant 880 : index
      %swap3A_710 = tpu.vector_load %arg10[%swap3A_708, %swap3A_709] {strides = array<i32>} : memref<16x1024xf32, #tpu.memory_space<vmem>>, vector<16xf32>,
      tpu.vector_store %arg10[%swap3A_708, %swap3A_709], %add3A_707 {strides = array<i32>} : memref<16x1024xf32, #tpu.memory_space<vmem>>, vector<16xf32>,
      %get3A_711 = arith.index_cast %scan3A_152 : i32 to index
      %get3A_712 = arith.constant 896 : index
      %get3A_713 = tpu.vector_load %arg10[%get3A_711, %get3A_712] {strides = array<i32>} : memref<16x1024xf32, #tpu.memory_space<vmem>>, vector<16xf32>,
      %get3A_714 = arith.index_cast %scan3A_152 : i32 to index
      %get3A_715 = arith.constant 896 : index
      %get3A_716 = tpu.vector_load %arg11[%get3A_714, %get3A_715] {strides = array<i32>} : memref<16x1024xf32, #tpu.memory_space<vmem>>, vector<16xf32>,
      %add3A_717 = arith.addf %get3A_713, %get3A_716 : vector<16xf32>
      %swap3A_718 = arith.index_cast %scan3A_152 : i32 to index
      %swap3A_719 = arith.constant 896 : index
      %swap3A_720 = tpu.vector_load %arg10[%swap3A_718, %swap3A_719] {strides = array<i32>} : memref<16x1024xf32, #tpu.memory_space<vmem>>, vector<16xf32>,
      tpu.vector_store %arg10[%swap3A_718, %swap3A_719], %add3A_717 {strides = array<i32>} : memref<16x1024xf32, #tpu.memory_space<vmem>>, vector<16xf32>,
      %get3A_721 = arith.index_cast %scan3A_152 : i32 to index
      %get3A_722 = arith.constant 912 : index
      %get3A_723 = tpu.vector_load %arg10[%get3A_721, %get3A_722] {strides = array<i32>} : memref<16x1024xf32, #tpu.memory_space<vmem>>, vector<16xf32>,
      %get3A_724 = arith.index_cast %scan3A_152 : i32 to index
      %get3A_725 = arith.constant 912 : index
      %get3A_726 = tpu.vector_load %arg11[%get3A_724, %get3A_725] {strides = array<i32>} : memref<16x1024xf32, #tpu.memory_space<vmem>>, vector<16xf32>,
      %add3A_727 = arith.addf %get3A_723, %get3A_726 : vector<16xf32>
      %swap3A_728 = arith.index_cast %scan3A_152 : i32 to index
      %swap3A_729 = arith.constant 912 : index
      %swap3A_730 = tpu.vector_load %arg10[%swap3A_728, %swap3A_729] {strides = array<i32>} : memref<16x1024xf32, #tpu.memory_space<vmem>>, vector<16xf32>,
      tpu.vector_store %arg10[%swap3A_728, %swap3A_729], %add3A_727 {strides = array<i32>} : memref<16x1024xf32, #tpu.memory_space<vmem>>, vector<16xf32>,
      %get3A_731 = arith.index_cast %scan3A_152 : i32 to index
      %get3A_732 = arith.constant 928 : index
      %get3A_733 = tpu.vector_load %arg10[%get3A_731, %get3A_732] {strides = array<i32>} : memref<16x1024xf32, #tpu.memory_space<vmem>>, vector<16xf32>,
      %get3A_734 = arith.index_cast %scan3A_152 : i32 to index
      %get3A_735 = arith.constant 928 : index
      %get3A_736 = tpu.vector_load %arg11[%get3A_734, %get3A_735] {strides = array<i32>} : memref<16x1024xf32, #tpu.memory_space<vmem>>, vector<16xf32>,
      %add3A_737 = arith.addf %get3A_733, %get3A_736 : vector<16xf32>
      %swap3A_738 = arith.index_cast %scan3A_152 : i32 to index
      %swap3A_739 = arith.constant 928 : index
      %swap3A_740 = tpu.vector_load %arg10[%swap3A_738, %swap3A_739] {strides = array<i32>} : memref<16x1024xf32, #tpu.memory_space<vmem>>, vector<16xf32>,
      tpu.vector_store %arg10[%swap3A_738, %swap3A_739], %add3A_737 {strides = array<i32>} : memref<16x1024xf32, #tpu.memory_space<vmem>>, vector<16xf32>,
      %get3A_741 = arith.index_cast %scan3A_152 : i32 to index
      %get3A_742 = arith.constant 944 : index
      %get3A_743 = tpu.vector_load %arg10[%get3A_741, %get3A_742] {strides = array<i32>} : memref<16x1024xf32, #tpu.memory_space<vmem>>, vector<16xf32>,
      %get3A_744 = arith.index_cast %scan3A_152 : i32 to index
      %get3A_745 = arith.constant 944 : index
      %get3A_746 = tpu.vector_load %arg11[%get3A_744, %get3A_745] {strides = array<i32>} : memref<16x1024xf32, #tpu.memory_space<vmem>>, vector<16xf32>,
      %add3A_747 = arith.addf %get3A_743, %get3A_746 : vector<16xf32>
      %swap3A_748 = arith.index_cast %scan3A_152 : i32 to index
      %swap3A_749 = arith.constant 944 : index
      %swap3A_750 = tpu.vector_load %arg10[%swap3A_748, %swap3A_749] {strides = array<i32>} : memref<16x1024xf32, #tpu.memory_space<vmem>>, vector<16xf32>,
      tpu.vector_store %arg10[%swap3A_748, %swap3A_749], %add3A_747 {strides = array<i32>} : memref<16x1024xf32, #tpu.memory_space<vmem>>, vector<16xf32>,
      %get3A_751 = arith.index_cast %scan3A_152 : i32 to index
      %get3A_752 = arith.constant 960 : index
      %get3A_753 = tpu.vector_load %arg10[%get3A_751, %get3A_752] {strides = array<i32>} : memref<16x1024xf32, #tpu.memory_space<vmem>>, vector<16xf32>,
      %get3A_754 = arith.index_cast %scan3A_152 : i32 to index
      %get3A_755 = arith.constant 960 : index
      %get3A_756 = tpu.vector_load %arg11[%get3A_754, %get3A_755] {strides = array<i32>} : memref<16x1024xf32, #tpu.memory_space<vmem>>, vector<16xf32>,
      %add3A_757 = arith.addf %get3A_753, %get3A_756 : vector<16xf32>
      %swap3A_758 = arith.index_cast %scan3A_152 : i32 to index
      %swap3A_759 = arith.constant 960 : index
      %swap3A_760 = tpu.vector_load %arg10[%swap3A_758, %swap3A_759] {strides = array<i32>} : memref<16x1024xf32, #tpu.memory_space<vmem>>, vector<16xf32>,
      tpu.vector_store %arg10[%swap3A_758, %swap3A_759], %add3A_757 {strides = array<i32>} : memref<16x1024xf32, #tpu.memory_space<vmem>>, vector<16xf32>,
      %get3A_761 = arith.index_cast %scan3A_152 : i32 to index
      %get3A_762 = arith.constant 976 : index
      %get3A_763 = tpu.vector_load %arg10[%get3A_761, %get3A_762] {strides = array<i32>} : memref<16x1024xf32, #tpu.memory_space<vmem>>, vector<16xf32>,
      %get3A_764 = arith.index_cast %scan3A_152 : i32 to index
      %get3A_765 = arith.constant 976 : index
      %get3A_766 = tpu.vector_load %arg11[%get3A_764, %get3A_765] {strides = array<i32>} : memref<16x1024xf32, #tpu.memory_space<vmem>>, vector<16xf32>,
      %add3A_767 = arith.addf %get3A_763, %get3A_766 : vector<16xf32>
      %swap3A_768 = arith.index_cast %scan3A_152 : i32 to index
      %swap3A_769 = arith.constant 976 : index
      %swap3A_770 = tpu.vector_load %arg10[%swap3A_768, %swap3A_769] {strides = array<i32>} : memref<16x1024xf32, #tpu.memory_space<vmem>>, vector<16xf32>,
      tpu.vector_store %arg10[%swap3A_768, %swap3A_769], %add3A_767 {strides = array<i32>} : memref<16x1024xf32, #tpu.memory_space<vmem>>, vector<16xf32>,
      %get3A_771 = arith.index_cast %scan3A_152 : i32 to index
      %get3A_772 = arith.constant 992 : index
      %get3A_773 = tpu.vector_load %arg10[%get3A_771, %get3A_772] {strides = array<i32>} : memref<16x1024xf32, #tpu.memory_space<vmem>>, vector<16xf32>,
      %get3A_774 = arith.index_cast %scan3A_152 : i32 to index
      %get3A_775 = arith.constant 992 : index
      %get3A_776 = tpu.vector_load %arg11[%get3A_774, %get3A_775] {strides = array<i32>} : memref<16x1024xf32, #tpu.memory_space<vmem>>, vector<16xf32>,
      %add3A_777 = arith.addf %get3A_773, %get3A_776 : vector<16xf32>
      %swap3A_778 = arith.index_cast %scan3A_152 : i32 to index
      %swap3A_779 = arith.constant 992 : index
      %swap3A_780 = tpu.vector_load %arg10[%swap3A_778, %swap3A_779] {strides = array<i32>} : memref<16x1024xf32, #tpu.memory_space<vmem>>, vector<16xf32>,
      tpu.vector_store %arg10[%swap3A_778, %swap3A_779], %add3A_777 {strides = array<i32>} : memref<16x1024xf32, #tpu.memory_space<vmem>>, vector<16xf32>,
      %get3A_781 = arith.index_cast %scan3A_152 : i32 to index
      %get3A_782 = arith.constant 1008 : index
      %get3A_783 = tpu.vector_load %arg10[%get3A_781, %get3A_782] {strides = array<i32>} : memref<16x1024xf32, #tpu.memory_space<vmem>>, vector<16xf32>,
      %get3A_784 = arith.index_cast %scan3A_152 : i32 to index
      %get3A_785 = arith.constant 1008 : index
      %get3A_786 = tpu.vector_load %arg11[%get3A_784, %get3A_785] {strides = array<i32>} : memref<16x1024xf32, #tpu.memory_space<vmem>>, vector<16xf32>,
      %add3A_787 = arith.addf %get3A_783, %get3A_786 : vector<16xf32>
      %swap3A_788 = arith.index_cast %scan3A_152 : i32 to index
      %swap3A_789 = arith.constant 1008 : index
      %swap3A_790 = tpu.vector_load %arg10[%swap3A_788, %swap3A_789] {strides = array<i32>} : memref<16x1024xf32, #tpu.memory_space<vmem>>, vector<16xf32>,
      tpu.vector_store %arg10[%swap3A_788, %swap3A_789], %add3A_787 {strides = array<i32>} : memref<16x1024xf32, #tpu.memory_space<vmem>>, vector<16xf32>,
    }
    %scan3A_79 = arith.constant 16 : i32
    %add3A_80 = arith.constant 16 : i32
    %add3A_81 = arith.addi %mul3A_2, %add3A_80 : i32
    %dma_start3A_82 = arith.constant 0 : i32
    %dma_start3A_83 = tpu.memref_slice %arg5[%add3A_81, %dma_start3A_82] : memref<2048x1024xf32, #tpu.memory_space<hbm>> -> memref<16x1024xf32, #tpu.memory_space<hbm>>
    %dma_start3A_84 = arith.constant 0 : i32
    %dma_start3A_85 = tpu.memref_slice %arg5[%add3A_81, %dma_start3A_84] : memref<2048x1024xf32, #tpu.memory_space<hbm>> -> memref<16x1024xf32, #tpu.memory_space<hbm>>
    tpu.enqueue_dma source(%arg10 : memref<16x1024xf32, #tpu.memory_space<vmem>>) target(%dma_start3A_85 : memref<16x1024xf32, #tpu.memory_space<hbm>>) target_semaphore(%arg15 : memref<!tpu.dma_semaphore, #tpu.memory_space<semaphore_mem>>)
    %dma_wait3A_86 = arith.constant 32 : i32
    %dma_wait3A_87 = tpu.memref_slice %arg6[%dma_wait3A_86] : memref<64xi32, #tpu.memory_space<vmem>> -> memref<16xi32, #tpu.memory_space<vmem>>
    %dma_wait3A_88 = arith.constant 0 : i32
    %dma_wait3A_89 = arith.constant 0 : i32
    %dma_wait3A_90 = tpu.memref_slice %arg2[%dma_wait3A_88, %dma_wait3A_89] : memref<7680x1024xf32, #tpu.memory_space<hbm>> -> memref<7680x1024xf32, #tpu.memory_space<hbm>>
    tpu.wait_indirect_dma semaphore(%arg12 : memref<!tpu.dma_semaphore, #tpu.memory_space<semaphore_mem>>) src(%dma_wait3A_90 : memref<7680x1024xf32, #tpu.memory_space<hbm>>) dst(%arg8 : memref<16x1024xf32, #tpu.memory_space<vmem>>)
    %dma_wait3A_91 = arith.constant 32 : i32
    %dma_wait3A_92 = tpu.memref_slice %arg7[%dma_wait3A_91] : memref<64xi32, #tpu.memory_space<vmem>> -> memref<16xi32, #tpu.memory_space<vmem>>
    %dma_wait3A_93 = arith.constant 0 : i32
    %dma_wait3A_94 = arith.constant 0 : i32
    %dma_wait3A_95 = tpu.memref_slice %arg2[%dma_wait3A_93, %dma_wait3A_94] : memref<7680x1024xf32, #tpu.memory_space<hbm>> -> memref<7680x1024xf32, #tpu.memory_space<hbm>>
    tpu.wait_indirect_dma semaphore(%arg12 : memref<!tpu.dma_semaphore, #tpu.memory_space<semaphore_mem>>) src(%dma_wait3A_95 : memref<7680x1024xf32, #tpu.memory_space<hbm>>) dst(%arg9 : memref<16x1024xf32, #tpu.memory_space<vmem>>)
    %dma_wait3A_96 = arith.constant 0 : i32
    %dma_wait3A_97 = tpu.memref_slice %arg5[%add3A_81, %dma_wait3A_96] : memref<2048x1024xf32, #tpu.memory_space<hbm>> -> memref<16x1024xf32, #tpu.memory_space<hbm>>
    %dma_wait3A_98 = arith.constant 0 : i32
    %dma_wait3A_99 = tpu.memref_slice %arg5[%add3A_81, %dma_wait3A_98] : memref<2048x1024xf32, #tpu.memory_space<hbm>> -> memref<16x1024xf32, #tpu.memory_space<hbm>>
    tpu.wait_dma2 semaphore(%arg15 : memref<!tpu.dma_semaphore, #tpu.memory_space<semaphore_mem>>) src(%arg10 : memref<16x1024xf32, #tpu.memory_space<vmem>>) dst(%dma_wait3A_99 : memref<16x1024xf32, #tpu.memory_space<hbm>>)
    %dma_start3A_100 = arith.constant 48 : i32
    %dma_start3A_101 = tpu.memref_slice %arg6[%dma_start3A_100] : memref<64xi32, #tpu.memory_space<vmem>> -> memref<16xi32, #tpu.memory_space<vmem>>
    %dma_start3A_102 = arith.constant 0 : i32
    %dma_start3A_103 = arith.constant 0 : i32
    %dma_start3A_104 = tpu.memref_slice %arg2[%dma_start3A_102, %dma_start3A_103] : memref<7680x1024xf32, #tpu.memory_space<hbm>> -> memref<7680x1024xf32, #tpu.memory_space<hbm>>
    tpu.enqueue_indirect_dma source(%dma_start3A_104 : memref<7680x1024xf32, #tpu.memory_space<hbm>>) target(%arg10 : memref<16x1024xf32, #tpu.memory_space<vmem>>) offsets(%dma_start3A_101 : memref<16xi32, #tpu.memory_space<vmem>>) semaphore(%arg13 : memref<!tpu.dma_semaphore, #tpu.memory_space<semaphore_mem>>)
    %dma_start3A_105 = arith.constant 48 : i32
    %dma_start3A_106 = tpu.memref_slice %arg7[%dma_start3A_105] : memref<64xi32, #tpu.memory_space<vmem>> -> memref<16xi32, #tpu.memory_space<vmem>>
    %dma_start3A_107 = arith.constant 0 : i32
    %dma_start3A_108 = arith.constant 0 : i32
    %dma_start3A_109 = tpu.memref_slice %arg2[%dma_start3A_107, %dma_start3A_108] : memref<7680x1024xf32, #tpu.memory_space<hbm>> -> memref<7680x1024xf32, #tpu.memory_space<hbm>>
    tpu.enqueue_indirect_dma source(%dma_start3A_109 : memref<7680x1024xf32, #tpu.memory_space<hbm>>) target(%arg11 : memref<16x1024xf32, #tpu.memory_space<vmem>>) offsets(%dma_start3A_106 : memref<16xi32, #tpu.memory_space<vmem>>) semaphore(%arg13 : memref<!tpu.dma_semaphore, #tpu.memory_space<semaphore_mem>>)
    %scan3A_110 = arith.constant 0 : i32
    %scan3A_111 = arith.constant 0 : i32
    %scan3A_112 = arith.constant 16 : i32
    %scan3A_113 = arith.addi %scan3A_111, %scan3A_112 : i32
    %scan3A_114 = arith.constant 1 : i32
    scf.for %scan3A_152 = %scan3A_111 to %scan3A_113 step %scan3A_114  : i32 {
      %get3A = arith.index_cast %scan3A_152 : i32 to index
      %get3A_153 = arith.constant 0 : index
      %get3A_154 = tpu.vector_load %arg8[%get3A, %get3A_153] {strides = array<i32>} : memref<16x1024xf32, #tpu.memory_space<vmem>>, vector<16xf32>,
      %get3A_155 = arith.index_cast %scan3A_152 : i32 to index
      %get3A_156 = arith.constant 0 : index
      %get3A_157 = tpu.vector_load %arg9[%get3A_155, %get3A_156] {strides = array<i32>} : memref<16x1024xf32, #tpu.memory_space<vmem>>, vector<16xf32>,
      %add3A_158 = arith.addf %get3A_154, %get3A_157 : vector<16xf32>
      %swap3A = arith.index_cast %scan3A_152 : i32 to index
      %swap3A_159 = arith.constant 0 : index
      %swap3A_160 = tpu.vector_load %arg8[%swap3A, %swap3A_159] {strides = array<i32>} : memref<16x1024xf32, #tpu.memory_space<vmem>>, vector<16xf32>,
      tpu.vector_store %arg8[%swap3A, %swap3A_159], %add3A_158 {strides = array<i32>} : memref<16x1024xf32, #tpu.memory_space<vmem>>, vector<16xf32>,
      %get3A_161 = arith.index_cast %scan3A_152 : i32 to index
      %get3A_162 = arith.constant 16 : index
      %get3A_163 = tpu.vector_load %arg8[%get3A_161, %get3A_162] {strides = array<i32>} : memref<16x1024xf32, #tpu.memory_space<vmem>>, vector<16xf32>,
      %get3A_164 = arith.index_cast %scan3A_152 : i32 to index
      %get3A_165 = arith.constant 16 : index
      %get3A_166 = tpu.vector_load %arg9[%get3A_164, %get3A_165] {strides = array<i32>} : memref<16x1024xf32, #tpu.memory_space<vmem>>, vector<16xf32>,
      %add3A_167 = arith.addf %get3A_163, %get3A_166 : vector<16xf32>
      %swap3A_168 = arith.index_cast %scan3A_152 : i32 to index
      %swap3A_169 = arith.constant 16 : index
      %swap3A_170 = tpu.vector_load %arg8[%swap3A_168, %swap3A_169] {strides = array<i32>} : memref<16x1024xf32, #tpu.memory_space<vmem>>, vector<16xf32>,
      tpu.vector_store %arg8[%swap3A_168, %swap3A_169], %add3A_167 {strides = array<i32>} : memref<16x1024xf32, #tpu.memory_space<vmem>>, vector<16xf32>,
      %get3A_171 = arith.index_cast %scan3A_152 : i32 to index
      %get3A_172 = arith.constant 32 : index
      %get3A_173 = tpu.vector_load %arg8[%get3A_171, %get3A_172] {strides = array<i32>} : memref<16x1024xf32, #tpu.memory_space<vmem>>, vector<16xf32>,
      %get3A_174 = arith.index_cast %scan3A_152 : i32 to index
      %get3A_175 = arith.constant 32 : index
      %get3A_176 = tpu.vector_load %arg9[%get3A_174, %get3A_175] {strides = array<i32>} : memref<16x1024xf32, #tpu.memory_space<vmem>>, vector<16xf32>,
      %add3A_177 = arith.addf %get3A_173, %get3A_176 : vector<16xf32>
      %swap3A_178 = arith.index_cast %scan3A_152 : i32 to index
      %swap3A_179 = arith.constant 32 : index
      %swap3A_180 = tpu.vector_load %arg8[%swap3A_178, %swap3A_179] {strides = array<i32>} : memref<16x1024xf32, #tpu.memory_space<vmem>>, vector<16xf32>,
      tpu.vector_store %arg8[%swap3A_178, %swap3A_179], %add3A_177 {strides = array<i32>} : memref<16x1024xf32, #tpu.memory_space<vmem>>, vector<16xf32>,
      %get3A_181 = arith.index_cast %scan3A_152 : i32 to index
      %get3A_182 = arith.constant 48 : index
      %get3A_183 = tpu.vector_load %arg8[%get3A_181, %get3A_182] {strides = array<i32>} : memref<16x1024xf32, #tpu.memory_space<vmem>>, vector<16xf32>,
      %get3A_184 = arith.index_cast %scan3A_152 : i32 to index
      %get3A_185 = arith.constant 48 : index
      %get3A_186 = tpu.vector_load %arg9[%get3A_184, %get3A_185] {strides = array<i32>} : memref<16x1024xf32, #tpu.memory_space<vmem>>, vector<16xf32>,
      %add3A_187 = arith.addf %get3A_183, %get3A_186 : vector<16xf32>
      %swap3A_188 = arith.index_cast %scan3A_152 : i32 to index
      %swap3A_189 = arith.constant 48 : index
      %swap3A_190 = tpu.vector_load %arg8[%swap3A_188, %swap3A_189] {strides = array<i32>} : memref<16x1024xf32, #tpu.memory_space<vmem>>, vector<16xf32>,
      tpu.vector_store %arg8[%swap3A_188, %swap3A_189], %add3A_187 {strides = array<i32>} : memref<16x1024xf32, #tpu.memory_space<vmem>>, vector<16xf32>,
      %get3A_191 = arith.index_cast %scan3A_152 : i32 to index
      %get3A_192 = arith.constant 64 : index
      %get3A_193 = tpu.vector_load %arg8[%get3A_191, %get3A_192] {strides = array<i32>} : memref<16x1024xf32, #tpu.memory_space<vmem>>, vector<16xf32>,
      %get3A_194 = arith.index_cast %scan3A_152 : i32 to index
      %get3A_195 = arith.constant 64 : index
      %get3A_196 = tpu.vector_load %arg9[%get3A_194, %get3A_195] {strides = array<i32>} : memref<16x1024xf32, #tpu.memory_space<vmem>>, vector<16xf32>,
      %add3A_197 = arith.addf %get3A_193, %get3A_196 : vector<16xf32>
      %swap3A_198 = arith.index_cast %scan3A_152 : i32 to index
      %swap3A_199 = arith.constant 64 : index
      %swap3A_200 = tpu.vector_load %arg8[%swap3A_198, %swap3A_199] {strides = array<i32>} : memref<16x1024xf32, #tpu.memory_space<vmem>>, vector<16xf32>,
      tpu.vector_store %arg8[%swap3A_198, %swap3A_199], %add3A_197 {strides = array<i32>} : memref<16x1024xf32, #tpu.memory_space<vmem>>, vector<16xf32>,
      %get3A_201 = arith.index_cast %scan3A_152 : i32 to index
      %get3A_202 = arith.constant 80 : index
      %get3A_203 = tpu.vector_load %arg8[%get3A_201, %get3A_202] {strides = array<i32>} : memref<16x1024xf32, #tpu.memory_space<vmem>>, vector<16xf32>,
      %get3A_204 = arith.index_cast %scan3A_152 : i32 to index
      %get3A_205 = arith.constant 80 : index
      %get3A_206 = tpu.vector_load %arg9[%get3A_204, %get3A_205] {strides = array<i32>} : memref<16x1024xf32, #tpu.memory_space<vmem>>, vector<16xf32>,
      %add3A_207 = arith.addf %get3A_203, %get3A_206 : vector<16xf32>
      %swap3A_208 = arith.index_cast %scan3A_152 : i32 to index
      %swap3A_209 = arith.constant 80 : index
      %swap3A_210 = tpu.vector_load %arg8[%swap3A_208, %swap3A_209] {strides = array<i32>} : memref<16x1024xf32, #tpu.memory_space<vmem>>, vector<16xf32>,
      tpu.vector_store %arg8[%swap3A_208, %swap3A_209], %add3A_207 {strides = array<i32>} : memref<16x1024xf32, #tpu.memory_space<vmem>>, vector<16xf32>,
      %get3A_211 = arith.index_cast %scan3A_152 : i32 to index
      %get3A_212 = arith.constant 96 : index
      %get3A_213 = tpu.vector_load %arg8[%get3A_211, %get3A_212] {strides = array<i32>} : memref<16x1024xf32, #tpu.memory_space<vmem>>, vector<16xf32>,
      %get3A_214 = arith.index_cast %scan3A_152 : i32 to index
      %get3A_215 = arith.constant 96 : index
      %get3A_216 = tpu.vector_load %arg9[%get3A_214, %get3A_215] {strides = array<i32>} : memref<16x1024xf32, #tpu.memory_space<vmem>>, vector<16xf32>,
      %add3A_217 = arith.addf %get3A_213, %get3A_216 : vector<16xf32>
      %swap3A_218 = arith.index_cast %scan3A_152 : i32 to index
      %swap3A_219 = arith.constant 96 : index
      %swap3A_220 = tpu.vector_load %arg8[%swap3A_218, %swap3A_219] {strides = array<i32>} : memref<16x1024xf32, #tpu.memory_space<vmem>>, vector<16xf32>,
      tpu.vector_store %arg8[%swap3A_218, %swap3A_219], %add3A_217 {strides = array<i32>} : memref<16x1024xf32, #tpu.memory_space<vmem>>, vector<16xf32>,
      %get3A_221 = arith.index_cast %scan3A_152 : i32 to index
      %get3A_222 = arith.constant 112 : index
      %get3A_223 = tpu.vector_load %arg8[%get3A_221, %get3A_222] {strides = array<i32>} : memref<16x1024xf32, #tpu.memory_space<vmem>>, vector<16xf32>,
      %get3A_224 = arith.index_cast %scan3A_152 : i32 to index
      %get3A_225 = arith.constant 112 : index
      %get3A_226 = tpu.vector_load %arg9[%get3A_224, %get3A_225] {strides = array<i32>} : memref<16x1024xf32, #tpu.memory_space<vmem>>, vector<16xf32>,
      %add3A_227 = arith.addf %get3A_223, %get3A_226 : vector<16xf32>
      %swap3A_228 = arith.index_cast %scan3A_152 : i32 to index
      %swap3A_229 = arith.constant 112 : index
      %swap3A_230 = tpu.vector_load %arg8[%swap3A_228, %swap3A_229] {strides = array<i32>} : memref<16x1024xf32, #tpu.memory_space<vmem>>, vector<16xf32>,
      tpu.vector_store %arg8[%swap3A_228, %swap3A_229], %add3A_227 {strides = array<i32>} : memref<16x1024xf32, #tpu.memory_space<vmem>>, vector<16xf32>,
      %get3A_231 = arith.index_cast %scan3A_152 : i32 to index
      %get3A_232 = arith.constant 128 : index
      %get3A_233 = tpu.vector_load %arg8[%get3A_231, %get3A_232] {strides = array<i32>} : memref<16x1024xf32, #tpu.memory_space<vmem>>, vector<16xf32>,
      %get3A_234 = arith.index_cast %scan3A_152 : i32 to index
      %get3A_235 = arith.constant 128 : index
      %get3A_236 = tpu.vector_load %arg9[%get3A_234, %get3A_235] {strides = array<i32>} : memref<16x1024xf32, #tpu.memory_space<vmem>>, vector<16xf32>,
      %add3A_237 = arith.addf %get3A_233, %get3A_236 : vector<16xf32>
      %swap3A_238 = arith.index_cast %scan3A_152 : i32 to index
      %swap3A_239 = arith.constant 128 : index
      %swap3A_240 = tpu.vector_load %arg8[%swap3A_238, %swap3A_239] {strides = array<i32>} : memref<16x1024xf32, #tpu.memory_space<vmem>>, vector<16xf32>,
      tpu.vector_store %arg8[%swap3A_238, %swap3A_239], %add3A_237 {strides = array<i32>} : memref<16x1024xf32, #tpu.memory_space<vmem>>, vector<16xf32>,
      %get3A_241 = arith.index_cast %scan3A_152 : i32 to index
      %get3A_242 = arith.constant 144 : index
      %get3A_243 = tpu.vector_load %arg8[%get3A_241, %get3A_242] {strides = array<i32>} : memref<16x1024xf32, #tpu.memory_space<vmem>>, vector<16xf32>,
      %get3A_244 = arith.index_cast %scan3A_152 : i32 to index
      %get3A_245 = arith.constant 144 : index
      %get3A_246 = tpu.vector_load %arg9[%get3A_244, %get3A_245] {strides = array<i32>} : memref<16x1024xf32, #tpu.memory_space<vmem>>, vector<16xf32>,
      %add3A_247 = arith.addf %get3A_243, %get3A_246 : vector<16xf32>
      %swap3A_248 = arith.index_cast %scan3A_152 : i32 to index
      %swap3A_249 = arith.constant 144 : index
      %swap3A_250 = tpu.vector_load %arg8[%swap3A_248, %swap3A_249] {strides = array<i32>} : memref<16x1024xf32, #tpu.memory_space<vmem>>, vector<16xf32>,
      tpu.vector_store %arg8[%swap3A_248, %swap3A_249], %add3A_247 {strides = array<i32>} : memref<16x1024xf32, #tpu.memory_space<vmem>>, vector<16xf32>,
      %get3A_251 = arith.index_cast %scan3A_152 : i32 to index
      %get3A_252 = arith.constant 160 : index
      %get3A_253 = tpu.vector_load %arg8[%get3A_251, %get3A_252] {strides = array<i32>} : memref<16x1024xf32, #tpu.memory_space<vmem>>, vector<16xf32>,
      %get3A_254 = arith.index_cast %scan3A_152 : i32 to index
      %get3A_255 = arith.constant 160 : index
      %get3A_256 = tpu.vector_load %arg9[%get3A_254, %get3A_255] {strides = array<i32>} : memref<16x1024xf32, #tpu.memory_space<vmem>>, vector<16xf32>,
      %add3A_257 = arith.addf %get3A_253, %get3A_256 : vector<16xf32>
      %swap3A_258 = arith.index_cast %scan3A_152 : i32 to index
      %swap3A_259 = arith.constant 160 : index
      %swap3A_260 = tpu.vector_load %arg8[%swap3A_258, %swap3A_259] {strides = array<i32>} : memref<16x1024xf32, #tpu.memory_space<vmem>>, vector<16xf32>,
      tpu.vector_store %arg8[%swap3A_258, %swap3A_259], %add3A_257 {strides = array<i32>} : memref<16x1024xf32, #tpu.memory_space<vmem>>, vector<16xf32>,
      %get3A_261 = arith.index_cast %scan3A_152 : i32 to index
      %get3A_262 = arith.constant 176 : index
      %get3A_263 = tpu.vector_load %arg8[%get3A_261, %get3A_262] {strides = array<i32>} : memref<16x1024xf32, #tpu.memory_space<vmem>>, vector<16xf32>,
      %get3A_264 = arith.index_cast %scan3A_152 : i32 to index
      %get3A_265 = arith.constant 176 : index
      %get3A_266 = tpu.vector_load %arg9[%get3A_264, %get3A_265] {strides = array<i32>} : memref<16x1024xf32, #tpu.memory_space<vmem>>, vector<16xf32>,
      %add3A_267 = arith.addf %get3A_263, %get3A_266 : vector<16xf32>
      %swap3A_268 = arith.index_cast %scan3A_152 : i32 to index
      %swap3A_269 = arith.constant 176 : index
      %swap3A_270 = tpu.vector_load %arg8[%swap3A_268, %swap3A_269] {strides = array<i32>} : memref<16x1024xf32, #tpu.memory_space<vmem>>, vector<16xf32>,
      tpu.vector_store %arg8[%swap3A_268, %swap3A_269], %add3A_267 {strides = array<i32>} : memref<16x1024xf32, #tpu.memory_space<vmem>>, vector<16xf32>,
      %get3A_271 = arith.index_cast %scan3A_152 : i32 to index
      %get3A_272 = arith.constant 192 : index
      %get3A_273 = tpu.vector_load %arg8[%get3A_271, %get3A_272] {strides = array<i32>} : memref<16x1024xf32, #tpu.memory_space<vmem>>, vector<16xf32>,
      %get3A_274 = arith.index_cast %scan3A_152 : i32 to index
      %get3A_275 = arith.constant 192 : index
      %get3A_276 = tpu.vector_load %arg9[%get3A_274, %get3A_275] {strides = array<i32>} : memref<16x1024xf32, #tpu.memory_space<vmem>>, vector<16xf32>,
      %add3A_277 = arith.addf %get3A_273, %get3A_276 : vector<16xf32>
      %swap3A_278 = arith.index_cast %scan3A_152 : i32 to index
      %swap3A_279 = arith.constant 192 : index
      %swap3A_280 = tpu.vector_load %arg8[%swap3A_278, %swap3A_279] {strides = array<i32>} : memref<16x1024xf32, #tpu.memory_space<vmem>>, vector<16xf32>,
      tpu.vector_store %arg8[%swap3A_278, %swap3A_279], %add3A_277 {strides = array<i32>} : memref<16x1024xf32, #tpu.memory_space<vmem>>, vector<16xf32>,
      %get3A_281 = arith.index_cast %scan3A_152 : i32 to index
      %get3A_282 = arith.constant 208 : index
      %get3A_283 = tpu.vector_load %arg8[%get3A_281, %get3A_282] {strides = array<i32>} : memref<16x1024xf32, #tpu.memory_space<vmem>>, vector<16xf32>,
      %get3A_284 = arith.index_cast %scan3A_152 : i32 to index
      %get3A_285 = arith.constant 208 : index
      %get3A_286 = tpu.vector_load %arg9[%get3A_284, %get3A_285] {strides = array<i32>} : memref<16x1024xf32, #tpu.memory_space<vmem>>, vector<16xf32>,
      %add3A_287 = arith.addf %get3A_283, %get3A_286 : vector<16xf32>
      %swap3A_288 = arith.index_cast %scan3A_152 : i32 to index
      %swap3A_289 = arith.constant 208 : index
      %swap3A_290 = tpu.vector_load %arg8[%swap3A_288, %swap3A_289] {strides = array<i32>} : memref<16x1024xf32, #tpu.memory_space<vmem>>, vector<16xf32>,
      tpu.vector_store %arg8[%swap3A_288, %swap3A_289], %add3A_287 {strides = array<i32>} : memref<16x1024xf32, #tpu.memory_space<vmem>>, vector<16xf32>,
      %get3A_291 = arith.index_cast %scan3A_152 : i32 to index
      %get3A_292 = arith.constant 224 : index
      %get3A_293 = tpu.vector_load %arg8[%get3A_291, %get3A_292] {strides = array<i32>} : memref<16x1024xf32, #tpu.memory_space<vmem>>, vector<16xf32>,
      %get3A_294 = arith.index_cast %scan3A_152 : i32 to index
      %get3A_295 = arith.constant 224 : index
      %get3A_296 = tpu.vector_load %arg9[%get3A_294, %get3A_295] {strides = array<i32>} : memref<16x1024xf32, #tpu.memory_space<vmem>>, vector<16xf32>,
      %add3A_297 = arith.addf %get3A_293, %get3A_296 : vector<16xf32>
      %swap3A_298 = arith.index_cast %scan3A_152 : i32 to index
      %swap3A_299 = arith.constant 224 : index
      %swap3A_300 = tpu.vector_load %arg8[%swap3A_298, %swap3A_299] {strides = array<i32>} : memref<16x1024xf32, #tpu.memory_space<vmem>>, vector<16xf32>,
      tpu.vector_store %arg8[%swap3A_298, %swap3A_299], %add3A_297 {strides = array<i32>} : memref<16x1024xf32, #tpu.memory_space<vmem>>, vector<16xf32>,
      %get3A_301 = arith.index_cast %scan3A_152 : i32 to index
      %get3A_302 = arith.constant 240 : index
      %get3A_303 = tpu.vector_load %arg8[%get3A_301, %get3A_302] {strides = array<i32>} : memref<16x1024xf32, #tpu.memory_space<vmem>>, vector<16xf32>,
      %get3A_304 = arith.index_cast %scan3A_152 : i32 to index
      %get3A_305 = arith.constant 240 : index
      %get3A_306 = tpu.vector_load %arg9[%get3A_304, %get3A_305] {strides = array<i32>} : memref<16x1024xf32, #tpu.memory_space<vmem>>, vector<16xf32>,
      %add3A_307 = arith.addf %get3A_303, %get3A_306 : vector<16xf32>
      %swap3A_308 = arith.index_cast %scan3A_152 : i32 to index
      %swap3A_309 = arith.constant 240 : index
      %swap3A_310 = tpu.vector_load %arg8[%swap3A_308, %swap3A_309] {strides = array<i32>} : memref<16x1024xf32, #tpu.memory_space<vmem>>, vector<16xf32>,
      tpu.vector_store %arg8[%swap3A_308, %swap3A_309], %add3A_307 {strides = array<i32>} : memref<16x1024xf32, #tpu.memory_space<vmem>>, vector<16xf32>,
      %get3A_311 = arith.index_cast %scan3A_152 : i32 to index
      %get3A_312 = arith.constant 256 : index
      %get3A_313 = tpu.vector_load %arg8[%get3A_311, %get3A_312] {strides = array<i32>} : memref<16x1024xf32, #tpu.memory_space<vmem>>, vector<16xf32>,
      %get3A_314 = arith.index_cast %scan3A_152 : i32 to index
      %get3A_315 = arith.constant 256 : index
      %get3A_316 = tpu.vector_load %arg9[%get3A_314, %get3A_315] {strides = array<i32>} : memref<16x1024xf32, #tpu.memory_space<vmem>>, vector<16xf32>,
      %add3A_317 = arith.addf %get3A_313, %get3A_316 : vector<16xf32>
      %swap3A_318 = arith.index_cast %scan3A_152 : i32 to index
      %swap3A_319 = arith.constant 256 : index
      %swap3A_320 = tpu.vector_load %arg8[%swap3A_318, %swap3A_319] {strides = array<i32>} : memref<16x1024xf32, #tpu.memory_space<vmem>>, vector<16xf32>,
      tpu.vector_store %arg8[%swap3A_318, %swap3A_319], %add3A_317 {strides = array<i32>} : memref<16x1024xf32, #tpu.memory_space<vmem>>, vector<16xf32>,
      %get3A_321 = arith.index_cast %scan3A_152 : i32 to index
      %get3A_322 = arith.constant 272 : index
      %get3A_323 = tpu.vector_load %arg8[%get3A_321, %get3A_322] {strides = array<i32>} : memref<16x1024xf32, #tpu.memory_space<vmem>>, vector<16xf32>,
      %get3A_324 = arith.index_cast %scan3A_152 : i32 to index
      %get3A_325 = arith.constant 272 : index
      %get3A_326 = tpu.vector_load %arg9[%get3A_324, %get3A_325] {strides = array<i32>} : memref<16x1024xf32, #tpu.memory_space<vmem>>, vector<16xf32>,
      %add3A_327 = arith.addf %get3A_323, %get3A_326 : vector<16xf32>
      %swap3A_328 = arith.index_cast %scan3A_152 : i32 to index
      %swap3A_329 = arith.constant 272 : index
      %swap3A_330 = tpu.vector_load %arg8[%swap3A_328, %swap3A_329] {strides = array<i32>} : memref<16x1024xf32, #tpu.memory_space<vmem>>, vector<16xf32>,
      tpu.vector_store %arg8[%swap3A_328, %swap3A_329], %add3A_327 {strides = array<i32>} : memref<16x1024xf32, #tpu.memory_space<vmem>>, vector<16xf32>,
      %get3A_331 = arith.index_cast %scan3A_152 : i32 to index
      %get3A_332 = arith.constant 288 : index
      %get3A_333 = tpu.vector_load %arg8[%get3A_331, %get3A_332] {strides = array<i32>} : memref<16x1024xf32, #tpu.memory_space<vmem>>, vector<16xf32>,
      %get3A_334 = arith.index_cast %scan3A_152 : i32 to index
      %get3A_335 = arith.constant 288 : index
      %get3A_336 = tpu.vector_load %arg9[%get3A_334, %get3A_335] {strides = array<i32>} : memref<16x1024xf32, #tpu.memory_space<vmem>>, vector<16xf32>,
      %add3A_337 = arith.addf %get3A_333, %get3A_336 : vector<16xf32>
      %swap3A_338 = arith.index_cast %scan3A_152 : i32 to index
      %swap3A_339 = arith.constant 288 : index
      %swap3A_340 = tpu.vector_load %arg8[%swap3A_338, %swap3A_339] {strides = array<i32>} : memref<16x1024xf32, #tpu.memory_space<vmem>>, vector<16xf32>,
      tpu.vector_store %arg8[%swap3A_338, %swap3A_339], %add3A_337 {strides = array<i32>} : memref<16x1024xf32, #tpu.memory_space<vmem>>, vector<16xf32>,
      %get3A_341 = arith.index_cast %scan3A_152 : i32 to index
      %get3A_342 = arith.constant 304 : index
      %get3A_343 = tpu.vector_load %arg8[%get3A_341, %get3A_342] {strides = array<i32>} : memref<16x1024xf32, #tpu.memory_space<vmem>>, vector<16xf32>,
      %get3A_344 = arith.index_cast %scan3A_152 : i32 to index
      %get3A_345 = arith.constant 304 : index
      %get3A_346 = tpu.vector_load %arg9[%get3A_344, %get3A_345] {strides = array<i32>} : memref<16x1024xf32, #tpu.memory_space<vmem>>, vector<16xf32>,
      %add3A_347 = arith.addf %get3A_343, %get3A_346 : vector<16xf32>
      %swap3A_348 = arith.index_cast %scan3A_152 : i32 to index
      %swap3A_349 = arith.constant 304 : index
      %swap3A_350 = tpu.vector_load %arg8[%swap3A_348, %swap3A_349] {strides = array<i32>} : memref<16x1024xf32, #tpu.memory_space<vmem>>, vector<16xf32>,
      tpu.vector_store %arg8[%swap3A_348, %swap3A_349], %add3A_347 {strides = array<i32>} : memref<16x1024xf32, #tpu.memory_space<vmem>>, vector<16xf32>,
      %get3A_351 = arith.index_cast %scan3A_152 : i32 to index
      %get3A_352 = arith.constant 320 : index
      %get3A_353 = tpu.vector_load %arg8[%get3A_351, %get3A_352] {strides = array<i32>} : memref<16x1024xf32, #tpu.memory_space<vmem>>, vector<16xf32>,
      %get3A_354 = arith.index_cast %scan3A_152 : i32 to index
      %get3A_355 = arith.constant 320 : index
      %get3A_356 = tpu.vector_load %arg9[%get3A_354, %get3A_355] {strides = array<i32>} : memref<16x1024xf32, #tpu.memory_space<vmem>>, vector<16xf32>,
      %add3A_357 = arith.addf %get3A_353, %get3A_356 : vector<16xf32>
      %swap3A_358 = arith.index_cast %scan3A_152 : i32 to index
      %swap3A_359 = arith.constant 320 : index
      %swap3A_360 = tpu.vector_load %arg8[%swap3A_358, %swap3A_359] {strides = array<i32>} : memref<16x1024xf32, #tpu.memory_space<vmem>>, vector<16xf32>,
      tpu.vector_store %arg8[%swap3A_358, %swap3A_359], %add3A_357 {strides = array<i32>} : memref<16x1024xf32, #tpu.memory_space<vmem>>, vector<16xf32>,
      %get3A_361 = arith.index_cast %scan3A_152 : i32 to index
      %get3A_362 = arith.constant 336 : index
      %get3A_363 = tpu.vector_load %arg8[%get3A_361, %get3A_362] {strides = array<i32>} : memref<16x1024xf32, #tpu.memory_space<vmem>>, vector<16xf32>,
      %get3A_364 = arith.index_cast %scan3A_152 : i32 to index
      %get3A_365 = arith.constant 336 : index
      %get3A_366 = tpu.vector_load %arg9[%get3A_364, %get3A_365] {strides = array<i32>} : memref<16x1024xf32, #tpu.memory_space<vmem>>, vector<16xf32>,
      %add3A_367 = arith.addf %get3A_363, %get3A_366 : vector<16xf32>
      %swap3A_368 = arith.index_cast %scan3A_152 : i32 to index
      %swap3A_369 = arith.constant 336 : index
      %swap3A_370 = tpu.vector_load %arg8[%swap3A_368, %swap3A_369] {strides = array<i32>} : memref<16x1024xf32, #tpu.memory_space<vmem>>, vector<16xf32>,
      tpu.vector_store %arg8[%swap3A_368, %swap3A_369], %add3A_367 {strides = array<i32>} : memref<16x1024xf32, #tpu.memory_space<vmem>>, vector<16xf32>,
      %get3A_371 = arith.index_cast %scan3A_152 : i32 to index
      %get3A_372 = arith.constant 352 : index
      %get3A_373 = tpu.vector_load %arg8[%get3A_371, %get3A_372] {strides = array<i32>} : memref<16x1024xf32, #tpu.memory_space<vmem>>, vector<16xf32>,
      %get3A_374 = arith.index_cast %scan3A_152 : i32 to index
      %get3A_375 = arith.constant 352 : index
      %get3A_376 = tpu.vector_load %arg9[%get3A_374, %get3A_375] {strides = array<i32>} : memref<16x1024xf32, #tpu.memory_space<vmem>>, vector<16xf32>,
      %add3A_377 = arith.addf %get3A_373, %get3A_376 : vector<16xf32>
      %swap3A_378 = arith.index_cast %scan3A_152 : i32 to index
      %swap3A_379 = arith.constant 352 : index
      %swap3A_380 = tpu.vector_load %arg8[%swap3A_378, %swap3A_379] {strides = array<i32>} : memref<16x1024xf32, #tpu.memory_space<vmem>>, vector<16xf32>,
      tpu.vector_store %arg8[%swap3A_378, %swap3A_379], %add3A_377 {strides = array<i32>} : memref<16x1024xf32, #tpu.memory_space<vmem>>, vector<16xf32>,
      %get3A_381 = arith.index_cast %scan3A_152 : i32 to index
      %get3A_382 = arith.constant 368 : index
      %get3A_383 = tpu.vector_load %arg8[%get3A_381, %get3A_382] {strides = array<i32>} : memref<16x1024xf32, #tpu.memory_space<vmem>>, vector<16xf32>,
      %get3A_384 = arith.index_cast %scan3A_152 : i32 to index
      %get3A_385 = arith.constant 368 : index
      %get3A_386 = tpu.vector_load %arg9[%get3A_384, %get3A_385] {strides = array<i32>} : memref<16x1024xf32, #tpu.memory_space<vmem>>, vector<16xf32>,
      %add3A_387 = arith.addf %get3A_383, %get3A_386 : vector<16xf32>
      %swap3A_388 = arith.index_cast %scan3A_152 : i32 to index
      %swap3A_389 = arith.constant 368 : index
      %swap3A_390 = tpu.vector_load %arg8[%swap3A_388, %swap3A_389] {strides = array<i32>} : memref<16x1024xf32, #tpu.memory_space<vmem>>, vector<16xf32>,
      tpu.vector_store %arg8[%swap3A_388, %swap3A_389], %add3A_387 {strides = array<i32>} : memref<16x1024xf32, #tpu.memory_space<vmem>>, vector<16xf32>,
      %get3A_391 = arith.index_cast %scan3A_152 : i32 to index
      %get3A_392 = arith.constant 384 : index
      %get3A_393 = tpu.vector_load %arg8[%get3A_391, %get3A_392] {strides = array<i32>} : memref<16x1024xf32, #tpu.memory_space<vmem>>, vector<16xf32>,
      %get3A_394 = arith.index_cast %scan3A_152 : i32 to index
      %get3A_395 = arith.constant 384 : index
      %get3A_396 = tpu.vector_load %arg9[%get3A_394, %get3A_395] {strides = array<i32>} : memref<16x1024xf32, #tpu.memory_space<vmem>>, vector<16xf32>,
      %add3A_397 = arith.addf %get3A_393, %get3A_396 : vector<16xf32>
      %swap3A_398 = arith.index_cast %scan3A_152 : i32 to index
      %swap3A_399 = arith.constant 384 : index
      %swap3A_400 = tpu.vector_load %arg8[%swap3A_398, %swap3A_399] {strides = array<i32>} : memref<16x1024xf32, #tpu.memory_space<vmem>>, vector<16xf32>,
      tpu.vector_store %arg8[%swap3A_398, %swap3A_399], %add3A_397 {strides = array<i32>} : memref<16x1024xf32, #tpu.memory_space<vmem>>, vector<16xf32>,
      %get3A_401 = arith.index_cast %scan3A_152 : i32 to index
      %get3A_402 = arith.constant 400 : index
      %get3A_403 = tpu.vector_load %arg8[%get3A_401, %get3A_402] {strides = array<i32>} : memref<16x1024xf32, #tpu.memory_space<vmem>>, vector<16xf32>,
      %get3A_404 = arith.index_cast %scan3A_152 : i32 to index
      %get3A_405 = arith.constant 400 : index
      %get3A_406 = tpu.vector_load %arg9[%get3A_404, %get3A_405] {strides = array<i32>} : memref<16x1024xf32, #tpu.memory_space<vmem>>, vector<16xf32>,
      %add3A_407 = arith.addf %get3A_403, %get3A_406 : vector<16xf32>
      %swap3A_408 = arith.index_cast %scan3A_152 : i32 to index
      %swap3A_409 = arith.constant 400 : index
      %swap3A_410 = tpu.vector_load %arg8[%swap3A_408, %swap3A_409] {strides = array<i32>} : memref<16x1024xf32, #tpu.memory_space<vmem>>, vector<16xf32>,
      tpu.vector_store %arg8[%swap3A_408, %swap3A_409], %add3A_407 {strides = array<i32>} : memref<16x1024xf32, #tpu.memory_space<vmem>>, vector<16xf32>,
      %get3A_411 = arith.index_cast %scan3A_152 : i32 to index
      %get3A_412 = arith.constant 416 : index
      %get3A_413 = tpu.vector_load %arg8[%get3A_411, %get3A_412] {strides = array<i32>} : memref<16x1024xf32, #tpu.memory_space<vmem>>, vector<16xf32>,
      %get3A_414 = arith.index_cast %scan3A_152 : i32 to index
      %get3A_415 = arith.constant 416 : index
      %get3A_416 = tpu.vector_load %arg9[%get3A_414, %get3A_415] {strides = array<i32>} : memref<16x1024xf32, #tpu.memory_space<vmem>>, vector<16xf32>,
      %add3A_417 = arith.addf %get3A_413, %get3A_416 : vector<16xf32>
      %swap3A_418 = arith.index_cast %scan3A_152 : i32 to index
      %swap3A_419 = arith.constant 416 : index
      %swap3A_420 = tpu.vector_load %arg8[%swap3A_418, %swap3A_419] {strides = array<i32>} : memref<16x1024xf32, #tpu.memory_space<vmem>>, vector<16xf32>,
      tpu.vector_store %arg8[%swap3A_418, %swap3A_419], %add3A_417 {strides = array<i32>} : memref<16x1024xf32, #tpu.memory_space<vmem>>, vector<16xf32>,
      %get3A_421 = arith.index_cast %scan3A_152 : i32 to index
      %get3A_422 = arith.constant 432 : index
      %get3A_423 = tpu.vector_load %arg8[%get3A_421, %get3A_422] {strides = array<i32>} : memref<16x1024xf32, #tpu.memory_space<vmem>>, vector<16xf32>,
      %get3A_424 = arith.index_cast %scan3A_152 : i32 to index
      %get3A_425 = arith.constant 432 : index
      %get3A_426 = tpu.vector_load %arg9[%get3A_424, %get3A_425] {strides = array<i32>} : memref<16x1024xf32, #tpu.memory_space<vmem>>, vector<16xf32>,
      %add3A_427 = arith.addf %get3A_423, %get3A_426 : vector<16xf32>
      %swap3A_428 = arith.index_cast %scan3A_152 : i32 to index
      %swap3A_429 = arith.constant 432 : index
      %swap3A_430 = tpu.vector_load %arg8[%swap3A_428, %swap3A_429] {strides = array<i32>} : memref<16x1024xf32, #tpu.memory_space<vmem>>, vector<16xf32>,
      tpu.vector_store %arg8[%swap3A_428, %swap3A_429], %add3A_427 {strides = array<i32>} : memref<16x1024xf32, #tpu.memory_space<vmem>>, vector<16xf32>,
      %get3A_431 = arith.index_cast %scan3A_152 : i32 to index
      %get3A_432 = arith.constant 448 : index
      %get3A_433 = tpu.vector_load %arg8[%get3A_431, %get3A_432] {strides = array<i32>} : memref<16x1024xf32, #tpu.memory_space<vmem>>, vector<16xf32>,
      %get3A_434 = arith.index_cast %scan3A_152 : i32 to index
      %get3A_435 = arith.constant 448 : index
      %get3A_436 = tpu.vector_load %arg9[%get3A_434, %get3A_435] {strides = array<i32>} : memref<16x1024xf32, #tpu.memory_space<vmem>>, vector<16xf32>,
      %add3A_437 = arith.addf %get3A_433, %get3A_436 : vector<16xf32>
      %swap3A_438 = arith.index_cast %scan3A_152 : i32 to index
      %swap3A_439 = arith.constant 448 : index
      %swap3A_440 = tpu.vector_load %arg8[%swap3A_438, %swap3A_439] {strides = array<i32>} : memref<16x1024xf32, #tpu.memory_space<vmem>>, vector<16xf32>,
      tpu.vector_store %arg8[%swap3A_438, %swap3A_439], %add3A_437 {strides = array<i32>} : memref<16x1024xf32, #tpu.memory_space<vmem>>, vector<16xf32>,
      %get3A_441 = arith.index_cast %scan3A_152 : i32 to index
      %get3A_442 = arith.constant 464 : index
      %get3A_443 = tpu.vector_load %arg8[%get3A_441, %get3A_442] {strides = array<i32>} : memref<16x1024xf32, #tpu.memory_space<vmem>>, vector<16xf32>,
      %get3A_444 = arith.index_cast %scan3A_152 : i32 to index
      %get3A_445 = arith.constant 464 : index
      %get3A_446 = tpu.vector_load %arg9[%get3A_444, %get3A_445] {strides = array<i32>} : memref<16x1024xf32, #tpu.memory_space<vmem>>, vector<16xf32>,
      %add3A_447 = arith.addf %get3A_443, %get3A_446 : vector<16xf32>
      %swap3A_448 = arith.index_cast %scan3A_152 : i32 to index
      %swap3A_449 = arith.constant 464 : index
      %swap3A_450 = tpu.vector_load %arg8[%swap3A_448, %swap3A_449] {strides = array<i32>} : memref<16x1024xf32, #tpu.memory_space<vmem>>, vector<16xf32>,
      tpu.vector_store %arg8[%swap3A_448, %swap3A_449], %add3A_447 {strides = array<i32>} : memref<16x1024xf32, #tpu.memory_space<vmem>>, vector<16xf32>,
      %get3A_451 = arith.index_cast %scan3A_152 : i32 to index
      %get3A_452 = arith.constant 480 : index
      %get3A_453 = tpu.vector_load %arg8[%get3A_451, %get3A_452] {strides = array<i32>} : memref<16x1024xf32, #tpu.memory_space<vmem>>, vector<16xf32>,
      %get3A_454 = arith.index_cast %scan3A_152 : i32 to index
      %get3A_455 = arith.constant 480 : index
      %get3A_456 = tpu.vector_load %arg9[%get3A_454, %get3A_455] {strides = array<i32>} : memref<16x1024xf32, #tpu.memory_space<vmem>>, vector<16xf32>,
      %add3A_457 = arith.addf %get3A_453, %get3A_456 : vector<16xf32>
      %swap3A_458 = arith.index_cast %scan3A_152 : i32 to index
      %swap3A_459 = arith.constant 480 : index
      %swap3A_460 = tpu.vector_load %arg8[%swap3A_458, %swap3A_459] {strides = array<i32>} : memref<16x1024xf32, #tpu.memory_space<vmem>>, vector<16xf32>,
      tpu.vector_store %arg8[%swap3A_458, %swap3A_459], %add3A_457 {strides = array<i32>} : memref<16x1024xf32, #tpu.memory_space<vmem>>, vector<16xf32>,
      %get3A_461 = arith.index_cast %scan3A_152 : i32 to index
      %get3A_462 = arith.constant 496 : index
      %get3A_463 = tpu.vector_load %arg8[%get3A_461, %get3A_462] {strides = array<i32>} : memref<16x1024xf32, #tpu.memory_space<vmem>>, vector<16xf32>,
      %get3A_464 = arith.index_cast %scan3A_152 : i32 to index
      %get3A_465 = arith.constant 496 : index
      %get3A_466 = tpu.vector_load %arg9[%get3A_464, %get3A_465] {strides = array<i32>} : memref<16x1024xf32, #tpu.memory_space<vmem>>, vector<16xf32>,
      %add3A_467 = arith.addf %get3A_463, %get3A_466 : vector<16xf32>
      %swap3A_468 = arith.index_cast %scan3A_152 : i32 to index
      %swap3A_469 = arith.constant 496 : index
      %swap3A_470 = tpu.vector_load %arg8[%swap3A_468, %swap3A_469] {strides = array<i32>} : memref<16x1024xf32, #tpu.memory_space<vmem>>, vector<16xf32>,
      tpu.vector_store %arg8[%swap3A_468, %swap3A_469], %add3A_467 {strides = array<i32>} : memref<16x1024xf32, #tpu.memory_space<vmem>>, vector<16xf32>,
      %get3A_471 = arith.index_cast %scan3A_152 : i32 to index
      %get3A_472 = arith.constant 512 : index
      %get3A_473 = tpu.vector_load %arg8[%get3A_471, %get3A_472] {strides = array<i32>} : memref<16x1024xf32, #tpu.memory_space<vmem>>, vector<16xf32>,
      %get3A_474 = arith.index_cast %scan3A_152 : i32 to index
      %get3A_475 = arith.constant 512 : index
      %get3A_476 = tpu.vector_load %arg9[%get3A_474, %get3A_475] {strides = array<i32>} : memref<16x1024xf32, #tpu.memory_space<vmem>>, vector<16xf32>,
      %add3A_477 = arith.addf %get3A_473, %get3A_476 : vector<16xf32>
      %swap3A_478 = arith.index_cast %scan3A_152 : i32 to index
      %swap3A_479 = arith.constant 512 : index
      %swap3A_480 = tpu.vector_load %arg8[%swap3A_478, %swap3A_479] {strides = array<i32>} : memref<16x1024xf32, #tpu.memory_space<vmem>>, vector<16xf32>,
      tpu.vector_store %arg8[%swap3A_478, %swap3A_479], %add3A_477 {strides = array<i32>} : memref<16x1024xf32, #tpu.memory_space<vmem>>, vector<16xf32>,
      %get3A_481 = arith.index_cast %scan3A_152 : i32 to index
      %get3A_482 = arith.constant 528 : index
      %get3A_483 = tpu.vector_load %arg8[%get3A_481, %get3A_482] {strides = array<i32>} : memref<16x1024xf32, #tpu.memory_space<vmem>>, vector<16xf32>,
      %get3A_484 = arith.index_cast %scan3A_152 : i32 to index
      %get3A_485 = arith.constant 528 : index
      %get3A_486 = tpu.vector_load %arg9[%get3A_484, %get3A_485] {strides = array<i32>} : memref<16x1024xf32, #tpu.memory_space<vmem>>, vector<16xf32>,
      %add3A_487 = arith.addf %get3A_483, %get3A_486 : vector<16xf32>
      %swap3A_488 = arith.index_cast %scan3A_152 : i32 to index
      %swap3A_489 = arith.constant 528 : index
      %swap3A_490 = tpu.vector_load %arg8[%swap3A_488, %swap3A_489] {strides = array<i32>} : memref<16x1024xf32, #tpu.memory_space<vmem>>, vector<16xf32>,
      tpu.vector_store %arg8[%swap3A_488, %swap3A_489], %add3A_487 {strides = array<i32>} : memref<16x1024xf32, #tpu.memory_space<vmem>>, vector<16xf32>,
      %get3A_491 = arith.index_cast %scan3A_152 : i32 to index
      %get3A_492 = arith.constant 544 : index
      %get3A_493 = tpu.vector_load %arg8[%get3A_491, %get3A_492] {strides = array<i32>} : memref<16x1024xf32, #tpu.memory_space<vmem>>, vector<16xf32>,
      %get3A_494 = arith.index_cast %scan3A_152 : i32 to index
      %get3A_495 = arith.constant 544 : index
      %get3A_496 = tpu.vector_load %arg9[%get3A_494, %get3A_495] {strides = array<i32>} : memref<16x1024xf32, #tpu.memory_space<vmem>>, vector<16xf32>,
      %add3A_497 = arith.addf %get3A_493, %get3A_496 : vector<16xf32>
      %swap3A_498 = arith.index_cast %scan3A_152 : i32 to index
      %swap3A_499 = arith.constant 544 : index
      %swap3A_500 = tpu.vector_load %arg8[%swap3A_498, %swap3A_499] {strides = array<i32>} : memref<16x1024xf32, #tpu.memory_space<vmem>>, vector<16xf32>,
      tpu.vector_store %arg8[%swap3A_498, %swap3A_499], %add3A_497 {strides = array<i32>} : memref<16x1024xf32, #tpu.memory_space<vmem>>, vector<16xf32>,
      %get3A_501 = arith.index_cast %scan3A_152 : i32 to index
      %get3A_502 = arith.constant 560 : index
      %get3A_503 = tpu.vector_load %arg8[%get3A_501, %get3A_502] {strides = array<i32>} : memref<16x1024xf32, #tpu.memory_space<vmem>>, vector<16xf32>,
      %get3A_504 = arith.index_cast %scan3A_152 : i32 to index
      %get3A_505 = arith.constant 560 : index
      %get3A_506 = tpu.vector_load %arg9[%get3A_504, %get3A_505] {strides = array<i32>} : memref<16x1024xf32, #tpu.memory_space<vmem>>, vector<16xf32>,
      %add3A_507 = arith.addf %get3A_503, %get3A_506 : vector<16xf32>
      %swap3A_508 = arith.index_cast %scan3A_152 : i32 to index
      %swap3A_509 = arith.constant 560 : index
      %swap3A_510 = tpu.vector_load %arg8[%swap3A_508, %swap3A_509] {strides = array<i32>} : memref<16x1024xf32, #tpu.memory_space<vmem>>, vector<16xf32>,
      tpu.vector_store %arg8[%swap3A_508, %swap3A_509], %add3A_507 {strides = array<i32>} : memref<16x1024xf32, #tpu.memory_space<vmem>>, vector<16xf32>,
      %get3A_511 = arith.index_cast %scan3A_152 : i32 to index
      %get3A_512 = arith.constant 576 : index
      %get3A_513 = tpu.vector_load %arg8[%get3A_511, %get3A_512] {strides = array<i32>} : memref<16x1024xf32, #tpu.memory_space<vmem>>, vector<16xf32>,
      %get3A_514 = arith.index_cast %scan3A_152 : i32 to index
      %get3A_515 = arith.constant 576 : index
      %get3A_516 = tpu.vector_load %arg9[%get3A_514, %get3A_515] {strides = array<i32>} : memref<16x1024xf32, #tpu.memory_space<vmem>>, vector<16xf32>,
      %add3A_517 = arith.addf %get3A_513, %get3A_516 : vector<16xf32>
      %swap3A_518 = arith.index_cast %scan3A_152 : i32 to index
      %swap3A_519 = arith.constant 576 : index
      %swap3A_520 = tpu.vector_load %arg8[%swap3A_518, %swap3A_519] {strides = array<i32>} : memref<16x1024xf32, #tpu.memory_space<vmem>>, vector<16xf32>,
      tpu.vector_store %arg8[%swap3A_518, %swap3A_519], %add3A_517 {strides = array<i32>} : memref<16x1024xf32, #tpu.memory_space<vmem>>, vector<16xf32>,
      %get3A_521 = arith.index_cast %scan3A_152 : i32 to index
      %get3A_522 = arith.constant 592 : index
      %get3A_523 = tpu.vector_load %arg8[%get3A_521, %get3A_522] {strides = array<i32>} : memref<16x1024xf32, #tpu.memory_space<vmem>>, vector<16xf32>,
      %get3A_524 = arith.index_cast %scan3A_152 : i32 to index
      %get3A_525 = arith.constant 592 : index
      %get3A_526 = tpu.vector_load %arg9[%get3A_524, %get3A_525] {strides = array<i32>} : memref<16x1024xf32, #tpu.memory_space<vmem>>, vector<16xf32>,
      %add3A_527 = arith.addf %get3A_523, %get3A_526 : vector<16xf32>
      %swap3A_528 = arith.index_cast %scan3A_152 : i32 to index
      %swap3A_529 = arith.constant 592 : index
      %swap3A_530 = tpu.vector_load %arg8[%swap3A_528, %swap3A_529] {strides = array<i32>} : memref<16x1024xf32, #tpu.memory_space<vmem>>, vector<16xf32>,
      tpu.vector_store %arg8[%swap3A_528, %swap3A_529], %add3A_527 {strides = array<i32>} : memref<16x1024xf32, #tpu.memory_space<vmem>>, vector<16xf32>,
      %get3A_531 = arith.index_cast %scan3A_152 : i32 to index
      %get3A_532 = arith.constant 608 : index
      %get3A_533 = tpu.vector_load %arg8[%get3A_531, %get3A_532] {strides = array<i32>} : memref<16x1024xf32, #tpu.memory_space<vmem>>, vector<16xf32>,
      %get3A_534 = arith.index_cast %scan3A_152 : i32 to index
      %get3A_535 = arith.constant 608 : index
      %get3A_536 = tpu.vector_load %arg9[%get3A_534, %get3A_535] {strides = array<i32>} : memref<16x1024xf32, #tpu.memory_space<vmem>>, vector<16xf32>,
      %add3A_537 = arith.addf %get3A_533, %get3A_536 : vector<16xf32>
      %swap3A_538 = arith.index_cast %scan3A_152 : i32 to index
      %swap3A_539 = arith.constant 608 : index
      %swap3A_540 = tpu.vector_load %arg8[%swap3A_538, %swap3A_539] {strides = array<i32>} : memref<16x1024xf32, #tpu.memory_space<vmem>>, vector<16xf32>,
      tpu.vector_store %arg8[%swap3A_538, %swap3A_539], %add3A_537 {strides = array<i32>} : memref<16x1024xf32, #tpu.memory_space<vmem>>, vector<16xf32>,
      %get3A_541 = arith.index_cast %scan3A_152 : i32 to index
      %get3A_542 = arith.constant 624 : index
      %get3A_543 = tpu.vector_load %arg8[%get3A_541, %get3A_542] {strides = array<i32>} : memref<16x1024xf32, #tpu.memory_space<vmem>>, vector<16xf32>,
      %get3A_544 = arith.index_cast %scan3A_152 : i32 to index
      %get3A_545 = arith.constant 624 : index
      %get3A_546 = tpu.vector_load %arg9[%get3A_544, %get3A_545] {strides = array<i32>} : memref<16x1024xf32, #tpu.memory_space<vmem>>, vector<16xf32>,
      %add3A_547 = arith.addf %get3A_543, %get3A_546 : vector<16xf32>
      %swap3A_548 = arith.index_cast %scan3A_152 : i32 to index
      %swap3A_549 = arith.constant 624 : index
      %swap3A_550 = tpu.vector_load %arg8[%swap3A_548, %swap3A_549] {strides = array<i32>} : memref<16x1024xf32, #tpu.memory_space<vmem>>, vector<16xf32>,
      tpu.vector_store %arg8[%swap3A_548, %swap3A_549], %add3A_547 {strides = array<i32>} : memref<16x1024xf32, #tpu.memory_space<vmem>>, vector<16xf32>,
      %get3A_551 = arith.index_cast %scan3A_152 : i32 to index
      %get3A_552 = arith.constant 640 : index
      %get3A_553 = tpu.vector_load %arg8[%get3A_551, %get3A_552] {strides = array<i32>} : memref<16x1024xf32, #tpu.memory_space<vmem>>, vector<16xf32>,
      %get3A_554 = arith.index_cast %scan3A_152 : i32 to index
      %get3A_555 = arith.constant 640 : index
      %get3A_556 = tpu.vector_load %arg9[%get3A_554, %get3A_555] {strides = array<i32>} : memref<16x1024xf32, #tpu.memory_space<vmem>>, vector<16xf32>,
      %add3A_557 = arith.addf %get3A_553, %get3A_556 : vector<16xf32>
      %swap3A_558 = arith.index_cast %scan3A_152 : i32 to index
      %swap3A_559 = arith.constant 640 : index
      %swap3A_560 = tpu.vector_load %arg8[%swap3A_558, %swap3A_559] {strides = array<i32>} : memref<16x1024xf32, #tpu.memory_space<vmem>>, vector<16xf32>,
      tpu.vector_store %arg8[%swap3A_558, %swap3A_559], %add3A_557 {strides = array<i32>} : memref<16x1024xf32, #tpu.memory_space<vmem>>, vector<16xf32>,
      %get3A_561 = arith.index_cast %scan3A_152 : i32 to index
      %get3A_562 = arith.constant 656 : index
      %get3A_563 = tpu.vector_load %arg8[%get3A_561, %get3A_562] {strides = array<i32>} : memref<16x1024xf32, #tpu.memory_space<vmem>>, vector<16xf32>,
      %get3A_564 = arith.index_cast %scan3A_152 : i32 to index
      %get3A_565 = arith.constant 656 : index
      %get3A_566 = tpu.vector_load %arg9[%get3A_564, %get3A_565] {strides = array<i32>} : memref<16x1024xf32, #tpu.memory_space<vmem>>, vector<16xf32>,
      %add3A_567 = arith.addf %get3A_563, %get3A_566 : vector<16xf32>
      %swap3A_568 = arith.index_cast %scan3A_152 : i32 to index
      %swap3A_569 = arith.constant 656 : index
      %swap3A_570 = tpu.vector_load %arg8[%swap3A_568, %swap3A_569] {strides = array<i32>} : memref<16x1024xf32, #tpu.memory_space<vmem>>, vector<16xf32>,
      tpu.vector_store %arg8[%swap3A_568, %swap3A_569], %add3A_567 {strides = array<i32>} : memref<16x1024xf32, #tpu.memory_space<vmem>>, vector<16xf32>,
      %get3A_571 = arith.index_cast %scan3A_152 : i32 to index
      %get3A_572 = arith.constant 672 : index
      %get3A_573 = tpu.vector_load %arg8[%get3A_571, %get3A_572] {strides = array<i32>} : memref<16x1024xf32, #tpu.memory_space<vmem>>, vector<16xf32>,
      %get3A_574 = arith.index_cast %scan3A_152 : i32 to index
      %get3A_575 = arith.constant 672 : index
      %get3A_576 = tpu.vector_load %arg9[%get3A_574, %get3A_575] {strides = array<i32>} : memref<16x1024xf32, #tpu.memory_space<vmem>>, vector<16xf32>,
      %add3A_577 = arith.addf %get3A_573, %get3A_576 : vector<16xf32>
      %swap3A_578 = arith.index_cast %scan3A_152 : i32 to index
      %swap3A_579 = arith.constant 672 : index
      %swap3A_580 = tpu.vector_load %arg8[%swap3A_578, %swap3A_579] {strides = array<i32>} : memref<16x1024xf32, #tpu.memory_space<vmem>>, vector<16xf32>,
      tpu.vector_store %arg8[%swap3A_578, %swap3A_579], %add3A_577 {strides = array<i32>} : memref<16x1024xf32, #tpu.memory_space<vmem>>, vector<16xf32>,
      %get3A_581 = arith.index_cast %scan3A_152 : i32 to index
      %get3A_582 = arith.constant 688 : index
      %get3A_583 = tpu.vector_load %arg8[%get3A_581, %get3A_582] {strides = array<i32>} : memref<16x1024xf32, #tpu.memory_space<vmem>>, vector<16xf32>,
      %get3A_584 = arith.index_cast %scan3A_152 : i32 to index
      %get3A_585 = arith.constant 688 : index
      %get3A_586 = tpu.vector_load %arg9[%get3A_584, %get3A_585] {strides = array<i32>} : memref<16x1024xf32, #tpu.memory_space<vmem>>, vector<16xf32>,
      %add3A_587 = arith.addf %get3A_583, %get3A_586 : vector<16xf32>
      %swap3A_588 = arith.index_cast %scan3A_152 : i32 to index
      %swap3A_589 = arith.constant 688 : index
      %swap3A_590 = tpu.vector_load %arg8[%swap3A_588, %swap3A_589] {strides = array<i32>} : memref<16x1024xf32, #tpu.memory_space<vmem>>, vector<16xf32>,
      tpu.vector_store %arg8[%swap3A_588, %swap3A_589], %add3A_587 {strides = array<i32>} : memref<16x1024xf32, #tpu.memory_space<vmem>>, vector<16xf32>,
      %get3A_591 = arith.index_cast %scan3A_152 : i32 to index
      %get3A_592 = arith.constant 704 : index
      %get3A_593 = tpu.vector_load %arg8[%get3A_591, %get3A_592] {strides = array<i32>} : memref<16x1024xf32, #tpu.memory_space<vmem>>, vector<16xf32>,
      %get3A_594 = arith.index_cast %scan3A_152 : i32 to index
      %get3A_595 = arith.constant 704 : index
      %get3A_596 = tpu.vector_load %arg9[%get3A_594, %get3A_595] {strides = array<i32>} : memref<16x1024xf32, #tpu.memory_space<vmem>>, vector<16xf32>,
      %add3A_597 = arith.addf %get3A_593, %get3A_596 : vector<16xf32>
      %swap3A_598 = arith.index_cast %scan3A_152 : i32 to index
      %swap3A_599 = arith.constant 704 : index
      %swap3A_600 = tpu.vector_load %arg8[%swap3A_598, %swap3A_599] {strides = array<i32>} : memref<16x1024xf32, #tpu.memory_space<vmem>>, vector<16xf32>,
      tpu.vector_store %arg8[%swap3A_598, %swap3A_599], %add3A_597 {strides = array<i32>} : memref<16x1024xf32, #tpu.memory_space<vmem>>, vector<16xf32>,
      %get3A_601 = arith.index_cast %scan3A_152 : i32 to index
      %get3A_602 = arith.constant 720 : index
      %get3A_603 = tpu.vector_load %arg8[%get3A_601, %get3A_602] {strides = array<i32>} : memref<16x1024xf32, #tpu.memory_space<vmem>>, vector<16xf32>,
      %get3A_604 = arith.index_cast %scan3A_152 : i32 to index
      %get3A_605 = arith.constant 720 : index
      %get3A_606 = tpu.vector_load %arg9[%get3A_604, %get3A_605] {strides = array<i32>} : memref<16x1024xf32, #tpu.memory_space<vmem>>, vector<16xf32>,
      %add3A_607 = arith.addf %get3A_603, %get3A_606 : vector<16xf32>
      %swap3A_608 = arith.index_cast %scan3A_152 : i32 to index
      %swap3A_609 = arith.constant 720 : index
      %swap3A_610 = tpu.vector_load %arg8[%swap3A_608, %swap3A_609] {strides = array<i32>} : memref<16x1024xf32, #tpu.memory_space<vmem>>, vector<16xf32>,
      tpu.vector_store %arg8[%swap3A_608, %swap3A_609], %add3A_607 {strides = array<i32>} : memref<16x1024xf32, #tpu.memory_space<vmem>>, vector<16xf32>,
      %get3A_611 = arith.index_cast %scan3A_152 : i32 to index
      %get3A_612 = arith.constant 736 : index
      %get3A_613 = tpu.vector_load %arg8[%get3A_611, %get3A_612] {strides = array<i32>} : memref<16x1024xf32, #tpu.memory_space<vmem>>, vector<16xf32>,
      %get3A_614 = arith.index_cast %scan3A_152 : i32 to index
      %get3A_615 = arith.constant 736 : index
      %get3A_616 = tpu.vector_load %arg9[%get3A_614, %get3A_615] {strides = array<i32>} : memref<16x1024xf32, #tpu.memory_space<vmem>>, vector<16xf32>,
      %add3A_617 = arith.addf %get3A_613, %get3A_616 : vector<16xf32>
      %swap3A_618 = arith.index_cast %scan3A_152 : i32 to index
      %swap3A_619 = arith.constant 736 : index
      %swap3A_620 = tpu.vector_load %arg8[%swap3A_618, %swap3A_619] {strides = array<i32>} : memref<16x1024xf32, #tpu.memory_space<vmem>>, vector<16xf32>,
      tpu.vector_store %arg8[%swap3A_618, %swap3A_619], %add3A_617 {strides = array<i32>} : memref<16x1024xf32, #tpu.memory_space<vmem>>, vector<16xf32>,
      %get3A_621 = arith.index_cast %scan3A_152 : i32 to index
      %get3A_622 = arith.constant 752 : index
      %get3A_623 = tpu.vector_load %arg8[%get3A_621, %get3A_622] {strides = array<i32>} : memref<16x1024xf32, #tpu.memory_space<vmem>>, vector<16xf32>,
      %get3A_624 = arith.index_cast %scan3A_152 : i32 to index
      %get3A_625 = arith.constant 752 : index
      %get3A_626 = tpu.vector_load %arg9[%get3A_624, %get3A_625] {strides = array<i32>} : memref<16x1024xf32, #tpu.memory_space<vmem>>, vector<16xf32>,
      %add3A_627 = arith.addf %get3A_623, %get3A_626 : vector<16xf32>
      %swap3A_628 = arith.index_cast %scan3A_152 : i32 to index
      %swap3A_629 = arith.constant 752 : index
      %swap3A_630 = tpu.vector_load %arg8[%swap3A_628, %swap3A_629] {strides = array<i32>} : memref<16x1024xf32, #tpu.memory_space<vmem>>, vector<16xf32>,
      tpu.vector_store %arg8[%swap3A_628, %swap3A_629], %add3A_627 {strides = array<i32>} : memref<16x1024xf32, #tpu.memory_space<vmem>>, vector<16xf32>,
      %get3A_631 = arith.index_cast %scan3A_152 : i32 to index
      %get3A_632 = arith.constant 768 : index
      %get3A_633 = tpu.vector_load %arg8[%get3A_631, %get3A_632] {strides = array<i32>} : memref<16x1024xf32, #tpu.memory_space<vmem>>, vector<16xf32>,
      %get3A_634 = arith.index_cast %scan3A_152 : i32 to index
      %get3A_635 = arith.constant 768 : index
      %get3A_636 = tpu.vector_load %arg9[%get3A_634, %get3A_635] {strides = array<i32>} : memref<16x1024xf32, #tpu.memory_space<vmem>>, vector<16xf32>,
      %add3A_637 = arith.addf %get3A_633, %get3A_636 : vector<16xf32>
      %swap3A_638 = arith.index_cast %scan3A_152 : i32 to index
      %swap3A_639 = arith.constant 768 : index
      %swap3A_640 = tpu.vector_load %arg8[%swap3A_638, %swap3A_639] {strides = array<i32>} : memref<16x1024xf32, #tpu.memory_space<vmem>>, vector<16xf32>,
      tpu.vector_store %arg8[%swap3A_638, %swap3A_639], %add3A_637 {strides = array<i32>} : memref<16x1024xf32, #tpu.memory_space<vmem>>, vector<16xf32>,
      %get3A_641 = arith.index_cast %scan3A_152 : i32 to index
      %get3A_642 = arith.constant 784 : index
      %get3A_643 = tpu.vector_load %arg8[%get3A_641, %get3A_642] {strides = array<i32>} : memref<16x1024xf32, #tpu.memory_space<vmem>>, vector<16xf32>,
      %get3A_644 = arith.index_cast %scan3A_152 : i32 to index
      %get3A_645 = arith.constant 784 : index
      %get3A_646 = tpu.vector_load %arg9[%get3A_644, %get3A_645] {strides = array<i32>} : memref<16x1024xf32, #tpu.memory_space<vmem>>, vector<16xf32>,
      %add3A_647 = arith.addf %get3A_643, %get3A_646 : vector<16xf32>
      %swap3A_648 = arith.index_cast %scan3A_152 : i32 to index
      %swap3A_649 = arith.constant 784 : index
      %swap3A_650 = tpu.vector_load %arg8[%swap3A_648, %swap3A_649] {strides = array<i32>} : memref<16x1024xf32, #tpu.memory_space<vmem>>, vector<16xf32>,
      tpu.vector_store %arg8[%swap3A_648, %swap3A_649], %add3A_647 {strides = array<i32>} : memref<16x1024xf32, #tpu.memory_space<vmem>>, vector<16xf32>,
      %get3A_651 = arith.index_cast %scan3A_152 : i32 to index
      %get3A_652 = arith.constant 800 : index
      %get3A_653 = tpu.vector_load %arg8[%get3A_651, %get3A_652] {strides = array<i32>} : memref<16x1024xf32, #tpu.memory_space<vmem>>, vector<16xf32>,
      %get3A_654 = arith.index_cast %scan3A_152 : i32 to index
      %get3A_655 = arith.constant 800 : index
      %get3A_656 = tpu.vector_load %arg9[%get3A_654, %get3A_655] {strides = array<i32>} : memref<16x1024xf32, #tpu.memory_space<vmem>>, vector<16xf32>,
      %add3A_657 = arith.addf %get3A_653, %get3A_656 : vector<16xf32>
      %swap3A_658 = arith.index_cast %scan3A_152 : i32 to index
      %swap3A_659 = arith.constant 800 : index
      %swap3A_660 = tpu.vector_load %arg8[%swap3A_658, %swap3A_659] {strides = array<i32>} : memref<16x1024xf32, #tpu.memory_space<vmem>>, vector<16xf32>,
      tpu.vector_store %arg8[%swap3A_658, %swap3A_659], %add3A_657 {strides = array<i32>} : memref<16x1024xf32, #tpu.memory_space<vmem>>, vector<16xf32>,
      %get3A_661 = arith.index_cast %scan3A_152 : i32 to index
      %get3A_662 = arith.constant 816 : index
      %get3A_663 = tpu.vector_load %arg8[%get3A_661, %get3A_662] {strides = array<i32>} : memref<16x1024xf32, #tpu.memory_space<vmem>>, vector<16xf32>,
      %get3A_664 = arith.index_cast %scan3A_152 : i32 to index
      %get3A_665 = arith.constant 816 : index
      %get3A_666 = tpu.vector_load %arg9[%get3A_664, %get3A_665] {strides = array<i32>} : memref<16x1024xf32, #tpu.memory_space<vmem>>, vector<16xf32>,
      %add3A_667 = arith.addf %get3A_663, %get3A_666 : vector<16xf32>
      %swap3A_668 = arith.index_cast %scan3A_152 : i32 to index
      %swap3A_669 = arith.constant 816 : index
      %swap3A_670 = tpu.vector_load %arg8[%swap3A_668, %swap3A_669] {strides = array<i32>} : memref<16x1024xf32, #tpu.memory_space<vmem>>, vector<16xf32>,
      tpu.vector_store %arg8[%swap3A_668, %swap3A_669], %add3A_667 {strides = array<i32>} : memref<16x1024xf32, #tpu.memory_space<vmem>>, vector<16xf32>,
      %get3A_671 = arith.index_cast %scan3A_152 : i32 to index
      %get3A_672 = arith.constant 832 : index
      %get3A_673 = tpu.vector_load %arg8[%get3A_671, %get3A_672] {strides = array<i32>} : memref<16x1024xf32, #tpu.memory_space<vmem>>, vector<16xf32>,
      %get3A_674 = arith.index_cast %scan3A_152 : i32 to index
      %get3A_675 = arith.constant 832 : index
      %get3A_676 = tpu.vector_load %arg9[%get3A_674, %get3A_675] {strides = array<i32>} : memref<16x1024xf32, #tpu.memory_space<vmem>>, vector<16xf32>,
      %add3A_677 = arith.addf %get3A_673, %get3A_676 : vector<16xf32>
      %swap3A_678 = arith.index_cast %scan3A_152 : i32 to index
      %swap3A_679 = arith.constant 832 : index
      %swap3A_680 = tpu.vector_load %arg8[%swap3A_678, %swap3A_679] {strides = array<i32>} : memref<16x1024xf32, #tpu.memory_space<vmem>>, vector<16xf32>,
      tpu.vector_store %arg8[%swap3A_678, %swap3A_679], %add3A_677 {strides = array<i32>} : memref<16x1024xf32, #tpu.memory_space<vmem>>, vector<16xf32>,
      %get3A_681 = arith.index_cast %scan3A_152 : i32 to index
      %get3A_682 = arith.constant 848 : index
      %get3A_683 = tpu.vector_load %arg8[%get3A_681, %get3A_682] {strides = array<i32>} : memref<16x1024xf32, #tpu.memory_space<vmem>>, vector<16xf32>,
      %get3A_684 = arith.index_cast %scan3A_152 : i32 to index
      %get3A_685 = arith.constant 848 : index
      %get3A_686 = tpu.vector_load %arg9[%get3A_684, %get3A_685] {strides = array<i32>} : memref<16x1024xf32, #tpu.memory_space<vmem>>, vector<16xf32>,
      %add3A_687 = arith.addf %get3A_683, %get3A_686 : vector<16xf32>
      %swap3A_688 = arith.index_cast %scan3A_152 : i32 to index
      %swap3A_689 = arith.constant 848 : index
      %swap3A_690 = tpu.vector_load %arg8[%swap3A_688, %swap3A_689] {strides = array<i32>} : memref<16x1024xf32, #tpu.memory_space<vmem>>, vector<16xf32>,
      tpu.vector_store %arg8[%swap3A_688, %swap3A_689], %add3A_687 {strides = array<i32>} : memref<16x1024xf32, #tpu.memory_space<vmem>>, vector<16xf32>,
      %get3A_691 = arith.index_cast %scan3A_152 : i32 to index
      %get3A_692 = arith.constant 864 : index
      %get3A_693 = tpu.vector_load %arg8[%get3A_691, %get3A_692] {strides = array<i32>} : memref<16x1024xf32, #tpu.memory_space<vmem>>, vector<16xf32>,
      %get3A_694 = arith.index_cast %scan3A_152 : i32 to index
      %get3A_695 = arith.constant 864 : index
      %get3A_696 = tpu.vector_load %arg9[%get3A_694, %get3A_695] {strides = array<i32>} : memref<16x1024xf32, #tpu.memory_space<vmem>>, vector<16xf32>,
      %add3A_697 = arith.addf %get3A_693, %get3A_696 : vector<16xf32>
      %swap3A_698 = arith.index_cast %scan3A_152 : i32 to index
      %swap3A_699 = arith.constant 864 : index
      %swap3A_700 = tpu.vector_load %arg8[%swap3A_698, %swap3A_699] {strides = array<i32>} : memref<16x1024xf32, #tpu.memory_space<vmem>>, vector<16xf32>,
      tpu.vector_store %arg8[%swap3A_698, %swap3A_699], %add3A_697 {strides = array<i32>} : memref<16x1024xf32, #tpu.memory_space<vmem>>, vector<16xf32>,
      %get3A_701 = arith.index_cast %scan3A_152 : i32 to index
      %get3A_702 = arith.constant 880 : index
      %get3A_703 = tpu.vector_load %arg8[%get3A_701, %get3A_702] {strides = array<i32>} : memref<16x1024xf32, #tpu.memory_space<vmem>>, vector<16xf32>,
      %get3A_704 = arith.index_cast %scan3A_152 : i32 to index
      %get3A_705 = arith.constant 880 : index
      %get3A_706 = tpu.vector_load %arg9[%get3A_704, %get3A_705] {strides = array<i32>} : memref<16x1024xf32, #tpu.memory_space<vmem>>, vector<16xf32>,
      %add3A_707 = arith.addf %get3A_703, %get3A_706 : vector<16xf32>
      %swap3A_708 = arith.index_cast %scan3A_152 : i32 to index
      %swap3A_709 = arith.constant 880 : index
      %swap3A_710 = tpu.vector_load %arg8[%swap3A_708, %swap3A_709] {strides = array<i32>} : memref<16x1024xf32, #tpu.memory_space<vmem>>, vector<16xf32>,
      tpu.vector_store %arg8[%swap3A_708, %swap3A_709], %add3A_707 {strides = array<i32>} : memref<16x1024xf32, #tpu.memory_space<vmem>>, vector<16xf32>,
      %get3A_711 = arith.index_cast %scan3A_152 : i32 to index
      %get3A_712 = arith.constant 896 : index
      %get3A_713 = tpu.vector_load %arg8[%get3A_711, %get3A_712] {strides = array<i32>} : memref<16x1024xf32, #tpu.memory_space<vmem>>, vector<16xf32>,
      %get3A_714 = arith.index_cast %scan3A_152 : i32 to index
      %get3A_715 = arith.constant 896 : index
      %get3A_716 = tpu.vector_load %arg9[%get3A_714, %get3A_715] {strides = array<i32>} : memref<16x1024xf32, #tpu.memory_space<vmem>>, vector<16xf32>,
      %add3A_717 = arith.addf %get3A_713, %get3A_716 : vector<16xf32>
      %swap3A_718 = arith.index_cast %scan3A_152 : i32 to index
      %swap3A_719 = arith.constant 896 : index
      %swap3A_720 = tpu.vector_load %arg8[%swap3A_718, %swap3A_719] {strides = array<i32>} : memref<16x1024xf32, #tpu.memory_space<vmem>>, vector<16xf32>,
      tpu.vector_store %arg8[%swap3A_718, %swap3A_719], %add3A_717 {strides = array<i32>} : memref<16x1024xf32, #tpu.memory_space<vmem>>, vector<16xf32>,
      %get3A_721 = arith.index_cast %scan3A_152 : i32 to index
      %get3A_722 = arith.constant 912 : index
      %get3A_723 = tpu.vector_load %arg8[%get3A_721, %get3A_722] {strides = array<i32>} : memref<16x1024xf32, #tpu.memory_space<vmem>>, vector<16xf32>,
      %get3A_724 = arith.index_cast %scan3A_152 : i32 to index
      %get3A_725 = arith.constant 912 : index
      %get3A_726 = tpu.vector_load %arg9[%get3A_724, %get3A_725] {strides = array<i32>} : memref<16x1024xf32, #tpu.memory_space<vmem>>, vector<16xf32>,
      %add3A_727 = arith.addf %get3A_723, %get3A_726 : vector<16xf32>
      %swap3A_728 = arith.index_cast %scan3A_152 : i32 to index
      %swap3A_729 = arith.constant 912 : index
      %swap3A_730 = tpu.vector_load %arg8[%swap3A_728, %swap3A_729] {strides = array<i32>} : memref<16x1024xf32, #tpu.memory_space<vmem>>, vector<16xf32>,
      tpu.vector_store %arg8[%swap3A_728, %swap3A_729], %add3A_727 {strides = array<i32>} : memref<16x1024xf32, #tpu.memory_space<vmem>>, vector<16xf32>,
      %get3A_731 = arith.index_cast %scan3A_152 : i32 to index
      %get3A_732 = arith.constant 928 : index
      %get3A_733 = tpu.vector_load %arg8[%get3A_731, %get3A_732] {strides = array<i32>} : memref<16x1024xf32, #tpu.memory_space<vmem>>, vector<16xf32>,
      %get3A_734 = arith.index_cast %scan3A_152 : i32 to index
      %get3A_735 = arith.constant 928 : index
      %get3A_736 = tpu.vector_load %arg9[%get3A_734, %get3A_735] {strides = array<i32>} : memref<16x1024xf32, #tpu.memory_space<vmem>>, vector<16xf32>,
      %add3A_737 = arith.addf %get3A_733, %get3A_736 : vector<16xf32>
      %swap3A_738 = arith.index_cast %scan3A_152 : i32 to index
      %swap3A_739 = arith.constant 928 : index
      %swap3A_740 = tpu.vector_load %arg8[%swap3A_738, %swap3A_739] {strides = array<i32>} : memref<16x1024xf32, #tpu.memory_space<vmem>>, vector<16xf32>,
      tpu.vector_store %arg8[%swap3A_738, %swap3A_739], %add3A_737 {strides = array<i32>} : memref<16x1024xf32, #tpu.memory_space<vmem>>, vector<16xf32>,
      %get3A_741 = arith.index_cast %scan3A_152 : i32 to index
      %get3A_742 = arith.constant 944 : index
      %get3A_743 = tpu.vector_load %arg8[%get3A_741, %get3A_742] {strides = array<i32>} : memref<16x1024xf32, #tpu.memory_space<vmem>>, vector<16xf32>,
      %get3A_744 = arith.index_cast %scan3A_152 : i32 to index
      %get3A_745 = arith.constant 944 : index
      %get3A_746 = tpu.vector_load %arg9[%get3A_744, %get3A_745] {strides = array<i32>} : memref<16x1024xf32, #tpu.memory_space<vmem>>, vector<16xf32>,
      %add3A_747 = arith.addf %get3A_743, %get3A_746 : vector<16xf32>
      %swap3A_748 = arith.index_cast %scan3A_152 : i32 to index
      %swap3A_749 = arith.constant 944 : index
      %swap3A_750 = tpu.vector_load %arg8[%swap3A_748, %swap3A_749] {strides = array<i32>} : memref<16x1024xf32, #tpu.memory_space<vmem>>, vector<16xf32>,
      tpu.vector_store %arg8[%swap3A_748, %swap3A_749], %add3A_747 {strides = array<i32>} : memref<16x1024xf32, #tpu.memory_space<vmem>>, vector<16xf32>,
      %get3A_751 = arith.index_cast %scan3A_152 : i32 to index
      %get3A_752 = arith.constant 960 : index
      %get3A_753 = tpu.vector_load %arg8[%get3A_751, %get3A_752] {strides = array<i32>} : memref<16x1024xf32, #tpu.memory_space<vmem>>, vector<16xf32>,
      %get3A_754 = arith.index_cast %scan3A_152 : i32 to index
      %get3A_755 = arith.constant 960 : index
      %get3A_756 = tpu.vector_load %arg9[%get3A_754, %get3A_755] {strides = array<i32>} : memref<16x1024xf32, #tpu.memory_space<vmem>>, vector<16xf32>,
      %add3A_757 = arith.addf %get3A_753, %get3A_756 : vector<16xf32>
      %swap3A_758 = arith.index_cast %scan3A_152 : i32 to index
      %swap3A_759 = arith.constant 960 : index
      %swap3A_760 = tpu.vector_load %arg8[%swap3A_758, %swap3A_759] {strides = array<i32>} : memref<16x1024xf32, #tpu.memory_space<vmem>>, vector<16xf32>,
      tpu.vector_store %arg8[%swap3A_758, %swap3A_759], %add3A_757 {strides = array<i32>} : memref<16x1024xf32, #tpu.memory_space<vmem>>, vector<16xf32>,
      %get3A_761 = arith.index_cast %scan3A_152 : i32 to index
      %get3A_762 = arith.constant 976 : index
      %get3A_763 = tpu.vector_load %arg8[%get3A_761, %get3A_762] {strides = array<i32>} : memref<16x1024xf32, #tpu.memory_space<vmem>>, vector<16xf32>,
      %get3A_764 = arith.index_cast %scan3A_152 : i32 to index
      %get3A_765 = arith.constant 976 : index
      %get3A_766 = tpu.vector_load %arg9[%get3A_764, %get3A_765] {strides = array<i32>} : memref<16x1024xf32, #tpu.memory_space<vmem>>, vector<16xf32>,
      %add3A_767 = arith.addf %get3A_763, %get3A_766 : vector<16xf32>
      %swap3A_768 = arith.index_cast %scan3A_152 : i32 to index
      %swap3A_769 = arith.constant 976 : index
      %swap3A_770 = tpu.vector_load %arg8[%swap3A_768, %swap3A_769] {strides = array<i32>} : memref<16x1024xf32, #tpu.memory_space<vmem>>, vector<16xf32>,
      tpu.vector_store %arg8[%swap3A_768, %swap3A_769], %add3A_767 {strides = array<i32>} : memref<16x1024xf32, #tpu.memory_space<vmem>>, vector<16xf32>,
      %get3A_771 = arith.index_cast %scan3A_152 : i32 to index
      %get3A_772 = arith.constant 992 : index
      %get3A_773 = tpu.vector_load %arg8[%get3A_771, %get3A_772] {strides = array<i32>} : memref<16x1024xf32, #tpu.memory_space<vmem>>, vector<16xf32>,
      %get3A_774 = arith.index_cast %scan3A_152 : i32 to index
      %get3A_775 = arith.constant 992 : index
      %get3A_776 = tpu.vector_load %arg9[%get3A_774, %get3A_775] {strides = array<i32>} : memref<16x1024xf32, #tpu.memory_space<vmem>>, vector<16xf32>,
      %add3A_777 = arith.addf %get3A_773, %get3A_776 : vector<16xf32>
      %swap3A_778 = arith.index_cast %scan3A_152 : i32 to index
      %swap3A_779 = arith.constant 992 : index
      %swap3A_780 = tpu.vector_load %arg8[%swap3A_778, %swap3A_779] {strides = array<i32>} : memref<16x1024xf32, #tpu.memory_space<vmem>>, vector<16xf32>,
      tpu.vector_store %arg8[%swap3A_778, %swap3A_779], %add3A_777 {strides = array<i32>} : memref<16x1024xf32, #tpu.memory_space<vmem>>, vector<16xf32>,
      %get3A_781 = arith.index_cast %scan3A_152 : i32 to index
      %get3A_782 = arith.constant 1008 : index
      %get3A_783 = tpu.vector_load %arg8[%get3A_781, %get3A_782] {strides = array<i32>} : memref<16x1024xf32, #tpu.memory_space<vmem>>, vector<16xf32>,
      %get3A_784 = arith.index_cast %scan3A_152 : i32 to index
      %get3A_785 = arith.constant 1008 : index
      %get3A_786 = tpu.vector_load %arg9[%get3A_784, %get3A_785] {strides = array<i32>} : memref<16x1024xf32, #tpu.memory_space<vmem>>, vector<16xf32>,
      %add3A_787 = arith.addf %get3A_783, %get3A_786 : vector<16xf32>
      %swap3A_788 = arith.index_cast %scan3A_152 : i32 to index
      %swap3A_789 = arith.constant 1008 : index
      %swap3A_790 = tpu.vector_load %arg8[%swap3A_788, %swap3A_789] {strides = array<i32>} : memref<16x1024xf32, #tpu.memory_space<vmem>>, vector<16xf32>,
      tpu.vector_store %arg8[%swap3A_788, %swap3A_789], %add3A_787 {strides = array<i32>} : memref<16x1024xf32, #tpu.memory_space<vmem>>, vector<16xf32>,
    }
    %scan3A_115 = arith.constant 16 : i32
    %add3A_116 = arith.constant 32 : i32
    %add3A_117 = arith.addi %mul3A_2, %add3A_116 : i32
    %dma_start3A_118 = arith.constant 0 : i32
    %dma_start3A_119 = tpu.memref_slice %arg5[%add3A_117, %dma_start3A_118] : memref<2048x1024xf32, #tpu.memory_space<hbm>> -> memref<16x1024xf32, #tpu.memory_space<hbm>>
    %dma_start3A_120 = arith.constant 0 : i32
    %dma_start3A_121 = tpu.memref_slice %arg5[%add3A_117, %dma_start3A_120] : memref<2048x1024xf32, #tpu.memory_space<hbm>> -> memref<16x1024xf32, #tpu.memory_space<hbm>>
    tpu.enqueue_dma source(%arg8 : memref<16x1024xf32, #tpu.memory_space<vmem>>) target(%dma_start3A_121 : memref<16x1024xf32, #tpu.memory_space<hbm>>) target_semaphore(%arg14 : memref<!tpu.dma_semaphore, #tpu.memory_space<semaphore_mem>>)
    %dma_wait3A_122 = arith.constant 48 : i32
    %dma_wait3A_123 = tpu.memref_slice %arg6[%dma_wait3A_122] : memref<64xi32, #tpu.memory_space<vmem>> -> memref<16xi32, #tpu.memory_space<vmem>>
    %dma_wait3A_124 = arith.constant 0 : i32
    %dma_wait3A_125 = arith.constant 0 : i32
    %dma_wait3A_126 = tpu.memref_slice %arg2[%dma_wait3A_124, %dma_wait3A_125] : memref<7680x1024xf32, #tpu.memory_space<hbm>> -> memref<7680x1024xf32, #tpu.memory_space<hbm>>
    tpu.wait_indirect_dma semaphore(%arg13 : memref<!tpu.dma_semaphore, #tpu.memory_space<semaphore_mem>>) src(%dma_wait3A_126 : memref<7680x1024xf32, #tpu.memory_space<hbm>>) dst(%arg10 : memref<16x1024xf32, #tpu.memory_space<vmem>>)
    %dma_wait3A_127 = arith.constant 48 : i32
    %dma_wait3A_128 = tpu.memref_slice %arg7[%dma_wait3A_127] : memref<64xi32, #tpu.memory_space<vmem>> -> memref<16xi32, #tpu.memory_space<vmem>>
    %dma_wait3A_129 = arith.constant 0 : i32
    %dma_wait3A_130 = arith.constant 0 : i32
    %dma_wait3A_131 = tpu.memref_slice %arg2[%dma_wait3A_129, %dma_wait3A_130] : memref<7680x1024xf32, #tpu.memory_space<hbm>> -> memref<7680x1024xf32, #tpu.memory_space<hbm>>
    tpu.wait_indirect_dma semaphore(%arg13 : memref<!tpu.dma_semaphore, #tpu.memory_space<semaphore_mem>>) src(%dma_wait3A_131 : memref<7680x1024xf32, #tpu.memory_space<hbm>>) dst(%arg11 : memref<16x1024xf32, #tpu.memory_space<vmem>>)
    %scan3A_132 = arith.constant 0 : i32
    %scan3A_133 = arith.constant 0 : i32
    %scan3A_134 = arith.constant 16 : i32
    %scan3A_135 = arith.addi %scan3A_133, %scan3A_134 : i32
    %scan3A_136 = arith.constant 1 : i32
    scf.for %scan3A_152 = %scan3A_133 to %scan3A_135 step %scan3A_136  : i32 {
      %get3A = arith.index_cast %scan3A_152 : i32 to index
      %get3A_153 = arith.constant 0 : index
      %get3A_154 = tpu.vector_load %arg10[%get3A, %get3A_153] {strides = array<i32>} : memref<16x1024xf32, #tpu.memory_space<vmem>>, vector<16xf32>,
      %get3A_155 = arith.index_cast %scan3A_152 : i32 to index
      %get3A_156 = arith.constant 0 : index
      %get3A_157 = tpu.vector_load %arg11[%get3A_155, %get3A_156] {strides = array<i32>} : memref<16x1024xf32, #tpu.memory_space<vmem>>, vector<16xf32>,
      %add3A_158 = arith.addf %get3A_154, %get3A_157 : vector<16xf32>
      %swap3A = arith.index_cast %scan3A_152 : i32 to index
      %swap3A_159 = arith.constant 0 : index
      %swap3A_160 = tpu.vector_load %arg10[%swap3A, %swap3A_159] {strides = array<i32>} : memref<16x1024xf32, #tpu.memory_space<vmem>>, vector<16xf32>,
      tpu.vector_store %arg10[%swap3A, %swap3A_159], %add3A_158 {strides = array<i32>} : memref<16x1024xf32, #tpu.memory_space<vmem>>, vector<16xf32>,
      %get3A_161 = arith.index_cast %scan3A_152 : i32 to index
      %get3A_162 = arith.constant 16 : index
      %get3A_163 = tpu.vector_load %arg10[%get3A_161, %get3A_162] {strides = array<i32>} : memref<16x1024xf32, #tpu.memory_space<vmem>>, vector<16xf32>,
      %get3A_164 = arith.index_cast %scan3A_152 : i32 to index
      %get3A_165 = arith.constant 16 : index
      %get3A_166 = tpu.vector_load %arg11[%get3A_164, %get3A_165] {strides = array<i32>} : memref<16x1024xf32, #tpu.memory_space<vmem>>, vector<16xf32>,
      %add3A_167 = arith.addf %get3A_163, %get3A_166 : vector<16xf32>
      %swap3A_168 = arith.index_cast %scan3A_152 : i32 to index
      %swap3A_169 = arith.constant 16 : index
      %swap3A_170 = tpu.vector_load %arg10[%swap3A_168, %swap3A_169] {strides = array<i32>} : memref<16x1024xf32, #tpu.memory_space<vmem>>, vector<16xf32>,
      tpu.vector_store %arg10[%swap3A_168, %swap3A_169], %add3A_167 {strides = array<i32>} : memref<16x1024xf32, #tpu.memory_space<vmem>>, vector<16xf32>,
      %get3A_171 = arith.index_cast %scan3A_152 : i32 to index
      %get3A_172 = arith.constant 32 : index
      %get3A_173 = tpu.vector_load %arg10[%get3A_171, %get3A_172] {strides = array<i32>} : memref<16x1024xf32, #tpu.memory_space<vmem>>, vector<16xf32>,
      %get3A_174 = arith.index_cast %scan3A_152 : i32 to index
      %get3A_175 = arith.constant 32 : index
      %get3A_176 = tpu.vector_load %arg11[%get3A_174, %get3A_175] {strides = array<i32>} : memref<16x1024xf32, #tpu.memory_space<vmem>>, vector<16xf32>,
      %add3A_177 = arith.addf %get3A_173, %get3A_176 : vector<16xf32>
      %swap3A_178 = arith.index_cast %scan3A_152 : i32 to index
      %swap3A_179 = arith.constant 32 : index
      %swap3A_180 = tpu.vector_load %arg10[%swap3A_178, %swap3A_179] {strides = array<i32>} : memref<16x1024xf32, #tpu.memory_space<vmem>>, vector<16xf32>,
      tpu.vector_store %arg10[%swap3A_178, %swap3A_179], %add3A_177 {strides = array<i32>} : memref<16x1024xf32, #tpu.memory_space<vmem>>, vector<16xf32>,
      %get3A_181 = arith.index_cast %scan3A_152 : i32 to index
      %get3A_182 = arith.constant 48 : index
      %get3A_183 = tpu.vector_load %arg10[%get3A_181, %get3A_182] {strides = array<i32>} : memref<16x1024xf32, #tpu.memory_space<vmem>>, vector<16xf32>,
      %get3A_184 = arith.index_cast %scan3A_152 : i32 to index
      %get3A_185 = arith.constant 48 : index
      %get3A_186 = tpu.vector_load %arg11[%get3A_184, %get3A_185] {strides = array<i32>} : memref<16x1024xf32, #tpu.memory_space<vmem>>, vector<16xf32>,
      %add3A_187 = arith.addf %get3A_183, %get3A_186 : vector<16xf32>
      %swap3A_188 = arith.index_cast %scan3A_152 : i32 to index
      %swap3A_189 = arith.constant 48 : index
      %swap3A_190 = tpu.vector_load %arg10[%swap3A_188, %swap3A_189] {strides = array<i32>} : memref<16x1024xf32, #tpu.memory_space<vmem>>, vector<16xf32>,
      tpu.vector_store %arg10[%swap3A_188, %swap3A_189], %add3A_187 {strides = array<i32>} : memref<16x1024xf32, #tpu.memory_space<vmem>>, vector<16xf32>,
      %get3A_191 = arith.index_cast %scan3A_152 : i32 to index
      %get3A_192 = arith.constant 64 : index
      %get3A_193 = tpu.vector_load %arg10[%get3A_191, %get3A_192] {strides = array<i32>} : memref<16x1024xf32, #tpu.memory_space<vmem>>, vector<16xf32>,
      %get3A_194 = arith.index_cast %scan3A_152 : i32 to index
      %get3A_195 = arith.constant 64 : index
      %get3A_196 = tpu.vector_load %arg11[%get3A_194, %get3A_195] {strides = array<i32>} : memref<16x1024xf32, #tpu.memory_space<vmem>>, vector<16xf32>,
      %add3A_197 = arith.addf %get3A_193, %get3A_196 : vector<16xf32>
      %swap3A_198 = arith.index_cast %scan3A_152 : i32 to index
      %swap3A_199 = arith.constant 64 : index
      %swap3A_200 = tpu.vector_load %arg10[%swap3A_198, %swap3A_199] {strides = array<i32>} : memref<16x1024xf32, #tpu.memory_space<vmem>>, vector<16xf32>,
      tpu.vector_store %arg10[%swap3A_198, %swap3A_199], %add3A_197 {strides = array<i32>} : memref<16x1024xf32, #tpu.memory_space<vmem>>, vector<16xf32>,
      %get3A_201 = arith.index_cast %scan3A_152 : i32 to index
      %get3A_202 = arith.constant 80 : index
      %get3A_203 = tpu.vector_load %arg10[%get3A_201, %get3A_202] {strides = array<i32>} : memref<16x1024xf32, #tpu.memory_space<vmem>>, vector<16xf32>,
      %get3A_204 = arith.index_cast %scan3A_152 : i32 to index
      %get3A_205 = arith.constant 80 : index
      %get3A_206 = tpu.vector_load %arg11[%get3A_204, %get3A_205] {strides = array<i32>} : memref<16x1024xf32, #tpu.memory_space<vmem>>, vector<16xf32>,
      %add3A_207 = arith.addf %get3A_203, %get3A_206 : vector<16xf32>
      %swap3A_208 = arith.index_cast %scan3A_152 : i32 to index
      %swap3A_209 = arith.constant 80 : index
      %swap3A_210 = tpu.vector_load %arg10[%swap3A_208, %swap3A_209] {strides = array<i32>} : memref<16x1024xf32, #tpu.memory_space<vmem>>, vector<16xf32>,
      tpu.vector_store %arg10[%swap3A_208, %swap3A_209], %add3A_207 {strides = array<i32>} : memref<16x1024xf32, #tpu.memory_space<vmem>>, vector<16xf32>,
      %get3A_211 = arith.index_cast %scan3A_152 : i32 to index
      %get3A_212 = arith.constant 96 : index
      %get3A_213 = tpu.vector_load %arg10[%get3A_211, %get3A_212] {strides = array<i32>} : memref<16x1024xf32, #tpu.memory_space<vmem>>, vector<16xf32>,
      %get3A_214 = arith.index_cast %scan3A_152 : i32 to index
      %get3A_215 = arith.constant 96 : index
      %get3A_216 = tpu.vector_load %arg11[%get3A_214, %get3A_215] {strides = array<i32>} : memref<16x1024xf32, #tpu.memory_space<vmem>>, vector<16xf32>,
      %add3A_217 = arith.addf %get3A_213, %get3A_216 : vector<16xf32>
      %swap3A_218 = arith.index_cast %scan3A_152 : i32 to index
      %swap3A_219 = arith.constant 96 : index
      %swap3A_220 = tpu.vector_load %arg10[%swap3A_218, %swap3A_219] {strides = array<i32>} : memref<16x1024xf32, #tpu.memory_space<vmem>>, vector<16xf32>,
      tpu.vector_store %arg10[%swap3A_218, %swap3A_219], %add3A_217 {strides = array<i32>} : memref<16x1024xf32, #tpu.memory_space<vmem>>, vector<16xf32>,
      %get3A_221 = arith.index_cast %scan3A_152 : i32 to index
      %get3A_222 = arith.constant 112 : index
      %get3A_223 = tpu.vector_load %arg10[%get3A_221, %get3A_222] {strides = array<i32>} : memref<16x1024xf32, #tpu.memory_space<vmem>>, vector<16xf32>,
      %get3A_224 = arith.index_cast %scan3A_152 : i32 to index
      %get3A_225 = arith.constant 112 : index
      %get3A_226 = tpu.vector_load %arg11[%get3A_224, %get3A_225] {strides = array<i32>} : memref<16x1024xf32, #tpu.memory_space<vmem>>, vector<16xf32>,
      %add3A_227 = arith.addf %get3A_223, %get3A_226 : vector<16xf32>
      %swap3A_228 = arith.index_cast %scan3A_152 : i32 to index
      %swap3A_229 = arith.constant 112 : index
      %swap3A_230 = tpu.vector_load %arg10[%swap3A_228, %swap3A_229] {strides = array<i32>} : memref<16x1024xf32, #tpu.memory_space<vmem>>, vector<16xf32>,
      tpu.vector_store %arg10[%swap3A_228, %swap3A_229], %add3A_227 {strides = array<i32>} : memref<16x1024xf32, #tpu.memory_space<vmem>>, vector<16xf32>,
      %get3A_231 = arith.index_cast %scan3A_152 : i32 to index
      %get3A_232 = arith.constant 128 : index
      %get3A_233 = tpu.vector_load %arg10[%get3A_231, %get3A_232] {strides = array<i32>} : memref<16x1024xf32, #tpu.memory_space<vmem>>, vector<16xf32>,
      %get3A_234 = arith.index_cast %scan3A_152 : i32 to index
      %get3A_235 = arith.constant 128 : index
      %get3A_236 = tpu.vector_load %arg11[%get3A_234, %get3A_235] {strides = array<i32>} : memref<16x1024xf32, #tpu.memory_space<vmem>>, vector<16xf32>,
      %add3A_237 = arith.addf %get3A_233, %get3A_236 : vector<16xf32>
      %swap3A_238 = arith.index_cast %scan3A_152 : i32 to index
      %swap3A_239 = arith.constant 128 : index
      %swap3A_240 = tpu.vector_load %arg10[%swap3A_238, %swap3A_239] {strides = array<i32>} : memref<16x1024xf32, #tpu.memory_space<vmem>>, vector<16xf32>,
      tpu.vector_store %arg10[%swap3A_238, %swap3A_239], %add3A_237 {strides = array<i32>} : memref<16x1024xf32, #tpu.memory_space<vmem>>, vector<16xf32>,
      %get3A_241 = arith.index_cast %scan3A_152 : i32 to index
      %get3A_242 = arith.constant 144 : index
      %get3A_243 = tpu.vector_load %arg10[%get3A_241, %get3A_242] {strides = array<i32>} : memref<16x1024xf32, #tpu.memory_space<vmem>>, vector<16xf32>,
      %get3A_244 = arith.index_cast %scan3A_152 : i32 to index
      %get3A_245 = arith.constant 144 : index
      %get3A_246 = tpu.vector_load %arg11[%get3A_244, %get3A_245] {strides = array<i32>} : memref<16x1024xf32, #tpu.memory_space<vmem>>, vector<16xf32>,
      %add3A_247 = arith.addf %get3A_243, %get3A_246 : vector<16xf32>
      %swap3A_248 = arith.index_cast %scan3A_152 : i32 to index
      %swap3A_249 = arith.constant 144 : index
      %swap3A_250 = tpu.vector_load %arg10[%swap3A_248, %swap3A_249] {strides = array<i32>} : memref<16x1024xf32, #tpu.memory_space<vmem>>, vector<16xf32>,
      tpu.vector_store %arg10[%swap3A_248, %swap3A_249], %add3A_247 {strides = array<i32>} : memref<16x1024xf32, #tpu.memory_space<vmem>>, vector<16xf32>,
      %get3A_251 = arith.index_cast %scan3A_152 : i32 to index
      %get3A_252 = arith.constant 160 : index
      %get3A_253 = tpu.vector_load %arg10[%get3A_251, %get3A_252] {strides = array<i32>} : memref<16x1024xf32, #tpu.memory_space<vmem>>, vector<16xf32>,
      %get3A_254 = arith.index_cast %scan3A_152 : i32 to index
      %get3A_255 = arith.constant 160 : index
      %get3A_256 = tpu.vector_load %arg11[%get3A_254, %get3A_255] {strides = array<i32>} : memref<16x1024xf32, #tpu.memory_space<vmem>>, vector<16xf32>,
      %add3A_257 = arith.addf %get3A_253, %get3A_256 : vector<16xf32>
      %swap3A_258 = arith.index_cast %scan3A_152 : i32 to index
      %swap3A_259 = arith.constant 160 : index
      %swap3A_260 = tpu.vector_load %arg10[%swap3A_258, %swap3A_259] {strides = array<i32>} : memref<16x1024xf32, #tpu.memory_space<vmem>>, vector<16xf32>,
      tpu.vector_store %arg10[%swap3A_258, %swap3A_259], %add3A_257 {strides = array<i32>} : memref<16x1024xf32, #tpu.memory_space<vmem>>, vector<16xf32>,
      %get3A_261 = arith.index_cast %scan3A_152 : i32 to index
      %get3A_262 = arith.constant 176 : index
      %get3A_263 = tpu.vector_load %arg10[%get3A_261, %get3A_262] {strides = array<i32>} : memref<16x1024xf32, #tpu.memory_space<vmem>>, vector<16xf32>,
      %get3A_264 = arith.index_cast %scan3A_152 : i32 to index
      %get3A_265 = arith.constant 176 : index
      %get3A_266 = tpu.vector_load %arg11[%get3A_264, %get3A_265] {strides = array<i32>} : memref<16x1024xf32, #tpu.memory_space<vmem>>, vector<16xf32>,
      %add3A_267 = arith.addf %get3A_263, %get3A_266 : vector<16xf32>
      %swap3A_268 = arith.index_cast %scan3A_152 : i32 to index
      %swap3A_269 = arith.constant 176 : index
      %swap3A_270 = tpu.vector_load %arg10[%swap3A_268, %swap3A_269] {strides = array<i32>} : memref<16x1024xf32, #tpu.memory_space<vmem>>, vector<16xf32>,
      tpu.vector_store %arg10[%swap3A_268, %swap3A_269], %add3A_267 {strides = array<i32>} : memref<16x1024xf32, #tpu.memory_space<vmem>>, vector<16xf32>,
      %get3A_271 = arith.index_cast %scan3A_152 : i32 to index
      %get3A_272 = arith.constant 192 : index
      %get3A_273 = tpu.vector_load %arg10[%get3A_271, %get3A_272] {strides = array<i32>} : memref<16x1024xf32, #tpu.memory_space<vmem>>, vector<16xf32>,
      %get3A_274 = arith.index_cast %scan3A_152 : i32 to index
      %get3A_275 = arith.constant 192 : index
      %get3A_276 = tpu.vector_load %arg11[%get3A_274, %get3A_275] {strides = array<i32>} : memref<16x1024xf32, #tpu.memory_space<vmem>>, vector<16xf32>,
      %add3A_277 = arith.addf %get3A_273, %get3A_276 : vector<16xf32>
      %swap3A_278 = arith.index_cast %scan3A_152 : i32 to index
      %swap3A_279 = arith.constant 192 : index
      %swap3A_280 = tpu.vector_load %arg10[%swap3A_278, %swap3A_279] {strides = array<i32>} : memref<16x1024xf32, #tpu.memory_space<vmem>>, vector<16xf32>,
      tpu.vector_store %arg10[%swap3A_278, %swap3A_279], %add3A_277 {strides = array<i32>} : memref<16x1024xf32, #tpu.memory_space<vmem>>, vector<16xf32>,
      %get3A_281 = arith.index_cast %scan3A_152 : i32 to index
      %get3A_282 = arith.constant 208 : index
      %get3A_283 = tpu.vector_load %arg10[%get3A_281, %get3A_282] {strides = array<i32>} : memref<16x1024xf32, #tpu.memory_space<vmem>>, vector<16xf32>,
      %get3A_284 = arith.index_cast %scan3A_152 : i32 to index
      %get3A_285 = arith.constant 208 : index
      %get3A_286 = tpu.vector_load %arg11[%get3A_284, %get3A_285] {strides = array<i32>} : memref<16x1024xf32, #tpu.memory_space<vmem>>, vector<16xf32>,
      %add3A_287 = arith.addf %get3A_283, %get3A_286 : vector<16xf32>
      %swap3A_288 = arith.index_cast %scan3A_152 : i32 to index
      %swap3A_289 = arith.constant 208 : index
      %swap3A_290 = tpu.vector_load %arg10[%swap3A_288, %swap3A_289] {strides = array<i32>} : memref<16x1024xf32, #tpu.memory_space<vmem>>, vector<16xf32>,
      tpu.vector_store %arg10[%swap3A_288, %swap3A_289], %add3A_287 {strides = array<i32>} : memref<16x1024xf32, #tpu.memory_space<vmem>>, vector<16xf32>,
      %get3A_291 = arith.index_cast %scan3A_152 : i32 to index
      %get3A_292 = arith.constant 224 : index
      %get3A_293 = tpu.vector_load %arg10[%get3A_291, %get3A_292] {strides = array<i32>} : memref<16x1024xf32, #tpu.memory_space<vmem>>, vector<16xf32>,
      %get3A_294 = arith.index_cast %scan3A_152 : i32 to index
      %get3A_295 = arith.constant 224 : index
      %get3A_296 = tpu.vector_load %arg11[%get3A_294, %get3A_295] {strides = array<i32>} : memref<16x1024xf32, #tpu.memory_space<vmem>>, vector<16xf32>,
      %add3A_297 = arith.addf %get3A_293, %get3A_296 : vector<16xf32>
      %swap3A_298 = arith.index_cast %scan3A_152 : i32 to index
      %swap3A_299 = arith.constant 224 : index
      %swap3A_300 = tpu.vector_load %arg10[%swap3A_298, %swap3A_299] {strides = array<i32>} : memref<16x1024xf32, #tpu.memory_space<vmem>>, vector<16xf32>,
      tpu.vector_store %arg10[%swap3A_298, %swap3A_299], %add3A_297 {strides = array<i32>} : memref<16x1024xf32, #tpu.memory_space<vmem>>, vector<16xf32>,
      %get3A_301 = arith.index_cast %scan3A_152 : i32 to index
      %get3A_302 = arith.constant 240 : index
      %get3A_303 = tpu.vector_load %arg10[%get3A_301, %get3A_302] {strides = array<i32>} : memref<16x1024xf32, #tpu.memory_space<vmem>>, vector<16xf32>,
      %get3A_304 = arith.index_cast %scan3A_152 : i32 to index
      %get3A_305 = arith.constant 240 : index
      %get3A_306 = tpu.vector_load %arg11[%get3A_304, %get3A_305] {strides = array<i32>} : memref<16x1024xf32, #tpu.memory_space<vmem>>, vector<16xf32>,
      %add3A_307 = arith.addf %get3A_303, %get3A_306 : vector<16xf32>
      %swap3A_308 = arith.index_cast %scan3A_152 : i32 to index
      %swap3A_309 = arith.constant 240 : index
      %swap3A_310 = tpu.vector_load %arg10[%swap3A_308, %swap3A_309] {strides = array<i32>} : memref<16x1024xf32, #tpu.memory_space<vmem>>, vector<16xf32>,
      tpu.vector_store %arg10[%swap3A_308, %swap3A_309], %add3A_307 {strides = array<i32>} : memref<16x1024xf32, #tpu.memory_space<vmem>>, vector<16xf32>,
      %get3A_311 = arith.index_cast %scan3A_152 : i32 to index
      %get3A_312 = arith.constant 256 : index
      %get3A_313 = tpu.vector_load %arg10[%get3A_311, %get3A_312] {strides = array<i32>} : memref<16x1024xf32, #tpu.memory_space<vmem>>, vector<16xf32>,
      %get3A_314 = arith.index_cast %scan3A_152 : i32 to index
      %get3A_315 = arith.constant 256 : index
      %get3A_316 = tpu.vector_load %arg11[%get3A_314, %get3A_315] {strides = array<i32>} : memref<16x1024xf32, #tpu.memory_space<vmem>>, vector<16xf32>,
      %add3A_317 = arith.addf %get3A_313, %get3A_316 : vector<16xf32>
      %swap3A_318 = arith.index_cast %scan3A_152 : i32 to index
      %swap3A_319 = arith.constant 256 : index
      %swap3A_320 = tpu.vector_load %arg10[%swap3A_318, %swap3A_319] {strides = array<i32>} : memref<16x1024xf32, #tpu.memory_space<vmem>>, vector<16xf32>,
      tpu.vector_store %arg10[%swap3A_318, %swap3A_319], %add3A_317 {strides = array<i32>} : memref<16x1024xf32, #tpu.memory_space<vmem>>, vector<16xf32>,
      %get3A_321 = arith.index_cast %scan3A_152 : i32 to index
      %get3A_322 = arith.constant 272 : index
      %get3A_323 = tpu.vector_load %arg10[%get3A_321, %get3A_322] {strides = array<i32>} : memref<16x1024xf32, #tpu.memory_space<vmem>>, vector<16xf32>,
      %get3A_324 = arith.index_cast %scan3A_152 : i32 to index
      %get3A_325 = arith.constant 272 : index
      %get3A_326 = tpu.vector_load %arg11[%get3A_324, %get3A_325] {strides = array<i32>} : memref<16x1024xf32, #tpu.memory_space<vmem>>, vector<16xf32>,
      %add3A_327 = arith.addf %get3A_323, %get3A_326 : vector<16xf32>
      %swap3A_328 = arith.index_cast %scan3A_152 : i32 to index
      %swap3A_329 = arith.constant 272 : index
      %swap3A_330 = tpu.vector_load %arg10[%swap3A_328, %swap3A_329] {strides = array<i32>} : memref<16x1024xf32, #tpu.memory_space<vmem>>, vector<16xf32>,
      tpu.vector_store %arg10[%swap3A_328, %swap3A_329], %add3A_327 {strides = array<i32>} : memref<16x1024xf32, #tpu.memory_space<vmem>>, vector<16xf32>,
      %get3A_331 = arith.index_cast %scan3A_152 : i32 to index
      %get3A_332 = arith.constant 288 : index
      %get3A_333 = tpu.vector_load %arg10[%get3A_331, %get3A_332] {strides = array<i32>} : memref<16x1024xf32, #tpu.memory_space<vmem>>, vector<16xf32>,
      %get3A_334 = arith.index_cast %scan3A_152 : i32 to index
      %get3A_335 = arith.constant 288 : index
      %get3A_336 = tpu.vector_load %arg11[%get3A_334, %get3A_335] {strides = array<i32>} : memref<16x1024xf32, #tpu.memory_space<vmem>>, vector<16xf32>,
      %add3A_337 = arith.addf %get3A_333, %get3A_336 : vector<16xf32>
      %swap3A_338 = arith.index_cast %scan3A_152 : i32 to index
      %swap3A_339 = arith.constant 288 : index
      %swap3A_340 = tpu.vector_load %arg10[%swap3A_338, %swap3A_339] {strides = array<i32>} : memref<16x1024xf32, #tpu.memory_space<vmem>>, vector<16xf32>,
      tpu.vector_store %arg10[%swap3A_338, %swap3A_339], %add3A_337 {strides = array<i32>} : memref<16x1024xf32, #tpu.memory_space<vmem>>, vector<16xf32>,
      %get3A_341 = arith.index_cast %scan3A_152 : i32 to index
      %get3A_342 = arith.constant 304 : index
      %get3A_343 = tpu.vector_load %arg10[%get3A_341, %get3A_342] {strides = array<i32>} : memref<16x1024xf32, #tpu.memory_space<vmem>>, vector<16xf32>,
      %get3A_344 = arith.index_cast %scan3A_152 : i32 to index
      %get3A_345 = arith.constant 304 : index
      %get3A_346 = tpu.vector_load %arg11[%get3A_344, %get3A_345] {strides = array<i32>} : memref<16x1024xf32, #tpu.memory_space<vmem>>, vector<16xf32>,
      %add3A_347 = arith.addf %get3A_343, %get3A_346 : vector<16xf32>
      %swap3A_348 = arith.index_cast %scan3A_152 : i32 to index
      %swap3A_349 = arith.constant 304 : index
      %swap3A_350 = tpu.vector_load %arg10[%swap3A_348, %swap3A_349] {strides = array<i32>} : memref<16x1024xf32, #tpu.memory_space<vmem>>, vector<16xf32>,
      tpu.vector_store %arg10[%swap3A_348, %swap3A_349], %add3A_347 {strides = array<i32>} : memref<16x1024xf32, #tpu.memory_space<vmem>>, vector<16xf32>,
      %get3A_351 = arith.index_cast %scan3A_152 : i32 to index
      %get3A_352 = arith.constant 320 : index
      %get3A_353 = tpu.vector_load %arg10[%get3A_351, %get3A_352] {strides = array<i32>} : memref<16x1024xf32, #tpu.memory_space<vmem>>, vector<16xf32>,
      %get3A_354 = arith.index_cast %scan3A_152 : i32 to index
      %get3A_355 = arith.constant 320 : index
      %get3A_356 = tpu.vector_load %arg11[%get3A_354, %get3A_355] {strides = array<i32>} : memref<16x1024xf32, #tpu.memory_space<vmem>>, vector<16xf32>,
      %add3A_357 = arith.addf %get3A_353, %get3A_356 : vector<16xf32>
      %swap3A_358 = arith.index_cast %scan3A_152 : i32 to index
      %swap3A_359 = arith.constant 320 : index
      %swap3A_360 = tpu.vector_load %arg10[%swap3A_358, %swap3A_359] {strides = array<i32>} : memref<16x1024xf32, #tpu.memory_space<vmem>>, vector<16xf32>,
      tpu.vector_store %arg10[%swap3A_358, %swap3A_359], %add3A_357 {strides = array<i32>} : memref<16x1024xf32, #tpu.memory_space<vmem>>, vector<16xf32>,
      %get3A_361 = arith.index_cast %scan3A_152 : i32 to index
      %get3A_362 = arith.constant 336 : index
      %get3A_363 = tpu.vector_load %arg10[%get3A_361, %get3A_362] {strides = array<i32>} : memref<16x1024xf32, #tpu.memory_space<vmem>>, vector<16xf32>,
      %get3A_364 = arith.index_cast %scan3A_152 : i32 to index
      %get3A_365 = arith.constant 336 : index
      %get3A_366 = tpu.vector_load %arg11[%get3A_364, %get3A_365] {strides = array<i32>} : memref<16x1024xf32, #tpu.memory_space<vmem>>, vector<16xf32>,
      %add3A_367 = arith.addf %get3A_363, %get3A_366 : vector<16xf32>
      %swap3A_368 = arith.index_cast %scan3A_152 : i32 to index
      %swap3A_369 = arith.constant 336 : index
      %swap3A_370 = tpu.vector_load %arg10[%swap3A_368, %swap3A_369] {strides = array<i32>} : memref<16x1024xf32, #tpu.memory_space<vmem>>, vector<16xf32>,
      tpu.vector_store %arg10[%swap3A_368, %swap3A_369], %add3A_367 {strides = array<i32>} : memref<16x1024xf32, #tpu.memory_space<vmem>>, vector<16xf32>,
      %get3A_371 = arith.index_cast %scan3A_152 : i32 to index
      %get3A_372 = arith.constant 352 : index
      %get3A_373 = tpu.vector_load %arg10[%get3A_371, %get3A_372] {strides = array<i32>} : memref<16x1024xf32, #tpu.memory_space<vmem>>, vector<16xf32>,
      %get3A_374 = arith.index_cast %scan3A_152 : i32 to index
      %get3A_375 = arith.constant 352 : index
      %get3A_376 = tpu.vector_load %arg11[%get3A_374, %get3A_375] {strides = array<i32>} : memref<16x1024xf32, #tpu.memory_space<vmem>>, vector<16xf32>,
      %add3A_377 = arith.addf %get3A_373, %get3A_376 : vector<16xf32>
      %swap3A_378 = arith.index_cast %scan3A_152 : i32 to index
      %swap3A_379 = arith.constant 352 : index
      %swap3A_380 = tpu.vector_load %arg10[%swap3A_378, %swap3A_379] {strides = array<i32>} : memref<16x1024xf32, #tpu.memory_space<vmem>>, vector<16xf32>,
      tpu.vector_store %arg10[%swap3A_378, %swap3A_379], %add3A_377 {strides = array<i32>} : memref<16x1024xf32, #tpu.memory_space<vmem>>, vector<16xf32>,
      %get3A_381 = arith.index_cast %scan3A_152 : i32 to index
      %get3A_382 = arith.constant 368 : index
      %get3A_383 = tpu.vector_load %arg10[%get3A_381, %get3A_382] {strides = array<i32>} : memref<16x1024xf32, #tpu.memory_space<vmem>>, vector<16xf32>,
      %get3A_384 = arith.index_cast %scan3A_152 : i32 to index
      %get3A_385 = arith.constant 368 : index
      %get3A_386 = tpu.vector_load %arg11[%get3A_384, %get3A_385] {strides = array<i32>} : memref<16x1024xf32, #tpu.memory_space<vmem>>, vector<16xf32>,
      %add3A_387 = arith.addf %get3A_383, %get3A_386 : vector<16xf32>
      %swap3A_388 = arith.index_cast %scan3A_152 : i32 to index
      %swap3A_389 = arith.constant 368 : index
      %swap3A_390 = tpu.vector_load %arg10[%swap3A_388, %swap3A_389] {strides = array<i32>} : memref<16x1024xf32, #tpu.memory_space<vmem>>, vector<16xf32>,
      tpu.vector_store %arg10[%swap3A_388, %swap3A_389], %add3A_387 {strides = array<i32>} : memref<16x1024xf32, #tpu.memory_space<vmem>>, vector<16xf32>,
      %get3A_391 = arith.index_cast %scan3A_152 : i32 to index
      %get3A_392 = arith.constant 384 : index
      %get3A_393 = tpu.vector_load %arg10[%get3A_391, %get3A_392] {strides = array<i32>} : memref<16x1024xf32, #tpu.memory_space<vmem>>, vector<16xf32>,
      %get3A_394 = arith.index_cast %scan3A_152 : i32 to index
      %get3A_395 = arith.constant 384 : index
      %get3A_396 = tpu.vector_load %arg11[%get3A_394, %get3A_395] {strides = array<i32>} : memref<16x1024xf32, #tpu.memory_space<vmem>>, vector<16xf32>,
      %add3A_397 = arith.addf %get3A_393, %get3A_396 : vector<16xf32>
      %swap3A_398 = arith.index_cast %scan3A_152 : i32 to index
      %swap3A_399 = arith.constant 384 : index
      %swap3A_400 = tpu.vector_load %arg10[%swap3A_398, %swap3A_399] {strides = array<i32>} : memref<16x1024xf32, #tpu.memory_space<vmem>>, vector<16xf32>,
      tpu.vector_store %arg10[%swap3A_398, %swap3A_399], %add3A_397 {strides = array<i32>} : memref<16x1024xf32, #tpu.memory_space<vmem>>, vector<16xf32>,
      %get3A_401 = arith.index_cast %scan3A_152 : i32 to index
      %get3A_402 = arith.constant 400 : index
      %get3A_403 = tpu.vector_load %arg10[%get3A_401, %get3A_402] {strides = array<i32>} : memref<16x1024xf32, #tpu.memory_space<vmem>>, vector<16xf32>,
      %get3A_404 = arith.index_cast %scan3A_152 : i32 to index
      %get3A_405 = arith.constant 400 : index
      %get3A_406 = tpu.vector_load %arg11[%get3A_404, %get3A_405] {strides = array<i32>} : memref<16x1024xf32, #tpu.memory_space<vmem>>, vector<16xf32>,
      %add3A_407 = arith.addf %get3A_403, %get3A_406 : vector<16xf32>
      %swap3A_408 = arith.index_cast %scan3A_152 : i32 to index
      %swap3A_409 = arith.constant 400 : index
      %swap3A_410 = tpu.vector_load %arg10[%swap3A_408, %swap3A_409] {strides = array<i32>} : memref<16x1024xf32, #tpu.memory_space<vmem>>, vector<16xf32>,
      tpu.vector_store %arg10[%swap3A_408, %swap3A_409], %add3A_407 {strides = array<i32>} : memref<16x1024xf32, #tpu.memory_space<vmem>>, vector<16xf32>,
      %get3A_411 = arith.index_cast %scan3A_152 : i32 to index
      %get3A_412 = arith.constant 416 : index
      %get3A_413 = tpu.vector_load %arg10[%get3A_411, %get3A_412] {strides = array<i32>} : memref<16x1024xf32, #tpu.memory_space<vmem>>, vector<16xf32>,
      %get3A_414 = arith.index_cast %scan3A_152 : i32 to index
      %get3A_415 = arith.constant 416 : index
      %get3A_416 = tpu.vector_load %arg11[%get3A_414, %get3A_415] {strides = array<i32>} : memref<16x1024xf32, #tpu.memory_space<vmem>>, vector<16xf32>,
      %add3A_417 = arith.addf %get3A_413, %get3A_416 : vector<16xf32>
      %swap3A_418 = arith.index_cast %scan3A_152 : i32 to index
      %swap3A_419 = arith.constant 416 : index
      %swap3A_420 = tpu.vector_load %arg10[%swap3A_418, %swap3A_419] {strides = array<i32>} : memref<16x1024xf32, #tpu.memory_space<vmem>>, vector<16xf32>,
      tpu.vector_store %arg10[%swap3A_418, %swap3A_419], %add3A_417 {strides = array<i32>} : memref<16x1024xf32, #tpu.memory_space<vmem>>, vector<16xf32>,
      %get3A_421 = arith.index_cast %scan3A_152 : i32 to index
      %get3A_422 = arith.constant 432 : index
      %get3A_423 = tpu.vector_load %arg10[%get3A_421, %get3A_422] {strides = array<i32>} : memref<16x1024xf32, #tpu.memory_space<vmem>>, vector<16xf32>,
      %get3A_424 = arith.index_cast %scan3A_152 : i32 to index
      %get3A_425 = arith.constant 432 : index
      %get3A_426 = tpu.vector_load %arg11[%get3A_424, %get3A_425] {strides = array<i32>} : memref<16x1024xf32, #tpu.memory_space<vmem>>, vector<16xf32>,
      %add3A_427 = arith.addf %get3A_423, %get3A_426 : vector<16xf32>
      %swap3A_428 = arith.index_cast %scan3A_152 : i32 to index
      %swap3A_429 = arith.constant 432 : index
      %swap3A_430 = tpu.vector_load %arg10[%swap3A_428, %swap3A_429] {strides = array<i32>} : memref<16x1024xf32, #tpu.memory_space<vmem>>, vector<16xf32>,
      tpu.vector_store %arg10[%swap3A_428, %swap3A_429], %add3A_427 {strides = array<i32>} : memref<16x1024xf32, #tpu.memory_space<vmem>>, vector<16xf32>,
      %get3A_431 = arith.index_cast %scan3A_152 : i32 to index
      %get3A_432 = arith.constant 448 : index
      %get3A_433 = tpu.vector_load %arg10[%get3A_431, %get3A_432] {strides = array<i32>} : memref<16x1024xf32, #tpu.memory_space<vmem>>, vector<16xf32>,
      %get3A_434 = arith.index_cast %scan3A_152 : i32 to index
      %get3A_435 = arith.constant 448 : index
      %get3A_436 = tpu.vector_load %arg11[%get3A_434, %get3A_435] {strides = array<i32>} : memref<16x1024xf32, #tpu.memory_space<vmem>>, vector<16xf32>,
      %add3A_437 = arith.addf %get3A_433, %get3A_436 : vector<16xf32>
      %swap3A_438 = arith.index_cast %scan3A_152 : i32 to index
      %swap3A_439 = arith.constant 448 : index
      %swap3A_440 = tpu.vector_load %arg10[%swap3A_438, %swap3A_439] {strides = array<i32>} : memref<16x1024xf32, #tpu.memory_space<vmem>>, vector<16xf32>,
      tpu.vector_store %arg10[%swap3A_438, %swap3A_439], %add3A_437 {strides = array<i32>} : memref<16x1024xf32, #tpu.memory_space<vmem>>, vector<16xf32>,
      %get3A_441 = arith.index_cast %scan3A_152 : i32 to index
      %get3A_442 = arith.constant 464 : index
      %get3A_443 = tpu.vector_load %arg10[%get3A_441, %get3A_442] {strides = array<i32>} : memref<16x1024xf32, #tpu.memory_space<vmem>>, vector<16xf32>,
      %get3A_444 = arith.index_cast %scan3A_152 : i32 to index
      %get3A_445 = arith.constant 464 : index
      %get3A_446 = tpu.vector_load %arg11[%get3A_444, %get3A_445] {strides = array<i32>} : memref<16x1024xf32, #tpu.memory_space<vmem>>, vector<16xf32>,
      %add3A_447 = arith.addf %get3A_443, %get3A_446 : vector<16xf32>
      %swap3A_448 = arith.index_cast %scan3A_152 : i32 to index
      %swap3A_449 = arith.constant 464 : index
      %swap3A_450 = tpu.vector_load %arg10[%swap3A_448, %swap3A_449] {strides = array<i32>} : memref<16x1024xf32, #tpu.memory_space<vmem>>, vector<16xf32>,
      tpu.vector_store %arg10[%swap3A_448, %swap3A_449], %add3A_447 {strides = array<i32>} : memref<16x1024xf32, #tpu.memory_space<vmem>>, vector<16xf32>,
      %get3A_451 = arith.index_cast %scan3A_152 : i32 to index
      %get3A_452 = arith.constant 480 : index
      %get3A_453 = tpu.vector_load %arg10[%get3A_451, %get3A_452] {strides = array<i32>} : memref<16x1024xf32, #tpu.memory_space<vmem>>, vector<16xf32>,
      %get3A_454 = arith.index_cast %scan3A_152 : i32 to index
      %get3A_455 = arith.constant 480 : index
      %get3A_456 = tpu.vector_load %arg11[%get3A_454, %get3A_455] {strides = array<i32>} : memref<16x1024xf32, #tpu.memory_space<vmem>>, vector<16xf32>,
      %add3A_457 = arith.addf %get3A_453, %get3A_456 : vector<16xf32>
      %swap3A_458 = arith.index_cast %scan3A_152 : i32 to index
      %swap3A_459 = arith.constant 480 : index
      %swap3A_460 = tpu.vector_load %arg10[%swap3A_458, %swap3A_459] {strides = array<i32>} : memref<16x1024xf32, #tpu.memory_space<vmem>>, vector<16xf32>,
      tpu.vector_store %arg10[%swap3A_458, %swap3A_459], %add3A_457 {strides = array<i32>} : memref<16x1024xf32, #tpu.memory_space<vmem>>, vector<16xf32>,
      %get3A_461 = arith.index_cast %scan3A_152 : i32 to index
      %get3A_462 = arith.constant 496 : index
      %get3A_463 = tpu.vector_load %arg10[%get3A_461, %get3A_462] {strides = array<i32>} : memref<16x1024xf32, #tpu.memory_space<vmem>>, vector<16xf32>,
      %get3A_464 = arith.index_cast %scan3A_152 : i32 to index
      %get3A_465 = arith.constant 496 : index
      %get3A_466 = tpu.vector_load %arg11[%get3A_464, %get3A_465] {strides = array<i32>} : memref<16x1024xf32, #tpu.memory_space<vmem>>, vector<16xf32>,
      %add3A_467 = arith.addf %get3A_463, %get3A_466 : vector<16xf32>
      %swap3A_468 = arith.index_cast %scan3A_152 : i32 to index
      %swap3A_469 = arith.constant 496 : index
      %swap3A_470 = tpu.vector_load %arg10[%swap3A_468, %swap3A_469] {strides = array<i32>} : memref<16x1024xf32, #tpu.memory_space<vmem>>, vector<16xf32>,
      tpu.vector_store %arg10[%swap3A_468, %swap3A_469], %add3A_467 {strides = array<i32>} : memref<16x1024xf32, #tpu.memory_space<vmem>>, vector<16xf32>,
      %get3A_471 = arith.index_cast %scan3A_152 : i32 to index
      %get3A_472 = arith.constant 512 : index
      %get3A_473 = tpu.vector_load %arg10[%get3A_471, %get3A_472] {strides = array<i32>} : memref<16x1024xf32, #tpu.memory_space<vmem>>, vector<16xf32>,
      %get3A_474 = arith.index_cast %scan3A_152 : i32 to index
      %get3A_475 = arith.constant 512 : index
      %get3A_476 = tpu.vector_load %arg11[%get3A_474, %get3A_475] {strides = array<i32>} : memref<16x1024xf32, #tpu.memory_space<vmem>>, vector<16xf32>,
      %add3A_477 = arith.addf %get3A_473, %get3A_476 : vector<16xf32>
      %swap3A_478 = arith.index_cast %scan3A_152 : i32 to index
      %swap3A_479 = arith.constant 512 : index
      %swap3A_480 = tpu.vector_load %arg10[%swap3A_478, %swap3A_479] {strides = array<i32>} : memref<16x1024xf32, #tpu.memory_space<vmem>>, vector<16xf32>,
      tpu.vector_store %arg10[%swap3A_478, %swap3A_479], %add3A_477 {strides = array<i32>} : memref<16x1024xf32, #tpu.memory_space<vmem>>, vector<16xf32>,
      %get3A_481 = arith.index_cast %scan3A_152 : i32 to index
      %get3A_482 = arith.constant 528 : index
      %get3A_483 = tpu.vector_load %arg10[%get3A_481, %get3A_482] {strides = array<i32>} : memref<16x1024xf32, #tpu.memory_space<vmem>>, vector<16xf32>,
      %get3A_484 = arith.index_cast %scan3A_152 : i32 to index
      %get3A_485 = arith.constant 528 : index
      %get3A_486 = tpu.vector_load %arg11[%get3A_484, %get3A_485] {strides = array<i32>} : memref<16x1024xf32, #tpu.memory_space<vmem>>, vector<16xf32>,
      %add3A_487 = arith.addf %get3A_483, %get3A_486 : vector<16xf32>
      %swap3A_488 = arith.index_cast %scan3A_152 : i32 to index
      %swap3A_489 = arith.constant 528 : index
      %swap3A_490 = tpu.vector_load %arg10[%swap3A_488, %swap3A_489] {strides = array<i32>} : memref<16x1024xf32, #tpu.memory_space<vmem>>, vector<16xf32>,
      tpu.vector_store %arg10[%swap3A_488, %swap3A_489], %add3A_487 {strides = array<i32>} : memref<16x1024xf32, #tpu.memory_space<vmem>>, vector<16xf32>,
      %get3A_491 = arith.index_cast %scan3A_152 : i32 to index
      %get3A_492 = arith.constant 544 : index
      %get3A_493 = tpu.vector_load %arg10[%get3A_491, %get3A_492] {strides = array<i32>} : memref<16x1024xf32, #tpu.memory_space<vmem>>, vector<16xf32>,
      %get3A_494 = arith.index_cast %scan3A_152 : i32 to index
      %get3A_495 = arith.constant 544 : index
      %get3A_496 = tpu.vector_load %arg11[%get3A_494, %get3A_495] {strides = array<i32>} : memref<16x1024xf32, #tpu.memory_space<vmem>>, vector<16xf32>,
      %add3A_497 = arith.addf %get3A_493, %get3A_496 : vector<16xf32>
      %swap3A_498 = arith.index_cast %scan3A_152 : i32 to index
      %swap3A_499 = arith.constant 544 : index
      %swap3A_500 = tpu.vector_load %arg10[%swap3A_498, %swap3A_499] {strides = array<i32>} : memref<16x1024xf32, #tpu.memory_space<vmem>>, vector<16xf32>,
      tpu.vector_store %arg10[%swap3A_498, %swap3A_499], %add3A_497 {strides = array<i32>} : memref<16x1024xf32, #tpu.memory_space<vmem>>, vector<16xf32>,
      %get3A_501 = arith.index_cast %scan3A_152 : i32 to index
      %get3A_502 = arith.constant 560 : index
      %get3A_503 = tpu.vector_load %arg10[%get3A_501, %get3A_502] {strides = array<i32>} : memref<16x1024xf32, #tpu.memory_space<vmem>>, vector<16xf32>,
      %get3A_504 = arith.index_cast %scan3A_152 : i32 to index
      %get3A_505 = arith.constant 560 : index
      %get3A_506 = tpu.vector_load %arg11[%get3A_504, %get3A_505] {strides = array<i32>} : memref<16x1024xf32, #tpu.memory_space<vmem>>, vector<16xf32>,
      %add3A_507 = arith.addf %get3A_503, %get3A_506 : vector<16xf32>
      %swap3A_508 = arith.index_cast %scan3A_152 : i32 to index
      %swap3A_509 = arith.constant 560 : index
      %swap3A_510 = tpu.vector_load %arg10[%swap3A_508, %swap3A_509] {strides = array<i32>} : memref<16x1024xf32, #tpu.memory_space<vmem>>, vector<16xf32>,
      tpu.vector_store %arg10[%swap3A_508, %swap3A_509], %add3A_507 {strides = array<i32>} : memref<16x1024xf32, #tpu.memory_space<vmem>>, vector<16xf32>,
      %get3A_511 = arith.index_cast %scan3A_152 : i32 to index
      %get3A_512 = arith.constant 576 : index
      %get3A_513 = tpu.vector_load %arg10[%get3A_511, %get3A_512] {strides = array<i32>} : memref<16x1024xf32, #tpu.memory_space<vmem>>, vector<16xf32>,
      %get3A_514 = arith.index_cast %scan3A_152 : i32 to index
      %get3A_515 = arith.constant 576 : index
      %get3A_516 = tpu.vector_load %arg11[%get3A_514, %get3A_515] {strides = array<i32>} : memref<16x1024xf32, #tpu.memory_space<vmem>>, vector<16xf32>,
      %add3A_517 = arith.addf %get3A_513, %get3A_516 : vector<16xf32>
      %swap3A_518 = arith.index_cast %scan3A_152 : i32 to index
      %swap3A_519 = arith.constant 576 : index
      %swap3A_520 = tpu.vector_load %arg10[%swap3A_518, %swap3A_519] {strides = array<i32>} : memref<16x1024xf32, #tpu.memory_space<vmem>>, vector<16xf32>,
      tpu.vector_store %arg10[%swap3A_518, %swap3A_519], %add3A_517 {strides = array<i32>} : memref<16x1024xf32, #tpu.memory_space<vmem>>, vector<16xf32>,
      %get3A_521 = arith.index_cast %scan3A_152 : i32 to index
      %get3A_522 = arith.constant 592 : index
      %get3A_523 = tpu.vector_load %arg10[%get3A_521, %get3A_522] {strides = array<i32>} : memref<16x1024xf32, #tpu.memory_space<vmem>>, vector<16xf32>,
      %get3A_524 = arith.index_cast %scan3A_152 : i32 to index
      %get3A_525 = arith.constant 592 : index
      %get3A_526 = tpu.vector_load %arg11[%get3A_524, %get3A_525] {strides = array<i32>} : memref<16x1024xf32, #tpu.memory_space<vmem>>, vector<16xf32>,
      %add3A_527 = arith.addf %get3A_523, %get3A_526 : vector<16xf32>
      %swap3A_528 = arith.index_cast %scan3A_152 : i32 to index
      %swap3A_529 = arith.constant 592 : index
      %swap3A_530 = tpu.vector_load %arg10[%swap3A_528, %swap3A_529] {strides = array<i32>} : memref<16x1024xf32, #tpu.memory_space<vmem>>, vector<16xf32>,
      tpu.vector_store %arg10[%swap3A_528, %swap3A_529], %add3A_527 {strides = array<i32>} : memref<16x1024xf32, #tpu.memory_space<vmem>>, vector<16xf32>,
      %get3A_531 = arith.index_cast %scan3A_152 : i32 to index
      %get3A_532 = arith.constant 608 : index
      %get3A_533 = tpu.vector_load %arg10[%get3A_531, %get3A_532] {strides = array<i32>} : memref<16x1024xf32, #tpu.memory_space<vmem>>, vector<16xf32>,
      %get3A_534 = arith.index_cast %scan3A_152 : i32 to index
      %get3A_535 = arith.constant 608 : index
      %get3A_536 = tpu.vector_load %arg11[%get3A_534, %get3A_535] {strides = array<i32>} : memref<16x1024xf32, #tpu.memory_space<vmem>>, vector<16xf32>,
      %add3A_537 = arith.addf %get3A_533, %get3A_536 : vector<16xf32>
      %swap3A_538 = arith.index_cast %scan3A_152 : i32 to index
      %swap3A_539 = arith.constant 608 : index
      %swap3A_540 = tpu.vector_load %arg10[%swap3A_538, %swap3A_539] {strides = array<i32>} : memref<16x1024xf32, #tpu.memory_space<vmem>>, vector<16xf32>,
      tpu.vector_store %arg10[%swap3A_538, %swap3A_539], %add3A_537 {strides = array<i32>} : memref<16x1024xf32, #tpu.memory_space<vmem>>, vector<16xf32>,
      %get3A_541 = arith.index_cast %scan3A_152 : i32 to index
      %get3A_542 = arith.constant 624 : index
      %get3A_543 = tpu.vector_load %arg10[%get3A_541, %get3A_542] {strides = array<i32>} : memref<16x1024xf32, #tpu.memory_space<vmem>>, vector<16xf32>,
      %get3A_544 = arith.index_cast %scan3A_152 : i32 to index
      %get3A_545 = arith.constant 624 : index
      %get3A_546 = tpu.vector_load %arg11[%get3A_544, %get3A_545] {strides = array<i32>} : memref<16x1024xf32, #tpu.memory_space<vmem>>, vector<16xf32>,
      %add3A_547 = arith.addf %get3A_543, %get3A_546 : vector<16xf32>
      %swap3A_548 = arith.index_cast %scan3A_152 : i32 to index
      %swap3A_549 = arith.constant 624 : index
      %swap3A_550 = tpu.vector_load %arg10[%swap3A_548, %swap3A_549] {strides = array<i32>} : memref<16x1024xf32, #tpu.memory_space<vmem>>, vector<16xf32>,
      tpu.vector_store %arg10[%swap3A_548, %swap3A_549], %add3A_547 {strides = array<i32>} : memref<16x1024xf32, #tpu.memory_space<vmem>>, vector<16xf32>,
      %get3A_551 = arith.index_cast %scan3A_152 : i32 to index
      %get3A_552 = arith.constant 640 : index
      %get3A_553 = tpu.vector_load %arg10[%get3A_551, %get3A_552] {strides = array<i32>} : memref<16x1024xf32, #tpu.memory_space<vmem>>, vector<16xf32>,
      %get3A_554 = arith.index_cast %scan3A_152 : i32 to index
      %get3A_555 = arith.constant 640 : index
      %get3A_556 = tpu.vector_load %arg11[%get3A_554, %get3A_555] {strides = array<i32>} : memref<16x1024xf32, #tpu.memory_space<vmem>>, vector<16xf32>,
      %add3A_557 = arith.addf %get3A_553, %get3A_556 : vector<16xf32>
      %swap3A_558 = arith.index_cast %scan3A_152 : i32 to index
      %swap3A_559 = arith.constant 640 : index
      %swap3A_560 = tpu.vector_load %arg10[%swap3A_558, %swap3A_559] {strides = array<i32>} : memref<16x1024xf32, #tpu.memory_space<vmem>>, vector<16xf32>,
      tpu.vector_store %arg10[%swap3A_558, %swap3A_559], %add3A_557 {strides = array<i32>} : memref<16x1024xf32, #tpu.memory_space<vmem>>, vector<16xf32>,
      %get3A_561 = arith.index_cast %scan3A_152 : i32 to index
      %get3A_562 = arith.constant 656 : index
      %get3A_563 = tpu.vector_load %arg10[%get3A_561, %get3A_562] {strides = array<i32>} : memref<16x1024xf32, #tpu.memory_space<vmem>>, vector<16xf32>,
      %get3A_564 = arith.index_cast %scan3A_152 : i32 to index
      %get3A_565 = arith.constant 656 : index
      %get3A_566 = tpu.vector_load %arg11[%get3A_564, %get3A_565] {strides = array<i32>} : memref<16x1024xf32, #tpu.memory_space<vmem>>, vector<16xf32>,
      %add3A_567 = arith.addf %get3A_563, %get3A_566 : vector<16xf32>
      %swap3A_568 = arith.index_cast %scan3A_152 : i32 to index
      %swap3A_569 = arith.constant 656 : index
      %swap3A_570 = tpu.vector_load %arg10[%swap3A_568, %swap3A_569] {strides = array<i32>} : memref<16x1024xf32, #tpu.memory_space<vmem>>, vector<16xf32>,
      tpu.vector_store %arg10[%swap3A_568, %swap3A_569], %add3A_567 {strides = array<i32>} : memref<16x1024xf32, #tpu.memory_space<vmem>>, vector<16xf32>,
      %get3A_571 = arith.index_cast %scan3A_152 : i32 to index
      %get3A_572 = arith.constant 672 : index
      %get3A_573 = tpu.vector_load %arg10[%get3A_571, %get3A_572] {strides = array<i32>} : memref<16x1024xf32, #tpu.memory_space<vmem>>, vector<16xf32>,
      %get3A_574 = arith.index_cast %scan3A_152 : i32 to index
      %get3A_575 = arith.constant 672 : index
      %get3A_576 = tpu.vector_load %arg11[%get3A_574, %get3A_575] {strides = array<i32>} : memref<16x1024xf32, #tpu.memory_space<vmem>>, vector<16xf32>,
      %add3A_577 = arith.addf %get3A_573, %get3A_576 : vector<16xf32>
      %swap3A_578 = arith.index_cast %scan3A_152 : i32 to index
      %swap3A_579 = arith.constant 672 : index
      %swap3A_580 = tpu.vector_load %arg10[%swap3A_578, %swap3A_579] {strides = array<i32>} : memref<16x1024xf32, #tpu.memory_space<vmem>>, vector<16xf32>,
      tpu.vector_store %arg10[%swap3A_578, %swap3A_579], %add3A_577 {strides = array<i32>} : memref<16x1024xf32, #tpu.memory_space<vmem>>, vector<16xf32>,
      %get3A_581 = arith.index_cast %scan3A_152 : i32 to index
      %get3A_582 = arith.constant 688 : index
      %get3A_583 = tpu.vector_load %arg10[%get3A_581, %get3A_582] {strides = array<i32>} : memref<16x1024xf32, #tpu.memory_space<vmem>>, vector<16xf32>,
      %get3A_584 = arith.index_cast %scan3A_152 : i32 to index
      %get3A_585 = arith.constant 688 : index
      %get3A_586 = tpu.vector_load %arg11[%get3A_584, %get3A_585] {strides = array<i32>} : memref<16x1024xf32, #tpu.memory_space<vmem>>, vector<16xf32>,
      %add3A_587 = arith.addf %get3A_583, %get3A_586 : vector<16xf32>
      %swap3A_588 = arith.index_cast %scan3A_152 : i32 to index
      %swap3A_589 = arith.constant 688 : index
      %swap3A_590 = tpu.vector_load %arg10[%swap3A_588, %swap3A_589] {strides = array<i32>} : memref<16x1024xf32, #tpu.memory_space<vmem>>, vector<16xf32>,
      tpu.vector_store %arg10[%swap3A_588, %swap3A_589], %add3A_587 {strides = array<i32>} : memref<16x1024xf32, #tpu.memory_space<vmem>>, vector<16xf32>,
      %get3A_591 = arith.index_cast %scan3A_152 : i32 to index
      %get3A_592 = arith.constant 704 : index
      %get3A_593 = tpu.vector_load %arg10[%get3A_591, %get3A_592] {strides = array<i32>} : memref<16x1024xf32, #tpu.memory_space<vmem>>, vector<16xf32>,
      %get3A_594 = arith.index_cast %scan3A_152 : i32 to index
      %get3A_595 = arith.constant 704 : index
      %get3A_596 = tpu.vector_load %arg11[%get3A_594, %get3A_595] {strides = array<i32>} : memref<16x1024xf32, #tpu.memory_space<vmem>>, vector<16xf32>,
      %add3A_597 = arith.addf %get3A_593, %get3A_596 : vector<16xf32>
      %swap3A_598 = arith.index_cast %scan3A_152 : i32 to index
      %swap3A_599 = arith.constant 704 : index
      %swap3A_600 = tpu.vector_load %arg10[%swap3A_598, %swap3A_599] {strides = array<i32>} : memref<16x1024xf32, #tpu.memory_space<vmem>>, vector<16xf32>,
      tpu.vector_store %arg10[%swap3A_598, %swap3A_599], %add3A_597 {strides = array<i32>} : memref<16x1024xf32, #tpu.memory_space<vmem>>, vector<16xf32>,
      %get3A_601 = arith.index_cast %scan3A_152 : i32 to index
      %get3A_602 = arith.constant 720 : index
      %get3A_603 = tpu.vector_load %arg10[%get3A_601, %get3A_602] {strides = array<i32>} : memref<16x1024xf32, #tpu.memory_space<vmem>>, vector<16xf32>,
      %get3A_604 = arith.index_cast %scan3A_152 : i32 to index
      %get3A_605 = arith.constant 720 : index
      %get3A_606 = tpu.vector_load %arg11[%get3A_604, %get3A_605] {strides = array<i32>} : memref<16x1024xf32, #tpu.memory_space<vmem>>, vector<16xf32>,
      %add3A_607 = arith.addf %get3A_603, %get3A_606 : vector<16xf32>
      %swap3A_608 = arith.index_cast %scan3A_152 : i32 to index
      %swap3A_609 = arith.constant 720 : index
      %swap3A_610 = tpu.vector_load %arg10[%swap3A_608, %swap3A_609] {strides = array<i32>} : memref<16x1024xf32, #tpu.memory_space<vmem>>, vector<16xf32>,
      tpu.vector_store %arg10[%swap3A_608, %swap3A_609], %add3A_607 {strides = array<i32>} : memref<16x1024xf32, #tpu.memory_space<vmem>>, vector<16xf32>,
      %get3A_611 = arith.index_cast %scan3A_152 : i32 to index
      %get3A_612 = arith.constant 736 : index
      %get3A_613 = tpu.vector_load %arg10[%get3A_611, %get3A_612] {strides = array<i32>} : memref<16x1024xf32, #tpu.memory_space<vmem>>, vector<16xf32>,
      %get3A_614 = arith.index_cast %scan3A_152 : i32 to index
      %get3A_615 = arith.constant 736 : index
      %get3A_616 = tpu.vector_load %arg11[%get3A_614, %get3A_615] {strides = array<i32>} : memref<16x1024xf32, #tpu.memory_space<vmem>>, vector<16xf32>,
      %add3A_617 = arith.addf %get3A_613, %get3A_616 : vector<16xf32>
      %swap3A_618 = arith.index_cast %scan3A_152 : i32 to index
      %swap3A_619 = arith.constant 736 : index
      %swap3A_620 = tpu.vector_load %arg10[%swap3A_618, %swap3A_619] {strides = array<i32>} : memref<16x1024xf32, #tpu.memory_space<vmem>>, vector<16xf32>,
      tpu.vector_store %arg10[%swap3A_618, %swap3A_619], %add3A_617 {strides = array<i32>} : memref<16x1024xf32, #tpu.memory_space<vmem>>, vector<16xf32>,
      %get3A_621 = arith.index_cast %scan3A_152 : i32 to index
      %get3A_622 = arith.constant 752 : index
      %get3A_623 = tpu.vector_load %arg10[%get3A_621, %get3A_622] {strides = array<i32>} : memref<16x1024xf32, #tpu.memory_space<vmem>>, vector<16xf32>,
      %get3A_624 = arith.index_cast %scan3A_152 : i32 to index
      %get3A_625 = arith.constant 752 : index
      %get3A_626 = tpu.vector_load %arg11[%get3A_624, %get3A_625] {strides = array<i32>} : memref<16x1024xf32, #tpu.memory_space<vmem>>, vector<16xf32>,
      %add3A_627 = arith.addf %get3A_623, %get3A_626 : vector<16xf32>
      %swap3A_628 = arith.index_cast %scan3A_152 : i32 to index
      %swap3A_629 = arith.constant 752 : index
      %swap3A_630 = tpu.vector_load %arg10[%swap3A_628, %swap3A_629] {strides = array<i32>} : memref<16x1024xf32, #tpu.memory_space<vmem>>, vector<16xf32>,
      tpu.vector_store %arg10[%swap3A_628, %swap3A_629], %add3A_627 {strides = array<i32>} : memref<16x1024xf32, #tpu.memory_space<vmem>>, vector<16xf32>,
      %get3A_631 = arith.index_cast %scan3A_152 : i32 to index
      %get3A_632 = arith.constant 768 : index
      %get3A_633 = tpu.vector_load %arg10[%get3A_631, %get3A_632] {strides = array<i32>} : memref<16x1024xf32, #tpu.memory_space<vmem>>, vector<16xf32>,
      %get3A_634 = arith.index_cast %scan3A_152 : i32 to index
      %get3A_635 = arith.constant 768 : index
      %get3A_636 = tpu.vector_load %arg11[%get3A_634, %get3A_635] {strides = array<i32>} : memref<16x1024xf32, #tpu.memory_space<vmem>>, vector<16xf32>,
      %add3A_637 = arith.addf %get3A_633, %get3A_636 : vector<16xf32>
      %swap3A_638 = arith.index_cast %scan3A_152 : i32 to index
      %swap3A_639 = arith.constant 768 : index
      %swap3A_640 = tpu.vector_load %arg10[%swap3A_638, %swap3A_639] {strides = array<i32>} : memref<16x1024xf32, #tpu.memory_space<vmem>>, vector<16xf32>,
      tpu.vector_store %arg10[%swap3A_638, %swap3A_639], %add3A_637 {strides = array<i32>} : memref<16x1024xf32, #tpu.memory_space<vmem>>, vector<16xf32>,
      %get3A_641 = arith.index_cast %scan3A_152 : i32 to index
      %get3A_642 = arith.constant 784 : index
      %get3A_643 = tpu.vector_load %arg10[%get3A_641, %get3A_642] {strides = array<i32>} : memref<16x1024xf32, #tpu.memory_space<vmem>>, vector<16xf32>,
      %get3A_644 = arith.index_cast %scan3A_152 : i32 to index
      %get3A_645 = arith.constant 784 : index
      %get3A_646 = tpu.vector_load %arg11[%get3A_644, %get3A_645] {strides = array<i32>} : memref<16x1024xf32, #tpu.memory_space<vmem>>, vector<16xf32>,
      %add3A_647 = arith.addf %get3A_643, %get3A_646 : vector<16xf32>
      %swap3A_648 = arith.index_cast %scan3A_152 : i32 to index
      %swap3A_649 = arith.constant 784 : index
      %swap3A_650 = tpu.vector_load %arg10[%swap3A_648, %swap3A_649] {strides = array<i32>} : memref<16x1024xf32, #tpu.memory_space<vmem>>, vector<16xf32>,
      tpu.vector_store %arg10[%swap3A_648, %swap3A_649], %add3A_647 {strides = array<i32>} : memref<16x1024xf32, #tpu.memory_space<vmem>>, vector<16xf32>,
      %get3A_651 = arith.index_cast %scan3A_152 : i32 to index
      %get3A_652 = arith.constant 800 : index
      %get3A_653 = tpu.vector_load %arg10[%get3A_651, %get3A_652] {strides = array<i32>} : memref<16x1024xf32, #tpu.memory_space<vmem>>, vector<16xf32>,
      %get3A_654 = arith.index_cast %scan3A_152 : i32 to index
      %get3A_655 = arith.constant 800 : index
      %get3A_656 = tpu.vector_load %arg11[%get3A_654, %get3A_655] {strides = array<i32>} : memref<16x1024xf32, #tpu.memory_space<vmem>>, vector<16xf32>,
      %add3A_657 = arith.addf %get3A_653, %get3A_656 : vector<16xf32>
      %swap3A_658 = arith.index_cast %scan3A_152 : i32 to index
      %swap3A_659 = arith.constant 800 : index
      %swap3A_660 = tpu.vector_load %arg10[%swap3A_658, %swap3A_659] {strides = array<i32>} : memref<16x1024xf32, #tpu.memory_space<vmem>>, vector<16xf32>,
      tpu.vector_store %arg10[%swap3A_658, %swap3A_659], %add3A_657 {strides = array<i32>} : memref<16x1024xf32, #tpu.memory_space<vmem>>, vector<16xf32>,
      %get3A_661 = arith.index_cast %scan3A_152 : i32 to index
      %get3A_662 = arith.constant 816 : index
      %get3A_663 = tpu.vector_load %arg10[%get3A_661, %get3A_662] {strides = array<i32>} : memref<16x1024xf32, #tpu.memory_space<vmem>>, vector<16xf32>,
      %get3A_664 = arith.index_cast %scan3A_152 : i32 to index
      %get3A_665 = arith.constant 816 : index
      %get3A_666 = tpu.vector_load %arg11[%get3A_664, %get3A_665] {strides = array<i32>} : memref<16x1024xf32, #tpu.memory_space<vmem>>, vector<16xf32>,
      %add3A_667 = arith.addf %get3A_663, %get3A_666 : vector<16xf32>
      %swap3A_668 = arith.index_cast %scan3A_152 : i32 to index
      %swap3A_669 = arith.constant 816 : index
      %swap3A_670 = tpu.vector_load %arg10[%swap3A_668, %swap3A_669] {strides = array<i32>} : memref<16x1024xf32, #tpu.memory_space<vmem>>, vector<16xf32>,
      tpu.vector_store %arg10[%swap3A_668, %swap3A_669], %add3A_667 {strides = array<i32>} : memref<16x1024xf32, #tpu.memory_space<vmem>>, vector<16xf32>,
      %get3A_671 = arith.index_cast %scan3A_152 : i32 to index
      %get3A_672 = arith.constant 832 : index
      %get3A_673 = tpu.vector_load %arg10[%get3A_671, %get3A_672] {strides = array<i32>} : memref<16x1024xf32, #tpu.memory_space<vmem>>, vector<16xf32>,
      %get3A_674 = arith.index_cast %scan3A_152 : i32 to index
      %get3A_675 = arith.constant 832 : index
      %get3A_676 = tpu.vector_load %arg11[%get3A_674, %get3A_675] {strides = array<i32>} : memref<16x1024xf32, #tpu.memory_space<vmem>>, vector<16xf32>,
      %add3A_677 = arith.addf %get3A_673, %get3A_676 : vector<16xf32>
      %swap3A_678 = arith.index_cast %scan3A_152 : i32 to index
      %swap3A_679 = arith.constant 832 : index
      %swap3A_680 = tpu.vector_load %arg10[%swap3A_678, %swap3A_679] {strides = array<i32>} : memref<16x1024xf32, #tpu.memory_space<vmem>>, vector<16xf32>,
      tpu.vector_store %arg10[%swap3A_678, %swap3A_679], %add3A_677 {strides = array<i32>} : memref<16x1024xf32, #tpu.memory_space<vmem>>, vector<16xf32>,
      %get3A_681 = arith.index_cast %scan3A_152 : i32 to index
      %get3A_682 = arith.constant 848 : index
      %get3A_683 = tpu.vector_load %arg10[%get3A_681, %get3A_682] {strides = array<i32>} : memref<16x1024xf32, #tpu.memory_space<vmem>>, vector<16xf32>,
      %get3A_684 = arith.index_cast %scan3A_152 : i32 to index
      %get3A_685 = arith.constant 848 : index
      %get3A_686 = tpu.vector_load %arg11[%get3A_684, %get3A_685] {strides = array<i32>} : memref<16x1024xf32, #tpu.memory_space<vmem>>, vector<16xf32>,
      %add3A_687 = arith.addf %get3A_683, %get3A_686 : vector<16xf32>
      %swap3A_688 = arith.index_cast %scan3A_152 : i32 to index
      %swap3A_689 = arith.constant 848 : index
      %swap3A_690 = tpu.vector_load %arg10[%swap3A_688, %swap3A_689] {strides = array<i32>} : memref<16x1024xf32, #tpu.memory_space<vmem>>, vector<16xf32>,
      tpu.vector_store %arg10[%swap3A_688, %swap3A_689], %add3A_687 {strides = array<i32>} : memref<16x1024xf32, #tpu.memory_space<vmem>>, vector<16xf32>,
      %get3A_691 = arith.index_cast %scan3A_152 : i32 to index
      %get3A_692 = arith.constant 864 : index
      %get3A_693 = tpu.vector_load %arg10[%get3A_691, %get3A_692] {strides = array<i32>} : memref<16x1024xf32, #tpu.memory_space<vmem>>, vector<16xf32>,
      %get3A_694 = arith.index_cast %scan3A_152 : i32 to index
      %get3A_695 = arith.constant 864 : index
      %get3A_696 = tpu.vector_load %arg11[%get3A_694, %get3A_695] {strides = array<i32>} : memref<16x1024xf32, #tpu.memory_space<vmem>>, vector<16xf32>,
      %add3A_697 = arith.addf %get3A_693, %get3A_696 : vector<16xf32>
      %swap3A_698 = arith.index_cast %scan3A_152 : i32 to index
      %swap3A_699 = arith.constant 864 : index
      %swap3A_700 = tpu.vector_load %arg10[%swap3A_698, %swap3A_699] {strides = array<i32>} : memref<16x1024xf32, #tpu.memory_space<vmem>>, vector<16xf32>,
      tpu.vector_store %arg10[%swap3A_698, %swap3A_699], %add3A_697 {strides = array<i32>} : memref<16x1024xf32, #tpu.memory_space<vmem>>, vector<16xf32>,
      %get3A_701 = arith.index_cast %scan3A_152 : i32 to index
      %get3A_702 = arith.constant 880 : index
      %get3A_703 = tpu.vector_load %arg10[%get3A_701, %get3A_702] {strides = array<i32>} : memref<16x1024xf32, #tpu.memory_space<vmem>>, vector<16xf32>,
      %get3A_704 = arith.index_cast %scan3A_152 : i32 to index
      %get3A_705 = arith.constant 880 : index
      %get3A_706 = tpu.vector_load %arg11[%get3A_704, %get3A_705] {strides = array<i32>} : memref<16x1024xf32, #tpu.memory_space<vmem>>, vector<16xf32>,
      %add3A_707 = arith.addf %get3A_703, %get3A_706 : vector<16xf32>
      %swap3A_708 = arith.index_cast %scan3A_152 : i32 to index
      %swap3A_709 = arith.constant 880 : index
      %swap3A_710 = tpu.vector_load %arg10[%swap3A_708, %swap3A_709] {strides = array<i32>} : memref<16x1024xf32, #tpu.memory_space<vmem>>, vector<16xf32>,
      tpu.vector_store %arg10[%swap3A_708, %swap3A_709], %add3A_707 {strides = array<i32>} : memref<16x1024xf32, #tpu.memory_space<vmem>>, vector<16xf32>,
      %get3A_711 = arith.index_cast %scan3A_152 : i32 to index
      %get3A_712 = arith.constant 896 : index
      %get3A_713 = tpu.vector_load %arg10[%get3A_711, %get3A_712] {strides = array<i32>} : memref<16x1024xf32, #tpu.memory_space<vmem>>, vector<16xf32>,
      %get3A_714 = arith.index_cast %scan3A_152 : i32 to index
      %get3A_715 = arith.constant 896 : index
      %get3A_716 = tpu.vector_load %arg11[%get3A_714, %get3A_715] {strides = array<i32>} : memref<16x1024xf32, #tpu.memory_space<vmem>>, vector<16xf32>,
      %add3A_717 = arith.addf %get3A_713, %get3A_716 : vector<16xf32>
      %swap3A_718 = arith.index_cast %scan3A_152 : i32 to index
      %swap3A_719 = arith.constant 896 : index
      %swap3A_720 = tpu.vector_load %arg10[%swap3A_718, %swap3A_719] {strides = array<i32>} : memref<16x1024xf32, #tpu.memory_space<vmem>>, vector<16xf32>,
      tpu.vector_store %arg10[%swap3A_718, %swap3A_719], %add3A_717 {strides = array<i32>} : memref<16x1024xf32, #tpu.memory_space<vmem>>, vector<16xf32>,
      %get3A_721 = arith.index_cast %scan3A_152 : i32 to index
      %get3A_722 = arith.constant 912 : index
      %get3A_723 = tpu.vector_load %arg10[%get3A_721, %get3A_722] {strides = array<i32>} : memref<16x1024xf32, #tpu.memory_space<vmem>>, vector<16xf32>,
      %get3A_724 = arith.index_cast %scan3A_152 : i32 to index
      %get3A_725 = arith.constant 912 : index
      %get3A_726 = tpu.vector_load %arg11[%get3A_724, %get3A_725] {strides = array<i32>} : memref<16x1024xf32, #tpu.memory_space<vmem>>, vector<16xf32>,
      %add3A_727 = arith.addf %get3A_723, %get3A_726 : vector<16xf32>
      %swap3A_728 = arith.index_cast %scan3A_152 : i32 to index
      %swap3A_729 = arith.constant 912 : index
      %swap3A_730 = tpu.vector_load %arg10[%swap3A_728, %swap3A_729] {strides = array<i32>} : memref<16x1024xf32, #tpu.memory_space<vmem>>, vector<16xf32>,
      tpu.vector_store %arg10[%swap3A_728, %swap3A_729], %add3A_727 {strides = array<i32>} : memref<16x1024xf32, #tpu.memory_space<vmem>>, vector<16xf32>,
      %get3A_731 = arith.index_cast %scan3A_152 : i32 to index
      %get3A_732 = arith.constant 928 : index
      %get3A_733 = tpu.vector_load %arg10[%get3A_731, %get3A_732] {strides = array<i32>} : memref<16x1024xf32, #tpu.memory_space<vmem>>, vector<16xf32>,
      %get3A_734 = arith.index_cast %scan3A_152 : i32 to index
      %get3A_735 = arith.constant 928 : index
      %get3A_736 = tpu.vector_load %arg11[%get3A_734, %get3A_735] {strides = array<i32>} : memref<16x1024xf32, #tpu.memory_space<vmem>>, vector<16xf32>,
      %add3A_737 = arith.addf %get3A_733, %get3A_736 : vector<16xf32>
      %swap3A_738 = arith.index_cast %scan3A_152 : i32 to index
      %swap3A_739 = arith.constant 928 : index
      %swap3A_740 = tpu.vector_load %arg10[%swap3A_738, %swap3A_739] {strides = array<i32>} : memref<16x1024xf32, #tpu.memory_space<vmem>>, vector<16xf32>,
      tpu.vector_store %arg10[%swap3A_738, %swap3A_739], %add3A_737 {strides = array<i32>} : memref<16x1024xf32, #tpu.memory_space<vmem>>, vector<16xf32>,
      %get3A_741 = arith.index_cast %scan3A_152 : i32 to index
      %get3A_742 = arith.constant 944 : index
      %get3A_743 = tpu.vector_load %arg10[%get3A_741, %get3A_742] {strides = array<i32>} : memref<16x1024xf32, #tpu.memory_space<vmem>>, vector<16xf32>,
      %get3A_744 = arith.index_cast %scan3A_152 : i32 to index
      %get3A_745 = arith.constant 944 : index
      %get3A_746 = tpu.vector_load %arg11[%get3A_744, %get3A_745] {strides = array<i32>} : memref<16x1024xf32, #tpu.memory_space<vmem>>, vector<16xf32>,
      %add3A_747 = arith.addf %get3A_743, %get3A_746 : vector<16xf32>
      %swap3A_748 = arith.index_cast %scan3A_152 : i32 to index
      %swap3A_749 = arith.constant 944 : index
      %swap3A_750 = tpu.vector_load %arg10[%swap3A_748, %swap3A_749] {strides = array<i32>} : memref<16x1024xf32, #tpu.memory_space<vmem>>, vector<16xf32>,
      tpu.vector_store %arg10[%swap3A_748, %swap3A_749], %add3A_747 {strides = array<i32>} : memref<16x1024xf32, #tpu.memory_space<vmem>>, vector<16xf32>,
      %get3A_751 = arith.index_cast %scan3A_152 : i32 to index
      %get3A_752 = arith.constant 960 : index
      %get3A_753 = tpu.vector_load %arg10[%get3A_751, %get3A_752] {strides = array<i32>} : memref<16x1024xf32, #tpu.memory_space<vmem>>, vector<16xf32>,
      %get3A_754 = arith.index_cast %scan3A_152 : i32 to index
      %get3A_755 = arith.constant 960 : index
      %get3A_756 = tpu.vector_load %arg11[%get3A_754, %get3A_755] {strides = array<i32>} : memref<16x1024xf32, #tpu.memory_space<vmem>>, vector<16xf32>,
      %add3A_757 = arith.addf %get3A_753, %get3A_756 : vector<16xf32>
      %swap3A_758 = arith.index_cast %scan3A_152 : i32 to index
      %swap3A_759 = arith.constant 960 : index
      %swap3A_760 = tpu.vector_load %arg10[%swap3A_758, %swap3A_759] {strides = array<i32>} : memref<16x1024xf32, #tpu.memory_space<vmem>>, vector<16xf32>,
      tpu.vector_store %arg10[%swap3A_758, %swap3A_759], %add3A_757 {strides = array<i32>} : memref<16x1024xf32, #tpu.memory_space<vmem>>, vector<16xf32>,
      %get3A_761 = arith.index_cast %scan3A_152 : i32 to index
      %get3A_762 = arith.constant 976 : index
      %get3A_763 = tpu.vector_load %arg10[%get3A_761, %get3A_762] {strides = array<i32>} : memref<16x1024xf32, #tpu.memory_space<vmem>>, vector<16xf32>,
      %get3A_764 = arith.index_cast %scan3A_152 : i32 to index
      %get3A_765 = arith.constant 976 : index
      %get3A_766 = tpu.vector_load %arg11[%get3A_764, %get3A_765] {strides = array<i32>} : memref<16x1024xf32, #tpu.memory_space<vmem>>, vector<16xf32>,
      %add3A_767 = arith.addf %get3A_763, %get3A_766 : vector<16xf32>
      %swap3A_768 = arith.index_cast %scan3A_152 : i32 to index
      %swap3A_769 = arith.constant 976 : index
      %swap3A_770 = tpu.vector_load %arg10[%swap3A_768, %swap3A_769] {strides = array<i32>} : memref<16x1024xf32, #tpu.memory_space<vmem>>, vector<16xf32>,
      tpu.vector_store %arg10[%swap3A_768, %swap3A_769], %add3A_767 {strides = array<i32>} : memref<16x1024xf32, #tpu.memory_space<vmem>>, vector<16xf32>,
      %get3A_771 = arith.index_cast %scan3A_152 : i32 to index
      %get3A_772 = arith.constant 992 : index
      %get3A_773 = tpu.vector_load %arg10[%get3A_771, %get3A_772] {strides = array<i32>} : memref<16x1024xf32, #tpu.memory_space<vmem>>, vector<16xf32>,
      %get3A_774 = arith.index_cast %scan3A_152 : i32 to index
      %get3A_775 = arith.constant 992 : index
      %get3A_776 = tpu.vector_load %arg11[%get3A_774, %get3A_775] {strides = array<i32>} : memref<16x1024xf32, #tpu.memory_space<vmem>>, vector<16xf32>,
      %add3A_777 = arith.addf %get3A_773, %get3A_776 : vector<16xf32>
      %swap3A_778 = arith.index_cast %scan3A_152 : i32 to index
      %swap3A_779 = arith.constant 992 : index
      %swap3A_780 = tpu.vector_load %arg10[%swap3A_778, %swap3A_779] {strides = array<i32>} : memref<16x1024xf32, #tpu.memory_space<vmem>>, vector<16xf32>,
      tpu.vector_store %arg10[%swap3A_778, %swap3A_779], %add3A_777 {strides = array<i32>} : memref<16x1024xf32, #tpu.memory_space<vmem>>, vector<16xf32>,
      %get3A_781 = arith.index_cast %scan3A_152 : i32 to index
      %get3A_782 = arith.constant 1008 : index
      %get3A_783 = tpu.vector_load %arg10[%get3A_781, %get3A_782] {strides = array<i32>} : memref<16x1024xf32, #tpu.memory_space<vmem>>, vector<16xf32>,
      %get3A_784 = arith.index_cast %scan3A_152 : i32 to index
      %get3A_785 = arith.constant 1008 : index
      %get3A_786 = tpu.vector_load %arg11[%get3A_784, %get3A_785] {strides = array<i32>} : memref<16x1024xf32, #tpu.memory_space<vmem>>, vector<16xf32>,
      %add3A_787 = arith.addf %get3A_783, %get3A_786 : vector<16xf32>
      %swap3A_788 = arith.index_cast %scan3A_152 : i32 to index
      %swap3A_789 = arith.constant 1008 : index
      %swap3A_790 = tpu.vector_load %arg10[%swap3A_788, %swap3A_789] {strides = array<i32>} : memref<16x1024xf32, #tpu.memory_space<vmem>>, vector<16xf32>,
      tpu.vector_store %arg10[%swap3A_788, %swap3A_789], %add3A_787 {strides = array<i32>} : memref<16x1024xf32, #tpu.memory_space<vmem>>, vector<16xf32>,
    }
    %scan3A_137 = arith.constant 16 : i32
    %add3A_138 = arith.constant 48 : i32
    %add3A_139 = arith.addi %mul3A_2, %add3A_138 : i32
    %dma_start3A_140 = arith.constant 0 : i32
    %dma_start3A_141 = tpu.memref_slice %arg5[%add3A_139, %dma_start3A_140] : memref<2048x1024xf32, #tpu.memory_space<hbm>> -> memref<16x1024xf32, #tpu.memory_space<hbm>>
    %dma_start3A_142 = arith.constant 0 : i32
    %dma_start3A_143 = tpu.memref_slice %arg5[%add3A_139, %dma_start3A_142] : memref<2048x1024xf32, #tpu.memory_space<hbm>> -> memref<16x1024xf32, #tpu.memory_space<hbm>>
    tpu.enqueue_dma source(%arg10 : memref<16x1024xf32, #tpu.memory_space<vmem>>) target(%dma_start3A_143 : memref<16x1024xf32, #tpu.memory_space<hbm>>) target_semaphore(%arg15 : memref<!tpu.dma_semaphore, #tpu.memory_space<semaphore_mem>>)
    %dma_wait3A_144 = arith.constant 0 : i32
    %dma_wait3A_145 = tpu.memref_slice %arg5[%add3A_117, %dma_wait3A_144] : memref<2048x1024xf32, #tpu.memory_space<hbm>> -> memref<16x1024xf32, #tpu.memory_space<hbm>>
    %dma_wait3A_146 = arith.constant 0 : i32
    %dma_wait3A_147 = tpu.memref_slice %arg5[%add3A_117, %dma_wait3A_146] : memref<2048x1024xf32, #tpu.memory_space<hbm>> -> memref<16x1024xf32, #tpu.memory_space<hbm>>
    tpu.wait_dma2 semaphore(%arg14 : memref<!tpu.dma_semaphore, #tpu.memory_space<semaphore_mem>>) src(%arg8 : memref<16x1024xf32, #tpu.memory_space<vmem>>) dst(%dma_wait3A_147 : memref<16x1024xf32, #tpu.memory_space<hbm>>)
    %dma_wait3A_148 = arith.constant 0 : i32
    %dma_wait3A_149 = tpu.memref_slice %arg5[%add3A_139, %dma_wait3A_148] : memref<2048x1024xf32, #tpu.memory_space<hbm>> -> memref<16x1024xf32, #tpu.memory_space<hbm>>
    %dma_wait3A_150 = arith.constant 0 : i32
    %dma_wait3A_151 = tpu.memref_slice %arg5[%add3A_139, %dma_wait3A_150] : memref<2048x1024xf32, #tpu.memory_space<hbm>> -> memref<16x1024xf32, #tpu.memory_space<hbm>>
    tpu.wait_dma2 semaphore(%arg15 : memref<!tpu.dma_semaphore, #tpu.memory_space<semaphore_mem>>) src(%arg10 : memref<16x1024xf32, #tpu.memory_space<vmem>>) dst(%dma_wait3A_151 : memref<16x1024xf32, #tpu.memory_space<hbm>>)
    return
  }
}

#map = affine_map<(d0, d1) -> (0, 0)>
#map1 = affine_map<(d0, d1) -> (0)>
module attributes {stable_mosaic.version = 14 : i64} {
  func.func @_dispatch_kernel(%arg0: i32, %arg1: i32, %arg2: memref<2048x1024xf32, #tpu.memory_space<hbm>>, %arg3: memref<2048xi32, #tpu.memory_space<hbm>>, %arg4: memref<2048xi32, #tpu.memory_space<hbm>>, %arg5: memref<2048xf32, #tpu.memory_space<hbm>>, %arg6: memref<2048xf32, #tpu.memory_space<hbm>>, %arg7: memref<7680x1024xf32, #tpu.memory_space<hbm>>, %arg8: memref<7680xf32, #tpu.memory_space<hbm>>, %arg9: memref<64x1024xf32, #tpu.memory_space<vmem>>, %arg10: memref<64xi32, #tpu.memory_space<vmem>>, %arg11: memref<64xi32, #tpu.memory_space<vmem>>, %arg12: memref<64xf32, #tpu.memory_space<vmem>>, %arg13: memref<64xf32, #tpu.memory_space<vmem>>, %arg14: memref<!tpu.dma_semaphore, #tpu.memory_space<semaphore_mem>>, %arg15: memref<!tpu.dma_semaphore, #tpu.memory_space<semaphore_mem>>, %arg16: memref<!tpu.dma_semaphore, #tpu.memory_space<semaphore_mem>>, %arg17: memref<!tpu.dma_semaphore, #tpu.memory_space<semaphore_mem>>) attributes {dimension_semantics = [#tpu.dimension_semantics<core_parallel>, #tpu.dimension_semantics<subcore_parallel>], iteration_bounds = array<i64: 2, 16>, scalar_prefetch = 0 : i64, scratch_operands = 9 : i64, tpu.core_type = #tpu.core_type<sc_vector_subcore>, window_params = [{transform_indices = #map}, {transform_indices = #map1}, {transform_indices = #map1}, {transform_indices = #map1}, {transform_indices = #map1}, {transform_indices = #map}, {transform_indices = #map1}]} {
    %mul3A = arith.constant 2 : i32
    %mul3A_0 = arith.muli %arg1, %mul3A : i32
    %add3A = arith.addi %mul3A_0, %arg0 : i32
    %mul3A_1 = arith.constant 64 : i32
    %mul3A_2 = arith.muli %add3A, %mul3A_1 : i32
    %dma_start3A = arith.constant 0 : i32
    %dma_start3A_3 = tpu.memref_slice %arg2[%mul3A_2, %dma_start3A] : memref<2048x1024xf32, #tpu.memory_space<hbm>> -> memref<64x1024xf32, #tpu.memory_space<hbm>>
    %dma_start3A_4 = arith.constant 0 : i32
    %dma_start3A_5 = tpu.memref_slice %arg2[%mul3A_2, %dma_start3A_4] : memref<2048x1024xf32, #tpu.memory_space<hbm>> -> memref<64x1024xf32, #tpu.memory_space<hbm>>
    tpu.enqueue_dma source(%dma_start3A_5 : memref<64x1024xf32, #tpu.memory_space<hbm>>) target(%arg9 : memref<64x1024xf32, #tpu.memory_space<vmem>>) target_semaphore(%arg14 : memref<!tpu.dma_semaphore, #tpu.memory_space<semaphore_mem>>)
    %dma_start3A_6 = tpu.memref_slice %arg3[%mul3A_2] : memref<2048xi32, #tpu.memory_space<hbm>> -> memref<64xi32, #tpu.memory_space<hbm>>
    %dma_start3A_7 = tpu.memref_slice %arg3[%mul3A_2] : memref<2048xi32, #tpu.memory_space<hbm>> -> memref<64xi32, #tpu.memory_space<hbm>>
    tpu.enqueue_dma source(%dma_start3A_7 : memref<64xi32, #tpu.memory_space<hbm>>) target(%arg10 : memref<64xi32, #tpu.memory_space<vmem>>) target_semaphore(%arg15 : memref<!tpu.dma_semaphore, #tpu.memory_space<semaphore_mem>>)
    %dma_start3A_8 = tpu.memref_slice %arg4[%mul3A_2] : memref<2048xi32, #tpu.memory_space<hbm>> -> memref<64xi32, #tpu.memory_space<hbm>>
    %dma_start3A_9 = tpu.memref_slice %arg4[%mul3A_2] : memref<2048xi32, #tpu.memory_space<hbm>> -> memref<64xi32, #tpu.memory_space<hbm>>
    tpu.enqueue_dma source(%dma_start3A_9 : memref<64xi32, #tpu.memory_space<hbm>>) target(%arg11 : memref<64xi32, #tpu.memory_space<vmem>>) target_semaphore(%arg16 : memref<!tpu.dma_semaphore, #tpu.memory_space<semaphore_mem>>)
    %dma_start3A_10 = tpu.memref_slice %arg5[%mul3A_2] : memref<2048xf32, #tpu.memory_space<hbm>> -> memref<64xf32, #tpu.memory_space<hbm>>
    %dma_start3A_11 = tpu.memref_slice %arg5[%mul3A_2] : memref<2048xf32, #tpu.memory_space<hbm>> -> memref<64xf32, #tpu.memory_space<hbm>>
    tpu.enqueue_dma source(%dma_start3A_11 : memref<64xf32, #tpu.memory_space<hbm>>) target(%arg12 : memref<64xf32, #tpu.memory_space<vmem>>) target_semaphore(%arg17 : memref<!tpu.dma_semaphore, #tpu.memory_space<semaphore_mem>>)
    %dma_start3A_12 = tpu.memref_slice %arg6[%mul3A_2] : memref<2048xf32, #tpu.memory_space<hbm>> -> memref<64xf32, #tpu.memory_space<hbm>>
    %dma_start3A_13 = tpu.memref_slice %arg6[%mul3A_2] : memref<2048xf32, #tpu.memory_space<hbm>> -> memref<64xf32, #tpu.memory_space<hbm>>
    tpu.enqueue_dma source(%dma_start3A_13 : memref<64xf32, #tpu.memory_space<hbm>>) target(%arg13 : memref<64xf32, #tpu.memory_space<vmem>>) target_semaphore(%arg17 : memref<!tpu.dma_semaphore, #tpu.memory_space<semaphore_mem>>)
    %dma_wait3A = tpu.memref_slice %arg3[%mul3A_2] : memref<2048xi32, #tpu.memory_space<hbm>> -> memref<64xi32, #tpu.memory_space<hbm>>
    %dma_wait3A_14 = tpu.memref_slice %arg3[%mul3A_2] : memref<2048xi32, #tpu.memory_space<hbm>> -> memref<64xi32, #tpu.memory_space<hbm>>
    tpu.wait_dma2 semaphore(%arg15 : memref<!tpu.dma_semaphore, #tpu.memory_space<semaphore_mem>>) src(%dma_wait3A_14 : memref<64xi32, #tpu.memory_space<hbm>>) dst(%arg10 : memref<64xi32, #tpu.memory_space<vmem>>)
    %dma_wait3A_15 = tpu.memref_slice %arg4[%mul3A_2] : memref<2048xi32, #tpu.memory_space<hbm>> -> memref<64xi32, #tpu.memory_space<hbm>>
    %dma_wait3A_16 = tpu.memref_slice %arg4[%mul3A_2] : memref<2048xi32, #tpu.memory_space<hbm>> -> memref<64xi32, #tpu.memory_space<hbm>>
    tpu.wait_dma2 semaphore(%arg16 : memref<!tpu.dma_semaphore, #tpu.memory_space<semaphore_mem>>) src(%dma_wait3A_16 : memref<64xi32, #tpu.memory_space<hbm>>) dst(%arg11 : memref<64xi32, #tpu.memory_space<vmem>>)
    %dma_wait3A_17 = tpu.memref_slice %arg5[%mul3A_2] : memref<2048xf32, #tpu.memory_space<hbm>> -> memref<64xf32, #tpu.memory_space<hbm>>
    %dma_wait3A_18 = tpu.memref_slice %arg5[%mul3A_2] : memref<2048xf32, #tpu.memory_space<hbm>> -> memref<64xf32, #tpu.memory_space<hbm>>
    tpu.wait_dma2 semaphore(%arg17 : memref<!tpu.dma_semaphore, #tpu.memory_space<semaphore_mem>>) src(%dma_wait3A_18 : memref<64xf32, #tpu.memory_space<hbm>>) dst(%arg12 : memref<64xf32, #tpu.memory_space<vmem>>)
    %dma_wait3A_19 = tpu.memref_slice %arg6[%mul3A_2] : memref<2048xf32, #tpu.memory_space<hbm>> -> memref<64xf32, #tpu.memory_space<hbm>>
    %dma_wait3A_20 = tpu.memref_slice %arg6[%mul3A_2] : memref<2048xf32, #tpu.memory_space<hbm>> -> memref<64xf32, #tpu.memory_space<hbm>>
    tpu.wait_dma2 semaphore(%arg17 : memref<!tpu.dma_semaphore, #tpu.memory_space<semaphore_mem>>) src(%dma_wait3A_20 : memref<64xf32, #tpu.memory_space<hbm>>) dst(%arg13 : memref<64xf32, #tpu.memory_space<vmem>>)
    %dma_start3A_21 = arith.constant 0 : i32
    %dma_start3A_22 = tpu.memref_slice %arg8[%dma_start3A_21] : memref<7680xf32, #tpu.memory_space<hbm>> -> memref<7680xf32, #tpu.memory_space<hbm>>
    tpu.enqueue_indirect_dma source(%arg12 : memref<64xf32, #tpu.memory_space<vmem>>) target(%dma_start3A_22 : memref<7680xf32, #tpu.memory_space<hbm>>) offsets(%arg10 : memref<64xi32, #tpu.memory_space<vmem>>) semaphore(%arg15 : memref<!tpu.dma_semaphore, #tpu.memory_space<semaphore_mem>>)
    %dma_start3A_23 = arith.constant 0 : i32
    %dma_start3A_24 = tpu.memref_slice %arg8[%dma_start3A_23] : memref<7680xf32, #tpu.memory_space<hbm>> -> memref<7680xf32, #tpu.memory_space<hbm>>
    tpu.enqueue_indirect_dma source(%arg13 : memref<64xf32, #tpu.memory_space<vmem>>) target(%dma_start3A_24 : memref<7680xf32, #tpu.memory_space<hbm>>) offsets(%arg11 : memref<64xi32, #tpu.memory_space<vmem>>) semaphore(%arg16 : memref<!tpu.dma_semaphore, #tpu.memory_space<semaphore_mem>>)
    %dma_wait3A_25 = arith.constant 0 : i32
    %dma_wait3A_26 = tpu.memref_slice %arg2[%mul3A_2, %dma_wait3A_25] : memref<2048x1024xf32, #tpu.memory_space<hbm>> -> memref<64x1024xf32, #tpu.memory_space<hbm>>
    %dma_wait3A_27 = arith.constant 0 : i32
    %dma_wait3A_28 = tpu.memref_slice %arg2[%mul3A_2, %dma_wait3A_27] : memref<2048x1024xf32, #tpu.memory_space<hbm>> -> memref<64x1024xf32, #tpu.memory_space<hbm>>
    tpu.wait_dma2 semaphore(%arg14 : memref<!tpu.dma_semaphore, #tpu.memory_space<semaphore_mem>>) src(%dma_wait3A_28 : memref<64x1024xf32, #tpu.memory_space<hbm>>) dst(%arg9 : memref<64x1024xf32, #tpu.memory_space<vmem>>)
    %dma_start3A_29 = arith.constant 0 : i32
    %dma_start3A_30 = arith.constant 0 : i32
    %dma_start3A_31 = tpu.memref_slice %arg7[%dma_start3A_29, %dma_start3A_30] : memref<7680x1024xf32, #tpu.memory_space<hbm>> -> memref<7680x1024xf32, #tpu.memory_space<hbm>>
    tpu.enqueue_indirect_dma source(%arg9 : memref<64x1024xf32, #tpu.memory_space<vmem>>) target(%dma_start3A_31 : memref<7680x1024xf32, #tpu.memory_space<hbm>>) offsets(%arg10 : memref<64xi32, #tpu.memory_space<vmem>>) semaphore(%arg14 : memref<!tpu.dma_semaphore, #tpu.memory_space<semaphore_mem>>)
    %dma_start3A_32 = arith.constant 0 : i32
    %dma_start3A_33 = arith.constant 0 : i32
    %dma_start3A_34 = tpu.memref_slice %arg7[%dma_start3A_32, %dma_start3A_33] : memref<7680x1024xf32, #tpu.memory_space<hbm>> -> memref<7680x1024xf32, #tpu.memory_space<hbm>>
    tpu.enqueue_indirect_dma source(%arg9 : memref<64x1024xf32, #tpu.memory_space<vmem>>) target(%dma_start3A_34 : memref<7680x1024xf32, #tpu.memory_space<hbm>>) offsets(%arg11 : memref<64xi32, #tpu.memory_space<vmem>>) semaphore(%arg17 : memref<!tpu.dma_semaphore, #tpu.memory_space<semaphore_mem>>)
    %dma_wait3A_35 = arith.constant 0 : i32
    %dma_wait3A_36 = tpu.memref_slice %arg8[%dma_wait3A_35] : memref<7680xf32, #tpu.memory_space<hbm>> -> memref<7680xf32, #tpu.memory_space<hbm>>
    tpu.wait_indirect_dma semaphore(%arg15 : memref<!tpu.dma_semaphore, #tpu.memory_space<semaphore_mem>>) src(%arg12 : memref<64xf32, #tpu.memory_space<vmem>>) dst(%dma_wait3A_36 : memref<7680xf32, #tpu.memory_space<hbm>>)
    %dma_wait3A_37 = arith.constant 0 : i32
    %dma_wait3A_38 = tpu.memref_slice %arg8[%dma_wait3A_37] : memref<7680xf32, #tpu.memory_space<hbm>> -> memref<7680xf32, #tpu.memory_space<hbm>>
    tpu.wait_indirect_dma semaphore(%arg16 : memref<!tpu.dma_semaphore, #tpu.memory_space<semaphore_mem>>) src(%arg13 : memref<64xf32, #tpu.memory_space<vmem>>) dst(%dma_wait3A_38 : memref<7680xf32, #tpu.memory_space<hbm>>)
    %dma_wait3A_39 = arith.constant 0 : i32
    %dma_wait3A_40 = arith.constant 0 : i32
    %dma_wait3A_41 = tpu.memref_slice %arg7[%dma_wait3A_39, %dma_wait3A_40] : memref<7680x1024xf32, #tpu.memory_space<hbm>> -> memref<7680x1024xf32, #tpu.memory_space<hbm>>
    tpu.wait_indirect_dma semaphore(%arg14 : memref<!tpu.dma_semaphore, #tpu.memory_space<semaphore_mem>>) src(%arg9 : memref<64x1024xf32, #tpu.memory_space<vmem>>) dst(%dma_wait3A_41 : memref<7680x1024xf32, #tpu.memory_space<hbm>>)
    %dma_wait3A_42 = arith.constant 0 : i32
    %dma_wait3A_43 = arith.constant 0 : i32
    %dma_wait3A_44 = tpu.memref_slice %arg7[%dma_wait3A_42, %dma_wait3A_43] : memref<7680x1024xf32, #tpu.memory_space<hbm>> -> memref<7680x1024xf32, #tpu.memory_space<hbm>>
    tpu.wait_indirect_dma semaphore(%arg17 : memref<!tpu.dma_semaphore, #tpu.memory_space<semaphore_mem>>) src(%arg9 : memref<64x1024xf32, #tpu.memory_space<vmem>>) dst(%dma_wait3A_44 : memref<7680x1024xf32, #tpu.memory_space<hbm>>)
    return
  }
}

module attributes {stable_mosaic.version = 14 : i64} {
  func.func @_routing_kernel(%arg0: memref<2048x1024xf32, #tpu.memory_space<vmem>>, %arg1: memref<8x1024xf32, #tpu.memory_space<vmem>>, %arg2: memref<2048x8xf32, #tpu.memory_space<vmem>>, %arg3: memref<2048x1xf32, #tpu.memory_space<vmem>>, %arg4: memref<2048x1xf32, #tpu.memory_space<vmem>>, %arg5: memref<2048x1xi32, #tpu.memory_space<vmem>>, %arg6: memref<2048x1xi32, #tpu.memory_space<vmem>>, %arg7: memref<1x15xi32, #tpu.memory_space<vmem>>, %arg8: memref<1x15xi32, #tpu.memory_space<vmem>>) attributes {dimension_semantics = [], scalar_prefetch = 0 : i64, scratch_operands = 0 : i64, tpu.core_type = #tpu.core_type<tc>} {
    %get3A = arith.constant 0 : index
    %get3A_0 = arith.constant 0 : index
    %get3A_1 = vector.load %arg0[%get3A, %get3A_0] : memref<2048x1024xf32, #tpu.memory_space<vmem>>, vector<2048x1024xf32>
    %get3A_2 = arith.constant 0 : index
    %get3A_3 = arith.constant 0 : index
    %get3A_4 = vector.load %arg1[%get3A_2, %get3A_3] : memref<8x1024xf32, #tpu.memory_space<vmem>>, vector<8x1024xf32>
    %dot_general3A = arith.constant dense<0.000000e+00> : vector<2048x8xf32>
    %dot_general3A_5 = tpu.matmul %get3A_1, %get3A_4, %dot_general3A {dimension_numbers = #tpu.dot_dimension_numbers<[1], [1], [0], [0], [0, 0, 1, 0], [], []>, transpose_lhs_hint = false} : vector<2048x1024xf32>, vector<8x1024xf32>, vector<2048x8xf32> -> vector<2048x8xf32>
    %swap3A = arith.constant 0 : index
    %swap3A_6 = arith.constant 0 : index
    %swap3A_7 = vector.load %arg2[%swap3A, %swap3A_6] : memref<2048x8xf32, #tpu.memory_space<vmem>>, vector<2048x8xf32>
    tpu.vector_store %arg2[%swap3A, %swap3A_6], %dot_general3A_5 {strides = array<i32>} : memref<2048x8xf32, #tpu.memory_space<vmem>>, vector<2048x8xf32>,
    %iota3A = tpu.iota {dimensions = array<i32: 1>} : vector<2048x8xi32>
    %reduce_max3A = arith.constant dense<0xFF800000> : vector<2048xf32>
    %reduce_max3A_8 = vector.multi_reduction <maximumf>, %dot_general3A_5, %reduce_max3A [1] : vector<2048x8xf32> to vector<2048xf32>
    %broadcast_in_dim3A = vector.shape_cast %reduce_max3A_8 : vector<2048xf32> to vector<2048x1xf32>
    %eq3A = vector.broadcast %broadcast_in_dim3A : vector<2048x1xf32> to vector<2048x8xf32>
    %eq3A_9 = arith.cmpf oeq, %dot_general3A_5, %eq3A : vector<2048x8xf32>
    %jit3A = arith.constant 8 : i32
    %broadcast_in_dim3A_10 = vector.broadcast %jit3A : i32 to vector<2048x8xi32>
    %select_n3A = arith.select %eq3A_9, %iota3A, %broadcast_in_dim3A_10 : vector<2048x8xi1>, vector<2048x8xi32>
    %reduce_min3A = arith.constant dense<2147483647> : vector<2048xi32>
    %reduce_min3A_11 = vector.multi_reduction <minsi>, %select_n3A, %reduce_min3A [1] : vector<2048x8xi32> to vector<2048xi32>
    %broadcast_in_dim3A_12 = vector.shape_cast %reduce_min3A_11 : vector<2048xi32> to vector<2048x1xi32>
    %eq3A_13 = vector.broadcast %broadcast_in_dim3A_12 : vector<2048x1xi32> to vector<2048x8xi32>
    %eq3A_14 = arith.cmpi eq, %iota3A, %eq3A_13 : vector<2048x8xi32>
    %abs3A = math.absf %dot_general3A_5 : vector<2048x8xf32>
    %max3A = vector.broadcast %broadcast_in_dim3A : vector<2048x1xf32> to vector<2048x8xf32>
    %max3A_15 = arith.maximumf %abs3A, %max3A : vector<2048x8xf32>
    %sub3A = vector.broadcast %broadcast_in_dim3A : vector<2048x1xf32> to vector<2048x8xf32>
    %sub3A_16 = arith.subf %sub3A, %dot_general3A_5 : vector<2048x8xf32>
    %div3A = arith.divf %sub3A_16, %max3A_15 : vector<2048x8xf32>
    %gt3A = arith.constant 2.000000e-02 : f32
    %gt3A_17 = vector.broadcast %gt3A : f32 to vector<2048x8xf32>
    %gt3A_18 = arith.cmpf ogt, %div3A, %gt3A_17 : vector<2048x8xf32>
    %jit3A_19 = arith.constant 0xFF800000 : f32
    %broadcast_in_dim3A_20 = vector.broadcast %jit3A_19 : f32 to vector<2048x8xf32>
    %select_n3A_21 = arith.select %gt3A_18, %broadcast_in_dim3A_20, %dot_general3A_5 : vector<2048x8xi1>, vector<2048x8xf32>
    %reduce_max3A_22 = arith.constant dense<0xFF800000> : vector<2048xf32>
    %reduce_max3A_23 = vector.multi_reduction <maximumf>, %select_n3A_21, %reduce_max3A_22 [1] : vector<2048x8xf32> to vector<2048xf32>
    %broadcast_in_dim3A_24 = vector.shape_cast %reduce_max3A_23 : vector<2048xf32> to vector<2048x1xf32>
    %sub3A_25 = vector.broadcast %broadcast_in_dim3A_24 : vector<2048x1xf32> to vector<2048x8xf32>
    %sub3A_26 = arith.subf %select_n3A_21, %sub3A_25 : vector<2048x8xf32>
    %exp3A = math.exp %sub3A_26 : vector<2048x8xf32>
    %reduce_sum3A = arith.constant dense<0.000000e+00> : vector<2048xf32>
    %reduce_sum3A_27 = vector.multi_reduction <add>, %exp3A, %reduce_sum3A [1] : vector<2048x8xf32> to vector<2048xf32>
    %broadcast_in_dim3A_28 = vector.shape_cast %reduce_sum3A_27 : vector<2048xf32> to vector<2048x1xf32>
    %div3A_29 = vector.broadcast %broadcast_in_dim3A_28 : vector<2048x1xf32> to vector<2048x8xf32>
    %div3A_30 = arith.divf %exp3A, %div3A_29 : vector<2048x8xf32>
    %jit3A_31 = arith.constant 0.000000e+00 : f32
    %broadcast_in_dim3A_32 = vector.broadcast %jit3A_31 : f32 to vector<2048x8xf32>
    %select_n3A_33 = arith.select %eq3A_14, %div3A_30, %broadcast_in_dim3A_32 : vector<2048x8xi1>, vector<2048x8xf32>
    %reduce_sum3A_34 = arith.constant dense<0.000000e+00> : vector<2048xf32>
    %reduce_sum3A_35 = vector.multi_reduction <add>, %select_n3A_33, %reduce_sum3A_34 [1] : vector<2048x8xf32> to vector<2048xf32>
    %broadcast_in_dim3A_36 = vector.shape_cast %reduce_sum3A_35 : vector<2048xf32> to vector<2048x1xf32>
    %swap3A_37 = arith.constant 0 : index
    %swap3A_38 = arith.constant 0 : index
    %swap3A_39 = vector.load %arg3[%swap3A_37, %swap3A_38] : memref<2048x1xf32, #tpu.memory_space<vmem>>, vector<2048x1xf32>
    tpu.vector_store %arg3[%swap3A_37, %swap3A_38], %broadcast_in_dim3A_36 {strides = array<i32>} : memref<2048x1xf32, #tpu.memory_space<vmem>>, vector<2048x1xf32>,
    %jit3A_40 = arith.constant 0xFF800000 : f32
    %broadcast_in_dim3A_41 = vector.broadcast %jit3A_40 : f32 to vector<2048x8xf32>
    %select_n3A_42 = arith.select %eq3A_14, %broadcast_in_dim3A_41, %dot_general3A_5 : vector<2048x8xi1>, vector<2048x8xf32>
    %reduce_max3A_43 = arith.constant dense<0xFF800000> : vector<2048xf32>
    %reduce_max3A_44 = vector.multi_reduction <maximumf>, %select_n3A_42, %reduce_max3A_43 [1] : vector<2048x8xf32> to vector<2048xf32>
    %broadcast_in_dim3A_45 = vector.shape_cast %reduce_max3A_44 : vector<2048xf32> to vector<2048x1xf32>
    %eq3A_46 = vector.broadcast %broadcast_in_dim3A_45 : vector<2048x1xf32> to vector<2048x8xf32>
    %eq3A_47 = arith.cmpf oeq, %select_n3A_42, %eq3A_46 : vector<2048x8xf32>
    %jit3A_48 = arith.constant 8 : i32
    %broadcast_in_dim3A_49 = vector.broadcast %jit3A_48 : i32 to vector<2048x8xi32>
    %select_n3A_50 = arith.select %eq3A_47, %iota3A, %broadcast_in_dim3A_49 : vector<2048x8xi1>, vector<2048x8xi32>
    %reduce_min3A_51 = arith.constant dense<2147483647> : vector<2048xi32>
    %reduce_min3A_52 = vector.multi_reduction <minsi>, %select_n3A_50, %reduce_min3A_51 [1] : vector<2048x8xi32> to vector<2048xi32>
    %broadcast_in_dim3A_53 = vector.shape_cast %reduce_min3A_52 : vector<2048xi32> to vector<2048x1xi32>
    %eq3A_54 = vector.broadcast %broadcast_in_dim3A_53 : vector<2048x1xi32> to vector<2048x8xi32>
    %eq3A_55 = arith.cmpi eq, %iota3A, %eq3A_54 : vector<2048x8xi32>
    %abs3A_56 = math.absf %dot_general3A_5 : vector<2048x8xf32>
    %max3A_57 = vector.broadcast %broadcast_in_dim3A_45 : vector<2048x1xf32> to vector<2048x8xf32>
    %max3A_58 = arith.maximumf %abs3A_56, %max3A_57 : vector<2048x8xf32>
    %sub3A_59 = vector.broadcast %broadcast_in_dim3A_45 : vector<2048x1xf32> to vector<2048x8xf32>
    %sub3A_60 = arith.subf %sub3A_59, %dot_general3A_5 : vector<2048x8xf32>
    %div3A_61 = arith.divf %sub3A_60, %max3A_58 : vector<2048x8xf32>
    %gt3A_62 = arith.constant 2.000000e-02 : f32
    %gt3A_63 = vector.broadcast %gt3A_62 : f32 to vector<2048x8xf32>
    %gt3A_64 = arith.cmpf ogt, %div3A_61, %gt3A_63 : vector<2048x8xf32>
    %jit3A_65 = arith.constant 0xFF800000 : f32
    %broadcast_in_dim3A_66 = vector.broadcast %jit3A_65 : f32 to vector<2048x8xf32>
    %select_n3A_67 = arith.select %gt3A_64, %broadcast_in_dim3A_66, %select_n3A_42 : vector<2048x8xi1>, vector<2048x8xf32>
    %reduce_max3A_68 = arith.constant dense<0xFF800000> : vector<2048xf32>
    %reduce_max3A_69 = vector.multi_reduction <maximumf>, %select_n3A_67, %reduce_max3A_68 [1] : vector<2048x8xf32> to vector<2048xf32>
    %broadcast_in_dim3A_70 = vector.shape_cast %reduce_max3A_69 : vector<2048xf32> to vector<2048x1xf32>
    %sub3A_71 = vector.broadcast %broadcast_in_dim3A_70 : vector<2048x1xf32> to vector<2048x8xf32>
    %sub3A_72 = arith.subf %select_n3A_67, %sub3A_71 : vector<2048x8xf32>
    %exp3A_73 = math.exp %sub3A_72 : vector<2048x8xf32>
    %reduce_sum3A_74 = arith.constant dense<0.000000e+00> : vector<2048xf32>
    %reduce_sum3A_75 = vector.multi_reduction <add>, %exp3A_73, %reduce_sum3A_74 [1] : vector<2048x8xf32> to vector<2048xf32>
    %broadcast_in_dim3A_76 = vector.shape_cast %reduce_sum3A_75 : vector<2048xf32> to vector<2048x1xf32>
    %div3A_77 = vector.broadcast %broadcast_in_dim3A_76 : vector<2048x1xf32> to vector<2048x8xf32>
    %div3A_78 = arith.divf %exp3A_73, %div3A_77 : vector<2048x8xf32>
    %jit3A_79 = arith.constant 0.000000e+00 : f32
    %broadcast_in_dim3A_80 = vector.broadcast %jit3A_79 : f32 to vector<2048x8xf32>
    %select_n3A_81 = arith.select %eq3A_55, %div3A_78, %broadcast_in_dim3A_80 : vector<2048x8xi1>, vector<2048x8xf32>
    %reduce_sum3A_82 = arith.constant dense<0.000000e+00> : vector<2048xf32>
    %reduce_sum3A_83 = vector.multi_reduction <add>, %select_n3A_81, %reduce_sum3A_82 [1] : vector<2048x8xf32> to vector<2048xf32>
    %broadcast_in_dim3A_84 = vector.shape_cast %reduce_sum3A_83 : vector<2048xf32> to vector<2048x1xf32>
    %swap3A_85 = arith.constant 0 : index
    %swap3A_86 = arith.constant 0 : index
    %swap3A_87 = vector.load %arg4[%swap3A_85, %swap3A_86] : memref<2048x1xf32, #tpu.memory_space<vmem>>, vector<2048x1xf32>
    tpu.vector_store %arg4[%swap3A_85, %swap3A_86], %broadcast_in_dim3A_84 {strides = array<i32>} : memref<2048x1xf32, #tpu.memory_space<vmem>>, vector<2048x1xf32>,
    %or3A = arith.ori %eq3A_14, %eq3A_55 : vector<2048x8xi1>
    %convert_element_type3A = arith.extui %or3A : vector<2048x8xi1> to vector<2048x8xi32>
    %convert_element_type3A_88 = arith.sitofp %convert_element_type3A : vector<2048x8xi32> to vector<2048x8xf32>
    %iota3A_89 = tpu.iota {dimensions = array<i32: 0>} : vector<2048x2048xi32>
    %iota3A_90 = tpu.iota {dimensions = array<i32: 1>} : vector<2048x2048xi32>
    %lt3A = arith.cmpi slt, %iota3A_90, %iota3A_89 : vector<2048x2048xi32>
    %convert_element_type3A_91 = arith.extui %lt3A : vector<2048x2048xi1> to vector<2048x2048xi32>
    %convert_element_type3A_92 = arith.sitofp %convert_element_type3A_91 : vector<2048x2048xi32> to vector<2048x2048xf32>
    %dot_general3A_93 = arith.constant dense<0.000000e+00> : vector<2048x8xf32>
    %dot_general3A_94 = tpu.matmul %convert_element_type3A_92, %convert_element_type3A_88, %dot_general3A_93 {dimension_numbers = #tpu.dot_dimension_numbers<[1], [0], [0], [1], [0, 0, 1, 1], [], []>, transpose_lhs_hint = false} : vector<2048x2048xf32>, vector<2048x8xf32>, vector<2048x8xf32> -> vector<2048x8xf32>
    %reduce_sum3A_95 = arith.constant dense<0.000000e+00> : vector<8xf32>
    %reduce_sum3A_96 = vector.multi_reduction <add>, %convert_element_type3A_88, %reduce_sum3A_95 [0] : vector<2048x8xf32> to vector<8xf32>
    %broadcast_in_dim3A_97 = vector.shape_cast %reduce_sum3A_96 : vector<8xf32> to vector<1x8xf32>
    %add3A = arith.constant 5.110000e+02 : f32
    %add3A_98 = vector.broadcast %add3A : f32 to vector<1x8xf32>
    %add3A_99 = arith.addf %broadcast_in_dim3A_97, %add3A_98 : vector<1x8xf32>
    %div3A_100 = arith.constant 5.120000e+02 : f32
    %div3A_101 = vector.broadcast %div3A_100 : f32 to vector<1x8xf32>
    %div3A_102 = arith.divf %add3A_99, %div3A_101 : vector<1x8xf32>
    %floor3A = math.floor %div3A_102 : vector<1x8xf32>
    %iota3A_103 = tpu.iota {dimensions = array<i32: 0>} : vector<8x8xi32>
    %iota3A_104 = tpu.iota {dimensions = array<i32: 1>} : vector<8x8xi32>
    %le3A = arith.cmpi sle, %iota3A_103, %iota3A_104 : vector<8x8xi32>
    %convert_element_type3A_105 = arith.extui %le3A : vector<8x8xi1> to vector<8x8xi32>
    %convert_element_type3A_106 = arith.sitofp %convert_element_type3A_105 : vector<8x8xi32> to vector<8x8xf32>
    %dot_general3A_107 = arith.constant dense<0.000000e+00> : vector<1x8xf32>
    %dot_general3A_108 = tpu.matmul %floor3A, %convert_element_type3A_106, %dot_general3A_107 {dimension_numbers = #tpu.dot_dimension_numbers<[1], [0], [0], [1], [0, 0, 1, 1], [], []>, transpose_lhs_hint = false} : vector<1x8xf32>, vector<8x8xf32>, vector<1x8xf32> -> vector<1x8xf32>
    %sub3A_109 = arith.subf %dot_general3A_108, %floor3A : vector<1x8xf32>
    %mul3A = arith.constant 5.120000e+02 : f32
    %mul3A_110 = vector.broadcast %mul3A : f32 to vector<1x8xf32>
    %mul3A_111 = arith.mulf %sub3A_109, %mul3A_110 : vector<1x8xf32>
    %add3A_112 = vector.broadcast %mul3A_111 : vector<1x8xf32> to vector<2048x8xf32>
    %add3A_113 = arith.addf %add3A_112, %dot_general3A_94 : vector<2048x8xf32>
    %convert_element_type3A_114 = arith.fptosi %add3A_113 : vector<2048x8xf32> to vector<2048x8xi32>
    %jit3A_115 = arith.constant 0 : i32
    %broadcast_in_dim3A_116 = vector.broadcast %jit3A_115 : i32 to vector<2048x8xi32>
    %select_n3A_117 = arith.select %eq3A_14, %convert_element_type3A_114, %broadcast_in_dim3A_116 : vector<2048x8xi1>, vector<2048x8xi32>
    %reduce_sum3A_118 = arith.constant dense<0> : vector<2048xi32>
    %reduce_sum3A_119 = vector.multi_reduction <add>, %select_n3A_117, %reduce_sum3A_118 [1] : vector<2048x8xi32> to vector<2048xi32>
    %broadcast_in_dim3A_120 = vector.shape_cast %reduce_sum3A_119 : vector<2048xi32> to vector<2048x1xi32>
    %swap3A_121 = arith.constant 0 : index
    %swap3A_122 = arith.constant 0 : index
    %swap3A_123 = vector.load %arg5[%swap3A_121, %swap3A_122] : memref<2048x1xi32, #tpu.memory_space<vmem>>, vector<2048x1xi32>
    tpu.vector_store %arg5[%swap3A_121, %swap3A_122], %broadcast_in_dim3A_120 {strides = array<i32>} : memref<2048x1xi32, #tpu.memory_space<vmem>>, vector<2048x1xi32>,
    %jit3A_124 = arith.constant 0 : i32
    %broadcast_in_dim3A_125 = vector.broadcast %jit3A_124 : i32 to vector<2048x8xi32>
    %select_n3A_126 = arith.select %eq3A_55, %convert_element_type3A_114, %broadcast_in_dim3A_125 : vector<2048x8xi1>, vector<2048x8xi32>
    %reduce_sum3A_127 = arith.constant dense<0> : vector<2048xi32>
    %reduce_sum3A_128 = vector.multi_reduction <add>, %select_n3A_126, %reduce_sum3A_127 [1] : vector<2048x8xi32> to vector<2048xi32>
    %broadcast_in_dim3A_129 = vector.shape_cast %reduce_sum3A_128 : vector<2048xi32> to vector<2048x1xi32>
    %swap3A_130 = arith.constant 0 : index
    %swap3A_131 = arith.constant 0 : index
    %swap3A_132 = vector.load %arg6[%swap3A_130, %swap3A_131] : memref<2048x1xi32, #tpu.memory_space<vmem>>, vector<2048x1xi32>
    tpu.vector_store %arg6[%swap3A_130, %swap3A_131], %broadcast_in_dim3A_129 {strides = array<i32>} : memref<2048x1xi32, #tpu.memory_space<vmem>>, vector<2048x1xi32>,
    %iota3A_133 = tpu.iota {dimensions = array<i32: 1>} : vector<1x15xi32>
    %convert_element_type3A_134 = arith.fptosi %dot_general3A_108 : vector<1x8xf32> to vector<1x8xi32>
    %broadcast_in_dim3A_135 = arith.constant 0 : i32
    %broadcast_in_dim3A_136 = vector.broadcast %broadcast_in_dim3A_135 : i32 to vector<1x15xi32>
    %slice3A = vector.extract_strided_slice %convert_element_type3A_134 {offsets = [0, 0], sizes = [1, 1], strides = [1, 1]} : vector<1x8xi32> to vector<1x1xi32>
    %ge3A = vector.broadcast %slice3A : vector<1x1xi32> to vector<1x15xi32>
    %ge3A_137 = arith.cmpi sge, %iota3A_133, %ge3A : vector<1x15xi32>
    %convert_element_type3A_138 = arith.extui %ge3A_137 : vector<1x15xi1> to vector<1x15xi32>
    %add3A_139 = arith.addi %broadcast_in_dim3A_136, %convert_element_type3A_138 : vector<1x15xi32>
    %slice3A_140 = vector.extract_strided_slice %convert_element_type3A_134 {offsets = [0, 1], sizes = [1, 1], strides = [1, 1]} : vector<1x8xi32> to vector<1x1xi32>
    %ge3A_141 = vector.broadcast %slice3A_140 : vector<1x1xi32> to vector<1x15xi32>
    %ge3A_142 = arith.cmpi sge, %iota3A_133, %ge3A_141 : vector<1x15xi32>
    %convert_element_type3A_143 = arith.extui %ge3A_142 : vector<1x15xi1> to vector<1x15xi32>
    %add3A_144 = arith.addi %add3A_139, %convert_element_type3A_143 : vector<1x15xi32>
    %slice3A_145 = vector.extract_strided_slice %convert_element_type3A_134 {offsets = [0, 2], sizes = [1, 1], strides = [1, 1]} : vector<1x8xi32> to vector<1x1xi32>
    %ge3A_146 = vector.broadcast %slice3A_145 : vector<1x1xi32> to vector<1x15xi32>
    %ge3A_147 = arith.cmpi sge, %iota3A_133, %ge3A_146 : vector<1x15xi32>
    %convert_element_type3A_148 = arith.extui %ge3A_147 : vector<1x15xi1> to vector<1x15xi32>
    %add3A_149 = arith.addi %add3A_144, %convert_element_type3A_148 : vector<1x15xi32>
    %slice3A_150 = vector.extract_strided_slice %convert_element_type3A_134 {offsets = [0, 3], sizes = [1, 1], strides = [1, 1]} : vector<1x8xi32> to vector<1x1xi32>
    %ge3A_151 = vector.broadcast %slice3A_150 : vector<1x1xi32> to vector<1x15xi32>
    %ge3A_152 = arith.cmpi sge, %iota3A_133, %ge3A_151 : vector<1x15xi32>
    %convert_element_type3A_153 = arith.extui %ge3A_152 : vector<1x15xi1> to vector<1x15xi32>
    %add3A_154 = arith.addi %add3A_149, %convert_element_type3A_153 : vector<1x15xi32>
    %slice3A_155 = vector.extract_strided_slice %convert_element_type3A_134 {offsets = [0, 4], sizes = [1, 1], strides = [1, 1]} : vector<1x8xi32> to vector<1x1xi32>
    %ge3A_156 = vector.broadcast %slice3A_155 : vector<1x1xi32> to vector<1x15xi32>
    %ge3A_157 = arith.cmpi sge, %iota3A_133, %ge3A_156 : vector<1x15xi32>
    %convert_element_type3A_158 = arith.extui %ge3A_157 : vector<1x15xi1> to vector<1x15xi32>
    %add3A_159 = arith.addi %add3A_154, %convert_element_type3A_158 : vector<1x15xi32>
    %slice3A_160 = vector.extract_strided_slice %convert_element_type3A_134 {offsets = [0, 5], sizes = [1, 1], strides = [1, 1]} : vector<1x8xi32> to vector<1x1xi32>
    %ge3A_161 = vector.broadcast %slice3A_160 : vector<1x1xi32> to vector<1x15xi32>
    %ge3A_162 = arith.cmpi sge, %iota3A_133, %ge3A_161 : vector<1x15xi32>
    %convert_element_type3A_163 = arith.extui %ge3A_162 : vector<1x15xi1> to vector<1x15xi32>
    %add3A_164 = arith.addi %add3A_159, %convert_element_type3A_163 : vector<1x15xi32>
    %slice3A_165 = vector.extract_strided_slice %convert_element_type3A_134 {offsets = [0, 6], sizes = [1, 1], strides = [1, 1]} : vector<1x8xi32> to vector<1x1xi32>
    %ge3A_166 = vector.broadcast %slice3A_165 : vector<1x1xi32> to vector<1x15xi32>
    %ge3A_167 = arith.cmpi sge, %iota3A_133, %ge3A_166 : vector<1x15xi32>
    %convert_element_type3A_168 = arith.extui %ge3A_167 : vector<1x15xi1> to vector<1x15xi32>
    %add3A_169 = arith.addi %add3A_164, %convert_element_type3A_168 : vector<1x15xi32>
    %slice3A_170 = vector.extract_strided_slice %convert_element_type3A_134 {offsets = [0, 7], sizes = [1, 1], strides = [1, 1]} : vector<1x8xi32> to vector<1x1xi32>
    %ge3A_171 = vector.broadcast %slice3A_170 : vector<1x1xi32> to vector<1x15xi32>
    %ge3A_172 = arith.cmpi sge, %iota3A_133, %ge3A_171 : vector<1x15xi32>
    %convert_element_type3A_173 = arith.extui %ge3A_172 : vector<1x15xi1> to vector<1x15xi32>
    %add3A_174 = arith.addi %add3A_169, %convert_element_type3A_173 : vector<1x15xi32>
    %min3A = arith.constant 7 : i32
    %min3A_175 = vector.broadcast %min3A : i32 to vector<1x15xi32>
    %min3A_176 = arith.minsi %add3A_174, %min3A_175 : vector<1x15xi32>
    %swap3A_177 = arith.constant 0 : index
    %swap3A_178 = arith.constant 0 : index
    %swap3A_179 = vector.load %arg7[%swap3A_177, %swap3A_178] : memref<1x15xi32, #tpu.memory_space<vmem>>, vector<1x15xi32>
    tpu.vector_store %arg7[%swap3A_177, %swap3A_178], %min3A_176 {strides = array<i32>} : memref<1x15xi32, #tpu.memory_space<vmem>>, vector<1x15xi32>,
    %slice3A_180 = vector.extract_strided_slice %convert_element_type3A_134 {offsets = [0, 7], sizes = [1, 1], strides = [1, 1]} : vector<1x8xi32> to vector<1x1xi32>
    %lt3A_181 = vector.broadcast %slice3A_180 : vector<1x1xi32> to vector<1x15xi32>
    %lt3A_182 = arith.cmpi slt, %iota3A_133, %lt3A_181 : vector<1x15xi32>
    %convert_element_type3A_183 = arith.extui %lt3A_182 : vector<1x15xi1> to vector<1x15xi32>
    %swap3A_184 = arith.constant 0 : index
    %swap3A_185 = arith.constant 0 : index
    %swap3A_186 = vector.load %arg8[%swap3A_184, %swap3A_185] : memref<1x15xi32, #tpu.memory_space<vmem>>, vector<1x15xi32>
    tpu.vector_store %arg8[%swap3A_184, %swap3A_185], %convert_element_type3A_183 {strides = array<i32>} : memref<1x15xi32, #tpu.memory_space<vmem>>, vector<1x15xi32>,
    return
  }
}

module attributes {stable_mosaic.version = 14 : i64} {
  func.func @_expert_kernel(%arg0: i32, %arg1: memref<15xi32, #tpu.memory_space<smem>>, %arg2: memref<15xi32, #tpu.memory_space<smem>>, %arg3: memref<512x1024xf32, #tpu.memory_space<vmem>>, %arg4: memref<1x1x512xf32, #tpu.memory_space<vmem>>, %arg5: memref<1x2048x1024xf32, #tpu.memory_space<vmem>>, %arg6: memref<1x2048x1024xf32, #tpu.memory_space<vmem>>, %arg7: memref<1x1024x2048xf32, #tpu.memory_space<vmem>>, %arg8: memref<512x1024xf32, #tpu.memory_space<vmem>>) attributes {dimension_semantics = [#tpu.dimension_semantics<arbitrary>], iteration_bounds = array<i64: 15>, scalar_prefetch = 2 : i64, scratch_operands = 0 : i64, tpu.core_type = #tpu.core_type<tc>, window_params = [{transform_indices = @transform_0, window_bounds = array<i64: 512, 1024>}, {transform_indices = @transform_1, window_bounds = array<i64: 1, 1, 512>}, {transform_indices = @transform_2, window_bounds = array<i64: 1, 2048, 1024>}, {transform_indices = @transform_3, window_bounds = array<i64: 1, 2048, 1024>}, {transform_indices = @transform_4, window_bounds = array<i64: 1, 1024, 2048>}, {transform_indices = @transform_5, window_bounds = array<i64: 512, 1024>}]} {
    %get3A = arith.index_cast %arg0 : i32 to index
    %get3A_0 = memref.load %arg2[%get3A] : memref<15xi32, #tpu.memory_space<smem>>
    %ne3A = arith.constant 0 : i32
    %ne3A_1 = arith.cmpi ne, %get3A_0, %ne3A : i32
    %convert_element_type3A = arith.extui %ne3A_1 : i1 to i32
    %cond3A = arith.constant 0 : i32
    %cond3A_2 = arith.cmpi ne, %convert_element_type3A, %cond3A : i32
    scf.if %cond3A_2 {
      %get3A_3 = arith.constant 0 : index
      %get3A_4 = arith.constant 0 : index
      %get3A_5 = vector.load %arg3[%get3A_3, %get3A_4] : memref<512x1024xf32, #tpu.memory_space<vmem>>, vector<512x1024xf32>
      %get3A_6 = arith.constant 0 : index
      %get3A_7 = arith.constant 0 : index
      %get3A_8 = arith.constant 0 : index
      %get3A_9 = vector.load %arg5[%get3A_6, %get3A_7, %get3A_8] : memref<1x2048x1024xf32, #tpu.memory_space<vmem>>, vector<1x2048x1024xf32>
      %get3A_10 = vector.shape_cast %get3A_9 : vector<1x2048x1024xf32> to vector<2048x1024xf32>
      %dot_general3A = arith.constant dense<0.000000e+00> : vector<512x2048xf32>
      %dot_general3A_11 = tpu.matmul %get3A_5, %get3A_10, %dot_general3A {dimension_numbers = #tpu.dot_dimension_numbers<[1], [1], [0], [0], [0, 0, 1, 0], [], []>, transpose_lhs_hint = false} : vector<512x1024xf32>, vector<2048x1024xf32>, vector<512x2048xf32> -> vector<512x2048xf32>
      %get3A_12 = arith.constant 0 : index
      %get3A_13 = arith.constant 0 : index
      %get3A_14 = arith.constant 0 : index
      %get3A_15 = vector.load %arg6[%get3A_12, %get3A_13, %get3A_14] : memref<1x2048x1024xf32, #tpu.memory_space<vmem>>, vector<1x2048x1024xf32>
      %get3A_16 = vector.shape_cast %get3A_15 : vector<1x2048x1024xf32> to vector<2048x1024xf32>
      %dot_general3A_17 = arith.constant dense<0.000000e+00> : vector<512x2048xf32>
      %dot_general3A_18 = tpu.matmul %get3A_5, %get3A_16, %dot_general3A_17 {dimension_numbers = #tpu.dot_dimension_numbers<[1], [1], [0], [0], [0, 0, 1, 0], [], []>, transpose_lhs_hint = false} : vector<512x1024xf32>, vector<2048x1024xf32>, vector<512x2048xf32> -> vector<512x2048xf32>
      %get3A_19 = arith.constant 0 : index
      %get3A_20 = arith.constant 0 : index
      %get3A_21 = arith.constant 0 : index
      %get3A_22 = vector.load %arg4[%get3A_19, %get3A_20, %get3A_21] : memref<1x1x512xf32, #tpu.memory_space<vmem>>, vector<1x1x512xf32>
      %get3A_23 = vector.shape_cast %get3A_22 : vector<1x1x512xf32> to vector<512xf32>
      %broadcast_in_dim3A = vector.shape_cast %get3A_23 : vector<512xf32> to vector<512x1xf32>
      %logistic3A = arith.negf %dot_general3A_11 : vector<512x2048xf32>
      %logistic3A_24 = math.exp %logistic3A : vector<512x2048xf32>
      %logistic3A_25 = arith.constant 1.000000e+00 : f32
      %logistic3A_26 = vector.broadcast %logistic3A_25 : f32 to vector<512x2048xf32>
      %logistic3A_27 = arith.addf %logistic3A_26, %logistic3A_24 : vector<512x2048xf32>
      %logistic3A_28 = arith.divf %logistic3A_26, %logistic3A_27 : vector<512x2048xf32>
      %mul3A = arith.mulf %dot_general3A_11, %logistic3A_28 : vector<512x2048xf32>
      %mul3A_29 = arith.mulf %mul3A, %dot_general3A_18 : vector<512x2048xf32>
      %mul3A_30 = vector.broadcast %broadcast_in_dim3A : vector<512x1xf32> to vector<512x2048xf32>
      %mul3A_31 = arith.mulf %mul3A_29, %mul3A_30 : vector<512x2048xf32>
      %get3A_32 = arith.constant 0 : index
      %get3A_33 = arith.constant 0 : index
      %get3A_34 = arith.constant 0 : index
      %get3A_35 = vector.load %arg7[%get3A_32, %get3A_33, %get3A_34] : memref<1x1024x2048xf32, #tpu.memory_space<vmem>>, vector<1x1024x2048xf32>
      %get3A_36 = vector.shape_cast %get3A_35 : vector<1x1024x2048xf32> to vector<1024x2048xf32>
      %dot_general3A_37 = arith.constant dense<0.000000e+00> : vector<512x1024xf32>
      %dot_general3A_38 = tpu.matmul %mul3A_31, %get3A_36, %dot_general3A_37 {dimension_numbers = #tpu.dot_dimension_numbers<[1], [1], [0], [0], [0, 0, 1, 0], [], []>, transpose_lhs_hint = false} : vector<512x2048xf32>, vector<1024x2048xf32>, vector<512x1024xf32> -> vector<512x1024xf32>
      %swap3A = arith.constant 0 : index
      %swap3A_39 = arith.constant 0 : index
      %swap3A_40 = vector.load %arg8[%swap3A, %swap3A_39] : memref<512x1024xf32, #tpu.memory_space<vmem>>, vector<512x1024xf32>
      tpu.vector_store %arg8[%swap3A, %swap3A_39], %dot_general3A_38 {strides = array<i32>} : memref<512x1024xf32, #tpu.memory_space<vmem>>, vector<512x1024xf32>,
    } else {
    }
    return
  }
  func.func @transform_0(%arg0: i32, %arg1: memref<15xi32, #tpu.memory_space<smem>>, %arg2: memref<15xi32, #tpu.memory_space<smem>>) -> (i32, i32) {
    %c0_i32 = arith.constant 0 : i32
    %c0_i32_0 = arith.constant 0 : i32
    return %arg0, %c0_i32 : i32, i32
  }
  func.func @transform_1(%arg0: i32, %arg1: memref<15xi32, #tpu.memory_space<smem>>, %arg2: memref<15xi32, #tpu.memory_space<smem>>) -> (i32, i32, i32) {
    %c0_i32 = arith.constant 0 : i32
    %c0_i32_0 = arith.constant 0 : i32
    %c0_i32_1 = arith.constant 0 : i32
    return %arg0, %c0_i32, %c0_i32_0 : i32, i32, i32
  }
  func.func @transform_2(%arg0: i32, %arg1: memref<15xi32, #tpu.memory_space<smem>>, %arg2: memref<15xi32, #tpu.memory_space<smem>>) -> (i32, i32, i32) {
    %get3A = arith.index_cast %arg0 : i32 to index
    %get3A_0 = memref.load %arg1[%get3A] : memref<15xi32, #tpu.memory_space<smem>>
    %c0_i32 = arith.constant 0 : i32
    %c0_i32_1 = arith.constant 0 : i32
    %c0_i32_2 = arith.constant 0 : i32
    return %get3A_0, %c0_i32, %c0_i32_1 : i32, i32, i32
  }
  func.func @transform_3(%arg0: i32, %arg1: memref<15xi32, #tpu.memory_space<smem>>, %arg2: memref<15xi32, #tpu.memory_space<smem>>) -> (i32, i32, i32) {
    %get3A = arith.index_cast %arg0 : i32 to index
    %get3A_0 = memref.load %arg1[%get3A] : memref<15xi32, #tpu.memory_space<smem>>
    %c0_i32 = arith.constant 0 : i32
    %c0_i32_1 = arith.constant 0 : i32
    %c0_i32_2 = arith.constant 0 : i32
    return %get3A_0, %c0_i32, %c0_i32_1 : i32, i32, i32
  }
  func.func @transform_4(%arg0: i32, %arg1: memref<15xi32, #tpu.memory_space<smem>>, %arg2: memref<15xi32, #tpu.memory_space<smem>>) -> (i32, i32, i32) {
    %get3A = arith.index_cast %arg0 : i32 to index
    %get3A_0 = memref.load %arg1[%get3A] : memref<15xi32, #tpu.memory_space<smem>>
    %c0_i32 = arith.constant 0 : i32
    %c0_i32_1 = arith.constant 0 : i32
    %c0_i32_2 = arith.constant 0 : i32
    return %get3A_0, %c0_i32, %c0_i32_1 : i32, i32, i32
  }
  func.func @transform_5(%arg0: i32, %arg1: memref<15xi32, #tpu.memory_space<smem>>, %arg2: memref<15xi32, #tpu.memory_space<smem>>) -> (i32, i32) {
    %c0_i32 = arith.constant 0 : i32
    %c0_i32_0 = arith.constant 0 : i32
    return %arg0, %c0_i32 : i32, i32
  }
}

</mosaic_0001>

<sc_bundles>
// kernel: kernel.6.cloned.1.call-start
scs
__scs_entry_jumppad:
0x0: {  	(pc) =	sbr.rel $0x88, $3  }
0x1: {  	(tag) =	ssettag $0x0;
	lr =	simm.s32 $0x1  }
0x2: {  	[smem:$0x3F9C] =	sst lr;
	_ =	strace $0xD0000000  }
0x3: {  	_ = 	snop  }
0x4: {  	_ = 	snop  }
0x5: {  	_ = 	snop  }
0x6: {  	_ = 	snop  }
0x7: {  	_ = 	snop  }
__scs_overlays_trampoline_lowered:
0x8: {  	[smem:$0x3FAB] =	sst s0  }
0x9: {  	[smem:$0x3FAC] =	sst s1  }
0xa: {  	[smem:$0x3FAD] =	sst s2  }
0xb: {  	[smem:$0x3FAE] =	sst s3  }
0xc: {  	[smem:$0x3FAF] =	sst s4  }
0xd: {  	[smem:$0x3FB0] =	sst s5  }
0xe: {  	[smem:$0x3FB1] =	sst s6  }
0xf: {  	[smem:$0x3FB2] =	sst s7  }
0x10: {  	[smem:$0x3FB3] =	sst s8  }
0x11: {  	[smem:$0x3FB4] =	sst s9;
	s0 =	simm.s32 @!p0 $0x0  }
0x12: {  	s1 =	sld [smem:$0x3F9A];
	s0 =	simm.s32 @p0 $0x1  }
0x13: {  	[smem:$0x3FB5] =	sst s0;
	s0 =	simm.s32 @!p1 $0x0  }
0x14: {  	s2 =	sld [smem:$0x3F99];
	s0 =	simm.s32 @p1 $0x1  }
0x15: {  	[smem:$0x3FB6] =	sst s0;
	s0 =	simm.s32 @!p2 $0x0  }
0x16: {  	s3 =	sld [smem:$0x3FDB];
	s0 =	simm.s32 @p2 $0x1  }
0x17: {  	s4 =	simm.s32 $0x1BF5;
	[smem:$0x3FB8] =	sst s0  }
0x18: {  	s0 =	sld [smem:$0x3F9B];
	_ =	swait.ge [sflag:s4], $0x0  }
0x19: {  	s7 =	sld [smem:$0x3F9C]  }
0x1a: {  	s8 =	sadd.s32 $0xFFFFE003, lr  }
0x1b: {  	s9 =	sadd.s32 $0xFFFFFEF7, lr;
	s5 =	simm.s32 $0xFFFFFFFF;
	p2 =	slt.u32 s8, $0xFFFFF086  }
0x1c: {  	p1 =	slt.u32 s9, $0xF7A;
	s5 =	simm.s32 @!p2 $0x0  }
0x1d: {  	s5 =	simm.s32 @p1 $0x1;
	p0 =	seq.s32 s7, s2  }
0x1e: {  	s7 =	smul.u32 @!p0 $0xF7A, s2;
	p2 =	seq.s32 @!p0 s5, $0x0  }
0x1f: {  	s9 =	smul.u32 $0xF7A, s1;
	s8 =	simm.s32 @!p0 $0x1BF5;
	p2 =	por !p2, p0  }
0x20: {  	[sflag:s8] =	ssyncset.s32 @!p0 $0xFFFFF086;
	s6 =	sadd.s32 @!p0 s3, s7;
	s7 =	simm.s32 @!p0 $0x108  }
0x21: {  	s3 =	sadd.s32 s3, s9;
	s6 =	sadd.s32 @!p0 $0x88, s6;
	s7 =	simm.s32 @p2 $0x1082  }
0x22: {  	[simem:s7], [sflag:s8] =	dma.local @!p0 [hbm:s6], $0xF7A  }
0x23: {  	s9 =	sor.u32 $0xD0000000, s2;
	s6 =	simm.s32 $0x108;
	_ =	swait.ge @!p0 [sflag:s8], $0x0  }
0x24: {  	s3 =	sadd.s32 $0x88, s3;
	s6 =	simm.s32 @!p1 $0x1082;
	[sflag:s4] =	ssyncset.s32 $0xFFFFF086  }
0x25: {  	[simem:s6], [sflag:s4] =	dma.local [hbm:s3], $0xF7A  }
0x26: {  	[smem:$0x3F9C] =	sst s1;
	(tag) =	ssettag s2;
	_ =	strace s9  }
0x27: {  	s1 =	sld [smem:$0x3FAC]  }
0x28: {  	s2 =	sld [smem:$0x3FAD]  }
0x29: {  	s4 =	sld [smem:$0x3FAF]  }
0x2a: {  	p0 =	seq.s32 s5, $0x0;
	s5 =	sld [smem:$0x3FB0]  }
0x2b: {  	s6 =	sld [smem:$0x3FB1]  }
0x2c: {  	s7 =	sld [smem:$0x3FB2]  }
0x2d: {  	s3 =	simm.s32 $0x108;
	s8 =	sld [smem:$0x3FB3]  }
0x2e: {  	s3 =	simm.s32 @!p0 $0x1082;
	s9 =	sld [smem:$0x3FB4]  }
0x2f: {  	lr =	sadd.s32 s0, s3;
	s0 =	sld [smem:$0x3FAB]  }
0x30: {  	s3 =	sld [smem:$0x3FAE]  }
0x31: {  	[smem:$0x3FB7] =	sst s10  }
0x32: {  	s10 =	sld [smem:$0x3FB5];
	_ =	sdelay $0x3  }
0x33: {  	p0 =	seq.s32 s10, $0x1;
	s10 =	sld [smem:$0x3FB7];
	_ =	sdelay $0x3  }
0x34: {  	[smem:$0x3FB7] =	sst s10  }
0x35: {  	s10 =	sld [smem:$0x3FB6];
	_ =	sdelay $0x3  }
0x36: {  	p1 =	seq.s32 s10, $0x1;
	s10 =	sld [smem:$0x3FB7];
	_ =	sdelay $0x3  }
0x37: {  	[smem:$0x3FB7] =	sst s10  }
0x38: {  	s10 =	sld [smem:$0x3FB8]  }
0x39: {  	_ = 	snop;
	(pc) =	sbr.ind lr, $3  }
0x3a: {  	_ = 	snop  }
0x3b: {  	_ = 	snop  }
0x3c: {  	p2 =	seq.s32 s10, $0x1;
	s10 =	sld [smem:$0x3FB7]  }
0x3d: {  	_ =	shalt  }
0x3e: {  	_ =	shalt  }
0x3f: {  	_ =	shalt  }
0x40: {  	_ =	shalt  }
0x41: {  	_ =	shalt  }
0x42: {  	_ =	shalt  }
0x43: {  	_ =	shalt  }
0x44: {  	_ =	shalt  }
0x45: {  	_ =	shalt  }
0x46: {  	_ =	shalt  }
0x47: {  	_ =	shalt  }
0x48: {  	_ =	shalt  }
0x49: {  	_ =	shalt  }
0x4a: {  	_ =	shalt  }
0x4b: {  	_ =	shalt  }
0x4c: {  	_ =	shalt  }
0x4d: {  	_ =	shalt  }
0x4e: {  	_ =	shalt  }
0x4f: {  	_ =	shalt  }
0x50: {  	_ =	shalt  }
0x51: {  	_ =	shalt  }
0x52: {  	_ =	shalt  }
0x53: {  	_ =	shalt  }
0x54: {  	_ =	shalt  }
0x55: {  	_ =	shalt  }
0x56: {  	_ =	shalt  }
0x57: {  	_ =	shalt  }
0x58: {  	_ =	shalt  }
0x59: {  	_ =	shalt  }
0x5a: {  	_ =	shalt  }
0x5b: {  	_ =	shalt  }
0x5c: {  	_ =	shalt  }
0x5d: {  	_ =	shalt  }
0x5e: {  	_ =	shalt  }
0x5f: {  	_ =	shalt  }
0x60: {  	_ =	shalt  }
0x61: {  	_ =	shalt  }
0x62: {  	_ =	shalt  }
0x63: {  	_ =	shalt  }
0x64: {  	_ =	shalt  }
0x65: {  	_ =	shalt  }
0x66: {  	_ =	shalt  }
0x67: {  	_ =	shalt  }
0x68: {  	_ =	shalt  }
0x69: {  	_ =	shalt  }
0x6a: {  	_ =	shalt  }
0x6b: {  	_ =	shalt  }
0x6c: {  	_ =	shalt  }
0x6d: {  	_ =	shalt  }
0x6e: {  	_ =	shalt  }
0x6f: {  	_ =	shalt  }
0x70: {  	_ =	shalt  }
0x71: {  	_ =	shalt  }
0x72: {  	_ =	shalt  }
0x73: {  	_ =	shalt  }
0x74: {  	_ =	shalt  }
0x75: {  	_ =	shalt  }
0x76: {  	_ =	shalt  }
0x77: {  	_ =	shalt  }
0x78: {  	_ =	shalt  }
0x79: {  	_ =	shalt  }
0x7a: {  	_ =	shalt  }
0x7b: {  	_ =	shalt  }
0x7c: {  	_ =	shalt  }
0x7d: {  	_ =	shalt  }
0x7e: {  	_ =	shalt  }
0x7f: {  	_ =	shalt  }
0x80: {  	_ =	shalt  }
0x81: {  	_ =	shalt  }
0x82: {  	_ =	shalt  }
0x83: {  	_ =	shalt  }
0x84: {  	_ =	shalt  }
0x85: {  	_ =	shalt  }
0x86: {  	_ =	shalt  }
0x87: {  	_ =	shalt  }
.Lfunc_end0:
.L_simem_size_0:
called_computation_lowered:
.L_overlay_start_0:
0x88: {  	s2 =	sld [smem:$0x3FD9]  }
0x89: {  	s3 =	sld [smem:$0x3FFE];
	_ =	sdelay $0x1  }
0x8a: {  	s1 =	srdreg.scid  }
0x8b: {  	s0 =	sand.u32 $0x1, s1  }
0x8c: {  	s14 =	sshll.u32 s0, $0xA;
	s2 =	sadd.s32 s3, s2  }
0x8d: {  	s2 =	sadd.s32 s2, s14  }
0x8e: {  	[smem:$0x3FC3] =	sst s2  }
0x8f: {  	_ = 	snop  }
0x90: {  	s2 =	sld [smem:$0x3FD0];
	_ =	sdelay $0x2  }
0x91: {  	s4 =	simm.s32 $0xA;
	s5 =	simm.s32 $0x10;
	s15 =	sld [smem:$0x3FC9]  }
0x92: {  	[smem:s5], [sflag:s4] =	dma.local [hbm:s2], $0x1  }
0x93: {  	_ =	swait.eq [sflag:s4], $0x1  }
0x94: {  	[sflag:s4] =	ssyncset.done $0x0  }
0x95: {  	s16 =	sld [smem:$0x10];
	[sflag:s4] =	ssyncadd.s32 $0xFFFFFFFF  }
0x96: {  	s17 =	sld [smem:$0x11];
	(tm) =	ssettm $0x1  }
0x97: {  	s18 =	sld [smem:$0x3FFB];
	_ =	sdelay $0x3  }
0x98: {  	_ =	strace s18  }
0x99: {  	s5 =	sld [smem:$0x3FFC];
	_ =	sdelay $0x3  }
0x9a: {  	_ =	strace s5  }
0x9b: {  	s5 =	sld [smem:$0x3FFD];
	_ =	sdelay $0x3  }
0x9c: {  	_ =	strace s5  }
0x9d: {  	_ =	strace $0x8FFFFFFF  }
0x9e: {  	s19 =	sld [smem:$0x3FDB];
	_ =	sdelay $0x1  }
0x9f: {  	s6 =	simm.s32 $_scs_section_size  }
0xa0: {  	s7 =	simm.s32 $_size__tile_overlayer_lowered;
	s8 =	simm.s32 $_tile_overlayer_lowered  }
0xa1: {  	s22 =	simm.s32 $0x1BFF;
	s21 =	sshll.u32 s8, $0x1;
	s5 =	sadd.s32 s6, s19  }
0xa2: {  	s9 =	simm.s32 $0x0;
	s20 =	sshll.u32 s7, $0x1;
	s7 =	sadd.s32 s21, s5  }
0xa3: {  	[timem:s9], [sflag:s22] =	dma.local [hbm:s7], s20  }
0xa4: {  	_ =	swait.ge [sflag:s22], s20  }
0xa5: {  	s6 =	ssub.s32 $0x0, s20;
	[sflag:s22] =	ssyncset.done $0x0  }
0xa6: {  	[sflag:s22] =	ssyncadd.s32 s6;
	_ =	sdelay $0x1  }
0xa7: {  	s23 =	simm.s32 $0x1B8B  }
0xa8: {  	_ =	swait.ge [sflag:s23], $0x1  }
0xa9: {  	[sflag:s23] =	ssyncset.done $0x0  }
0xaa: {  	s25 =	simm.s32 $0x1B8E;
	s24 =	sld [smem:$0x3FFE];
	[sflag:s23] =	ssyncadd.s32 $0xFFFFFFFF  }
0xab: {  	s26 =	simm.s32 $execute0_lowered;
	[smem:$0x3FD2] =	sst s25  }
0xac: {  	s7 =	sshll.u32 s26, $0x1;
	_ =	strace $0x80000046;
	[dreg:$0x1] =	wrdreg $0xFFFFFFFF  }
0xad: {  	s28 =	simm.s32 $_size_execute0_lowered;
	s5 =	sadd.s32 s5, s7;
	[dreg:$0x0] =	wrdreg $0x0  }
0xae: {  	s7 =	sshll.u32 s28, $0x1;
	[dreg:$0x2] =	wrdreg s5  }
0xaf: {  	[dreg:$0x3] =	wrdreg s7  }
0xb0: {  	[dreg:$0x4] =	wrdreg $0xC0  }
0xb1: {  	_ =	task [dreg:s9], $0x5FFFF  }
0xb2: {  	[dreg:$0x1] =	wrdreg $0xFFFFFFFF  }
0xb3: {  	[dreg:$0x0] =	wrdreg $0x60  }
0xb4: {  	[dreg:$0x2] =	wrdreg s15  }
0xb5: {  	[dreg:$0x3] =	wrdreg s24  }
0xb6: {  	[dreg:$0x4] =	wrdreg s16  }
0xb7: {  	[dreg:$0x5] =	wrdreg s17  }
0xb8: {  	[dreg:$0x6] =	wrdreg $0x9  }
0xb9: {  	_ =	task.clear_ibuf [dreg:s9], $0x7FFFF;
	_ =	strace $0x90000046  }
0xba: {  	s29 =	simm.s32 $0x9;
	_ =	strace $0x80000048  }
0xbb: {  	_ =	swait.ge [sflag:s29], $0x1  }
0xbc: {  	[sflag:s29] =	ssyncadd.s32 $0xFFFFFFFF  }
0xbd: {  	_ =	strace $0x90000048  }
0xbe: {  	_ =	sfence  }
0xbf: {  	s30 =	sld [smem:$0x0];
	_ =	sdelay $0x2  }
0xc0: {  	s31 =	sshll.u32 s1, $0xD;
	s1 =	sshrl.u32 s1, $0x2  }
0xc1: {  	s3 =	sand.u32 $0x4000, s31;
	s1 =	sadd.s32 s1, s30  }
0xc2: {  	s0 =	sor.u32 s3, s0;
	s1 =	sshll.u32 s1, $0x11  }
0xc3: {  	s0 =	sor.u32 s1, s0  }
0xc4: {  	s0 =	sadd.s32 $0x8F2B, s0  }
0xc5: {  	[sflag:s0] =	ssyncadd.remote.s32 $0x1  }
0xc6: {  	_ =	sfence.sel $0xFFFF  }
0xc7: {  	[dreg:$0x0] =	wrdreg $0xFFFFFFFF;
	(pc) =	sbr.abs _section_cstart, $3  }
0xc8: {  	[dreg:$0x1] =	wrdreg $0xFFFFFFFF  }
0xc9: {  	_ =	task.clear_ibuf [dreg:s9], $0x2FFFF;
	_ =	strace $0x9FFFFFFF  }
0xca: {  	(tm) =	ssettm $0x7FFFFFFF  }
0xcb: {  	_ =	shalt  }
tec
execute0_lowered:
.L_overlay_start_1:
0x0: {  	(tag) =	ssettag $0x1  }
0x1: {  	s0 =	rddreg [dreg:$0x0]  }
0x2: {  	s1 =	rddreg [dreg:$0x1]  }
0x3: {  	s2 =	srdreg.scid;
	s5 =	rddreg [dreg:$0x2]  }
0x4: {  	s3 =	stileid.u32;
	s15 =	simm.s32 $0x4;
	s14 =	simm.s32 $0x2  }
0x5: {  	s17 =	simm.s32 $0x3;
	s9 =	simm.s32 $0x3800;
	s10 =	simm.s32 $0x4000  }
0x6: {  	s11 =	simm.s32 $0x4800;
	s12 =	simm.s32 $0x5000;
	s16 =	simm.s32 $0x5800  }
0x7: {  	s18 =	simm.s32 $0x6000;
	s19 =	simm.s32 $0x6800;
	s20 =	simm.s32 $0x7000  }
0x8: {  	s21 =	simm.s32 $0x7800;
	s22 =	simm.s32 $0x8000;
	s23 =	simm.s32 $0x8800  }
0x9: {  	s24 =	simm.s32 $0x9000;
	s25 =	simm.s32 $0x9800;
	s28 =	simm.s32 $0xA800  }
0xa: {  	s2 =	sand.u32 $0x1, s2;
	s4 =	sshll.u32 s3, $0x7;
	s3 =	simm.s32 $0x0  }
0xb: {  	s13 =	simm.s32 $0xB000;
	s6 =	sshll.u32 s2, $0x6;
	[smem:$0x7FF] =	sst s3  }
0xc: {  	s2 =	ssub.s32 $0x2, s2;
	s4 =	sor.u32 s6, s4;
	_ =	strace $0x80000047  }
0xd: {  	s8 =	sshrl.u32 s2, $0x1;
	s6 =	sshrl.u32 s4, $0x3;
	s4 =	sshll.u32 s4, $0x7  }
0xe: {  	s2 =	ssub.s32 s2, s8;
	s7 =	sadd.s32 s6, s1;
	s0 =	sadd.s32 s0, s4  }
0xf: {  	s4 =	sadd.s32 $0x8E00, s1;
	s30 =	sadd.s32 s5, s6;
	[dreg:$0x5] =	wrdreg s0  }
0x10: {  	s5 =	sadd.s32 $0x8F00, s1;
	s26 =	sadd.s32 $0x8800, s7;
	[dreg:$0x8] =	wrdreg s30  }
0x11: {  	v2 =	vlaneseq.u32;
	s6 =	sadd.s32 $0x9000, s1;
	s29 =	sadd.s32 $0x8A00, s7;
	[dreg:$0x6] =	wrdreg s26  }
0x12: {  	vm0 =	vmmov $0xffff;
	v1 =	vshrl.u32 v2, $0x3;
	s8 =	smax.u32 s2, $0x1;
	s31 =	sadd.s32 $0x8C00, s7;
	[dreg:$0x7] =	wrdreg s29  }
0x13: {  	v0 =	vand.u32 $0x7, v2;
	v2 =	vor.u32 $0x8, v2;
	v1 =	vmul.u32 $0x8, v1;
	s7 =	sadd.s32 $0x9100, s1;
	[dreg:$0x9] =	wrdreg s31;
	s26 =	simm.s32 $0xA000  }
.LBB2_1:
0x14: {  	s29 =	rddreg [dreg:$0x5]  }
0x15: {  	[tilespmem:s3], [sflag:$0x1] =	stream.linear.gather [hbm4b:s29+s3], $0x10000, $0x38;
	[tilespmem:$0x10200] =	vst v63  }
0x16: {  	s30 =	rddreg [dreg:$0x6];
	s31 =	simm.s32 $0x10000  }
0x17: {  	[tilespmem:s31], [sflag:$0x2] =	stream.linear.gather [hbm4b:s30+s3], $0x40, $0x38;
	[tilespmem:$0x10200] =	vst v63  }
0x18: {  	s0 =	rddreg [dreg:$0x7];
	s1 =	simm.s32 $0x10080  }
0x19: {  	[tilespmem:s1], [sflag:$0x3] =	stream.linear.gather [hbm4b:s0+s3], $0x40, $0x38;
	[tilespmem:$0x10200] =	vst v63  }
0x1a: {  	s30 =	rddreg [dreg:$0x8];
	s0 =	simm.s32 $0x10100  }
0x1b: {  	[tilespmem:s0], [sflag:$0x4] =	stream.linear.gather [hbm4b:s30+s3], $0x40, $0x38;
	[tilespmem:$0x10200] =	vst v63  }
0x1c: {  	s2 =	rddreg [dreg:$0x9];
	s30 =	simm.s32 $0x10180  }
0x1d: {  	[tilespmem:s30], [sflag:$0x4] =	stream.linear.gather [hbm4b:s2+s3], $0x40, $0x38;
	[tilespmem:$0x10200] =	vst v63  }
0x1e: {  	_ =	swait.ge [sflag:s14], $0x40  }
0x1f: {  	[sflag:s14] =	ssyncset.done $0x0  }
0x20: {  	[sflag:s14] =	ssyncadd.s32 $0xFFFFFFC0  }
0x21: {  	_ =	swait.ge [sflag:s17], $0x40  }
0x22: {  	[sflag:s17] =	ssyncset.done $0x0  }
0x23: {  	[sflag:s17] =	ssyncadd.s32 $0xFFFFFFC0  }
0x24: {  	_ =	swait.ge [sflag:s15], $0x40  }
0x25: {  	[sflag:s15] =	ssyncset.done $0x0  }
0x26: {  	[sflag:s15] =	ssyncadd.s32 $0xFFFFFFC0  }
0x27: {  	_ =	swait.ge [sflag:s15], $0x40  }
0x28: {  	[sflag:s15] =	ssyncset.done $0x0  }
0x29: {  	[sflag:s15] =	ssyncadd.s32 $0xFFFFFFC0  }
0x2a: {  	s2 =	simm.s32 $0x40;
	s29 =	rddreg [dreg:$0x3]  }
0x2b: {  	[hbm4b:s29+s2] =	stream.indirect.scatter [tilespmem:s0], [sflag:$0x2], $0x1, s31, s2, $0xb8;
	[tilespmem:$0x10200] =	vst v63  }
0x2c: {  	s0 =	simm.s32 $0x1  }
0x2d: {  	[hbm4b:s29+s2] =	stream.indirect.scatter [tilespmem:s30], [sflag:$0x3], $0x1, s1, s2, $0xb8;
	[tilespmem:$0x10200] =	vst v63  }
0x2e: {  	_ =	swait.ge [sflag:s0], $0x10000  }
0x2f: {  	[sflag:s0] =	ssyncset.done $0x0  }
0x30: {  	[sflag:s0] =	ssyncadd.s32 $0xFFFF0000  }
0x31: {  	v3 =	vld [tilespmem:$0x10000];
	_ =	sdelay $0x4  }
0x32: {  	v4 =	vshll.u32 v3, $0x3  }
0x33: {  	v3 =	vand.u32 $0x7, v3;
	v4 =	vand.u32 $0xFFFFFFC0, v4  }
0x34: {  	v3 =	vor.u32 v3, v4  }
0x35: {  	v4 =	vperm.xlane v3, v0;
	_ =	sdelay $0x1  }
0x36: {  	v4 =	vadd.s32 v1, v4;
	_ =	sdelay $0x4  }
0x37: {  	[hbm4b:s4+s3] =	stream.indirect_vreg.scatter [tilespmem:s3], [sflag:$0x1], $0x80, v4, vm0, $0xb8;
	[tilespmem:$0x10200] =	vst v63  }
0x38: {  	s29 =	simm.s32 $0x800;
	v3 =	vperm.xlane v3, v2  }
0x39: {  	[hbm4b:s5+s3] =	stream.indirect_vreg.scatter [tilespmem:s29], [sflag:$0x1], $0x80, v4, vm0, $0xb8;
	[tilespmem:$0x10200] =	vst v63  }
0x3a: {  	s30 =	simm.s32 $0x1000;
	v3 =	vadd.s32 v1, v3  }
0x3b: {  	[hbm4b:s6+s3] =	stream.indirect_vreg.scatter [tilespmem:s30], [sflag:$0x1], $0x80, v4, vm0, $0xb8;
	[tilespmem:$0x10200] =	vst v63  }
0x3c: {  	s2 =	simm.s32 $0x1800  }
0x3d: {  	[hbm4b:s7+s3] =	stream.indirect_vreg.scatter [tilespmem:s2], [sflag:$0x1], $0x80, v4, vm0, $0xb8;
	[tilespmem:$0x10200] =	vst v63  }
0x3e: {  	s29 =	simm.s32 $0x2000  }
0x3f: {  	[hbm4b:s4+s3] =	stream.indirect_vreg.scatter [tilespmem:s29], [sflag:$0x1], $0x80, v3, vm0, $0xb8;
	[tilespmem:$0x10200] =	vst v63  }
0x40: {  	s30 =	simm.s32 $0x2800  }
0x41: {  	[hbm4b:s5+s3] =	stream.indirect_vreg.scatter [tilespmem:s30], [sflag:$0x1], $0x80, v3, vm0, $0xb8;
	[tilespmem:$0x10200] =	vst v63  }
0x42: {  	s31 =	simm.s32 $0x3000  }
0x43: {  	[hbm4b:s6+s3] =	stream.indirect_vreg.scatter [tilespmem:s31], [sflag:$0x1], $0x80, v3, vm0, $0xb8;
	[tilespmem:$0x10200] =	vst v63  }
0x44: {  	_ = 	snop  }
0x45: {  	[hbm4b:s7+s3] =	stream.indirect_vreg.scatter [tilespmem:s9], [sflag:$0x1], $0x80, v3, vm0, $0xb8;
	[tilespmem:$0x10200] =	vst v63  }
0x46: {  	v3 =	vld [tilespmem:$0x10010];
	_ =	sdelay $0x4  }
0x47: {  	v57 =	vshll.u32 v3, $0x3  }
0x48: {  	v3 =	vand.u32 $0x7, v3;
	v4 =	vand.u32 $0xFFFFFFC0, v57  }
0x49: {  	v3 =	vor.u32 v3, v4  }
0x4a: {  	v4 =	vperm.xlane v3, v0;
	_ =	sdelay $0x1  }
0x4b: {  	v4 =	vadd.s32 v1, v4;
	_ =	sdelay $0x4  }
0x4c: {  	[hbm4b:s4+s3] =	stream.indirect_vreg.scatter [tilespmem:s10], [sflag:$0x1], $0x80, v4, vm0, $0xb8;
	[tilespmem:$0x10200] =	vst v63  }
0x4d: {  	v3 =	vperm.xlane v3, v2  }
0x4e: {  	[hbm4b:s5+s3] =	stream.indirect_vreg.scatter [tilespmem:s11], [sflag:$0x1], $0x80, v4, vm0, $0xb8;
	[tilespmem:$0x10200] =	vst v63  }
0x4f: {  	v3 =	vadd.s32 v1, v3  }
0x50: {  	[hbm4b:s6+s3] =	stream.indirect_vreg.scatter [tilespmem:s12], [sflag:$0x1], $0x80, v4, vm0, $0xb8;
	[tilespmem:$0x10200] =	vst v63  }
0x51: {  	_ = 	snop  }
0x52: {  	[hbm4b:s7+s3] =	stream.indirect_vreg.scatter [tilespmem:s16], [sflag:$0x1], $0x80, v4, vm0, $0xb8;
	[tilespmem:$0x10200] =	vst v63  }
0x53: {  	_ = 	snop  }
0x54: {  	[hbm4b:s4+s3] =	stream.indirect_vreg.scatter [tilespmem:s18], [sflag:$0x1], $0x80, v3, vm0, $0xb8;
	[tilespmem:$0x10200] =	vst v63  }
0x55: {  	_ = 	snop  }
0x56: {  	[hbm4b:s5+s3] =	stream.indirect_vreg.scatter [tilespmem:s19], [sflag:$0x1], $0x80, v3, vm0, $0xb8;
	[tilespmem:$0x10200] =	vst v63  }
0x57: {  	_ = 	snop  }
0x58: {  	[hbm4b:s6+s3] =	stream.indirect_vreg.scatter [tilespmem:s20], [sflag:$0x1], $0x80, v3, vm0, $0xb8;
	[tilespmem:$0x10200] =	vst v63  }
0x59: {  	_ = 	snop  }
0x5a: {  	[hbm4b:s7+s3] =	stream.indirect_vreg.scatter [tilespmem:s21], [sflag:$0x1], $0x80, v3, vm0, $0xb8;
	[tilespmem:$0x10200] =	vst v63  }
0x5b: {  	v3 =	vld [tilespmem:$0x10020];
	_ =	sdelay $0x4  }
0x5c: {  	v58 =	vshll.u32 v3, $0x3  }
0x5d: {  	v3 =	vand.u32 $0x7, v3;
	v4 =	vand.u32 $0xFFFFFFC0, v58  }
0x5e: {  	v3 =	vor.u32 v3, v4  }
0x5f: {  	v4 =	vperm.xlane v3, v0;
	_ =	sdelay $0x1  }
0x60: {  	v4 =	vadd.s32 v1, v4;
	_ =	sdelay $0x4  }
0x61: {  	[hbm4b:s4+s3] =	stream.indirect_vreg.scatter [tilespmem:s22], [sflag:$0x1], $0x80, v4, vm0, $0xb8;
	[tilespmem:$0x10200] =	vst v63  }
0x62: {  	v3 =	vperm.xlane v3, v2  }
0x63: {  	[hbm4b:s5+s3] =	stream.indirect_vreg.scatter [tilespmem:s23], [sflag:$0x1], $0x80, v4, vm0, $0xb8;
	[tilespmem:$0x10200] =	vst v63  }
0x64: {  	v3 =	vadd.s32 v1, v3  }
0x65: {  	[hbm4b:s6+s3] =	stream.indirect_vreg.scatter [tilespmem:s24], [sflag:$0x1], $0x80, v4, vm0, $0xb8;
	[tilespmem:$0x10200] =	vst v63  }
0x66: {  	_ = 	snop  }
0x67: {  	[hbm4b:s7+s3] =	stream.indirect_vreg.scatter [tilespmem:s25], [sflag:$0x1], $0x80, v4, vm0, $0xb8;
	[tilespmem:$0x10200] =	vst v63  }
0x68: {  	_ = 	snop  }
0x69: {  	[hbm4b:s4+s3] =	stream.indirect_vreg.scatter [tilespmem:s26], [sflag:$0x1], $0x80, v3, vm0, $0xb8;
	[tilespmem:$0x10200] =	vst v63  }
0x6a: {  	_ = 	snop  }
0x6b: {  	[hbm4b:s5+s3] =	stream.indirect_vreg.scatter [tilespmem:s28], [sflag:$0x1], $0x80, v3, vm0, $0xb8;
	[tilespmem:$0x10200] =	vst v63  }
0x6c: {  	_ = 	snop  }
0x6d: {  	[hbm4b:s6+s3] =	stream.indirect_vreg.scatter [tilespmem:s13], [sflag:$0x1], $0x80, v3, vm0, $0xb8;
	[tilespmem:$0x10200] =	vst v63  }
0x6e: {  	s1 =	simm.s32 $0xB800  }
0x6f: {  	[hbm4b:s7+s3] =	stream.indirect_vreg.scatter [tilespmem:s1], [sflag:$0x1], $0x80, v3, vm0, $0xb8;
	[tilespmem:$0x10200] =	vst v63  }
0x70: {  	v3 =	vld [tilespmem:$0x10030];
	_ =	sdelay $0x4  }
0x71: {  	v59 =	vshll.u32 v3, $0x3  }
0x72: {  	v3 =	vand.u32 $0x7, v3;
	v4 =	vand.u32 $0xFFFFFFC0, v59  }
0x73: {  	v3 =	vor.u32 v3, v4  }
0x74: {  	v4 =	vperm.xlane v3, v0;
	_ =	sdelay $0x1  }
0x75: {  	v4 =	vadd.s32 v1, v4;
	_ =	sdelay $0x3  }
0x76: {  	s1 =	simm.s32 $0xC000  }
0x77: {  	[hbm4b:s4+s3] =	stream.indirect_vreg.scatter [tilespmem:s1], [sflag:$0x1], $0x80, v4, vm0, $0xb8;
	[tilespmem:$0x10200] =	vst v63  }
0x78: {  	v3 =	vperm.xlane v3, v2;
	s1 =	simm.s32 $0xC800  }
0x79: {  	[hbm4b:s5+s3] =	stream.indirect_vreg.scatter [tilespmem:s1], [sflag:$0x1], $0x80, v4, vm0, $0xb8;
	[tilespmem:$0x10200] =	vst v63  }
0x7a: {  	v3 =	vadd.s32 v1, v3;
	s1 =	simm.s32 $0xD000  }
0x7b: {  	[hbm4b:s6+s3] =	stream.indirect_vreg.scatter [tilespmem:s1], [sflag:$0x1], $0x80, v4, vm0, $0xb8;
	[tilespmem:$0x10200] =	vst v63  }
0x7c: {  	s1 =	simm.s32 $0xD800  }
0x7d: {  	[hbm4b:s7+s3] =	stream.indirect_vreg.scatter [tilespmem:s1], [sflag:$0x1], $0x80, v4, vm0, $0xb8;
	[tilespmem:$0x10200] =	vst v63  }
0x7e: {  	s1 =	simm.s32 $0xE000  }
0x7f: {  	[hbm4b:s4+s3] =	stream.indirect_vreg.scatter [tilespmem:s1], [sflag:$0x1], $0x80, v3, vm0, $0xb8;
	[tilespmem:$0x10200] =	vst v63  }
0x80: {  	s1 =	simm.s32 $0xE800  }
0x81: {  	[hbm4b:s5+s3] =	stream.indirect_vreg.scatter [tilespmem:s1], [sflag:$0x1], $0x80, v3, vm0, $0xb8;
	[tilespmem:$0x10200] =	vst v63  }
0x82: {  	s1 =	simm.s32 $0xF000  }
0x83: {  	[hbm4b:s6+s3] =	stream.indirect_vreg.scatter [tilespmem:s1], [sflag:$0x1], $0x80, v3, vm0, $0xb8;
	[tilespmem:$0x10200] =	vst v63  }
0x84: {  	s1 =	simm.s32 $0xF800  }
0x85: {  	[hbm4b:s7+s3] =	stream.indirect_vreg.scatter [tilespmem:s1], [sflag:$0x1], $0x80, v3, vm0, $0xb8;
	[tilespmem:$0x10200] =	vst v63  }
0x86: {  	v3 =	vld [tilespmem:$0x10080];
	_ =	sdelay $0x4  }
0x87: {  	v60 =	vshll.u32 v3, $0x3  }
0x88: {  	v3 =	vand.u32 $0x7, v3;
	v4 =	vand.u32 $0xFFFFFFC0, v60  }
0x89: {  	v3 =	vor.u32 v3, v4  }
0x8a: {  	v4 =	vperm.xlane v3, v0;
	_ =	sdelay $0x1  }
0x8b: {  	v4 =	vadd.s32 v1, v4;
	_ =	sdelay $0x4  }
0x8c: {  	[hbm4b:s4+s3] =	stream.indirect_vreg.scatter [tilespmem:s3], [sflag:$0x4], $0x80, v4, vm0, $0xb8;
	[tilespmem:$0x10200] =	vst v63  }
0x8d: {  	s1 =	simm.s32 $0x800;
	v3 =	vperm.xlane v3, v2  }
0x8e: {  	[hbm4b:s5+s3] =	stream.indirect_vreg.scatter [tilespmem:s1], [sflag:$0x4], $0x80, v4, vm0, $0xb8;
	[tilespmem:$0x10200] =	vst v63  }
0x8f: {  	v3 =	vadd.s32 v1, v3;
	s1 =	simm.s32 $0x1000  }
0x90: {  	[hbm4b:s6+s3] =	stream.indirect_vreg.scatter [tilespmem:s1], [sflag:$0x4], $0x80, v4, vm0, $0xb8;
	[tilespmem:$0x10200] =	vst v63  }
0x91: {  	_ = 	snop  }
0x92: {  	[hbm4b:s7+s3] =	stream.indirect_vreg.scatter [tilespmem:s2], [sflag:$0x4], $0x80, v4, vm0, $0xb8;
	[tilespmem:$0x10200] =	vst v63  }
0x93: {  	_ = 	snop  }
0x94: {  	[hbm4b:s4+s3] =	stream.indirect_vreg.scatter [tilespmem:s29], [sflag:$0x4], $0x80, v3, vm0, $0xb8;
	[tilespmem:$0x10200] =	vst v63  }
0x95: {  	_ = 	snop  }
0x96: {  	[hbm4b:s5+s3] =	stream.indirect_vreg.scatter [tilespmem:s30], [sflag:$0x4], $0x80, v3, vm0, $0xb8;
	[tilespmem:$0x10200] =	vst v63  }
0x97: {  	_ = 	snop  }
0x98: {  	[hbm4b:s6+s3] =	stream.indirect_vreg.scatter [tilespmem:s31], [sflag:$0x4], $0x80, v3, vm0, $0xb8;
	[tilespmem:$0x10200] =	vst v63  }
0x99: {  	_ = 	snop  }
0x9a: {  	[hbm4b:s7+s3] =	stream.indirect_vreg.scatter [tilespmem:s9], [sflag:$0x4], $0x80, v3, vm0, $0xb8;
	[tilespmem:$0x10200] =	vst v63  }
0x9b: {  	v3 =	vld [tilespmem:$0x10090];
	_ =	sdelay $0x4  }
0x9c: {  	v61 =	vshll.u32 v3, $0x3  }
0x9d: {  	v3 =	vand.u32 $0x7, v3;
	v4 =	vand.u32 $0xFFFFFFC0, v61  }
0x9e: {  	v3 =	vor.u32 v3, v4  }
0x9f: {  	v4 =	vperm.xlane v3, v0;
	_ =	sdelay $0x1  }
0xa0: {  	v4 =	vadd.s32 v1, v4;
	_ =	sdelay $0x4  }
0xa1: {  	[hbm4b:s4+s3] =	stream.indirect_vreg.scatter [tilespmem:s10], [sflag:$0x4], $0x80, v4, vm0, $0xb8;
	[tilespmem:$0x10200] =	vst v63  }
0xa2: {  	v3 =	vperm.xlane v3, v2  }
0xa3: {  	[hbm4b:s5+s3] =	stream.indirect_vreg.scatter [tilespmem:s11], [sflag:$0x4], $0x80, v4, vm0, $0xb8;
	[tilespmem:$0x10200] =	vst v63  }
0xa4: {  	v3 =	vadd.s32 v1, v3  }
0xa5: {  	[hbm4b:s6+s3] =	stream.indirect_vreg.scatter [tilespmem:s12], [sflag:$0x4], $0x80, v4, vm0, $0xb8;
	[tilespmem:$0x10200] =	vst v63  }
0xa6: {  	_ = 	snop  }
0xa7: {  	[hbm4b:s7+s3] =	stream.indirect_vreg.scatter [tilespmem:s16], [sflag:$0x4], $0x80, v4, vm0, $0xb8;
	[tilespmem:$0x10200] =	vst v63  }
0xa8: {  	_ = 	snop  }
0xa9: {  	[hbm4b:s4+s3] =	stream.indirect_vreg.scatter [tilespmem:s18], [sflag:$0x4], $0x80, v3, vm0, $0xb8;
	[tilespmem:$0x10200] =	vst v63  }
0xaa: {  	_ = 	snop  }
0xab: {  	[hbm4b:s5+s3] =	stream.indirect_vreg.scatter [tilespmem:s19], [sflag:$0x4], $0x80, v3, vm0, $0xb8;
	[tilespmem:$0x10200] =	vst v63  }
0xac: {  	_ = 	snop  }
0xad: {  	[hbm4b:s6+s3] =	stream.indirect_vreg.scatter [tilespmem:s20], [sflag:$0x4], $0x80, v3, vm0, $0xb8;
	[tilespmem:$0x10200] =	vst v63  }
0xae: {  	_ = 	snop  }
0xaf: {  	[hbm4b:s7+s3] =	stream.indirect_vreg.scatter [tilespmem:s21], [sflag:$0x4], $0x80, v3, vm0, $0xb8;
	[tilespmem:$0x10200] =	vst v63  }
0xb0: {  	v3 =	vld [tilespmem:$0x100A0];
	_ =	sdelay $0x4  }
0xb1: {  	v62 =	vshll.u32 v3, $0x3  }
0xb2: {  	v3 =	vand.u32 $0x7, v3;
	v4 =	vand.u32 $0xFFFFFFC0, v62  }
0xb3: {  	v3 =	vor.u32 v3, v4  }
0xb4: {  	v4 =	vperm.xlane v3, v0;
	_ =	sdelay $0x1  }
0xb5: {  	v4 =	vadd.s32 v1, v4;
	_ =	sdelay $0x4  }
0xb6: {  	[hbm4b:s4+s3] =	stream.indirect_vreg.scatter [tilespmem:s22], [sflag:$0x4], $0x80, v4, vm0, $0xb8;
	[tilespmem:$0x10200] =	vst v63  }
0xb7: {  	v3 =	vperm.xlane v3, v2  }
0xb8: {  	[hbm4b:s5+s3] =	stream.indirect_vreg.scatter [tilespmem:s23], [sflag:$0x4], $0x80, v4, vm0, $0xb8;
	[tilespmem:$0x10200] =	vst v63  }
0xb9: {  	v3 =	vadd.s32 v1, v3  }
0xba: {  	[hbm4b:s6+s3] =	stream.indirect_vreg.scatter [tilespmem:s24], [sflag:$0x4], $0x80, v4, vm0, $0xb8;
	[tilespmem:$0x10200] =	vst v63  }
0xbb: {  	_ = 	snop  }
0xbc: {  	[hbm4b:s7+s3] =	stream.indirect_vreg.scatter [tilespmem:s25], [sflag:$0x4], $0x80, v4, vm0, $0xb8;
	[tilespmem:$0x10200] =	vst v63  }
0xbd: {  	_ = 	snop  }
0xbe: {  	[hbm4b:s4+s3] =	stream.indirect_vreg.scatter [tilespmem:s26], [sflag:$0x4], $0x80, v3, vm0, $0xb8;
	[tilespmem:$0x10200] =	vst v63  }
0xbf: {  	_ = 	snop  }
0xc0: {  	[hbm4b:s5+s3] =	stream.indirect_vreg.scatter [tilespmem:s28], [sflag:$0x4], $0x80, v3, vm0, $0xb8;
	[tilespmem:$0x10200] =	vst v63  }
0xc1: {  	_ = 	snop  }
0xc2: {  	[hbm4b:s6+s3] =	stream.indirect_vreg.scatter [tilespmem:s13], [sflag:$0x4], $0x80, v3, vm0, $0xb8;
	[tilespmem:$0x10200] =	vst v63  }
0xc3: {  	s31 =	simm.s32 $0xB800  }
0xc4: {  	[hbm4b:s7+s3] =	stream.indirect_vreg.scatter [tilespmem:s31], [sflag:$0x4], $0x80, v3, vm0, $0xb8;
	[tilespmem:$0x10200] =	vst v63  }
0xc5: {  	v3 =	vld [tilespmem:$0x100B0];
	_ =	sdelay $0x4  }
0xc6: {  	v63 =	vshll.u32 v3, $0x3  }
0xc7: {  	v3 =	vand.u32 $0x7, v3;
	v4 =	vand.u32 $0xFFFFFFC0, v63  }
0xc8: {  	v3 =	vor.u32 v3, v4  }
0xc9: {  	v4 =	vperm.xlane v3, v0;
	_ =	sdelay $0x1  }
0xca: {  	v4 =	vadd.s32 v1, v4;
	_ =	sdelay $0x3  }
0xcb: {  	s2 =	simm.s32 $0xC000  }
0xcc: {  	[hbm4b:s4+s3] =	stream.indirect_vreg.scatter [tilespmem:s2], [sflag:$0x4], $0x80, v4, vm0, $0xb8;
	[tilespmem:$0x10200] =	vst v63  }
0xcd: {  	s29 =	simm.s32 $0xC800;
	v3 =	vperm.xlane v3, v2  }
0xce: {  	[hbm4b:s5+s3] =	stream.indirect_vreg.scatter [tilespmem:s29], [sflag:$0x4], $0x80, v4, vm0, $0xb8;
	[tilespmem:$0x10200] =	vst v63  }
0xcf: {  	s30 =	simm.s32 $0xD000;
	v3 =	vadd.s32 v1, v3  }
0xd0: {  	[hbm4b:s6+s3] =	stream.indirect_vreg.scatter [tilespmem:s30], [sflag:$0x4], $0x80, v4, vm0, $0xb8;
	[tilespmem:$0x10200] =	vst v63  }
0xd1: {  	s31 =	simm.s32 $0xD800  }
0xd2: {  	[hbm4b:s7+s3] =	stream.indirect_vreg.scatter [tilespmem:s31], [sflag:$0x4], $0x80, v4, vm0, $0xb8;
	[tilespmem:$0x10200] =	vst v63  }
0xd3: {  	s2 =	simm.s32 $0xE000  }
0xd4: {  	[hbm4b:s4+s3] =	stream.indirect_vreg.scatter [tilespmem:s2], [sflag:$0x4], $0x80, v3, vm0, $0xb8;
	[tilespmem:$0x10200] =	vst v63  }
0xd5: {  	s29 =	simm.s32 $0xE800  }
0xd6: {  	[hbm4b:s5+s3] =	stream.indirect_vreg.scatter [tilespmem:s29], [sflag:$0x4], $0x80, v3, vm0, $0xb8;
	[tilespmem:$0x10200] =	vst v63  }
0xd7: {  	s30 =	simm.s32 $0xF000  }
0xd8: {  	[hbm4b:s6+s3] =	stream.indirect_vreg.scatter [tilespmem:s30], [sflag:$0x4], $0x80, v3, vm0, $0xb8;
	[tilespmem:$0x10200] =	vst v63  }
0xd9: {  	s31 =	simm.s32 $0xF800  }
0xda: {  	[hbm4b:s7+s3] =	stream.indirect_vreg.scatter [tilespmem:s31], [sflag:$0x4], $0x80, v3, vm0, $0xb8;
	[tilespmem:$0x10200] =	vst v63  }
0xdb: {  	_ =	swait.ge [sflag:s14], $0x40  }
0xdc: {  	[sflag:s14] =	ssyncset.done $0x0  }
0xdd: {  	[sflag:s14] =	ssyncadd.s32 $0xFFFFFFC0  }
0xde: {  	_ =	swait.ge [sflag:s17], $0x40  }
0xdf: {  	[sflag:s17] =	ssyncset.done $0x0  }
0xe0: {  	[sflag:s17] =	ssyncadd.s32 $0xFFFFFFC0  }
0xe1: {  	p0 =	sne.s32 s8, $0x1;
	_ =	swait.ge [sflag:s0], $0x10000  }
.Ltmp0:
0xe2: {  	[sflag:s0] =	ssyncset.done $0x0;
	(pc) =	sbr.rel @p0 .LBB2_1-.Ltmp0, $4  }
0xe3: {  	[sflag:s0] =	ssyncadd.s32 $0xFFFF0000  }
0xe4: {  	_ =	swait.ge [sflag:s15], $0x10000  }
0xe5: {  	[sflag:s15] =	ssyncset.done $0x0  }
0xe6: {  	s8 =	sadd.s32 $0xFFFFFFFF, s8;
	[sflag:s15] =	ssyncadd.s32 $0xFFFF0000  }
0xe7: {  	_ =	sfence.sel $0x180000  }
0xe8: {  	[bflag:$0x0] =	sbarrier.arrive $0xFFFF  }
0xe9: {  	_ =	strace $0x90000047  }
0xea: {  	s0 =	stileid.u32;
	[bflag:$0x2] =	sbarrier.arrive $0xFFFF  }
0xeb: {  	p0 =	sne.s32 s0, $0x0;
	s0 =	rddreg [dreg:$0x4]  }
0xec: {  	s0 =	sadd.s32 @!p0 $0x100000, s0  }
0xed: {  	[sflag:s0] =	ssyncadd.tile.s32 @!p0 $0x1;
	_ =	shalt  }
.Lfunc_end2:
_tile_overlayer_lowered:
.L_overlay_start_2:
0xee: {  	(tag) =	ssettag $0x2  }
0xef: {  	s0 =	rddreg [dreg:$0x0];
	s2 =	stileid.u32  }
0xf0: {  	s1 =	rddreg [dreg:$0x1];
	p0 =	sne.s32 s2, $0x0  }
0xf1: {  	s3 =	rddreg [dreg:$0x2];
	[bflag:$0x3] =	sbarrier.arrive $0xFFFF;
	s2 =	simm.s32 @!p0 $0x1C05  }
0xf2: {  	[timem:s3], [sflag:s2] =	dma.local @!p0 [hbm:s0], s1  }
0xf3: {  	s0 =	simm.s32 @!p0 $0x5  }
0xf4: {  	_ =	swait.ge @!p0 [sflag:s0], s1  }
0xf5: {  	s1 =	ssub.s32 @!p0 $0x0, s1;
	[sflag:s0] =	ssyncset.done @!p0 $0x0  }
0xf6: {  	[sflag:s0] =	ssyncadd.s32 @!p0 s1  }
0xf7: {  	[bflag:$0x3] =	sbarrier.arrive $0xFFFF  }
0xf8: {  	_ =	shalt  }

// kernel: kernel.9.cloned.1.call-start
scs
__scs_entry_jumppad:
0x0: {  	(pc) =	sbr.rel $0x88, $3  }
0x1: {  	(tag) =	ssettag $0x0;
	lr =	simm.s32 $0x1  }
0x2: {  	[smem:$0x3F9C] =	sst lr;
	_ =	strace $0xD0000000  }
0x3: {  	_ = 	snop  }
0x4: {  	_ = 	snop  }
0x5: {  	_ = 	snop  }
0x6: {  	_ = 	snop  }
0x7: {  	_ = 	snop  }
__scs_overlays_trampoline_lowered:
0x8: {  	[smem:$0x3FAB] =	sst s0  }
0x9: {  	[smem:$0x3FAC] =	sst s1  }
0xa: {  	[smem:$0x3FAD] =	sst s2  }
0xb: {  	[smem:$0x3FAE] =	sst s3  }
0xc: {  	[smem:$0x3FAF] =	sst s4  }
0xd: {  	[smem:$0x3FB0] =	sst s5  }
0xe: {  	[smem:$0x3FB1] =	sst s6  }
0xf: {  	[smem:$0x3FB2] =	sst s7  }
0x10: {  	[smem:$0x3FB3] =	sst s8  }
0x11: {  	[smem:$0x3FB4] =	sst s9;
	s0 =	simm.s32 @!p0 $0x0  }
0x12: {  	s1 =	sld [smem:$0x3F9A];
	s0 =	simm.s32 @p0 $0x1  }
0x13: {  	[smem:$0x3FB5] =	sst s0;
	s0 =	simm.s32 @!p1 $0x0  }
0x14: {  	s2 =	sld [smem:$0x3F99];
	s0 =	simm.s32 @p1 $0x1  }
0x15: {  	[smem:$0x3FB6] =	sst s0;
	s0 =	simm.s32 @!p2 $0x0  }
0x16: {  	s3 =	sld [smem:$0x3FDB];
	s0 =	simm.s32 @p2 $0x1  }
0x17: {  	s4 =	simm.s32 $0x1BF5;
	[smem:$0x3FB8] =	sst s0  }
0x18: {  	s0 =	sld [smem:$0x3F9B];
	_ =	swait.ge [sflag:s4], $0x0  }
0x19: {  	s7 =	sld [smem:$0x3F9C]  }
0x1a: {  	s8 =	sadd.s32 $0xFFFFE003, lr  }
0x1b: {  	s9 =	sadd.s32 $0xFFFFFEF7, lr;
	s5 =	simm.s32 $0xFFFFFFFF;
	p2 =	slt.u32 s8, $0xFFFFF086  }
0x1c: {  	p1 =	slt.u32 s9, $0xF7A;
	s5 =	simm.s32 @!p2 $0x0  }
0x1d: {  	s5 =	simm.s32 @p1 $0x1;
	p0 =	seq.s32 s7, s2  }
0x1e: {  	s7 =	smul.u32 @!p0 $0xF7A, s2;
	p2 =	seq.s32 @!p0 s5, $0x0  }
0x1f: {  	s9 =	smul.u32 $0xF7A, s1;
	s8 =	simm.s32 @!p0 $0x1BF5;
	p2 =	por !p2, p0  }
0x20: {  	[sflag:s8] =	ssyncset.s32 @!p0 $0xFFFFF086;
	s6 =	sadd.s32 @!p0 s3, s7;
	s7 =	simm.s32 @!p0 $0x108  }
0x21: {  	s3 =	sadd.s32 s3, s9;
	s6 =	sadd.s32 @!p0 $0x88, s6;
	s7 =	simm.s32 @p2 $0x1082  }
0x22: {  	[simem:s7], [sflag:s8] =	dma.local @!p0 [hbm:s6], $0xF7A  }
0x23: {  	s9 =	sor.u32 $0xD0000000, s2;
	s6 =	simm.s32 $0x108;
	_ =	swait.ge @!p0 [sflag:s8], $0x0  }
0x24: {  	s3 =	sadd.s32 $0x88, s3;
	s6 =	simm.s32 @!p1 $0x1082;
	[sflag:s4] =	ssyncset.s32 $0xFFFFF086  }
0x25: {  	[simem:s6], [sflag:s4] =	dma.local [hbm:s3], $0xF7A  }
0x26: {  	[smem:$0x3F9C] =	sst s1;
	(tag) =	ssettag s2;
	_ =	strace s9  }
0x27: {  	s1 =	sld [smem:$0x3FAC]  }
0x28: {  	s2 =	sld [smem:$0x3FAD]  }
0x29: {  	s4 =	sld [smem:$0x3FAF]  }
0x2a: {  	p0 =	seq.s32 s5, $0x0;
	s5 =	sld [smem:$0x3FB0]  }
0x2b: {  	s6 =	sld [smem:$0x3FB1]  }
0x2c: {  	s7 =	sld [smem:$0x3FB2]  }
0x2d: {  	s3 =	simm.s32 $0x108;
	s8 =	sld [smem:$0x3FB3]  }
0x2e: {  	s3 =	simm.s32 @!p0 $0x1082;
	s9 =	sld [smem:$0x3FB4]  }
0x2f: {  	lr =	sadd.s32 s0, s3;
	s0 =	sld [smem:$0x3FAB]  }
0x30: {  	s3 =	sld [smem:$0x3FAE]  }
0x31: {  	[smem:$0x3FB7] =	sst s10  }
0x32: {  	s10 =	sld [smem:$0x3FB5];
	_ =	sdelay $0x3  }
0x33: {  	p0 =	seq.s32 s10, $0x1;
	s10 =	sld [smem:$0x3FB7];
	_ =	sdelay $0x3  }
0x34: {  	[smem:$0x3FB7] =	sst s10  }
0x35: {  	s10 =	sld [smem:$0x3FB6];
	_ =	sdelay $0x3  }
0x36: {  	p1 =	seq.s32 s10, $0x1;
	s10 =	sld [smem:$0x3FB7];
	_ =	sdelay $0x3  }
0x37: {  	[smem:$0x3FB7] =	sst s10  }
0x38: {  	s10 =	sld [smem:$0x3FB8]  }
0x39: {  	_ = 	snop;
	(pc) =	sbr.ind lr, $3  }
0x3a: {  	_ = 	snop  }
0x3b: {  	_ = 	snop  }
0x3c: {  	p2 =	seq.s32 s10, $0x1;
	s10 =	sld [smem:$0x3FB7]  }
0x3d: {  	_ =	shalt  }
0x3e: {  	_ =	shalt  }
0x3f: {  	_ =	shalt  }
0x40: {  	_ =	shalt  }
0x41: {  	_ =	shalt  }
0x42: {  	_ =	shalt  }
0x43: {  	_ =	shalt  }
0x44: {  	_ =	shalt  }
0x45: {  	_ =	shalt  }
0x46: {  	_ =	shalt  }
0x47: {  	_ =	shalt  }
0x48: {  	_ =	shalt  }
0x49: {  	_ =	shalt  }
0x4a: {  	_ =	shalt  }
0x4b: {  	_ =	shalt  }
0x4c: {  	_ =	shalt  }
0x4d: {  	_ =	shalt  }
0x4e: {  	_ =	shalt  }
0x4f: {  	_ =	shalt  }
0x50: {  	_ =	shalt  }
0x51: {  	_ =	shalt  }
0x52: {  	_ =	shalt  }
0x53: {  	_ =	shalt  }
0x54: {  	_ =	shalt  }
0x55: {  	_ =	shalt  }
0x56: {  	_ =	shalt  }
0x57: {  	_ =	shalt  }
0x58: {  	_ =	shalt  }
0x59: {  	_ =	shalt  }
0x5a: {  	_ =	shalt  }
0x5b: {  	_ =	shalt  }
0x5c: {  	_ =	shalt  }
0x5d: {  	_ =	shalt  }
0x5e: {  	_ =	shalt  }
0x5f: {  	_ =	shalt  }
0x60: {  	_ =	shalt  }
0x61: {  	_ =	shalt  }
0x62: {  	_ =	shalt  }
0x63: {  	_ =	shalt  }
0x64: {  	_ =	shalt  }
0x65: {  	_ =	shalt  }
0x66: {  	_ =	shalt  }
0x67: {  	_ =	shalt  }
0x68: {  	_ =	shalt  }
0x69: {  	_ =	shalt  }
0x6a: {  	_ =	shalt  }
0x6b: {  	_ =	shalt  }
0x6c: {  	_ =	shalt  }
0x6d: {  	_ =	shalt  }
0x6e: {  	_ =	shalt  }
0x6f: {  	_ =	shalt  }
0x70: {  	_ =	shalt  }
0x71: {  	_ =	shalt  }
0x72: {  	_ =	shalt  }
0x73: {  	_ =	shalt  }
0x74: {  	_ =	shalt  }
0x75: {  	_ =	shalt  }
0x76: {  	_ =	shalt  }
0x77: {  	_ =	shalt  }
0x78: {  	_ =	shalt  }
0x79: {  	_ =	shalt  }
0x7a: {  	_ =	shalt  }
0x7b: {  	_ =	shalt  }
0x7c: {  	_ =	shalt  }
0x7d: {  	_ =	shalt  }
0x7e: {  	_ =	shalt  }
0x7f: {  	_ =	shalt  }
0x80: {  	_ =	shalt  }
0x81: {  	_ =	shalt  }
0x82: {  	_ =	shalt  }
0x83: {  	_ =	shalt  }
0x84: {  	_ =	shalt  }
0x85: {  	_ =	shalt  }
0x86: {  	_ =	shalt  }
0x87: {  	_ =	shalt  }
.Lfunc_end0:
.L_simem_size_0:
called_computation.1_lowered:
.L_overlay_start_0:
0x88: {  	s2 =	sld [smem:$0x3FD9]  }
0x89: {  	s3 =	sld [smem:$0x3FFE];
	_ =	sdelay $0x1  }
0x8a: {  	s1 =	srdreg.scid  }
0x8b: {  	s0 =	sand.u32 $0x1, s1  }
0x8c: {  	s14 =	sshll.u32 s0, $0xA;
	s2 =	sadd.s32 s3, s2  }
0x8d: {  	s2 =	sadd.s32 s2, s14  }
0x8e: {  	[smem:$0x3FC3] =	sst s2  }
0x8f: {  	_ = 	snop  }
0x90: {  	s2 =	sld [smem:$0x3FD0];
	_ =	sdelay $0x2  }
0x91: {  	s15 =	simm.s32 $0xA;
	s4 =	simm.s32 $0x10  }
0x92: {  	[smem:s4], [sflag:s15] =	dma.local [hbm:s2], $0x1  }
0x93: {  	_ =	swait.eq [sflag:s15], $0x1  }
0x94: {  	[sflag:s15] =	ssyncset.done $0x0  }
0x95: {  	[sflag:s15] =	ssyncadd.s32 $0xFFFFFFFF  }
0x96: {  	s16 =	sld [smem:$0x10];
	(tm) =	ssettm $0x1  }
0x97: {  	s17 =	sld [smem:$0x3FFB];
	_ =	sdelay $0x3  }
0x98: {  	_ =	strace s17  }
0x99: {  	s3 =	sld [smem:$0x3FFC];
	_ =	sdelay $0x3  }
0x9a: {  	_ =	strace s3  }
0x9b: {  	s3 =	sld [smem:$0x3FFD];
	_ =	sdelay $0x3  }
0x9c: {  	_ =	strace s3  }
0x9d: {  	_ =	strace $0x8FFFFFFF  }
0x9e: {  	s18 =	sld [smem:$0x3FDB];
	_ =	sdelay $0x1  }
0x9f: {  	s19 =	simm.s32 $_scs_section_size  }
0xa0: {  	s5 =	simm.s32 $_size__tile_overlayer_lowered;
	s6 =	simm.s32 $_tile_overlayer_lowered  }
0xa1: {  	s22 =	simm.s32 $0x1BFF;
	s21 =	sshll.u32 s6, $0x1;
	s3 =	sadd.s32 s19, s18  }
0xa2: {  	s7 =	simm.s32 $0x0;
	s20 =	sshll.u32 s5, $0x1;
	s5 =	sadd.s32 s21, s3  }
0xa3: {  	[timem:s7], [sflag:s22] =	dma.local [hbm:s5], s20  }
0xa4: {  	_ =	swait.ge [sflag:s22], s20  }
0xa5: {  	s4 =	ssub.s32 $0x0, s20;
	[sflag:s22] =	ssyncset.done $0x0  }
0xa6: {  	[sflag:s22] =	ssyncadd.s32 s4;
	_ =	sdelay $0x1  }
0xa7: {  	s23 =	simm.s32 $0x1B8B  }
0xa8: {  	_ =	swait.ge [sflag:s23], $0x1  }
0xa9: {  	[sflag:s23] =	ssyncset.done $0x0  }
0xaa: {  	s25 =	simm.s32 $0x1B8E;
	s24 =	sld [smem:$0x3FFE];
	[sflag:s23] =	ssyncadd.s32 $0xFFFFFFFF  }
0xab: {  	s26 =	simm.s32 $execute0_lowered;
	[smem:$0x3FD2] =	sst s25  }
0xac: {  	s5 =	sshll.u32 s26, $0x1;
	_ =	strace $0x80000049;
	[dreg:$0x1] =	wrdreg $0xFFFFFFFF  }
0xad: {  	s28 =	simm.s32 $_size_execute0_lowered;
	s3 =	sadd.s32 s3, s5;
	[dreg:$0x0] =	wrdreg $0x0  }
0xae: {  	s5 =	sshll.u32 s28, $0x1;
	[dreg:$0x2] =	wrdreg s3  }
0xaf: {  	[dreg:$0x3] =	wrdreg s5  }
0xb0: {  	[dreg:$0x4] =	wrdreg $0xC0  }
0xb1: {  	_ =	task [dreg:s7], $0x5FFFF  }
0xb2: {  	[dreg:$0x1] =	wrdreg $0xFFFFFFFF  }
0xb3: {  	[dreg:$0x0] =	wrdreg $0x60  }
0xb4: {  	[dreg:$0x2] =	wrdreg s24  }
0xb5: {  	[dreg:$0x3] =	wrdreg s16  }
0xb6: {  	[dreg:$0x4] =	wrdreg $0x9  }
0xb7: {  	_ =	task.clear_ibuf [dreg:s7], $0x5FFFF;
	_ =	strace $0x90000049  }
0xb8: {  	s29 =	simm.s32 $0x9;
	_ =	strace $0x8000004B  }
0xb9: {  	_ =	swait.ge [sflag:s29], $0x1  }
0xba: {  	[sflag:s29] =	ssyncadd.s32 $0xFFFFFFFF  }
0xbb: {  	_ =	strace $0x9000004B  }
0xbc: {  	_ =	sfence  }
0xbd: {  	s30 =	sld [smem:$0x0];
	_ =	sdelay $0x2  }
0xbe: {  	s31 =	sshll.u32 s1, $0xD;
	s1 =	sshrl.u32 s1, $0x2  }
0xbf: {  	s3 =	sand.u32 $0x4000, s31;
	s1 =	sadd.s32 s1, s30  }
0xc0: {  	s0 =	sor.u32 s3, s0;
	s1 =	sshll.u32 s1, $0x11  }
0xc1: {  	s0 =	sor.u32 s1, s0  }
0xc2: {  	s0 =	sadd.s32 $0x8F2B, s0  }
0xc3: {  	[sflag:s0] =	ssyncadd.remote.s32 $0x1  }
0xc4: {  	_ =	sfence.sel $0xFFFF  }
0xc5: {  	[dreg:$0x0] =	wrdreg $0xFFFFFFFF;
	(pc) =	sbr.abs _section_cstart, $3  }
0xc6: {  	[dreg:$0x1] =	wrdreg $0xFFFFFFFF  }
0xc7: {  	_ =	task.clear_ibuf [dreg:s7], $0x2FFFF;
	_ =	strace $0x9FFFFFFF  }
0xc8: {  	(tm) =	ssettm $0x7FFFFFFF  }
0xc9: {  	_ =	shalt  }
tec
execute0_lowered:
.L_overlay_start_1:
0x0: {  	(tag) =	ssettag $0x1  }
0x1: {  	s0 =	srdreg.scid;
	s1 =	rddreg [dreg:$0x0]  }
0x2: {  	s2 =	stileid.u32;
	s4 =	rddreg [dreg:$0x1]  }
0x3: {  	s15 =	simm.s32 $0x1;
	s16 =	simm.s32 $0x2;
	s17 =	simm.s32 $0x100  }
0x4: {  	s14 =	simm.s32 $0x8100;
	s22 =	simm.s32 $0xA900;
	s28 =	simm.s32 $0xE100  }
0x5: {  	s29 =	simm.s32 $0xE900;
	s30 =	simm.s32 $0xF100;
	s31 =	simm.s32 $0xF900  }
0x6: {  	s10 =	simm.s32 $0x4;
	s0 =	sand.u32 $0x1, s0;
	s3 =	sshll.u32 s2, $0x7  }
0x7: {  	s2 =	simm.s32 $0x0;
	s8 =	sadd.s32 $0xF9100, s1;
	s5 =	sshll.u32 s0, $0x6  }
0x8: {  	[smem:$0x7FF] =	sst s2;
	s0 =	ssub.s32 $0x2, s0;
	s5 =	sor.u32 s5, s3  }
0x9: {  	_ =	strace $0x8000004A;
	s7 =	sshrl.u32 s0, $0x1;
	s3 =	sshrl.u32 s5, $0x3  }
0xa: {  	s0 =	ssub.s32 s0, s7;
	s5 =	sshll.u32 s5, $0x7;
	s7 =	sadd.s32 $0xF9000, s1  }
0xb: {  	s6 =	sadd.s32 s3, s1;
	s3 =	sadd.s32 $0xF8E00, s1;
	s0 =	smax.u32 s0, $0x1  }
0xc: {  	s9 =	sadd.s32 s4, s5;
	s23 =	sadd.s32 $0x8800, s6;
	[dreg:$0x8] =	wrdreg s0  }
0xd: {  	s4 =	simm.s32 $0xC100;
	s6 =	sadd.s32 $0x8A00, s6;
	[dreg:$0x3] =	wrdreg s23  }
0xe: {  	s5 =	simm.s32 $0xD100;
	s24 =	sadd.s32 $0x800, s9;
	[dreg:$0x4] =	wrdreg s6  }
0xf: {  	s25 =	sadd.s32 $0x1000, s9;
	s26 =	sadd.s32 $0x1800, s9;
	[dreg:$0x5] =	wrdreg s24  }
0x10: {  	v2 =	vlaneseq.u32;
	s0 =	simm.s32 $0x0;
	s6 =	sadd.s32 $0xF8F00, s1;
	[dreg:$0x6] =	wrdreg s25  }
0x11: {  	vm0 =	vmmov $0xffff;
	v1 =	vshrl.u32 v2, $0x3;
	[dreg:$0x7] =	wrdreg s26;
	s23 =	simm.s32 $0xB100;
	s24 =	simm.s32 $0xB900  }
0x12: {  	v0 =	vand.u32 $0x7, v2;
	v2 =	vor.u32 $0x8, v2;
	v1 =	vmul.u32 $0x8, v1;
	s25 =	simm.s32 $0xC900;
	s26 =	simm.s32 $0xD900;
	s1 =	simm.s32 $0x3  }
.LBB2_1:
0x13: {  	s11 =	rddreg [dreg:$0x3]  }
0x14: {  	[tilespmem:s2], [sflag:$0x1] =	stream.linear.gather [hbm4b:s11+s2], $0x40, $0x38;
	[tilespmem:$0x10100] =	vst v63  }
0x15: {  	s20 =	rddreg [dreg:$0x4];
	s12 =	simm.s32 $0x80  }
0x16: {  	[tilespmem:s12], [sflag:$0x2] =	stream.linear.gather [hbm4b:s20+s2], $0x40, $0x38;
	[tilespmem:$0x10100] =	vst v63  }
0x17: {  	_ =	swait.ge [sflag:s15], $0x40  }
0x18: {  	[sflag:s15] =	ssyncset.done $0x0  }
0x19: {  	[sflag:s15] =	ssyncadd.s32 $0xFFFFFFC0  }
0x1a: {  	_ =	swait.ge [sflag:s16], $0x40  }
0x1b: {  	[sflag:s16] =	ssyncset.done $0x0  }
0x1c: {  	[sflag:s16] =	ssyncadd.s32 $0xFFFFFFC0  }
0x1d: {  	v3 =	vld [tilespmem:$0x0];
	_ =	sdelay $0x4  }
0x1e: {  	v4 =	vshll.u32 v3, $0x3  }
0x1f: {  	v3 =	vand.u32 $0x7, v3;
	v4 =	vand.u32 $0xFFFFFFC0, v4  }
0x20: {  	v3 =	vor.u32 v3, v4  }
0x21: {  	v4 =	vperm.xlane v3, v0;
	_ =	sdelay $0x1  }
0x22: {  	v4 =	vadd.s32 v1, v4;
	_ =	sdelay $0x4  }
0x23: {  	[tilespmem:s17], [sflag:$0x1] =	stream.indirect_vreg.gather [hbm4b:s3+s2], $0x80, v4, vm0, $0xb8;
	[tilespmem:$0x10100] =	vst v63  }
0x24: {  	s21 =	simm.s32 $0x900;
	v3 =	vperm.xlane v3, v2  }
0x25: {  	[tilespmem:s21], [sflag:$0x1] =	stream.indirect_vreg.gather [hbm4b:s6+s2], $0x80, v4, vm0, $0xb8;
	[tilespmem:$0x10100] =	vst v63  }
0x26: {  	s12 =	simm.s32 $0x1100;
	v3 =	vadd.s32 v1, v3  }
0x27: {  	[tilespmem:s12], [sflag:$0x1] =	stream.indirect_vreg.gather [hbm4b:s7+s2], $0x80, v4, vm0, $0xb8;
	[tilespmem:$0x10100] =	vst v63  }
0x28: {  	s13 =	simm.s32 $0x1900  }
0x29: {  	[tilespmem:s13], [sflag:$0x1] =	stream.indirect_vreg.gather [hbm4b:s8+s2], $0x80, v4, vm0, $0xb8;
	[tilespmem:$0x10100] =	vst v63  }
0x2a: {  	s18 =	simm.s32 $0x2100  }
0x2b: {  	[tilespmem:s18], [sflag:$0x1] =	stream.indirect_vreg.gather [hbm4b:s3+s2], $0x80, v3, vm0, $0xb8;
	[tilespmem:$0x10100] =	vst v63  }
0x2c: {  	s19 =	simm.s32 $0x2900  }
0x2d: {  	[tilespmem:s19], [sflag:$0x1] =	stream.indirect_vreg.gather [hbm4b:s6+s2], $0x80, v3, vm0, $0xb8;
	[tilespmem:$0x10100] =	vst v63  }
0x2e: {  	s20 =	simm.s32 $0x3100  }
0x2f: {  	[tilespmem:s20], [sflag:$0x1] =	stream.indirect_vreg.gather [hbm4b:s7+s2], $0x80, v3, vm0, $0xb8;
	[tilespmem:$0x10100] =	vst v63  }
0x30: {  	s21 =	simm.s32 $0x3900  }
0x31: {  	[tilespmem:s21], [sflag:$0x1] =	stream.indirect_vreg.gather [hbm4b:s8+s2], $0x80, v3, vm0, $0xb8;
	[tilespmem:$0x10100] =	vst v63  }
0x32: {  	v3 =	vld [tilespmem:$0x80];
	_ =	sdelay $0x4  }
0x33: {  	v61 =	vshll.u32 v3, $0x3  }
0x34: {  	v3 =	vand.u32 $0x7, v3;
	v4 =	vand.u32 $0xFFFFFFC0, v61  }
0x35: {  	v3 =	vor.u32 v3, v4  }
0x36: {  	v4 =	vperm.xlane v3, v0;
	_ =	sdelay $0x1  }
0x37: {  	v4 =	vadd.s32 v1, v4;
	_ =	sdelay $0x3  }
0x38: {  	s12 =	simm.s32 $0x4100  }
0x39: {  	[tilespmem:s12], [sflag:$0x1] =	stream.indirect_vreg.gather [hbm4b:s3+s2], $0x80, v4, vm0, $0xb8;
	[tilespmem:$0x10100] =	vst v63  }
0x3a: {  	s13 =	simm.s32 $0x4900;
	v3 =	vperm.xlane v3, v2  }
0x3b: {  	[tilespmem:s13], [sflag:$0x1] =	stream.indirect_vreg.gather [hbm4b:s6+s2], $0x80, v4, vm0, $0xb8;
	[tilespmem:$0x10100] =	vst v63  }
0x3c: {  	s18 =	simm.s32 $0x5100;
	v3 =	vadd.s32 v1, v3  }
0x3d: {  	[tilespmem:s18], [sflag:$0x1] =	stream.indirect_vreg.gather [hbm4b:s7+s2], $0x80, v4, vm0, $0xb8;
	[tilespmem:$0x10100] =	vst v63  }
0x3e: {  	s19 =	simm.s32 $0x5900  }
0x3f: {  	[tilespmem:s19], [sflag:$0x1] =	stream.indirect_vreg.gather [hbm4b:s8+s2], $0x80, v4, vm0, $0xb8;
	[tilespmem:$0x10100] =	vst v63  }
0x40: {  	s20 =	simm.s32 $0x6100  }
0x41: {  	[tilespmem:s20], [sflag:$0x1] =	stream.indirect_vreg.gather [hbm4b:s3+s2], $0x80, v3, vm0, $0xb8;
	[tilespmem:$0x10100] =	vst v63  }
0x42: {  	s21 =	simm.s32 $0x6900  }
0x43: {  	[tilespmem:s21], [sflag:$0x1] =	stream.indirect_vreg.gather [hbm4b:s6+s2], $0x80, v3, vm0, $0xb8;
	[tilespmem:$0x10100] =	vst v63  }
0x44: {  	s12 =	simm.s32 $0x7100  }
0x45: {  	[tilespmem:s12], [sflag:$0x1] =	stream.indirect_vreg.gather [hbm4b:s7+s2], $0x80, v3, vm0, $0xb8;
	[tilespmem:$0x10100] =	vst v63  }
0x46: {  	s13 =	simm.s32 $0x7900  }
0x47: {  	[tilespmem:s13], [sflag:$0x1] =	stream.indirect_vreg.gather [hbm4b:s8+s2], $0x80, v3, vm0, $0xb8;
	[tilespmem:$0x10100] =	vst v63  }
0x48: {  	_ =	swait.ge [sflag:s15], $0x4000  }
0x49: {  	[sflag:s15] =	ssyncset.done $0x0  }
0x4a: {  	[sflag:s15] =	ssyncadd.s32 $0xFFFFC000  }
0x4b: {  	_ =	swait.ge [sflag:s15], $0x4000  }
0x4c: {  	[sflag:s15] =	ssyncset.done $0x0  }
0x4d: {  	[sflag:s15] =	ssyncadd.s32 $0xFFFFC000  }
0x4e: {  	v3 =	vld [tilespmem:$0x10];
	_ =	sdelay $0x4  }
0x4f: {  	v62 =	vshll.u32 v3, $0x3  }
0x50: {  	v3 =	vand.u32 $0x7, v3;
	v4 =	vand.u32 $0xFFFFFFC0, v62  }
0x51: {  	v3 =	vor.u32 v3, v4  }
0x52: {  	v4 =	vperm.xlane v3, v0;
	_ =	sdelay $0x1  }
0x53: {  	v4 =	vadd.s32 v1, v4;
	_ =	sdelay $0x4  }
0x54: {  	[tilespmem:s14], [sflag:$0x2] =	stream.indirect_vreg.gather [hbm4b:s3+s2], $0x80, v4, vm0, $0xb8;
	[tilespmem:$0x10100] =	vst v63  }
0x55: {  	s18 =	simm.s32 $0x8900;
	v3 =	vperm.xlane v3, v2  }
0x56: {  	[tilespmem:s18], [sflag:$0x2] =	stream.indirect_vreg.gather [hbm4b:s6+s2], $0x80, v4, vm0, $0xb8;
	[tilespmem:$0x10100] =	vst v63  }
0x57: {  	s19 =	simm.s32 $0x9100;
	v3 =	vadd.s32 v1, v3  }
0x58: {  	[tilespmem:s19], [sflag:$0x2] =	stream.indirect_vreg.gather [hbm4b:s7+s2], $0x80, v4, vm0, $0xb8;
	[tilespmem:$0x10100] =	vst v63  }
0x59: {  	s20 =	simm.s32 $0x9900  }
0x5a: {  	[tilespmem:s20], [sflag:$0x2] =	stream.indirect_vreg.gather [hbm4b:s8+s2], $0x80, v4, vm0, $0xb8;
	[tilespmem:$0x10100] =	vst v63  }
0x5b: {  	s21 =	simm.s32 $0xA100  }
0x5c: {  	[tilespmem:s21], [sflag:$0x2] =	stream.indirect_vreg.gather [hbm4b:s3+s2], $0x80, v3, vm0, $0xb8;
	[tilespmem:$0x10100] =	vst v63  }
0x5d: {  	_ = 	snop  }
0x5e: {  	[tilespmem:s22], [sflag:$0x2] =	stream.indirect_vreg.gather [hbm4b:s6+s2], $0x80, v3, vm0, $0xb8;
	[tilespmem:$0x10100] =	vst v63  }
0x5f: {  	_ = 	snop  }
0x60: {  	[tilespmem:s23], [sflag:$0x2] =	stream.indirect_vreg.gather [hbm4b:s7+s2], $0x80, v3, vm0, $0xb8;
	[tilespmem:$0x10100] =	vst v63  }
0x61: {  	_ = 	snop  }
0x62: {  	[tilespmem:s24], [sflag:$0x2] =	stream.indirect_vreg.gather [hbm4b:s8+s2], $0x80, v3, vm0, $0xb8;
	[tilespmem:$0x10100] =	vst v63  }
0x63: {  	v3 =	vld [tilespmem:$0x90];
	_ =	sdelay $0x4  }
0x64: {  	v63 =	vshll.u32 v3, $0x3  }
0x65: {  	v3 =	vand.u32 $0x7, v3;
	v4 =	vand.u32 $0xFFFFFFC0, v63  }
0x66: {  	v3 =	vor.u32 v3, v4  }
0x67: {  	v4 =	vperm.xlane v3, v0;
	_ =	sdelay $0x1  }
0x68: {  	v4 =	vadd.s32 v1, v4;
	_ =	sdelay $0x4  }
0x69: {  	[tilespmem:s4], [sflag:$0x2] =	stream.indirect_vreg.gather [hbm4b:s3+s2], $0x80, v4, vm0, $0xb8;
	[tilespmem:$0x10100] =	vst v63  }
0x6a: {  	v3 =	vperm.xlane v3, v2  }
0x6b: {  	[tilespmem:s25], [sflag:$0x2] =	stream.indirect_vreg.gather [hbm4b:s6+s2], $0x80, v4, vm0, $0xb8;
	[tilespmem:$0x10100] =	vst v63  }
0x6c: {  	v3 =	vadd.s32 v1, v3  }
0x6d: {  	[tilespmem:s5], [sflag:$0x2] =	stream.indirect_vreg.gather [hbm4b:s7+s2], $0x80, v4, vm0, $0xb8;
	[tilespmem:$0x10100] =	vst v63  }
0x6e: {  	_ = 	snop  }
0x6f: {  	[tilespmem:s26], [sflag:$0x2] =	stream.indirect_vreg.gather [hbm4b:s8+s2], $0x80, v4, vm0, $0xb8;
	[tilespmem:$0x10100] =	vst v63  }
0x70: {  	_ = 	snop  }
0x71: {  	[tilespmem:s28], [sflag:$0x2] =	stream.indirect_vreg.gather [hbm4b:s3+s2], $0x80, v3, vm0, $0xb8;
	[tilespmem:$0x10100] =	vst v63  }
0x72: {  	_ = 	snop  }
0x73: {  	[tilespmem:s29], [sflag:$0x2] =	stream.indirect_vreg.gather [hbm4b:s6+s2], $0x80, v3, vm0, $0xb8;
	[tilespmem:$0x10100] =	vst v63  }
0x74: {  	s11 =	simm.s32 $0xFFFFC000  }
0x75: {  	[tilespmem:s30], [sflag:$0x2] =	stream.indirect_vreg.gather [hbm4b:s7+s2], $0x80, v3, vm0, $0xb8;
	[tilespmem:$0x10100] =	vst v63  }
0x76: {  	s12 =	simm.s32 $0x0;
	s13 =	simm.s32 $0x0;
	s18 =	simm.s32 $0x0  }
0x77: {  	[tilespmem:s31], [sflag:$0x2] =	stream.indirect_vreg.gather [hbm4b:s8+s2], $0x80, v3, vm0, $0xb8;
	[tilespmem:$0x10100] =	vst v63  }
.LBB2_2:
0x78: {  	s19 =	sadd.s32 $0x4000, s11  }
0x79: {  	s20 =	sand.u32 $0x380, s13;
	s19 =	sand.u32 $0x2000, s19  }
0x7a: {  	s19 =	sor.u32 s20, s19  }
0x7b: {  	v3 =	vld [tilespmem:s19+$0x100]  }
0x7c: {  	v4 =	vld [tilespmem:s19+$0x4100]  }
0x7d: {  	v5 =	vld [tilespmem:s19+$0x110]  }
0x7e: {  	v6 =	vld [tilespmem:s19+$0x4110]  }
0x7f: {  	v7 =	vld [tilespmem:s19+$0x120]  }
0x80: {  	v8 =	vld [tilespmem:s19+$0x4120]  }
0x81: {  	v9 =	vld [tilespmem:s19+$0x130]  }
0x82: {  	v10 =	vld [tilespmem:s19+$0x4130]  }
0x83: {  	v11 =	vld [tilespmem:s19+$0x140]  }
0x84: {  	v12 =	vld [tilespmem:s19+$0x4140]  }
0x85: {  	v13 =	vld [tilespmem:s19+$0x150]  }
0x86: {  	v14 =	vld [tilespmem:s19+$0x4150]  }
0x87: {  	v15 =	vld [tilespmem:s19+$0x160]  }
0x88: {  	v16 =	vld [tilespmem:s19+$0x4160]  }
0x89: {  	v17 =	vld [tilespmem:s19+$0x170]  }
0x8a: {  	v18 =	vld [tilespmem:s19+$0x4170]  }
0x8b: {  	v19 =	vld [tilespmem:s19+$0x500]  }
0x8c: {  	v20 =	vld [tilespmem:s19+$0x4500]  }
0x8d: {  	v21 =	vld [tilespmem:s19+$0x510]  }
0x8e: {  	v22 =	vld [tilespmem:s19+$0x4510]  }
0x8f: {  	v23 =	vld [tilespmem:s19+$0x520]  }
0x90: {  	v24 =	vld [tilespmem:s19+$0x4520]  }
0x91: {  	v25 =	vld [tilespmem:s19+$0x530]  }
0x92: {  	v26 =	vld [tilespmem:s19+$0x4530]  }
0x93: {  	v27 =	vld [tilespmem:s19+$0x540]  }
0x94: {  	v28 =	vld [tilespmem:s19+$0x4540]  }
0x95: {  	v29 =	vld [tilespmem:s19+$0x550]  }
0x96: {  	v30 =	vld [tilespmem:s19+$0x4550]  }
0x97: {  	v31 =	vld [tilespmem:s19+$0x560]  }
0x98: {  	v32 =	vld [tilespmem:s19+$0x4560]  }
0x99: {  	v33 =	vld [tilespmem:s19+$0x570]  }
0x9a: {  	v34 =	vld [tilespmem:s19+$0x4570]  }
0x9b: {  	v35 =	vld [tilespmem:s19+$0x900]  }
0x9c: {  	v36 =	vld [tilespmem:s19+$0x4900]  }
0x9d: {  	v37 =	vld [tilespmem:s19+$0x910]  }
0x9e: {  	v38 =	vld [tilespmem:s19+$0x4910]  }
0x9f: {  	v39 =	vld [tilespmem:s19+$0x920]  }
0xa0: {  	v40 =	vld [tilespmem:s19+$0x4920]  }
0xa1: {  	v41 =	vld [tilespmem:s19+$0x930]  }
0xa2: {  	v42 =	vld [tilespmem:s19+$0x4930]  }
0xa3: {  	v43 =	vld [tilespmem:s19+$0x940]  }
0xa4: {  	v44 =	vld [tilespmem:s19+$0x4940]  }
0xa5: {  	v45 =	vld [tilespmem:s19+$0x950]  }
0xa6: {  	v46 =	vld [tilespmem:s19+$0x4950]  }
0xa7: {  	v47 =	vld [tilespmem:s19+$0x960]  }
0xa8: {  	v48 =	vld [tilespmem:s19+$0x4960]  }
0xa9: {  	v49 =	vld [tilespmem:s19+$0x970]  }
0xaa: {  	v50 =	vld [tilespmem:s19+$0x4970]  }
0xab: {  	v51 =	vld [tilespmem:s19+$0xD00]  }
0xac: {  	v52 =	vld [tilespmem:s19+$0x4D00]  }
0xad: {  	v53 =	vld [tilespmem:s19+$0xD10]  }
0xae: {  	v54 =	vld [tilespmem:s19+$0x4D10]  }
0xaf: {  	v55 =	vld [tilespmem:s19+$0xD20]  }
0xb0: {  	v56 =	vld [tilespmem:s19+$0x4D20]  }
0xb1: {  	v57 =	vld [tilespmem:s19+$0xD30]  }
0xb2: {  	v58 =	vld [tilespmem:s19+$0x4D30]  }
0xb3: {  	v59 =	vld [tilespmem:s19+$0xD40]  }
0xb4: {  	v60 =	vld [tilespmem:s19+$0x4D40]  }
0xb5: {  	v61 =	vld [tilespmem:s19+$0xD50]  }
0xb6: {  	v62 =	vld [tilespmem:s19+$0x4D50]  }
0xb7: {  	v63 =	vld [tilespmem:s19+$0xD60]  }
0xb8: {  	v3 =	vadd.f32 v4, v3;
	v4 =	vld [tilespmem:s19+$0x4D60]  }
0xb9: {  	v5 =	vadd.f32 v6, v5;
	v6 =	vld [tilespmem:s19+$0xD70]  }
0xba: {  	v14 =	vadd.f32 v14, v13;
	v13 =	vld [tilespmem:s19+$0x5120];
	[tilespmem:s19+$0x100] =	vst v3;
	v3 =	vadd.f32 v8, v7  }
0xbb: {  	v18 =	vadd.f32 v18, v17;
	v17 =	vld [tilespmem:s19+$0x5140];
	[tilespmem:s19+$0x110] =	vst v5  }
0xbc: {  	v22 =	vadd.f32 v22, v21;
	v21 =	vld [tilespmem:s19+$0x5160];
	[tilespmem:s19+$0x120] =	vst v3;
	v3 =	vadd.f32 v12, v11  }
0xbd: {  	v7 =	vld [tilespmem:s19+$0x4D70];
	[tilespmem:s19+$0x150] =	vst v14  }
0xbe: {  	v8 =	vld [tilespmem:s19+$0x1100];
	[tilespmem:s19+$0x140] =	vst v3;
	v3 =	vadd.f32 v16, v15  }
0xbf: {  	v5 =	vadd.f32 v10, v9;
	v9 =	vld [tilespmem:s19+$0x5100];
	[tilespmem:s19+$0x170] =	vst v18  }
0xc0: {  	v10 =	vld [tilespmem:s19+$0x1110];
	[tilespmem:s19+$0x160] =	vst v3;
	v3 =	vadd.f32 v20, v19  }
0xc1: {  	v26 =	vadd.f32 v26, v25;
	v14 =	vld [tilespmem:s19+$0x1130];
	[tilespmem:s19+$0x510] =	vst v22  }
0xc2: {  	v18 =	vld [tilespmem:s19+$0x1150];
	[tilespmem:s19+$0x500] =	vst v3;
	v3 =	vadd.f32 v24, v23  }
0xc3: {  	v30 =	vadd.f32 v30, v29;
	[tilespmem:s19+$0x530] =	vst v26;
	v22 =	vld [tilespmem:s19+$0x1170]  }
0xc4: {  	v19 =	vld [tilespmem:s19+$0x5150];
	[tilespmem:s19+$0x520] =	vst v3;
	v3 =	vadd.f32 v28, v27  }
0xc5: {  	v34 =	vadd.f32 v34, v33;
	[tilespmem:s19+$0x550] =	vst v30;
	v11 =	vld [tilespmem:s19+$0x5110]  }
0xc6: {  	v12 =	vld [tilespmem:s19+$0x1120];
	[tilespmem:s19+$0x540] =	vst v3;
	v3 =	vadd.f32 v32, v31  }
0xc7: {  	[tilespmem:s19+$0x570] =	vst v34;
	v15 =	vld [tilespmem:s19+$0x5130]  }
0xc8: {  	v16 =	vld [tilespmem:s19+$0x1140];
	[tilespmem:s19+$0x560] =	vst v3;
	v3 =	vadd.f32 v36, v35  }
0xc9: {  	[tilespmem:s19+$0x130] =	vst v5;
	v20 =	vld [tilespmem:s19+$0x1160];
	v19 =	vadd.f32 v19, v18  }
0xca: {  	v24 =	vld [tilespmem:s19+$0x1500];
	[tilespmem:s19+$0x900] =	vst v3;
	v3 =	vadd.f32 v40, v39  }
0xcb: {  	[tilespmem:s19+$0x1150] =	vst v19;
	v36 =	vadd.f32 v38, v37;
	v37 =	vld [tilespmem:s19+$0x5170]  }
0xcc: {  	v38 =	vadd.f32 v42, v41;
	v41 =	vld [tilespmem:s19+$0x1510];
	[tilespmem:s19+$0x920] =	vst v3;
	v3 =	vadd.f32 v44, v43  }
0xcd: {  	v42 =	vld [tilespmem:s19+$0x5510];
	[tilespmem:s19+$0x910] =	vst v36  }
0xce: {  	v35 =	vld [tilespmem:s19+$0x1910];
	[tilespmem:s19+$0x940] =	vst v3;
	v3 =	vadd.f32 v48, v47  }
0xcf: {  	v39 =	vld [tilespmem:s19+$0x5500];
	[tilespmem:s19+$0x930] =	vst v38;
	v40 =	vadd.f32 v46, v45  }
0xd0: {  	v45 =	vld [tilespmem:s19+$0x5520];
	[tilespmem:s19+$0x960] =	vst v3;
	v3 =	vadd.f32 v52, v51  }
0xd1: {  	v46 =	vadd.f32 v54, v53;
	v53 =	vld [tilespmem:s19+$0x1550];
	[tilespmem:s19+$0x950] =	vst v40  }
0xd2: {  	v54 =	vld [tilespmem:s19+$0x5550];
	[tilespmem:s19+$0xD00] =	vst v3;
	v3 =	vadd.f32 v56, v55  }
0xd3: {  	v36 =	vld [tilespmem:s19+$0x5910];
	v43 =	vadd.f32 v50, v49;
	[tilespmem:s19+$0xD10] =	vst v46  }
0xd4: {  	v38 =	vld [tilespmem:s19+$0x1920];
	[tilespmem:s19+$0xD20] =	vst v3;
	v3 =	vadd.f32 v60, v59  }
0xd5: {  	v44 =	vld [tilespmem:s19+$0x1520];
	v49 =	vadd.f32 v58, v57;
	[tilespmem:s19+$0x970] =	vst v43  }
0xd6: {  	v50 =	vld [tilespmem:s19+$0x1540];
	[tilespmem:s19+$0xD40] =	vst v3;
	v3 =	vadd.f32 v4, v63  }
0xd7: {  	v57 =	vld [tilespmem:s19+$0x5560];
	v58 =	vadd.f32 v11, v10;
	[tilespmem:s19+$0xD30] =	vst v49  }
0xd8: {  	v46 =	vld [tilespmem:s19+$0x5950];
	[tilespmem:s19+$0xD60] =	vst v3;
	v3 =	vadd.f32 v9, v8  }
0xd9: {  	v37 =	vadd.f32 v37, v22;
	v40 =	vadd.f32 v42, v41;
	v41 =	vld [tilespmem:s19+$0x1930];
	[tilespmem:s19+$0x1110] =	vst v58  }
0xda: {  	v42 =	vld [tilespmem:s19+$0x5930];
	[tilespmem:s19+$0x1100] =	vst v3;
	v3 =	vadd.f32 v13, v12  }
0xdb: {  	v47 =	vld [tilespmem:s19+$0x1530];
	[tilespmem:s19+$0x1170] =	vst v37  }
0xdc: {  	v48 =	vld [tilespmem:s19+$0x5530];
	[tilespmem:s19+$0x1120] =	vst v3;
	v3 =	vadd.f32 v17, v16  }
0xdd: {  	v49 =	vld [tilespmem:s19+$0x5960];
	[tilespmem:s19+$0x1510] =	vst v40;
	v52 =	vadd.f32 v62, v61  }
0xde: {  	v51 =	vld [tilespmem:s19+$0x5540];
	[tilespmem:s19+$0x1140] =	vst v3;
	v3 =	vadd.f32 v21, v20  }
0xdf: {  	v61 =	vadd.f32 v15, v14;
	v62 =	vld [tilespmem:s19+$0x1900];
	[tilespmem:s19+$0xD50] =	vst v52  }
0xe0: {  	v56 =	vld [tilespmem:s19+$0x1560];
	[tilespmem:s19+$0x1160] =	vst v3;
	v3 =	vadd.f32 v39, v24  }
0xe1: {  	v55 =	vadd.f32 v7, v6;
	[tilespmem:s19+$0x1130] =	vst v61;
	v52 =	vld [tilespmem:s19+$0x5970]  }
0xe2: {  	v43 =	vadd.f32 v48, v47;
	v47 =	vld [tilespmem:s19+$0x1960];
	[tilespmem:s19+$0x1500] =	vst v3;
	v3 =	vadd.f32 v45, v44  }
0xe3: {  	[tilespmem:s19+$0xD70] =	vst v55;
	v63 =	vld [tilespmem:s19+$0x5900]  }
0xe4: {  	v59 =	vld [tilespmem:s19+$0x1570];
	[tilespmem:s19+$0x1520] =	vst v3;
	v3 =	vadd.f32 v51, v50  }
0xe5: {  	[tilespmem:s19+$0x1530] =	vst v43;
	v4 =	vadd.f32 v54, v53;
	v39 =	vld [tilespmem:s19+$0x5920]  }
0xe6: {  	v60 =	vld [tilespmem:s19+$0x5570];
	[tilespmem:s19+$0x1540] =	vst v3;
	v3 =	vadd.f32 v57, v56  }
0xe7: {  	v54 =	vadd.f32 v42, v41;
	[tilespmem:s19+$0x1550] =	vst v4;
	v45 =	vld [tilespmem:s19+$0x1950]  }
0xe8: {  	v53 =	vld [tilespmem:s19+$0x5940];
	[tilespmem:s19+$0x1560] =	vst v3;
	v3 =	vadd.f32 v63, v62  }
0xe9: {  	[tilespmem:s19+$0x1930] =	vst v54;
	v55 =	vadd.f32 v49, v47;
	v50 =	vld [tilespmem:s19+$0x1970]  }
0xea: {  	v44 =	vld [tilespmem:s19+$0x1940];
	[tilespmem:s19+$0x1900] =	vst v3;
	v3 =	vadd.f32 v39, v38  }
0xeb: {  	v48 =	vadd.f32 v60, v59;
	[tilespmem:s19+$0x1960] =	vst v55  }
0xec: {  	[tilespmem:s19+$0x1920] =	vst v3;
	v3 =	vadd.f32 v46, v45  }
0xed: {  	s21 =	sand.u32 $0x7, s12;
	[tilespmem:s19+$0x1570] =	vst v48;
	v51 =	vadd.f32 v36, v35  }
0xee: {  	s20 =	sshll.u32 s21, $0x7;
	[tilespmem:s19+$0x1950] =	vst v3;
	v3 =	vadd.f32 v52, v50  }
0xef: {  	s20 =	sadd.s32 s20, s18;
	[tilespmem:s19+$0x1910] =	vst v51;
	v56 =	vadd.f32 v53, v44  }
0xf0: {  	s21 =	sor.u32 $0x1C00, s20;
	[tilespmem:s19+$0x1970] =	vst v3  }
0xf1: {  	[tilespmem:s19+$0x1940] =	vst v56;
	v3 =	vld [tilespmem:s21+$0x100]  }
0xf2: {  	v4 =	vld [tilespmem:s21+$0x4100];
	_ =	sdelay $0x4  }
0xf3: {  	v3 =	vadd.f32 v4, v3;
	_ =	sdelay $0x1  }
0xf4: {  	[tilespmem:s21+$0x100] =	vst v3;
	s21 =	sor.u32 $0x1C10, s20  }
0xf5: {  	v3 =	vld [tilespmem:s21+$0x100]  }
0xf6: {  	v57 =	vld [tilespmem:s21+$0x4100];
	_ =	sdelay $0x4  }
0xf7: {  	v3 =	vadd.f32 v57, v3;
	_ =	sdelay $0x1  }
0xf8: {  	[tilespmem:s21+$0x100] =	vst v3;
	s21 =	sor.u32 $0x1C20, s20  }
0xf9: {  	v3 =	vld [tilespmem:s21+$0x100]  }
0xfa: {  	v58 =	vld [tilespmem:s21+$0x4100];
	_ =	sdelay $0x4  }
0xfb: {  	v3 =	vadd.f32 v58, v3;
	_ =	sdelay $0x1  }
0xfc: {  	[tilespmem:s21+$0x100] =	vst v3;
	s21 =	sor.u32 $0x1C30, s20  }
0xfd: {  	v3 =	vld [tilespmem:s21+$0x100]  }
0xfe: {  	v59 =	vld [tilespmem:s21+$0x4100];
	_ =	sdelay $0x4  }
0xff: {  	v3 =	vadd.f32 v59, v3;
	_ =	sdelay $0x1  }
0x100: {  	[tilespmem:s21+$0x100] =	vst v3;
	s21 =	sor.u32 $0x1C40, s20  }
0x101: {  	v3 =	vld [tilespmem:s21+$0x100]  }
0x102: {  	v60 =	vld [tilespmem:s21+$0x4100];
	_ =	sdelay $0x4  }
0x103: {  	v3 =	vadd.f32 v60, v3;
	_ =	sdelay $0x1  }
0x104: {  	[tilespmem:s21+$0x100] =	vst v3;
	s21 =	sor.u32 $0x1C50, s20  }
0x105: {  	v3 =	vld [tilespmem:s21+$0x100]  }
0x106: {  	v61 =	vld [tilespmem:s21+$0x4100];
	_ =	sdelay $0x4  }
0x107: {  	v3 =	vadd.f32 v61, v3;
	_ =	sdelay $0x1  }
0x108: {  	[tilespmem:s21+$0x100] =	vst v3;
	s21 =	sor.u32 $0x1C60, s20  }
0x109: {  	v3 =	vld [tilespmem:s21+$0x100]  }
0x10a: {  	v62 =	vld [tilespmem:s21+$0x4100];
	_ =	sdelay $0x4  }
0x10b: {  	v3 =	vadd.f32 v62, v3;
	_ =	sdelay $0x1  }
0x10c: {  	[tilespmem:s21+$0x100] =	vst v3;
	s21 =	sor.u32 $0x1C70, s20  }
0x10d: {  	v3 =	vld [tilespmem:s21+$0x100]  }
0x10e: {  	v63 =	vld [tilespmem:s21+$0x4100];
	_ =	sdelay $0x1  }
0x10f: {  	p0 =	sne.s32 s13, $0x780  }
.Ltmp0:
0x110: {  	_ = 	snop;
	(pc) =	sbr.rel @p0 .LBB2_2-.Ltmp0, $4  }
0x111: {  	_ = 	snop  }
0x112: {  	v3 =	vadd.f32 v63, v3  }
0x113: {  	s12 =	sadd.s32 $0x1, s12  }
0x114: {  	s11 =	sadd.s32 $0x400, s11;
	s13 =	sadd.s32 $0x80, s13;
	s18 =	sadd.s32 $0x400, s18;
	[tilespmem:s21+$0x100] =	vst v3  }
0x115: {  	s11 =	simm.s32 $0x0  }
0x116: {  	[hbm4b:s9+s11] =	stream.linear.scatter [tilespmem:s17], [sflag:$0x3], $0x4000, $0x38;
	[tilespmem:$0x10100] =	vst v63  }
0x117: {  	_ =	swait.ge [sflag:s16], $0x4000  }
0x118: {  	[sflag:s16] =	ssyncset.done $0x0  }
0x119: {  	[sflag:s16] =	ssyncadd.s32 $0xFFFFC000  }
0x11a: {  	_ =	swait.ge [sflag:s16], $0x4000  }
0x11b: {  	[sflag:s16] =	ssyncset.done $0x0  }
0x11c: {  	[sflag:s16] =	ssyncadd.s32 $0xFFFFC000  }
0x11d: {  	_ =	swait.ge [sflag:s1], $0x4000  }
0x11e: {  	[sflag:s1] =	ssyncset.done $0x0  }
0x11f: {  	[sflag:s1] =	ssyncadd.s32 $0xFFFFC000  }
0x120: {  	v3 =	vld [tilespmem:$0x20];
	_ =	sdelay $0x4  }
0x121: {  	v4 =	vshll.u32 v3, $0x3  }
0x122: {  	v3 =	vand.u32 $0x7, v3;
	v4 =	vand.u32 $0xFFFFFFC0, v4  }
0x123: {  	v3 =	vor.u32 v3, v4  }
0x124: {  	v4 =	vperm.xlane v3, v0;
	_ =	sdelay $0x1  }
0x125: {  	v4 =	vadd.s32 v1, v4;
	_ =	sdelay $0x4  }
0x126: {  	[tilespmem:s17], [sflag:$0x1] =	stream.indirect_vreg.gather [hbm4b:s3+s11], $0x80, v4, vm0, $0xb8;
	[tilespmem:$0x10100] =	vst v63  }
0x127: {  	s12 =	simm.s32 $0x900;
	v3 =	vperm.xlane v3, v2  }
0x128: {  	[tilespmem:s12], [sflag:$0x1] =	stream.indirect_vreg.gather [hbm4b:s6+s11], $0x80, v4, vm0, $0xb8;
	[tilespmem:$0x10100] =	vst v63  }
0x129: {  	s18 =	simm.s32 $0x1100;
	v3 =	vadd.s32 v1, v3  }
0x12a: {  	[tilespmem:s18], [sflag:$0x1] =	stream.indirect_vreg.gather [hbm4b:s7+s11], $0x80, v4, vm0, $0xb8;
	[tilespmem:$0x10100] =	vst v63  }
0x12b: {  	s19 =	simm.s32 $0x1900  }
0x12c: {  	[tilespmem:s19], [sflag:$0x1] =	stream.indirect_vreg.gather [hbm4b:s8+s11], $0x80, v4, vm0, $0xb8;
	[tilespmem:$0x10100] =	vst v63  }
0x12d: {  	s20 =	simm.s32 $0x2100  }
0x12e: {  	[tilespmem:s20], [sflag:$0x1] =	stream.indirect_vreg.gather [hbm4b:s3+s11], $0x80, v3, vm0, $0xb8;
	[tilespmem:$0x10100] =	vst v63  }
0x12f: {  	s21 =	simm.s32 $0x2900  }
0x130: {  	[tilespmem:s21], [sflag:$0x1] =	stream.indirect_vreg.gather [hbm4b:s6+s11], $0x80, v3, vm0, $0xb8;
	[tilespmem:$0x10100] =	vst v63  }
0x131: {  	s13 =	simm.s32 $0x3100  }
0x132: {  	[tilespmem:s13], [sflag:$0x1] =	stream.indirect_vreg.gather [hbm4b:s7+s11], $0x80, v3, vm0, $0xb8;
	[tilespmem:$0x10100] =	vst v63  }
0x133: {  	s18 =	simm.s32 $0x3900  }
0x134: {  	[tilespmem:s18], [sflag:$0x1] =	stream.indirect_vreg.gather [hbm4b:s8+s11], $0x80, v3, vm0, $0xb8;
	[tilespmem:$0x10100] =	vst v63  }
0x135: {  	v3 =	vld [tilespmem:$0xA0];
	_ =	sdelay $0x4  }
0x136: {  	v63 =	vshll.u32 v3, $0x3  }
0x137: {  	v3 =	vand.u32 $0x7, v3;
	v4 =	vand.u32 $0xFFFFFFC0, v63  }
0x138: {  	v3 =	vor.u32 v3, v4  }
0x139: {  	v4 =	vperm.xlane v3, v0;
	_ =	sdelay $0x1  }
0x13a: {  	v4 =	vadd.s32 v1, v4;
	_ =	sdelay $0x3  }
0x13b: {  	s19 =	simm.s32 $0x4100  }
0x13c: {  	[tilespmem:s19], [sflag:$0x1] =	stream.indirect_vreg.gather [hbm4b:s3+s11], $0x80, v4, vm0, $0xb8;
	[tilespmem:$0x10100] =	vst v63  }
0x13d: {  	s20 =	simm.s32 $0x4900;
	v3 =	vperm.xlane v3, v2  }
0x13e: {  	[tilespmem:s20], [sflag:$0x1] =	stream.indirect_vreg.gather [hbm4b:s6+s11], $0x80, v4, vm0, $0xb8;
	[tilespmem:$0x10100] =	vst v63  }
0x13f: {  	s21 =	simm.s32 $0x5100;
	v3 =	vadd.s32 v1, v3  }
0x140: {  	[tilespmem:s21], [sflag:$0x1] =	stream.indirect_vreg.gather [hbm4b:s7+s11], $0x80, v4, vm0, $0xb8;
	[tilespmem:$0x10100] =	vst v63  }
0x141: {  	s13 =	simm.s32 $0x5900  }
0x142: {  	[tilespmem:s13], [sflag:$0x1] =	stream.indirect_vreg.gather [hbm4b:s8+s11], $0x80, v4, vm0, $0xb8;
	[tilespmem:$0x10100] =	vst v63  }
0x143: {  	s18 =	simm.s32 $0x6100  }
0x144: {  	[tilespmem:s18], [sflag:$0x1] =	stream.indirect_vreg.gather [hbm4b:s3+s11], $0x80, v3, vm0, $0xb8;
	[tilespmem:$0x10100] =	vst v63  }
0x145: {  	s19 =	simm.s32 $0x6900  }
0x146: {  	[tilespmem:s19], [sflag:$0x1] =	stream.indirect_vreg.gather [hbm4b:s6+s11], $0x80, v3, vm0, $0xb8;
	[tilespmem:$0x10100] =	vst v63  }
0x147: {  	s12 =	simm.s32 $0xFFFFC000;
	s20 =	simm.s32 $0x7100  }
0x148: {  	[tilespmem:s20], [sflag:$0x1] =	stream.indirect_vreg.gather [hbm4b:s7+s11], $0x80, v3, vm0, $0xb8;
	[tilespmem:$0x10100] =	vst v63  }
0x149: {  	s21 =	simm.s32 $0x7900;
	s13 =	simm.s32 $0x0;
	s18 =	simm.s32 $0x0  }
0x14a: {  	[tilespmem:s21], [sflag:$0x1] =	stream.indirect_vreg.gather [hbm4b:s8+s11], $0x80, v3, vm0, $0xb8;
	[tilespmem:$0x10100] =	vst v63  }
.LBB2_4:
0x14b: {  	s19 =	sadd.s32 $0x4000, s12  }
0x14c: {  	s20 =	sand.u32 $0x380, s13;
	s19 =	sand.u32 $0x2000, s19  }
0x14d: {  	s19 =	sor.u32 s20, s19  }
0x14e: {  	v3 =	vld [tilespmem:s19+$0x8100]  }
0x14f: {  	v4 =	vld [tilespmem:s19+$0xC100]  }
0x150: {  	v5 =	vld [tilespmem:s19+$0x8110]  }
0x151: {  	v6 =	vld [tilespmem:s19+$0xC110]  }
0x152: {  	v7 =	vld [tilespmem:s19+$0x8120]  }
0x153: {  	v8 =	vld [tilespmem:s19+$0xC120]  }
0x154: {  	v9 =	vld [tilespmem:s19+$0x8130]  }
0x155: {  	v10 =	vld [tilespmem:s19+$0xC130]  }
0x156: {  	v11 =	vld [tilespmem:s19+$0x8140]  }
0x157: {  	v12 =	vld [tilespmem:s19+$0xC140]  }
0x158: {  	v13 =	vld [tilespmem:s19+$0x8150]  }
0x159: {  	v14 =	vld [tilespmem:s19+$0xC150]  }
0x15a: {  	v15 =	vld [tilespmem:s19+$0x8160]  }
0x15b: {  	v16 =	vld [tilespmem:s19+$0xC160]  }
0x15c: {  	v17 =	vld [tilespmem:s19+$0x8170]  }
0x15d: {  	v18 =	vld [tilespmem:s19+$0xC170]  }
0x15e: {  	v19 =	vld [tilespmem:s19+$0x8500]  }
0x15f: {  	v20 =	vld [tilespmem:s19+$0xC500]  }
0x160: {  	v21 =	vld [tilespmem:s19+$0x8510]  }
0x161: {  	v22 =	vld [tilespmem:s19+$0xC510]  }
0x162: {  	v23 =	vld [tilespmem:s19+$0x8520]  }
0x163: {  	v24 =	vld [tilespmem:s19+$0xC520]  }
0x164: {  	v25 =	vld [tilespmem:s19+$0x8530]  }
0x165: {  	v26 =	vld [tilespmem:s19+$0xC530]  }
0x166: {  	v27 =	vld [tilespmem:s19+$0x8540]  }
0x167: {  	v28 =	vld [tilespmem:s19+$0xC540]  }
0x168: {  	v29 =	vld [tilespmem:s19+$0x8550]  }
0x169: {  	v30 =	vld [tilespmem:s19+$0xC550]  }
0x16a: {  	v31 =	vld [tilespmem:s19+$0x8560]  }
0x16b: {  	v32 =	vld [tilespmem:s19+$0xC560]  }
0x16c: {  	v33 =	vld [tilespmem:s19+$0x8570]  }
0x16d: {  	v34 =	vld [tilespmem:s19+$0xC570]  }
0x16e: {  	v35 =	vld [tilespmem:s19+$0x8900]  }
0x16f: {  	v36 =	vld [tilespmem:s19+$0xC900]  }
0x170: {  	v37 =	vld [tilespmem:s19+$0x8910]  }
0x171: {  	v38 =	vld [tilespmem:s19+$0xC910]  }
0x172: {  	v39 =	vld [tilespmem:s19+$0x8920]  }
0x173: {  	v40 =	vld [tilespmem:s19+$0xC920]  }
0x174: {  	v41 =	vld [tilespmem:s19+$0x8930]  }
0x175: {  	v42 =	vld [tilespmem:s19+$0xC930]  }
0x176: {  	v43 =	vld [tilespmem:s19+$0x8940]  }
0x177: {  	v44 =	vld [tilespmem:s19+$0xC940]  }
0x178: {  	v45 =	vld [tilespmem:s19+$0x8950]  }
0x179: {  	v46 =	vld [tilespmem:s19+$0xC950]  }
0x17a: {  	v47 =	vld [tilespmem:s19+$0x8960]  }
0x17b: {  	v48 =	vld [tilespmem:s19+$0xC960]  }
0x17c: {  	v49 =	vld [tilespmem:s19+$0x8970]  }
0x17d: {  	v50 =	vld [tilespmem:s19+$0xC970]  }
0x17e: {  	v51 =	vld [tilespmem:s19+$0x8D00]  }
0x17f: {  	v52 =	vld [tilespmem:s19+$0xCD00]  }
0x180: {  	v53 =	vld [tilespmem:s19+$0x8D10]  }
0x181: {  	v54 =	vld [tilespmem:s19+$0xCD10]  }
0x182: {  	v55 =	vld [tilespmem:s19+$0x8D20]  }
0x183: {  	v56 =	vld [tilespmem:s19+$0xCD20]  }
0x184: {  	v57 =	vld [tilespmem:s19+$0x8D30]  }
0x185: {  	v58 =	vld [tilespmem:s19+$0xCD30]  }
0x186: {  	v59 =	vld [tilespmem:s19+$0x8D40]  }
0x187: {  	v60 =	vld [tilespmem:s19+$0xCD40]  }
0x188: {  	v61 =	vld [tilespmem:s19+$0x8D50]  }
0x189: {  	v62 =	vld [tilespmem:s19+$0xCD50]  }
0x18a: {  	v63 =	vld [tilespmem:s19+$0x8D60]  }
0x18b: {  	v3 =	vadd.f32 v4, v3;
	v4 =	vld [tilespmem:s19+$0xCD60]  }
0x18c: {  	v5 =	vadd.f32 v6, v5;
	v6 =	vld [tilespmem:s19+$0x8D70]  }
0x18d: {  	v14 =	vadd.f32 v14, v13;
	v13 =	vld [tilespmem:s19+$0xD120];
	[tilespmem:s19+$0x8100] =	vst v3;
	v3 =	vadd.f32 v8, v7  }
0x18e: {  	v18 =	vadd.f32 v18, v17;
	v17 =	vld [tilespmem:s19+$0xD140];
	[tilespmem:s19+$0x8110] =	vst v5  }
0x18f: {  	v22 =	vadd.f32 v22, v21;
	v21 =	vld [tilespmem:s19+$0xD160];
	[tilespmem:s19+$0x8120] =	vst v3;
	v3 =	vadd.f32 v12, v11  }
0x190: {  	v7 =	vld [tilespmem:s19+$0xCD70];
	[tilespmem:s19+$0x8150] =	vst v14  }
0x191: {  	v8 =	vld [tilespmem:s19+$0x9100];
	[tilespmem:s19+$0x8140] =	vst v3;
	v3 =	vadd.f32 v16, v15  }
0x192: {  	v5 =	vadd.f32 v10, v9;
	v9 =	vld [tilespmem:s19+$0xD100];
	[tilespmem:s19+$0x8170] =	vst v18  }
0x193: {  	v10 =	vld [tilespmem:s19+$0x9110];
	[tilespmem:s19+$0x8160] =	vst v3;
	v3 =	vadd.f32 v20, v19  }
0x194: {  	v26 =	vadd.f32 v26, v25;
	v14 =	vld [tilespmem:s19+$0x9130];
	[tilespmem:s19+$0x8510] =	vst v22  }
0x195: {  	v18 =	vld [tilespmem:s19+$0x9150];
	[tilespmem:s19+$0x8500] =	vst v3;
	v3 =	vadd.f32 v24, v23  }
0x196: {  	v30 =	vadd.f32 v30, v29;
	[tilespmem:s19+$0x8530] =	vst v26;
	v22 =	vld [tilespmem:s19+$0x9170]  }
0x197: {  	v19 =	vld [tilespmem:s19+$0xD150];
	[tilespmem:s19+$0x8520] =	vst v3;
	v3 =	vadd.f32 v28, v27  }
0x198: {  	v34 =	vadd.f32 v34, v33;
	[tilespmem:s19+$0x8550] =	vst v30;
	v11 =	vld [tilespmem:s19+$0xD110]  }
0x199: {  	v12 =	vld [tilespmem:s19+$0x9120];
	[tilespmem:s19+$0x8540] =	vst v3;
	v3 =	vadd.f32 v32, v31  }
0x19a: {  	[tilespmem:s19+$0x8570] =	vst v34;
	v15 =	vld [tilespmem:s19+$0xD130]  }
0x19b: {  	v16 =	vld [tilespmem:s19+$0x9140];
	[tilespmem:s19+$0x8560] =	vst v3;
	v3 =	vadd.f32 v36, v35  }
0x19c: {  	[tilespmem:s19+$0x8130] =	vst v5;
	v20 =	vld [tilespmem:s19+$0x9160];
	v19 =	vadd.f32 v19, v18  }
0x19d: {  	v24 =	vld [tilespmem:s19+$0x9500];
	[tilespmem:s19+$0x8900] =	vst v3;
	v3 =	vadd.f32 v40, v39  }
0x19e: {  	[tilespmem:s19+$0x9150] =	vst v19;
	v36 =	vadd.f32 v38, v37;
	v37 =	vld [tilespmem:s19+$0xD170]  }
0x19f: {  	v38 =	vadd.f32 v42, v41;
	v41 =	vld [tilespmem:s19+$0x9510];
	[tilespmem:s19+$0x8920] =	vst v3;
	v3 =	vadd.f32 v44, v43  }
0x1a0: {  	v42 =	vld [tilespmem:s19+$0xD510];
	[tilespmem:s19+$0x8910] =	vst v36  }
0x1a1: {  	v35 =	vld [tilespmem:s19+$0x9910];
	[tilespmem:s19+$0x8940] =	vst v3;
	v3 =	vadd.f32 v48, v47  }
0x1a2: {  	v39 =	vld [tilespmem:s19+$0xD500];
	[tilespmem:s19+$0x8930] =	vst v38;
	v40 =	vadd.f32 v46, v45  }
0x1a3: {  	v45 =	vld [tilespmem:s19+$0xD520];
	[tilespmem:s19+$0x8960] =	vst v3;
	v3 =	vadd.f32 v52, v51  }
0x1a4: {  	v46 =	vadd.f32 v54, v53;
	v53 =	vld [tilespmem:s19+$0x9550];
	[tilespmem:s19+$0x8950] =	vst v40  }
0x1a5: {  	v54 =	vld [tilespmem:s19+$0xD550];
	[tilespmem:s19+$0x8D00] =	vst v3;
	v3 =	vadd.f32 v56, v55  }
0x1a6: {  	v36 =	vld [tilespmem:s19+$0xD910];
	v43 =	vadd.f32 v50, v49;
	[tilespmem:s19+$0x8D10] =	vst v46  }
0x1a7: {  	v38 =	vld [tilespmem:s19+$0x9920];
	[tilespmem:s19+$0x8D20] =	vst v3;
	v3 =	vadd.f32 v60, v59  }
0x1a8: {  	v44 =	vld [tilespmem:s19+$0x9520];
	v49 =	vadd.f32 v58, v57;
	[tilespmem:s19+$0x8970] =	vst v43  }
0x1a9: {  	v50 =	vld [tilespmem:s19+$0x9540];
	[tilespmem:s19+$0x8D40] =	vst v3;
	v3 =	vadd.f32 v4, v63  }
0x1aa: {  	v57 =	vld [tilespmem:s19+$0xD560];
	v58 =	vadd.f32 v11, v10;
	[tilespmem:s19+$0x8D30] =	vst v49  }
0x1ab: {  	v46 =	vld [tilespmem:s19+$0xD950];
	[tilespmem:s19+$0x8D60] =	vst v3;
	v3 =	vadd.f32 v9, v8  }
0x1ac: {  	v37 =	vadd.f32 v37, v22;
	v40 =	vadd.f32 v42, v41;
	v41 =	vld [tilespmem:s19+$0x9930];
	[tilespmem:s19+$0x9110] =	vst v58  }
0x1ad: {  	v42 =	vld [tilespmem:s19+$0xD930];
	[tilespmem:s19+$0x9100] =	vst v3;
	v3 =	vadd.f32 v13, v12  }
0x1ae: {  	v47 =	vld [tilespmem:s19+$0x9530];
	[tilespmem:s19+$0x9170] =	vst v37  }
0x1af: {  	v48 =	vld [tilespmem:s19+$0xD530];
	[tilespmem:s19+$0x9120] =	vst v3;
	v3 =	vadd.f32 v17, v16  }
0x1b0: {  	v49 =	vld [tilespmem:s19+$0xD960];
	[tilespmem:s19+$0x9510] =	vst v40;
	v52 =	vadd.f32 v62, v61  }
0x1b1: {  	v51 =	vld [tilespmem:s19+$0xD540];
	[tilespmem:s19+$0x9140] =	vst v3;
	v3 =	vadd.f32 v21, v20  }
0x1b2: {  	v61 =	vadd.f32 v15, v14;
	v62 =	vld [tilespmem:s19+$0x9900];
	[tilespmem:s19+$0x8D50] =	vst v52  }
0x1b3: {  	v56 =	vld [tilespmem:s19+$0x9560];
	[tilespmem:s19+$0x9160] =	vst v3;
	v3 =	vadd.f32 v39, v24  }
0x1b4: {  	v55 =	vadd.f32 v7, v6;
	[tilespmem:s19+$0x9130] =	vst v61;
	v52 =	vld [tilespmem:s19+$0xD970]  }
0x1b5: {  	v43 =	vadd.f32 v48, v47;
	v47 =	vld [tilespmem:s19+$0x9960];
	[tilespmem:s19+$0x9500] =	vst v3;
	v3 =	vadd.f32 v45, v44  }
0x1b6: {  	[tilespmem:s19+$0x8D70] =	vst v55;
	v63 =	vld [tilespmem:s19+$0xD900]  }
0x1b7: {  	v59 =	vld [tilespmem:s19+$0x9570];
	[tilespmem:s19+$0x9520] =	vst v3;
	v3 =	vadd.f32 v51, v50  }
0x1b8: {  	[tilespmem:s19+$0x9530] =	vst v43;
	v4 =	vadd.f32 v54, v53;
	v39 =	vld [tilespmem:s19+$0xD920]  }
0x1b9: {  	v60 =	vld [tilespmem:s19+$0xD570];
	[tilespmem:s19+$0x9540] =	vst v3;
	v3 =	vadd.f32 v57, v56  }
0x1ba: {  	v54 =	vadd.f32 v42, v41;
	[tilespmem:s19+$0x9550] =	vst v4;
	v45 =	vld [tilespmem:s19+$0x9950]  }
0x1bb: {  	v53 =	vld [tilespmem:s19+$0xD940];
	[tilespmem:s19+$0x9560] =	vst v3;
	v3 =	vadd.f32 v63, v62  }
0x1bc: {  	[tilespmem:s19+$0x9930] =	vst v54;
	v55 =	vadd.f32 v49, v47;
	v50 =	vld [tilespmem:s19+$0x9970]  }
0x1bd: {  	v44 =	vld [tilespmem:s19+$0x9940];
	[tilespmem:s19+$0x9900] =	vst v3;
	v3 =	vadd.f32 v39, v38  }
0x1be: {  	v48 =	vadd.f32 v60, v59;
	[tilespmem:s19+$0x9960] =	vst v55  }
0x1bf: {  	[tilespmem:s19+$0x9920] =	vst v3;
	v3 =	vadd.f32 v46, v45  }
0x1c0: {  	s21 =	sand.u32 $0x7, s11;
	[tilespmem:s19+$0x9570] =	vst v48;
	v51 =	vadd.f32 v36, v35  }
0x1c1: {  	s20 =	sshll.u32 s21, $0x7;
	[tilespmem:s19+$0x9950] =	vst v3;
	v3 =	vadd.f32 v52, v50  }
0x1c2: {  	s20 =	sadd.s32 s20, s18;
	[tilespmem:s19+$0x9910] =	vst v51;
	v56 =	vadd.f32 v53, v44  }
0x1c3: {  	s21 =	sor.u32 $0x1C00, s20;
	[tilespmem:s19+$0x9970] =	vst v3  }
0x1c4: {  	[tilespmem:s19+$0x9940] =	vst v56;
	v3 =	vld [tilespmem:s21+$0x8100]  }
0x1c5: {  	v4 =	vld [tilespmem:s21+$0xC100];
	_ =	sdelay $0x4  }
0x1c6: {  	v3 =	vadd.f32 v4, v3;
	_ =	sdelay $0x1  }
0x1c7: {  	[tilespmem:s21+$0x8100] =	vst v3;
	s21 =	sor.u32 $0x1C10, s20  }
0x1c8: {  	v3 =	vld [tilespmem:s21+$0x8100]  }
0x1c9: {  	v57 =	vld [tilespmem:s21+$0xC100];
	_ =	sdelay $0x4  }
0x1ca: {  	v3 =	vadd.f32 v57, v3;
	_ =	sdelay $0x1  }
0x1cb: {  	[tilespmem:s21+$0x8100] =	vst v3;
	s21 =	sor.u32 $0x1C20, s20  }
0x1cc: {  	v3 =	vld [tilespmem:s21+$0x8100]  }
0x1cd: {  	v58 =	vld [tilespmem:s21+$0xC100];
	_ =	sdelay $0x4  }
0x1ce: {  	v3 =	vadd.f32 v58, v3;
	_ =	sdelay $0x1  }
0x1cf: {  	[tilespmem:s21+$0x8100] =	vst v3;
	s21 =	sor.u32 $0x1C30, s20  }
0x1d0: {  	v3 =	vld [tilespmem:s21+$0x8100]  }
0x1d1: {  	v59 =	vld [tilespmem:s21+$0xC100];
	_ =	sdelay $0x4  }
0x1d2: {  	v3 =	vadd.f32 v59, v3;
	_ =	sdelay $0x1  }
0x1d3: {  	[tilespmem:s21+$0x8100] =	vst v3;
	s21 =	sor.u32 $0x1C40, s20  }
0x1d4: {  	v3 =	vld [tilespmem:s21+$0x8100]  }
0x1d5: {  	v60 =	vld [tilespmem:s21+$0xC100];
	_ =	sdelay $0x4  }
0x1d6: {  	v3 =	vadd.f32 v60, v3;
	_ =	sdelay $0x1  }
0x1d7: {  	[tilespmem:s21+$0x8100] =	vst v3;
	s21 =	sor.u32 $0x1C50, s20  }
0x1d8: {  	v3 =	vld [tilespmem:s21+$0x8100]  }
0x1d9: {  	v61 =	vld [tilespmem:s21+$0xC100];
	_ =	sdelay $0x4  }
0x1da: {  	v3 =	vadd.f32 v61, v3;
	_ =	sdelay $0x1  }
0x1db: {  	[tilespmem:s21+$0x8100] =	vst v3;
	s21 =	sor.u32 $0x1C60, s20  }
0x1dc: {  	v3 =	vld [tilespmem:s21+$0x8100]  }
0x1dd: {  	v62 =	vld [tilespmem:s21+$0xC100];
	_ =	sdelay $0x4  }
0x1de: {  	v3 =	vadd.f32 v62, v3;
	_ =	sdelay $0x1  }
0x1df: {  	[tilespmem:s21+$0x8100] =	vst v3;
	s21 =	sor.u32 $0x1C70, s20  }
0x1e0: {  	v3 =	vld [tilespmem:s21+$0x8100]  }
0x1e1: {  	v63 =	vld [tilespmem:s21+$0xC100];
	_ =	sdelay $0x1  }
0x1e2: {  	p0 =	sne.s32 s13, $0x780  }
.Ltmp1:
0x1e3: {  	_ = 	snop;
	(pc) =	sbr.rel @p0 .LBB2_4-.Ltmp1, $4  }
0x1e4: {  	_ = 	snop  }
0x1e5: {  	v3 =	vadd.f32 v63, v3  }
0x1e6: {  	s11 =	sadd.s32 $0x1, s11  }
0x1e7: {  	s12 =	sadd.s32 $0x400, s12;
	s13 =	sadd.s32 $0x80, s13;
	s18 =	sadd.s32 $0x400, s18;
	[tilespmem:s21+$0x8100] =	vst v3  }
0x1e8: {  	s11 =	simm.s32 $0x0;
	s12 =	rddreg [dreg:$0x5]  }
0x1e9: {  	[hbm4b:s12+s11] =	stream.linear.scatter [tilespmem:s14], [sflag:$0x4], $0x4000, $0x38;
	[tilespmem:$0x10100] =	vst v63  }
0x1ea: {  	_ =	swait.ge [sflag:s15], $0x4000  }
0x1eb: {  	[sflag:s15] =	ssyncset.done $0x0  }
0x1ec: {  	[sflag:s15] =	ssyncadd.s32 $0xFFFFC000  }
0x1ed: {  	_ =	swait.ge [sflag:s15], $0x4000  }
0x1ee: {  	[sflag:s15] =	ssyncset.done $0x0  }
0x1ef: {  	[sflag:s15] =	ssyncadd.s32 $0xFFFFC000  }
0x1f0: {  	_ =	swait.ge [sflag:s10], $0x4000  }
0x1f1: {  	[sflag:s10] =	ssyncset.done $0x0  }
0x1f2: {  	[sflag:s10] =	ssyncadd.s32 $0xFFFFC000  }
0x1f3: {  	v3 =	vld [tilespmem:$0x30];
	_ =	sdelay $0x4  }
0x1f4: {  	v4 =	vshll.u32 v3, $0x3  }
0x1f5: {  	v3 =	vand.u32 $0x7, v3;
	v4 =	vand.u32 $0xFFFFFFC0, v4  }
0x1f6: {  	v3 =	vor.u32 v3, v4  }
0x1f7: {  	v4 =	vperm.xlane v3, v0;
	_ =	sdelay $0x1  }
0x1f8: {  	v4 =	vadd.s32 v1, v4;
	_ =	sdelay $0x4  }
0x1f9: {  	[tilespmem:s14], [sflag:$0x2] =	stream.indirect_vreg.gather [hbm4b:s3+s11], $0x80, v4, vm0, $0xb8;
	[tilespmem:$0x10100] =	vst v63  }
0x1fa: {  	s18 =	simm.s32 $0x8900;
	v3 =	vperm.xlane v3, v2  }
0x1fb: {  	[tilespmem:s18], [sflag:$0x2] =	stream.indirect_vreg.gather [hbm4b:s6+s11], $0x80, v4, vm0, $0xb8;
	[tilespmem:$0x10100] =	vst v63  }
0x1fc: {  	s19 =	simm.s32 $0x9100;
	v3 =	vadd.s32 v1, v3  }
0x1fd: {  	[tilespmem:s19], [sflag:$0x2] =	stream.indirect_vreg.gather [hbm4b:s7+s11], $0x80, v4, vm0, $0xb8;
	[tilespmem:$0x10100] =	vst v63  }
0x1fe: {  	s20 =	simm.s32 $0x9900  }
0x1ff: {  	[tilespmem:s20], [sflag:$0x2] =	stream.indirect_vreg.gather [hbm4b:s8+s11], $0x80, v4, vm0, $0xb8;
	[tilespmem:$0x10100] =	vst v63  }
0x200: {  	s21 =	simm.s32 $0xA100  }
0x201: {  	[tilespmem:s21], [sflag:$0x2] =	stream.indirect_vreg.gather [hbm4b:s3+s11], $0x80, v3, vm0, $0xb8;
	[tilespmem:$0x10100] =	vst v63  }
0x202: {  	_ = 	snop  }
0x203: {  	[tilespmem:s22], [sflag:$0x2] =	stream.indirect_vreg.gather [hbm4b:s6+s11], $0x80, v3, vm0, $0xb8;
	[tilespmem:$0x10100] =	vst v63  }
0x204: {  	_ = 	snop  }
0x205: {  	[tilespmem:s23], [sflag:$0x2] =	stream.indirect_vreg.gather [hbm4b:s7+s11], $0x80, v3, vm0, $0xb8;
	[tilespmem:$0x10100] =	vst v63  }
0x206: {  	_ = 	snop  }
0x207: {  	[tilespmem:s24], [sflag:$0x2] =	stream.indirect_vreg.gather [hbm4b:s8+s11], $0x80, v3, vm0, $0xb8;
	[tilespmem:$0x10100] =	vst v63  }
0x208: {  	v3 =	vld [tilespmem:$0xB0];
	_ =	sdelay $0x4  }
0x209: {  	v63 =	vshll.u32 v3, $0x3  }
0x20a: {  	v3 =	vand.u32 $0x7, v3;
	v4 =	vand.u32 $0xFFFFFFC0, v63  }
0x20b: {  	v3 =	vor.u32 v3, v4  }
0x20c: {  	v4 =	vperm.xlane v3, v0;
	_ =	sdelay $0x1  }
0x20d: {  	v4 =	vadd.s32 v1, v4;
	_ =	sdelay $0x4  }
0x20e: {  	[tilespmem:s4], [sflag:$0x2] =	stream.indirect_vreg.gather [hbm4b:s3+s11], $0x80, v4, vm0, $0xb8;
	[tilespmem:$0x10100] =	vst v63  }
0x20f: {  	v3 =	vperm.xlane v3, v2  }
0x210: {  	[tilespmem:s25], [sflag:$0x2] =	stream.indirect_vreg.gather [hbm4b:s6+s11], $0x80, v4, vm0, $0xb8;
	[tilespmem:$0x10100] =	vst v63  }
0x211: {  	v3 =	vadd.s32 v1, v3  }
0x212: {  	[tilespmem:s5], [sflag:$0x2] =	stream.indirect_vreg.gather [hbm4b:s7+s11], $0x80, v4, vm0, $0xb8;
	[tilespmem:$0x10100] =	vst v63  }
0x213: {  	_ = 	snop  }
0x214: {  	[tilespmem:s26], [sflag:$0x2] =	stream.indirect_vreg.gather [hbm4b:s8+s11], $0x80, v4, vm0, $0xb8;
	[tilespmem:$0x10100] =	vst v63  }
0x215: {  	_ = 	snop  }
0x216: {  	[tilespmem:s28], [sflag:$0x2] =	stream.indirect_vreg.gather [hbm4b:s3+s11], $0x80, v3, vm0, $0xb8;
	[tilespmem:$0x10100] =	vst v63  }
0x217: {  	_ = 	snop  }
0x218: {  	[tilespmem:s29], [sflag:$0x2] =	stream.indirect_vreg.gather [hbm4b:s6+s11], $0x80, v3, vm0, $0xb8;
	[tilespmem:$0x10100] =	vst v63  }
0x219: {  	_ = 	snop  }
0x21a: {  	[tilespmem:s30], [sflag:$0x2] =	stream.indirect_vreg.gather [hbm4b:s7+s11], $0x80, v3, vm0, $0xb8;
	[tilespmem:$0x10100] =	vst v63  }
0x21b: {  	s13 =	simm.s32 $0x0;
	s12 =	simm.s32 $0xFFFFC000;
	s18 =	simm.s32 $0x0  }
0x21c: {  	[tilespmem:s31], [sflag:$0x2] =	stream.indirect_vreg.gather [hbm4b:s8+s11], $0x80, v3, vm0, $0xb8;
	[tilespmem:$0x10100] =	vst v63  }
.LBB2_6:
0x21d: {  	s19 =	sadd.s32 $0x4000, s12  }
0x21e: {  	s20 =	sand.u32 $0x380, s13;
	s19 =	sand.u32 $0x2000, s19  }
0x21f: {  	s19 =	sor.u32 s20, s19  }
0x220: {  	v3 =	vld [tilespmem:s19+$0x100]  }
0x221: {  	v4 =	vld [tilespmem:s19+$0x4100]  }
0x222: {  	v5 =	vld [tilespmem:s19+$0x110]  }
0x223: {  	v6 =	vld [tilespmem:s19+$0x4110]  }
0x224: {  	v7 =	vld [tilespmem:s19+$0x120]  }
0x225: {  	v8 =	vld [tilespmem:s19+$0x4120]  }
0x226: {  	v9 =	vld [tilespmem:s19+$0x130]  }
0x227: {  	v10 =	vld [tilespmem:s19+$0x4130]  }
0x228: {  	v11 =	vld [tilespmem:s19+$0x140]  }
0x229: {  	v12 =	vld [tilespmem:s19+$0x4140]  }
0x22a: {  	v13 =	vld [tilespmem:s19+$0x150]  }
0x22b: {  	v14 =	vld [tilespmem:s19+$0x4150]  }
0x22c: {  	v15 =	vld [tilespmem:s19+$0x160]  }
0x22d: {  	v16 =	vld [tilespmem:s19+$0x4160]  }
0x22e: {  	v17 =	vld [tilespmem:s19+$0x170]  }
0x22f: {  	v18 =	vld [tilespmem:s19+$0x4170]  }
0x230: {  	v19 =	vld [tilespmem:s19+$0x500]  }
0x231: {  	v20 =	vld [tilespmem:s19+$0x4500]  }
0x232: {  	v21 =	vld [tilespmem:s19+$0x510]  }
0x233: {  	v22 =	vld [tilespmem:s19+$0x4510]  }
0x234: {  	v23 =	vld [tilespmem:s19+$0x520]  }
0x235: {  	v24 =	vld [tilespmem:s19+$0x4520]  }
0x236: {  	v25 =	vld [tilespmem:s19+$0x530]  }
0x237: {  	v26 =	vld [tilespmem:s19+$0x4530]  }
0x238: {  	v27 =	vld [tilespmem:s19+$0x540]  }
0x239: {  	v28 =	vld [tilespmem:s19+$0x4540]  }
0x23a: {  	v29 =	vld [tilespmem:s19+$0x550]  }
0x23b: {  	v30 =	vld [tilespmem:s19+$0x4550]  }
0x23c: {  	v31 =	vld [tilespmem:s19+$0x560]  }
0x23d: {  	v32 =	vld [tilespmem:s19+$0x4560]  }
0x23e: {  	v33 =	vld [tilespmem:s19+$0x570]  }
0x23f: {  	v34 =	vld [tilespmem:s19+$0x4570]  }
0x240: {  	v35 =	vld [tilespmem:s19+$0x900]  }
0x241: {  	v36 =	vld [tilespmem:s19+$0x4900]  }
0x242: {  	v37 =	vld [tilespmem:s19+$0x910]  }
0x243: {  	v38 =	vld [tilespmem:s19+$0x4910]  }
0x244: {  	v39 =	vld [tilespmem:s19+$0x920]  }
0x245: {  	v40 =	vld [tilespmem:s19+$0x4920]  }
0x246: {  	v41 =	vld [tilespmem:s19+$0x930]  }
0x247: {  	v42 =	vld [tilespmem:s19+$0x4930]  }
0x248: {  	v43 =	vld [tilespmem:s19+$0x940]  }
0x249: {  	v44 =	vld [tilespmem:s19+$0x4940]  }
0x24a: {  	v45 =	vld [tilespmem:s19+$0x950]  }
0x24b: {  	v46 =	vld [tilespmem:s19+$0x4950]  }
0x24c: {  	v47 =	vld [tilespmem:s19+$0x960]  }
0x24d: {  	v48 =	vld [tilespmem:s19+$0x4960]  }
0x24e: {  	v49 =	vld [tilespmem:s19+$0x970]  }
0x24f: {  	v50 =	vld [tilespmem:s19+$0x4970]  }
0x250: {  	v51 =	vld [tilespmem:s19+$0xD00]  }
0x251: {  	v52 =	vld [tilespmem:s19+$0x4D00]  }
0x252: {  	v53 =	vld [tilespmem:s19+$0xD10]  }
0x253: {  	v54 =	vld [tilespmem:s19+$0x4D10]  }
0x254: {  	v55 =	vld [tilespmem:s19+$0xD20]  }
0x255: {  	v56 =	vld [tilespmem:s19+$0x4D20]  }
0x256: {  	v57 =	vld [tilespmem:s19+$0xD30]  }
0x257: {  	v58 =	vld [tilespmem:s19+$0x4D30]  }
0x258: {  	v59 =	vld [tilespmem:s19+$0xD40]  }
0x259: {  	v60 =	vld [tilespmem:s19+$0x4D40]  }
0x25a: {  	v61 =	vld [tilespmem:s19+$0xD50]  }
0x25b: {  	v62 =	vld [tilespmem:s19+$0x4D50]  }
0x25c: {  	v63 =	vld [tilespmem:s19+$0xD60]  }
0x25d: {  	v3 =	vadd.f32 v4, v3;
	v4 =	vld [tilespmem:s19+$0x4D60]  }
0x25e: {  	v5 =	vadd.f32 v6, v5;
	v6 =	vld [tilespmem:s19+$0xD70]  }
0x25f: {  	v14 =	vadd.f32 v14, v13;
	v13 =	vld [tilespmem:s19+$0x5120];
	[tilespmem:s19+$0x100] =	vst v3;
	v3 =	vadd.f32 v8, v7  }
0x260: {  	v18 =	vadd.f32 v18, v17;
	v17 =	vld [tilespmem:s19+$0x5140];
	[tilespmem:s19+$0x110] =	vst v5  }
0x261: {  	v22 =	vadd.f32 v22, v21;
	v21 =	vld [tilespmem:s19+$0x5160];
	[tilespmem:s19+$0x120] =	vst v3;
	v3 =	vadd.f32 v12, v11  }
0x262: {  	v7 =	vld [tilespmem:s19+$0x4D70];
	[tilespmem:s19+$0x150] =	vst v14  }
0x263: {  	v8 =	vld [tilespmem:s19+$0x1100];
	[tilespmem:s19+$0x140] =	vst v3;
	v3 =	vadd.f32 v16, v15  }
0x264: {  	v5 =	vadd.f32 v10, v9;
	v9 =	vld [tilespmem:s19+$0x5100];
	[tilespmem:s19+$0x170] =	vst v18  }
0x265: {  	v10 =	vld [tilespmem:s19+$0x1110];
	[tilespmem:s19+$0x160] =	vst v3;
	v3 =	vadd.f32 v20, v19  }
0x266: {  	v26 =	vadd.f32 v26, v25;
	v14 =	vld [tilespmem:s19+$0x1130];
	[tilespmem:s19+$0x510] =	vst v22  }
0x267: {  	v18 =	vld [tilespmem:s19+$0x1150];
	[tilespmem:s19+$0x500] =	vst v3;
	v3 =	vadd.f32 v24, v23  }
0x268: {  	v30 =	vadd.f32 v30, v29;
	[tilespmem:s19+$0x530] =	vst v26;
	v22 =	vld [tilespmem:s19+$0x1170]  }
0x269: {  	v19 =	vld [tilespmem:s19+$0x5150];
	[tilespmem:s19+$0x520] =	vst v3;
	v3 =	vadd.f32 v28, v27  }
0x26a: {  	v34 =	vadd.f32 v34, v33;
	[tilespmem:s19+$0x550] =	vst v30;
	v11 =	vld [tilespmem:s19+$0x5110]  }
0x26b: {  	v12 =	vld [tilespmem:s19+$0x1120];
	[tilespmem:s19+$0x540] =	vst v3;
	v3 =	vadd.f32 v32, v31  }
0x26c: {  	[tilespmem:s19+$0x570] =	vst v34;
	v15 =	vld [tilespmem:s19+$0x5130]  }
0x26d: {  	v16 =	vld [tilespmem:s19+$0x1140];
	[tilespmem:s19+$0x560] =	vst v3;
	v3 =	vadd.f32 v36, v35  }
0x26e: {  	[tilespmem:s19+$0x130] =	vst v5;
	v20 =	vld [tilespmem:s19+$0x1160];
	v19 =	vadd.f32 v19, v18  }
0x26f: {  	v24 =	vld [tilespmem:s19+$0x1500];
	[tilespmem:s19+$0x900] =	vst v3;
	v3 =	vadd.f32 v40, v39  }
0x270: {  	[tilespmem:s19+$0x1150] =	vst v19;
	v36 =	vadd.f32 v38, v37;
	v37 =	vld [tilespmem:s19+$0x5170]  }
0x271: {  	v38 =	vadd.f32 v42, v41;
	v41 =	vld [tilespmem:s19+$0x1510];
	[tilespmem:s19+$0x920] =	vst v3;
	v3 =	vadd.f32 v44, v43  }
0x272: {  	v42 =	vld [tilespmem:s19+$0x5510];
	[tilespmem:s19+$0x910] =	vst v36  }
0x273: {  	v35 =	vld [tilespmem:s19+$0x1910];
	[tilespmem:s19+$0x940] =	vst v3;
	v3 =	vadd.f32 v48, v47  }
0x274: {  	v39 =	vld [tilespmem:s19+$0x5500];
	[tilespmem:s19+$0x930] =	vst v38;
	v40 =	vadd.f32 v46, v45  }
0x275: {  	v45 =	vld [tilespmem:s19+$0x5520];
	[tilespmem:s19+$0x960] =	vst v3;
	v3 =	vadd.f32 v52, v51  }
0x276: {  	v46 =	vadd.f32 v54, v53;
	v53 =	vld [tilespmem:s19+$0x1550];
	[tilespmem:s19+$0x950] =	vst v40  }
0x277: {  	v54 =	vld [tilespmem:s19+$0x5550];
	[tilespmem:s19+$0xD00] =	vst v3;
	v3 =	vadd.f32 v56, v55  }
0x278: {  	v36 =	vld [tilespmem:s19+$0x5910];
	v43 =	vadd.f32 v50, v49;
	[tilespmem:s19+$0xD10] =	vst v46  }
0x279: {  	v38 =	vld [tilespmem:s19+$0x1920];
	[tilespmem:s19+$0xD20] =	vst v3;
	v3 =	vadd.f32 v60, v59  }
0x27a: {  	v44 =	vld [tilespmem:s19+$0x1520];
	v49 =	vadd.f32 v58, v57;
	[tilespmem:s19+$0x970] =	vst v43  }
0x27b: {  	v50 =	vld [tilespmem:s19+$0x1540];
	[tilespmem:s19+$0xD40] =	vst v3;
	v3 =	vadd.f32 v4, v63  }
0x27c: {  	v57 =	vld [tilespmem:s19+$0x5560];
	v58 =	vadd.f32 v11, v10;
	[tilespmem:s19+$0xD30] =	vst v49  }
0x27d: {  	v46 =	vld [tilespmem:s19+$0x5950];
	[tilespmem:s19+$0xD60] =	vst v3;
	v3 =	vadd.f32 v9, v8  }
0x27e: {  	v37 =	vadd.f32 v37, v22;
	v40 =	vadd.f32 v42, v41;
	v41 =	vld [tilespmem:s19+$0x1930];
	[tilespmem:s19+$0x1110] =	vst v58  }
0x27f: {  	v42 =	vld [tilespmem:s19+$0x5930];
	[tilespmem:s19+$0x1100] =	vst v3;
	v3 =	vadd.f32 v13, v12  }
0x280: {  	v47 =	vld [tilespmem:s19+$0x1530];
	[tilespmem:s19+$0x1170] =	vst v37  }
0x281: {  	v48 =	vld [tilespmem:s19+$0x5530];
	[tilespmem:s19+$0x1120] =	vst v3;
	v3 =	vadd.f32 v17, v16  }
0x282: {  	v49 =	vld [tilespmem:s19+$0x5960];
	[tilespmem:s19+$0x1510] =	vst v40;
	v52 =	vadd.f32 v62, v61  }
0x283: {  	v51 =	vld [tilespmem:s19+$0x5540];
	[tilespmem:s19+$0x1140] =	vst v3;
	v3 =	vadd.f32 v21, v20  }
0x284: {  	v61 =	vadd.f32 v15, v14;
	v62 =	vld [tilespmem:s19+$0x1900];
	[tilespmem:s19+$0xD50] =	vst v52  }
0x285: {  	v56 =	vld [tilespmem:s19+$0x1560];
	[tilespmem:s19+$0x1160] =	vst v3;
	v3 =	vadd.f32 v39, v24  }
0x286: {  	v55 =	vadd.f32 v7, v6;
	[tilespmem:s19+$0x1130] =	vst v61;
	v52 =	vld [tilespmem:s19+$0x5970]  }
0x287: {  	v43 =	vadd.f32 v48, v47;
	v47 =	vld [tilespmem:s19+$0x1960];
	[tilespmem:s19+$0x1500] =	vst v3;
	v3 =	vadd.f32 v45, v44  }
0x288: {  	[tilespmem:s19+$0xD70] =	vst v55;
	v63 =	vld [tilespmem:s19+$0x5900]  }
0x289: {  	v59 =	vld [tilespmem:s19+$0x1570];
	[tilespmem:s19+$0x1520] =	vst v3;
	v3 =	vadd.f32 v51, v50  }
0x28a: {  	[tilespmem:s19+$0x1530] =	vst v43;
	v4 =	vadd.f32 v54, v53;
	v39 =	vld [tilespmem:s19+$0x5920]  }
0x28b: {  	v60 =	vld [tilespmem:s19+$0x5570];
	[tilespmem:s19+$0x1540] =	vst v3;
	v3 =	vadd.f32 v57, v56  }
0x28c: {  	v54 =	vadd.f32 v42, v41;
	[tilespmem:s19+$0x1550] =	vst v4;
	v45 =	vld [tilespmem:s19+$0x1950]  }
0x28d: {  	v53 =	vld [tilespmem:s19+$0x5940];
	[tilespmem:s19+$0x1560] =	vst v3;
	v3 =	vadd.f32 v63, v62  }
0x28e: {  	[tilespmem:s19+$0x1930] =	vst v54;
	v55 =	vadd.f32 v49, v47;
	v50 =	vld [tilespmem:s19+$0x1970]  }
0x28f: {  	v44 =	vld [tilespmem:s19+$0x1940];
	[tilespmem:s19+$0x1900] =	vst v3;
	v3 =	vadd.f32 v39, v38  }
0x290: {  	v48 =	vadd.f32 v60, v59;
	[tilespmem:s19+$0x1960] =	vst v55  }
0x291: {  	[tilespmem:s19+$0x1920] =	vst v3;
	v3 =	vadd.f32 v46, v45  }
0x292: {  	s21 =	sand.u32 $0x7, s11;
	[tilespmem:s19+$0x1570] =	vst v48;
	v51 =	vadd.f32 v36, v35  }
0x293: {  	s20 =	sshll.u32 s21, $0x7;
	[tilespmem:s19+$0x1950] =	vst v3;
	v3 =	vadd.f32 v52, v50  }
0x294: {  	s20 =	sadd.s32 s20, s18;
	[tilespmem:s19+$0x1910] =	vst v51;
	v56 =	vadd.f32 v53, v44  }
0x295: {  	s21 =	sor.u32 $0x1C00, s20;
	[tilespmem:s19+$0x1970] =	vst v3  }
0x296: {  	[tilespmem:s19+$0x1940] =	vst v56;
	v3 =	vld [tilespmem:s21+$0x100]  }
0x297: {  	v4 =	vld [tilespmem:s21+$0x4100];
	_ =	sdelay $0x4  }
0x298: {  	v3 =	vadd.f32 v4, v3;
	_ =	sdelay $0x1  }
0x299: {  	[tilespmem:s21+$0x100] =	vst v3;
	s21 =	sor.u32 $0x1C10, s20  }
0x29a: {  	v3 =	vld [tilespmem:s21+$0x100]  }
0x29b: {  	v57 =	vld [tilespmem:s21+$0x4100];
	_ =	sdelay $0x4  }
0x29c: {  	v3 =	vadd.f32 v57, v3;
	_ =	sdelay $0x1  }
0x29d: {  	[tilespmem:s21+$0x100] =	vst v3;
	s21 =	sor.u32 $0x1C20, s20  }
0x29e: {  	v3 =	vld [tilespmem:s21+$0x100]  }
0x29f: {  	v58 =	vld [tilespmem:s21+$0x4100];
	_ =	sdelay $0x4  }
0x2a0: {  	v3 =	vadd.f32 v58, v3;
	_ =	sdelay $0x1  }
0x2a1: {  	[tilespmem:s21+$0x100] =	vst v3;
	s21 =	sor.u32 $0x1C30, s20  }
0x2a2: {  	v3 =	vld [tilespmem:s21+$0x100]  }
0x2a3: {  	v59 =	vld [tilespmem:s21+$0x4100];
	_ =	sdelay $0x4  }
0x2a4: {  	v3 =	vadd.f32 v59, v3;
	_ =	sdelay $0x1  }
0x2a5: {  	[tilespmem:s21+$0x100] =	vst v3;
	s21 =	sor.u32 $0x1C40, s20  }
0x2a6: {  	v3 =	vld [tilespmem:s21+$0x100]  }
0x2a7: {  	v60 =	vld [tilespmem:s21+$0x4100];
	_ =	sdelay $0x4  }
0x2a8: {  	v3 =	vadd.f32 v60, v3;
	_ =	sdelay $0x1  }
0x2a9: {  	[tilespmem:s21+$0x100] =	vst v3;
	s21 =	sor.u32 $0x1C50, s20  }
0x2aa: {  	v3 =	vld [tilespmem:s21+$0x100]  }
0x2ab: {  	v61 =	vld [tilespmem:s21+$0x4100];
	_ =	sdelay $0x4  }
0x2ac: {  	v3 =	vadd.f32 v61, v3;
	_ =	sdelay $0x1  }
0x2ad: {  	[tilespmem:s21+$0x100] =	vst v3;
	s21 =	sor.u32 $0x1C60, s20  }
0x2ae: {  	v3 =	vld [tilespmem:s21+$0x100]  }
0x2af: {  	v62 =	vld [tilespmem:s21+$0x4100];
	_ =	sdelay $0x4  }
0x2b0: {  	v3 =	vadd.f32 v62, v3;
	_ =	sdelay $0x1  }
0x2b1: {  	[tilespmem:s21+$0x100] =	vst v3;
	s21 =	sor.u32 $0x1C70, s20  }
0x2b2: {  	v3 =	vld [tilespmem:s21+$0x100]  }
0x2b3: {  	v63 =	vld [tilespmem:s21+$0x4100];
	_ =	sdelay $0x1  }
0x2b4: {  	p0 =	sne.s32 s13, $0x780  }
.Ltmp2:
0x2b5: {  	_ = 	snop;
	(pc) =	sbr.rel @p0 .LBB2_6-.Ltmp2, $4  }
0x2b6: {  	_ = 	snop  }
0x2b7: {  	v3 =	vadd.f32 v63, v3  }
0x2b8: {  	s11 =	sadd.s32 $0x1, s11  }
0x2b9: {  	s12 =	sadd.s32 $0x400, s12;
	s13 =	sadd.s32 $0x80, s13;
	s18 =	sadd.s32 $0x400, s18;
	[tilespmem:s21+$0x100] =	vst v3  }
0x2ba: {  	s11 =	simm.s32 $0x0;
	s12 =	rddreg [dreg:$0x6]  }
0x2bb: {  	[hbm4b:s12+s11] =	stream.linear.scatter [tilespmem:s17], [sflag:$0x3], $0x4000, $0x38;
	[tilespmem:$0x10100] =	vst v63  }
0x2bc: {  	_ =	swait.ge [sflag:s16], $0x4000  }
0x2bd: {  	[sflag:s16] =	ssyncset.done $0x0  }
0x2be: {  	[sflag:s16] =	ssyncadd.s32 $0xFFFFC000  }
0x2bf: {  	_ =	swait.ge [sflag:s16], $0x4000  }
0x2c0: {  	s18 =	simm.s32 $0x0;
	[sflag:s16] =	ssyncset.done $0x0  }
0x2c1: {  	s13 =	simm.s32 $0x0;
	s12 =	simm.s32 $0xFFFFC000;
	[sflag:s16] =	ssyncadd.s32 $0xFFFFC000  }
.LBB2_8:
0x2c2: {  	s19 =	sadd.s32 $0x4000, s12  }
0x2c3: {  	s20 =	sand.u32 $0x380, s13;
	s19 =	sand.u32 $0x2000, s19  }
0x2c4: {  	s19 =	sor.u32 s20, s19  }
0x2c5: {  	v3 =	vld [tilespmem:s19+$0x8100]  }
0x2c6: {  	v4 =	vld [tilespmem:s19+$0xC100]  }
0x2c7: {  	v5 =	vld [tilespmem:s19+$0x8110]  }
0x2c8: {  	v6 =	vld [tilespmem:s19+$0xC110]  }
0x2c9: {  	v7 =	vld [tilespmem:s19+$0x8120]  }
0x2ca: {  	v8 =	vld [tilespmem:s19+$0xC120]  }
0x2cb: {  	v9 =	vld [tilespmem:s19+$0x8130]  }
0x2cc: {  	v10 =	vld [tilespmem:s19+$0xC130]  }
0x2cd: {  	v11 =	vld [tilespmem:s19+$0x8140]  }
0x2ce: {  	v12 =	vld [tilespmem:s19+$0xC140]  }
0x2cf: {  	v13 =	vld [tilespmem:s19+$0x8150]  }
0x2d0: {  	v14 =	vld [tilespmem:s19+$0xC150]  }
0x2d1: {  	v15 =	vld [tilespmem:s19+$0x8160]  }
0x2d2: {  	v16 =	vld [tilespmem:s19+$0xC160]  }
0x2d3: {  	v17 =	vld [tilespmem:s19+$0x8170]  }
0x2d4: {  	v18 =	vld [tilespmem:s19+$0xC170]  }
0x2d5: {  	v19 =	vld [tilespmem:s19+$0x8500]  }
0x2d6: {  	v20 =	vld [tilespmem:s19+$0xC500]  }
0x2d7: {  	v21 =	vld [tilespmem:s19+$0x8510]  }
0x2d8: {  	v22 =	vld [tilespmem:s19+$0xC510]  }
0x2d9: {  	v23 =	vld [tilespmem:s19+$0x8520]  }
0x2da: {  	v24 =	vld [tilespmem:s19+$0xC520]  }
0x2db: {  	v25 =	vld [tilespmem:s19+$0x8530]  }
0x2dc: {  	v26 =	vld [tilespmem:s19+$0xC530]  }
0x2dd: {  	v27 =	vld [tilespmem:s19+$0x8540]  }
0x2de: {  	v28 =	vld [tilespmem:s19+$0xC540]  }
0x2df: {  	v29 =	vld [tilespmem:s19+$0x8550]  }
0x2e0: {  	v30 =	vld [tilespmem:s19+$0xC550]  }
0x2e1: {  	v31 =	vld [tilespmem:s19+$0x8560]  }
0x2e2: {  	v32 =	vld [tilespmem:s19+$0xC560]  }
0x2e3: {  	v33 =	vld [tilespmem:s19+$0x8570]  }
0x2e4: {  	v34 =	vld [tilespmem:s19+$0xC570]  }
0x2e5: {  	v35 =	vld [tilespmem:s19+$0x8900]  }
0x2e6: {  	v36 =	vld [tilespmem:s19+$0xC900]  }
0x2e7: {  	v37 =	vld [tilespmem:s19+$0x8910]  }
0x2e8: {  	v38 =	vld [tilespmem:s19+$0xC910]  }
0x2e9: {  	v39 =	vld [tilespmem:s19+$0x8920]  }
0x2ea: {  	v40 =	vld [tilespmem:s19+$0xC920]  }
0x2eb: {  	v41 =	vld [tilespmem:s19+$0x8930]  }
0x2ec: {  	v42 =	vld [tilespmem:s19+$0xC930]  }
0x2ed: {  	v43 =	vld [tilespmem:s19+$0x8940]  }
0x2ee: {  	v44 =	vld [tilespmem:s19+$0xC940]  }
0x2ef: {  	v45 =	vld [tilespmem:s19+$0x8950]  }
0x2f0: {  	v46 =	vld [tilespmem:s19+$0xC950]  }
0x2f1: {  	v47 =	vld [tilespmem:s19+$0x8960]  }
0x2f2: {  	v48 =	vld [tilespmem:s19+$0xC960]  }
0x2f3: {  	v49 =	vld [tilespmem:s19+$0x8970]  }
0x2f4: {  	v50 =	vld [tilespmem:s19+$0xC970]  }
0x2f5: {  	v51 =	vld [tilespmem:s19+$0x8D00]  }
0x2f6: {  	v52 =	vld [tilespmem:s19+$0xCD00]  }
0x2f7: {  	v53 =	vld [tilespmem:s19+$0x8D10]  }
0x2f8: {  	v54 =	vld [tilespmem:s19+$0xCD10]  }
0x2f9: {  	v55 =	vld [tilespmem:s19+$0x8D20]  }
0x2fa: {  	v56 =	vld [tilespmem:s19+$0xCD20]  }
0x2fb: {  	v57 =	vld [tilespmem:s19+$0x8D30]  }
0x2fc: {  	v58 =	vld [tilespmem:s19+$0xCD30]  }
0x2fd: {  	v59 =	vld [tilespmem:s19+$0x8D40]  }
0x2fe: {  	v60 =	vld [tilespmem:s19+$0xCD40]  }
0x2ff: {  	v61 =	vld [tilespmem:s19+$0x8D50]  }
0x300: {  	v62 =	vld [tilespmem:s19+$0xCD50]  }
0x301: {  	v63 =	vld [tilespmem:s19+$0x8D60]  }
0x302: {  	v3 =	vadd.f32 v4, v3;
	v4 =	vld [tilespmem:s19+$0xCD60]  }
0x303: {  	v5 =	vadd.f32 v6, v5;
	v6 =	vld [tilespmem:s19+$0x8D70]  }
0x304: {  	v14 =	vadd.f32 v14, v13;
	v13 =	vld [tilespmem:s19+$0xD120];
	[tilespmem:s19+$0x8100] =	vst v3;
	v3 =	vadd.f32 v8, v7  }
0x305: {  	v18 =	vadd.f32 v18, v17;
	v17 =	vld [tilespmem:s19+$0xD140];
	[tilespmem:s19+$0x8110] =	vst v5  }
0x306: {  	v22 =	vadd.f32 v22, v21;
	v21 =	vld [tilespmem:s19+$0xD160];
	[tilespmem:s19+$0x8120] =	vst v3;
	v3 =	vadd.f32 v12, v11  }
0x307: {  	v7 =	vld [tilespmem:s19+$0xCD70];
	[tilespmem:s19+$0x8150] =	vst v14  }
0x308: {  	v8 =	vld [tilespmem:s19+$0x9100];
	[tilespmem:s19+$0x8140] =	vst v3;
	v3 =	vadd.f32 v16, v15  }
0x309: {  	v5 =	vadd.f32 v10, v9;
	v9 =	vld [tilespmem:s19+$0xD100];
	[tilespmem:s19+$0x8170] =	vst v18  }
0x30a: {  	v10 =	vld [tilespmem:s19+$0x9110];
	[tilespmem:s19+$0x8160] =	vst v3;
	v3 =	vadd.f32 v20, v19  }
0x30b: {  	v26 =	vadd.f32 v26, v25;
	v14 =	vld [tilespmem:s19+$0x9130];
	[tilespmem:s19+$0x8510] =	vst v22  }
0x30c: {  	v18 =	vld [tilespmem:s19+$0x9150];
	[tilespmem:s19+$0x8500] =	vst v3;
	v3 =	vadd.f32 v24, v23  }
0x30d: {  	v30 =	vadd.f32 v30, v29;
	[tilespmem:s19+$0x8530] =	vst v26;
	v22 =	vld [tilespmem:s19+$0x9170]  }
0x30e: {  	v19 =	vld [tilespmem:s19+$0xD150];
	[tilespmem:s19+$0x8520] =	vst v3;
	v3 =	vadd.f32 v28, v27  }
0x30f: {  	v34 =	vadd.f32 v34, v33;
	[tilespmem:s19+$0x8550] =	vst v30;
	v11 =	vld [tilespmem:s19+$0xD110]  }
0x310: {  	v12 =	vld [tilespmem:s19+$0x9120];
	[tilespmem:s19+$0x8540] =	vst v3;
	v3 =	vadd.f32 v32, v31  }
0x311: {  	[tilespmem:s19+$0x8570] =	vst v34;
	v15 =	vld [tilespmem:s19+$0xD130]  }
0x312: {  	v16 =	vld [tilespmem:s19+$0x9140];
	[tilespmem:s19+$0x8560] =	vst v3;
	v3 =	vadd.f32 v36, v35  }
0x313: {  	[tilespmem:s19+$0x8130] =	vst v5;
	v20 =	vld [tilespmem:s19+$0x9160];
	v19 =	vadd.f32 v19, v18  }
0x314: {  	v24 =	vld [tilespmem:s19+$0x9500];
	[tilespmem:s19+$0x8900] =	vst v3;
	v3 =	vadd.f32 v40, v39  }
0x315: {  	[tilespmem:s19+$0x9150] =	vst v19;
	v36 =	vadd.f32 v38, v37;
	v37 =	vld [tilespmem:s19+$0xD170]  }
0x316: {  	v38 =	vadd.f32 v42, v41;
	v41 =	vld [tilespmem:s19+$0x9510];
	[tilespmem:s19+$0x8920] =	vst v3;
	v3 =	vadd.f32 v44, v43  }
0x317: {  	v42 =	vld [tilespmem:s19+$0xD510];
	[tilespmem:s19+$0x8910] =	vst v36  }
0x318: {  	v35 =	vld [tilespmem:s19+$0x9910];
	[tilespmem:s19+$0x8940] =	vst v3;
	v3 =	vadd.f32 v48, v47  }
0x319: {  	v39 =	vld [tilespmem:s19+$0xD500];
	[tilespmem:s19+$0x8930] =	vst v38;
	v40 =	vadd.f32 v46, v45  }
0x31a: {  	v45 =	vld [tilespmem:s19+$0xD520];
	[tilespmem:s19+$0x8960] =	vst v3;
	v3 =	vadd.f32 v52, v51  }
0x31b: {  	v46 =	vadd.f32 v54, v53;
	v53 =	vld [tilespmem:s19+$0x9550];
	[tilespmem:s19+$0x8950] =	vst v40  }
0x31c: {  	v54 =	vld [tilespmem:s19+$0xD550];
	[tilespmem:s19+$0x8D00] =	vst v3;
	v3 =	vadd.f32 v56, v55  }
0x31d: {  	v36 =	vld [tilespmem:s19+$0xD910];
	v43 =	vadd.f32 v50, v49;
	[tilespmem:s19+$0x8D10] =	vst v46  }
0x31e: {  	v38 =	vld [tilespmem:s19+$0x9920];
	[tilespmem:s19+$0x8D20] =	vst v3;
	v3 =	vadd.f32 v60, v59  }
0x31f: {  	v44 =	vld [tilespmem:s19+$0x9520];
	v49 =	vadd.f32 v58, v57;
	[tilespmem:s19+$0x8970] =	vst v43  }
0x320: {  	v50 =	vld [tilespmem:s19+$0x9540];
	[tilespmem:s19+$0x8D40] =	vst v3;
	v3 =	vadd.f32 v4, v63  }
0x321: {  	v57 =	vld [tilespmem:s19+$0xD560];
	v58 =	vadd.f32 v11, v10;
	[tilespmem:s19+$0x8D30] =	vst v49  }
0x322: {  	v46 =	vld [tilespmem:s19+$0xD950];
	[tilespmem:s19+$0x8D60] =	vst v3;
	v3 =	vadd.f32 v9, v8  }
0x323: {  	v37 =	vadd.f32 v37, v22;
	v40 =	vadd.f32 v42, v41;
	v41 =	vld [tilespmem:s19+$0x9930];
	[tilespmem:s19+$0x9110] =	vst v58  }
0x324: {  	v42 =	vld [tilespmem:s19+$0xD930];
	[tilespmem:s19+$0x9100] =	vst v3;
	v3 =	vadd.f32 v13, v12  }
0x325: {  	v47 =	vld [tilespmem:s19+$0x9530];
	[tilespmem:s19+$0x9170] =	vst v37  }
0x326: {  	v48 =	vld [tilespmem:s19+$0xD530];
	[tilespmem:s19+$0x9120] =	vst v3;
	v3 =	vadd.f32 v17, v16  }
0x327: {  	v49 =	vld [tilespmem:s19+$0xD960];
	[tilespmem:s19+$0x9510] =	vst v40;
	v52 =	vadd.f32 v62, v61  }
0x328: {  	v51 =	vld [tilespmem:s19+$0xD540];
	[tilespmem:s19+$0x9140] =	vst v3;
	v3 =	vadd.f32 v21, v20  }
0x329: {  	v61 =	vadd.f32 v15, v14;
	v62 =	vld [tilespmem:s19+$0x9900];
	[tilespmem:s19+$0x8D50] =	vst v52  }
0x32a: {  	v56 =	vld [tilespmem:s19+$0x9560];
	[tilespmem:s19+$0x9160] =	vst v3;
	v3 =	vadd.f32 v39, v24  }
0x32b: {  	v55 =	vadd.f32 v7, v6;
	[tilespmem:s19+$0x9130] =	vst v61;
	v52 =	vld [tilespmem:s19+$0xD970]  }
0x32c: {  	v43 =	vadd.f32 v48, v47;
	v47 =	vld [tilespmem:s19+$0x9960];
	[tilespmem:s19+$0x9500] =	vst v3;
	v3 =	vadd.f32 v45, v44  }
0x32d: {  	[tilespmem:s19+$0x8D70] =	vst v55;
	v63 =	vld [tilespmem:s19+$0xD900]  }
0x32e: {  	v59 =	vld [tilespmem:s19+$0x9570];
	[tilespmem:s19+$0x9520] =	vst v3;
	v3 =	vadd.f32 v51, v50  }
0x32f: {  	[tilespmem:s19+$0x9530] =	vst v43;
	v4 =	vadd.f32 v54, v53;
	v39 =	vld [tilespmem:s19+$0xD920]  }
0x330: {  	v60 =	vld [tilespmem:s19+$0xD570];
	[tilespmem:s19+$0x9540] =	vst v3;
	v3 =	vadd.f32 v57, v56  }
0x331: {  	v54 =	vadd.f32 v42, v41;
	[tilespmem:s19+$0x9550] =	vst v4;
	v45 =	vld [tilespmem:s19+$0x9950]  }
0x332: {  	v53 =	vld [tilespmem:s19+$0xD940];
	[tilespmem:s19+$0x9560] =	vst v3;
	v3 =	vadd.f32 v63, v62  }
0x333: {  	[tilespmem:s19+$0x9930] =	vst v54;
	v55 =	vadd.f32 v49, v47;
	v50 =	vld [tilespmem:s19+$0x9970]  }
0x334: {  	v44 =	vld [tilespmem:s19+$0x9940];
	[tilespmem:s19+$0x9900] =	vst v3;
	v3 =	vadd.f32 v39, v38  }
0x335: {  	v48 =	vadd.f32 v60, v59;
	[tilespmem:s19+$0x9960] =	vst v55  }
0x336: {  	[tilespmem:s19+$0x9920] =	vst v3;
	v3 =	vadd.f32 v46, v45  }
0x337: {  	s21 =	sand.u32 $0x7, s11;
	[tilespmem:s19+$0x9570] =	vst v48;
	v51 =	vadd.f32 v36, v35  }
0x338: {  	s20 =	sshll.u32 s21, $0x7;
	[tilespmem:s19+$0x9950] =	vst v3;
	v3 =	vadd.f32 v52, v50  }
0x339: {  	s20 =	sadd.s32 s20, s18;
	[tilespmem:s19+$0x9910] =	vst v51;
	v56 =	vadd.f32 v53, v44  }
0x33a: {  	s21 =	sor.u32 $0x1C00, s20;
	[tilespmem:s19+$0x9970] =	vst v3  }
0x33b: {  	[tilespmem:s19+$0x9940] =	vst v56;
	v3 =	vld [tilespmem:s21+$0x8100]  }
0x33c: {  	v4 =	vld [tilespmem:s21+$0xC100];
	_ =	sdelay $0x4  }
0x33d: {  	v3 =	vadd.f32 v4, v3;
	_ =	sdelay $0x1  }
0x33e: {  	[tilespmem:s21+$0x8100] =	vst v3;
	s21 =	sor.u32 $0x1C10, s20  }
0x33f: {  	v3 =	vld [tilespmem:s21+$0x8100]  }
0x340: {  	v57 =	vld [tilespmem:s21+$0xC100];
	_ =	sdelay $0x4  }
0x341: {  	v3 =	vadd.f32 v57, v3;
	_ =	sdelay $0x1  }
0x342: {  	[tilespmem:s21+$0x8100] =	vst v3;
	s21 =	sor.u32 $0x1C20, s20  }
0x343: {  	v3 =	vld [tilespmem:s21+$0x8100]  }
0x344: {  	v58 =	vld [tilespmem:s21+$0xC100];
	_ =	sdelay $0x4  }
0x345: {  	v3 =	vadd.f32 v58, v3;
	_ =	sdelay $0x1  }
0x346: {  	[tilespmem:s21+$0x8100] =	vst v3;
	s21 =	sor.u32 $0x1C30, s20  }
0x347: {  	v3 =	vld [tilespmem:s21+$0x8100]  }
0x348: {  	v59 =	vld [tilespmem:s21+$0xC100];
	_ =	sdelay $0x4  }
0x349: {  	v3 =	vadd.f32 v59, v3;
	_ =	sdelay $0x1  }
0x34a: {  	[tilespmem:s21+$0x8100] =	vst v3;
	s21 =	sor.u32 $0x1C40, s20  }
0x34b: {  	v3 =	vld [tilespmem:s21+$0x8100]  }
0x34c: {  	v60 =	vld [tilespmem:s21+$0xC100];
	_ =	sdelay $0x4  }
0x34d: {  	v3 =	vadd.f32 v60, v3;
	_ =	sdelay $0x1  }
0x34e: {  	[tilespmem:s21+$0x8100] =	vst v3;
	s21 =	sor.u32 $0x1C50, s20  }
0x34f: {  	v3 =	vld [tilespmem:s21+$0x8100]  }
0x350: {  	v61 =	vld [tilespmem:s21+$0xC100];
	_ =	sdelay $0x4  }
0x351: {  	v3 =	vadd.f32 v61, v3;
	_ =	sdelay $0x1  }
0x352: {  	[tilespmem:s21+$0x8100] =	vst v3;
	s21 =	sor.u32 $0x1C60, s20  }
0x353: {  	v3 =	vld [tilespmem:s21+$0x8100]  }
0x354: {  	v62 =	vld [tilespmem:s21+$0xC100];
	_ =	sdelay $0x4  }
0x355: {  	v3 =	vadd.f32 v62, v3;
	_ =	sdelay $0x1  }
0x356: {  	[tilespmem:s21+$0x8100] =	vst v3;
	s21 =	sor.u32 $0x1C70, s20  }
0x357: {  	v3 =	vld [tilespmem:s21+$0x8100]  }
0x358: {  	v63 =	vld [tilespmem:s21+$0xC100];
	_ =	sdelay $0x1  }
0x359: {  	p0 =	sne.s32 s13, $0x780  }
.Ltmp3:
0x35a: {  	_ = 	snop;
	(pc) =	sbr.rel @p0 .LBB2_8-.Ltmp3, $4  }
0x35b: {  	_ = 	snop  }
0x35c: {  	v3 =	vadd.f32 v63, v3  }
0x35d: {  	s11 =	sadd.s32 $0x1, s11  }
0x35e: {  	s12 =	sadd.s32 $0x400, s12;
	s13 =	sadd.s32 $0x80, s13;
	s18 =	sadd.s32 $0x400, s18;
	[tilespmem:s21+$0x8100] =	vst v3  }
0x35f: {  	s11 =	rddreg [dreg:$0x7]  }
0x360: {  	[hbm4b:s11+s2] =	stream.linear.scatter [tilespmem:s14], [sflag:$0x4], $0x4000, $0x38;
	[tilespmem:$0x10100] =	vst v63  }
0x361: {  	_ =	swait.ge [sflag:s1], $0x4000  }
0x362: {  	[sflag:s1] =	ssyncset.done $0x0  }
0x363: {  	[sflag:s1] =	ssyncadd.s32 $0xFFFFC000  }
0x364: {  	_ =	swait.ge [sflag:s10], $0x4000  }
0x365: {  	s0 =	sadd.s32 $0x1, s0;
	s21 =	rddreg [dreg:$0x8]  }
0x366: {  	p0 =	sne.s32 s0, s21  }
.Ltmp4:
0x367: {  	_ = 	snop;
	(pc) =	sbr.rel @p0 .LBB2_1-.Ltmp4, $3  }
0x368: {  	_ =	sdelay $0x1  }
0x369: {  	[sflag:s10] =	ssyncset.done $0x0  }
0x36a: {  	[sflag:s10] =	ssyncadd.s32 $0xFFFFC000  }
0x36b: {  	_ =	sfence.sel $0x180000  }
0x36c: {  	[bflag:$0x0] =	sbarrier.arrive $0xFFFF  }
0x36d: {  	_ =	strace $0x9000004A  }
0x36e: {  	s0 =	stileid.u32;
	[bflag:$0x2] =	sbarrier.arrive $0xFFFF  }
0x36f: {  	p0 =	sne.s32 s0, $0x0;
	s0 =	rddreg [dreg:$0x2]  }
0x370: {  	s0 =	sadd.s32 @!p0 $0x100000, s0  }
0x371: {  	[sflag:s0] =	ssyncadd.tile.s32 @!p0 $0x1;
	_ =	shalt  }
.Lfunc_end2:
_tile_overlayer_lowered:
.L_overlay_start_2:
0x372: {  	(tag) =	ssettag $0x2  }
0x373: {  	s0 =	rddreg [dreg:$0x0];
	s2 =	stileid.u32  }
0x374: {  	s1 =	rddreg [dreg:$0x1];
	p0 =	sne.s32 s2, $0x0  }
0x375: {  	s3 =	rddreg [dreg:$0x2];
	[bflag:$0x3] =	sbarrier.arrive $0xFFFF;
	s2 =	simm.s32 @!p0 $0x1C05  }
0x376: {  	[timem:s3], [sflag:s2] =	dma.local @!p0 [hbm:s0], s1  }
0x377: {  	s0 =	simm.s32 @!p0 $0x5  }
0x378: {  	_ =	swait.ge @!p0 [sflag:s0], s1  }
0x379: {  	s1 =	ssub.s32 @!p0 $0x0, s1;
	[sflag:s0] =	ssyncset.done @!p0 $0x0  }
0x37a: {  	[sflag:s0] =	ssyncadd.s32 @!p0 s1  }
0x37b: {  	[bflag:$0x3] =	sbarrier.arrive $0xFFFF  }
0x37c: {  	_ =	shalt  }

</sc_bundles>
